<compile_context>
chip_gen: v7x
topology: tpu7x:2x2x1
jax: 0.10.2.dev20260603
libtpu: 0.0.44.dev20260713+nightly
codegen_flags: <defaults>
</compile_context>

<pallas_src>
import functools

import jax
import jax.numpy as jnp
from jax import lax
from jax.experimental import pallas as pl
from jax.experimental.pallas import tpu as pltpu
from jax.experimental.pallas import tpu_sc as plsc

NC = 2
NS = 16
NW = NC * NS
CHUNK = 128
NB = 2
AH = 1
LBATCH = {64: 320, 32: 640, 16: 1280}



@functools.lru_cache(maxsize=None)
def _sc_edge_scatter(npad, width, ch):
    mesh = plsc.VectorSubcoreMesh(core_axis_name="c", subcore_axis_name="s")
    rpt = npad // NS
    lb = LBATCH[width]
    nb = (ch * CHUNK) // lb

    def body(tab_hbm, src_hbm, dst_hbm, zero_hbm, out_hbm,
             acc_sh, src_v, dst_v, rows, g0, g1, s0, s1):
        gsem = [g0, g1]
        ssem = [s0, s1]
        cid = lax.axis_index("c")
        sid = lax.axis_index("s")
        w = cid * NS + sid
        r0 = sid * rpt
        pltpu.sync_copy(zero_hbm.at[pl.ds(r0, rpt)], acc_sh.at[pl.ds(r0, rpt)])
        pltpu.sync_copy(src_hbm.at[w], src_v)
        pltpu.sync_copy(dst_hbm.at[w], dst_v)
        plsc.subcore_barrier()

        def fire_gather(s, b):
            pltpu.async_copy(tab_hbm.at[src_v.at[s]], rows.at[b], gsem[b])

        def drain_gather(s, b):
            pltpu.make_async_copy(tab_hbm.at[src_v.at[s]],
                                  rows.at[b], gsem[b]).wait()

        def fire_scatter(s, b):
            pltpu.async_copy(rows.at[b], acc_sh.at[dst_v.at[s]],
                             ssem[b], add=True)

        def drain_scatter(b):
            pltpu.make_async_copy(rows.at[b], acc_sh.at[dst_v.at[0]],
                                  ssem[b]).wait()

        for a in range(AH):
            fire_gather(a, a)

        @pl.loop(0, nb // NB)
        def _(q):
            for b in range(NB):
                s = q * NB + b
                nxt = (b + AH) % NB

                @pl.when(s + AH >= NB)
                def _():
                    drain_scatter(nxt)

                @pl.when(s + AH < nb)
                def _():
                    fire_gather(s + AH, nxt)

                drain_gather(s, b)
                fire_scatter(s, b)

        for t in range(max(0, nb - NB + AH), nb):
            drain_scatter(t % NB)

        plsc.subcore_barrier()
        pltpu.sync_copy(acc_sh.at[pl.ds(r0, rpt)],
                        out_hbm.at[cid, pl.ds(r0, rpt)])

    return pl.kernel(
        body,
        out_type=jax.ShapeDtypeStruct((NC, npad, width), jnp.float32),
        mesh=mesh,
        compiler_params=pltpu.CompilerParams(use_tc_tiling_on_sc=False),
        scratch_types=[
            pltpu.VMEM_SHARED((npad, width), jnp.float32),
            pltpu.VMEM((nb, lb), jnp.int32),
            pltpu.VMEM((nb, lb), jnp.int32),
            pltpu.VMEM((NB, lb, width), jnp.float32),
        ] + [pltpu.SemaphoreType.DMA] * (2 * NB),
    )


@functools.lru_cache(maxsize=None)
def _sc_degree(npad, ch):
    mesh = plsc.VectorSubcoreMesh(core_axis_name="c", subcore_axis_name="s")
    ept = ch * CHUNK

    def body(dst_hbm, out_hbm, dst_v, hist_v):
        cid = lax.axis_index("c")
        sid = lax.axis_index("s")
        w = cid * NS + sid
        pltpu.sync_copy(dst_hbm.at[w], dst_v)
        zeros = jnp.zeros((16,), jnp.float32)

        @pl.loop(0, npad // 16)
        def _(j):
            hist_v[pl.ds(j * 16, 16)] = zeros

        ones = jnp.ones((16,), jnp.float32)

        @pl.loop(0, ch)
        def _(r):
            for c in range(CHUNK // 16):
                d16 = dst_v[r, pl.ds(c * 16, 16)]
                plsc.addupdate_scatter(hist_v, [d16], ones)

        pltpu.sync_copy(hist_v, out_hbm.at[cid, sid])

    return pl.kernel(
        body,
        out_type=jax.ShapeDtypeStruct((NC, NS, npad), jnp.float32),
        mesh=mesh,
        compiler_params=pltpu.CompilerParams(use_tc_tiling_on_sc=False,
                                             needs_layout_passes=False),
        scratch_types=[
            pltpu.VMEM((ch, CHUNK), jnp.int32),
            pltpu.VMEM((npad,), jnp.float32),
        ],
    )



def _dis_from(degp_blk):
    d = jnp.sum(degp_blk, axis=(0, 1))[:, None] + 1.0
    return lax.rsqrt(d)


def _tc_first(x, degp, w1, br=512):
    npad, fin = x.shape
    fout = w1.shape[1]

    def body(x_ref, degp_ref, w_ref, out_ref):
        dis = _dis_from(degp_ref[...])
        h = jnp.dot(x_ref[...], w_ref[...], preferred_element_type=jnp.float32)
        out_ref[...] = h * dis

    return pl.pallas_call(
        body,
        grid=(npad // br,),
        in_specs=[
            pl.BlockSpec((br, fin), lambda i: (i, 0)),
            pl.BlockSpec((NC, NS, br), lambda i: (0, 0, i)),
            pl.BlockSpec((fin, fout), lambda i: (0, 0)),
        ],
        out_specs=pl.BlockSpec((br, fout), lambda i: (i, 0)),
        out_shape=jax.ShapeDtypeStruct((npad, fout), jnp.float32),
    )(x, degp, w1)


def _tc_mid(accp, htil, degp, b, w, br=512):
    npad, fin = htil.shape
    fout = w.shape[1]

    def body(accp_ref, htil_ref, degp_ref, b_ref, w_ref, out_ref):
        dis = _dis_from(degp_ref[...])
        a = accp_ref[...]
        y = (a[0] + a[1] + htil_ref[...]) * dis + b_ref[...]
        y = jnp.maximum(y, 0.0)
        out_ref[...] = (
            jnp.dot(y, w_ref[...], preferred_element_type=jnp.float32) * dis)

    return pl.pallas_call(
        body,
        grid=(npad // br,),
        in_specs=[
            pl.BlockSpec((NC, br, fin), lambda i: (0, i, 0)),
            pl.BlockSpec((br, fin), lambda i: (i, 0)),
            pl.BlockSpec((NC, NS, br), lambda i: (0, 0, i)),
            pl.BlockSpec((1, fin), lambda i: (0, 0)),
            pl.BlockSpec((fin, fout), lambda i: (0, 0)),
        ],
        out_specs=pl.BlockSpec((br, fout), lambda i: (i, 0)),
        out_shape=jax.ShapeDtypeStruct((npad, fout), jnp.float32),
    )(accp, htil, degp, b, w)


def _tc_final(accp, htil, degp, b, br=512):
    npad, fin = htil.shape

    def body(accp_ref, htil_ref, degp_ref, b_ref, out_ref):
        dis = _dis_from(degp_ref[...])
        a = accp_ref[...]
        out_ref[...] = (a[0] + a[1] + htil_ref[...]) * dis + b_ref[...]

    return pl.pallas_call(
        body,
        grid=(npad // br,),
        in_specs=[
            pl.BlockSpec((NC, br, fin), lambda i: (0, i, 0)),
            pl.BlockSpec((br, fin), lambda i: (i, 0)),
            pl.BlockSpec((NC, NS, br), lambda i: (0, 0, i)),
            pl.BlockSpec((1, fin), lambda i: (0, 0)),
        ],
        out_specs=pl.BlockSpec((br, fin), lambda i: (i, 0)),
        out_shape=jax.ShapeDtypeStruct((npad, fin), jnp.float32),
    )(accp, htil, degp, b)



def _pad16(n):
    return max(16, -(-n // 16) * 16)


def kernel(x, edge_index, edge_weight, W1, b1, W2, b2, W3, b3, W4, b4,
           W5, b5, W6, b6, W7, b7):
    n, feat = x.shape
    e = edge_index.shape[1]
    npad = -(-n // 512) * 512
    ch = -(-e // (NW * CHUNK))
    ch = -(-ch // 80) * 80
    epad = NW * ch * CHUNK

    src = edge_index[0].astype(jnp.int32)
    dst = edge_index[1].astype(jnp.int32)
    fill = jnp.full((epad - e,), n, dtype=jnp.int32)
    srcp = jnp.concatenate([src, fill])
    dstp = jnp.concatenate([dst, fill])
    dst_t = dstp.reshape(NW, ch, CHUNK)
    ept = ch * CHUNK
    idx_by_l = {
        lb: (srcp.reshape(NW, ept // lb, lb),
             dstp.reshape(NW, ept // lb, lb))
        for lb in set(LBATCH.values())
    }

    ws = [W1, W2, W3, W4, W5, W6, W7]
    bs = [b1, b2, b3, b4, b5, b6, b7]
    pouts = [_pad16(w.shape[1]) for w in ws]
    pins = [feat] + pouts[:-1]
    wp = [jnp.pad(w, ((0, pi - w.shape[0]), (0, po - w.shape[1])))
          for w, pi, po in zip(ws, pins, pouts)]
    bp = [jnp.pad(b, (0, po - b.shape[0]))[None, :]
          for b, po in zip(bs, pouts)]

    xp = jnp.pad(x, ((0, npad - n), (0, 0)))
    degp = _sc_degree(npad, ch)(dst_t)

    htil = _tc_first(xp, degp, wp[0])
    for i in range(6):
        width = pouts[i]
        zeros = jnp.zeros((npad, width), jnp.float32)
        st, dt = idx_by_l[LBATCH[width]]
        accp = _sc_edge_scatter(npad, width, ch)(htil, st, dt, zeros)
        htil = _tc_mid(accp, htil, degp, bp[i], wp[i + 1])
    zeros = jnp.zeros((npad, pouts[6]), jnp.float32)
    st, dt = idx_by_l[LBATCH[pouts[6]]]
    accp = _sc_edge_scatter(npad, pouts[6], ch)(htil, st, dt, zeros)
    out = _tc_final(accp, htil, degp, bp[6])
    return out[:n, :W7.shape[1]]

# --- scband reference (transcript-rebuilt; emitter-appended) ---
"""Pipeline reference for scband-mimic-model-18657337934708 (READ-ONLY COPY).

The authoritative reference and input builder live on the scoring server;
editing this copy changes nothing except your own understanding.
"""

import jax, jax.numpy as jnp
import numpy as np

N = 10000
E = 320000
FEAT = 128
DIMS = [(128, 50), (50, 50), (50, 30), (30, 30), (30, 10), (10, 10), (10, 1)]


def gcn_conv(x, edge_index, edge_weight, W, b):
    num_nodes = x.shape[0]
    src = edge_index[0]
    dst = edge_index[1]
    loop = jnp.arange(num_nodes, dtype=edge_index.dtype)
    src_f = jnp.concatenate([src, loop])
    dst_f = jnp.concatenate([dst, loop])
    ew_f = jnp.concatenate([edge_weight, jnp.ones((num_nodes,), dtype=x.dtype)])
    deg = jnp.zeros((num_nodes,), dtype=x.dtype).at[dst_f].add(ew_f)
    deg_safe = jnp.where(deg > 0, deg, 1.0)
    dis = jnp.where(deg > 0, 1.0 / jnp.sqrt(deg_safe), 0.0)
    norm = dis[src_f] * ew_f * dis[dst_f]
    h = x @ W
    msg = h[src_f] * norm[:, None]
    out = jnp.zeros((num_nodes, W.shape[1]), dtype=x.dtype).at[dst_f].add(msg)
    return out + b


def setup_inputs(seed: int = 0):
    key = jax.random.key(seed)
    ks = jax.random.split(key, 16)
    x = jax.random.normal(ks[0], (N, FEAT), dtype=jnp.float32)
    edge_index = jax.random.randint(ks[1], (2, E), 0, N, dtype=jnp.int32).astype(jnp.int64)
    edge_weight = jnp.ones((E,), dtype=jnp.float32)
    inp = {"x": x, "edge_index": edge_index, "edge_weight": edge_weight}
    for i, (din, dout) in enumerate(DIMS):
        inp[f"W{i+1}"] = jax.random.normal(ks[2 + i], (din, dout), dtype=jnp.float32) * (1.0 / np.sqrt(din))
        inp[f"b{i+1}"] = jnp.zeros((dout,), dtype=jnp.float32)
    return inp


def reference(x, edge_index, edge_weight, W1, b1, W2, b2, W3, b3, W4, b4, W5, b5, W6, b6, W7, b7):
    params = [(W1, b1), (W2, b2), (W3, b3), (W4, b4), (W5, b5), (W6, b6), (W7, b7)]
    h = x
    for i in range(7):
        W, b = params[i]
        h = gcn_conv(h, edge_index, edge_weight, W, b)
        if i < 6:
            h = jax.nn.relu(h)
    return h

if __name__ == "__main__":
    import jax
    _d = setup_inputs()
    print(jax.jit(kernel)(*tuple(_d.values())))

</pallas_src>

<mosaic_0001>
#map = affine_map<(d0, d1) -> (0, 0, 0)>
module attributes {stable_mosaic.version = 14 : i64} {
  func.func @body(%arg0: i32, %arg1: i32, %arg2: memref<32x80x128xi32, #tpu.memory_space<hbm>>, %arg3: memref<2x16x10240xf32, #tpu.memory_space<hbm>>, %arg4: memref<80x128xi32, #tpu.memory_space<vmem>>, %arg5: memref<10240xf32, #tpu.memory_space<vmem>>) attributes {dimension_semantics = [#tpu.dimension_semantics<core_parallel>, #tpu.dimension_semantics<subcore_parallel>], iteration_bounds = array<i64: 2, 16>, scalar_prefetch = 0 : i64, scratch_operands = 2 : i64, tpu.core_type = #tpu.core_type<sc_vector_subcore>, window_params = [{transform_indices = #map}, {transform_indices = #map}]} {
    %mul3A = arith.constant 16 : i32
    %mul3A_0 = arith.muli %arg0, %mul3A : i32
    %add3A = arith.addi %mul3A_0, %arg1 : i32
    "tpu.region"() ({
      %run_scoped3A = tpu.sem_alloc : memref<!tpu.dma_semaphore, #tpu.memory_space<semaphore_mem>>
      %dma_start3A = arith.constant 0 : i32
      %dma_start3A_13 = arith.constant 0 : i32
      %dma_start3A_14 = tpu.memref_slice %arg2[%add3A, %dma_start3A, %dma_start3A_13] : memref<32x80x128xi32, #tpu.memory_space<hbm>> -> memref<1x80x128xi32, #tpu.memory_space<hbm>>
      %dma_start3A_15 = tpu.memref_squeeze %dma_start3A_14 : memref<1x80x128xi32, #tpu.memory_space<hbm>> -> memref<80x128xi32, #tpu.memory_space<hbm>>
      %dma_start3A_16 = arith.constant 0 : i32
      %dma_start3A_17 = arith.constant 0 : i32
      %dma_start3A_18 = tpu.memref_slice %arg2[%add3A, %dma_start3A_16, %dma_start3A_17] : memref<32x80x128xi32, #tpu.memory_space<hbm>> -> memref<1x80x128xi32, #tpu.memory_space<hbm>>
      %dma_start3A_19 = tpu.memref_squeeze %dma_start3A_18 : memref<1x80x128xi32, #tpu.memory_space<hbm>> -> memref<80x128xi32, #tpu.memory_space<hbm>>
      tpu.enqueue_dma source(%dma_start3A_19 : memref<80x128xi32, #tpu.memory_space<hbm>>) target(%arg4 : memref<80x128xi32, #tpu.memory_space<vmem>>) target_semaphore(%run_scoped3A : memref<!tpu.dma_semaphore, #tpu.memory_space<semaphore_mem>>)
      %dma_wait3A = arith.constant 0 : i32
      %dma_wait3A_20 = arith.constant 0 : i32
      %dma_wait3A_21 = tpu.memref_slice %arg2[%add3A, %dma_wait3A, %dma_wait3A_20] : memref<32x80x128xi32, #tpu.memory_space<hbm>> -> memref<1x80x128xi32, #tpu.memory_space<hbm>>
      %dma_wait3A_22 = tpu.memref_squeeze %dma_wait3A_21 : memref<1x80x128xi32, #tpu.memory_space<hbm>> -> memref<80x128xi32, #tpu.memory_space<hbm>>
      %dma_wait3A_23 = arith.constant 0 : i32
      %dma_wait3A_24 = arith.constant 0 : i32
      %dma_wait3A_25 = tpu.memref_slice %arg2[%add3A, %dma_wait3A_23, %dma_wait3A_24] : memref<32x80x128xi32, #tpu.memory_space<hbm>> -> memref<1x80x128xi32, #tpu.memory_space<hbm>>
      %dma_wait3A_26 = tpu.memref_squeeze %dma_wait3A_25 : memref<1x80x128xi32, #tpu.memory_space<hbm>> -> memref<80x128xi32, #tpu.memory_space<hbm>>
      tpu.wait_dma2 semaphore(%run_scoped3A : memref<!tpu.dma_semaphore, #tpu.memory_space<semaphore_mem>>) src(%dma_wait3A_26 : memref<80x128xi32, #tpu.memory_space<hbm>>) dst(%arg4 : memref<80x128xi32, #tpu.memory_space<vmem>>)
      tpu.yield
    }) : () -> ()
    %broadcast_in_dim3A = arith.constant 0.000000e+00 : f32
    %broadcast_in_dim3A_1 = vector.broadcast %broadcast_in_dim3A : f32 to vector<16xf32>
    %scan3A = arith.constant 0 : i32
    %scan3A_2 = arith.constant 640 : i32
    %scan3A_3 = arith.addi %scan3A, %scan3A_2 : i32
    %scan3A_4 = arith.constant 1 : i32
    scf.for %scan3A_13 = %scan3A to %scan3A_3 step %scan3A_4  : i32 {
      %mul3A_14 = arith.constant 1 : i32
      %mul3A_15 = arith.muli %scan3A_13, %mul3A_14 : i32
      %add3A_16 = arith.constant 0 : i32
      %add3A_17 = arith.addi %add3A_16, %mul3A_15 : i32
      %mul3A_18 = arith.constant 16 : i32
      %mul3A_19 = arith.muli %add3A_17, %mul3A_18 : i32
      %swap3A = arith.index_cast %mul3A_19 : i32 to index
      %swap3A_20 = tpu.vector_load %arg5[%swap3A] {strides = array<i32>} : memref<10240xf32, #tpu.memory_space<vmem>>, vector<16xf32>,
      tpu.vector_store %arg5[%swap3A], %broadcast_in_dim3A_1 {strides = array<i32>} : memref<10240xf32, #tpu.memory_space<vmem>>, vector<16xf32>,
    }
    %scan3A_5 = arith.constant 640 : i32
    %broadcast_in_dim3A_6 = arith.constant 1.000000e+00 : f32
    %broadcast_in_dim3A_7 = vector.broadcast %broadcast_in_dim3A_6 : f32 to vector<16xf32>
    %scan3A_8 = arith.constant 0 : i32
    %scan3A_9 = arith.constant 80 : i32
    %scan3A_10 = arith.addi %scan3A_8, %scan3A_9 : i32
    %scan3A_11 = arith.constant 1 : i32
    scf.for %scan3A_13 = %scan3A_8 to %scan3A_10 step %scan3A_11  : i32 {
      %mul3A_14 = arith.constant 1 : i32
      %mul3A_15 = arith.muli %scan3A_13, %mul3A_14 : i32
      %add3A_16 = arith.constant 0 : i32
      %add3A_17 = arith.addi %add3A_16, %mul3A_15 : i32
      %get3A = arith.index_cast %add3A_17 : i32 to index
      %get3A_18 = arith.constant 0 : index
      %get3A_19 = tpu.vector_load %arg4[%get3A, %get3A_18] {strides = array<i32>} : memref<80x128xi32, #tpu.memory_space<vmem>>, vector<16xi32>,
      tpu.vector_store_idx %arg5[%get3A_19], %broadcast_in_dim3A_7 {add = true} : memref<10240xf32, #tpu.memory_space<vmem>>[vector<16xi32>], vector<16xf32>,
      %get3A_20 = arith.index_cast %add3A_17 : i32 to index
      %get3A_21 = arith.constant 16 : index
      %get3A_22 = tpu.vector_load %arg4[%get3A_20, %get3A_21] {strides = array<i32>} : memref<80x128xi32, #tpu.memory_space<vmem>>, vector<16xi32>,
      tpu.vector_store_idx %arg5[%get3A_22], %broadcast_in_dim3A_7 {add = true} : memref<10240xf32, #tpu.memory_space<vmem>>[vector<16xi32>], vector<16xf32>,
      %get3A_23 = arith.index_cast %add3A_17 : i32 to index
      %get3A_24 = arith.constant 32 : index
      %get3A_25 = tpu.vector_load %arg4[%get3A_23, %get3A_24] {strides = array<i32>} : memref<80x128xi32, #tpu.memory_space<vmem>>, vector<16xi32>,
      tpu.vector_store_idx %arg5[%get3A_25], %broadcast_in_dim3A_7 {add = true} : memref<10240xf32, #tpu.memory_space<vmem>>[vector<16xi32>], vector<16xf32>,
      %get3A_26 = arith.index_cast %add3A_17 : i32 to index
      %get3A_27 = arith.constant 48 : index
      %get3A_28 = tpu.vector_load %arg4[%get3A_26, %get3A_27] {strides = array<i32>} : memref<80x128xi32, #tpu.memory_space<vmem>>, vector<16xi32>,
      tpu.vector_store_idx %arg5[%get3A_28], %broadcast_in_dim3A_7 {add = true} : memref<10240xf32, #tpu.memory_space<vmem>>[vector<16xi32>], vector<16xf32>,
      %get3A_29 = arith.index_cast %add3A_17 : i32 to index
      %get3A_30 = arith.constant 64 : index
      %get3A_31 = tpu.vector_load %arg4[%get3A_29, %get3A_30] {strides = array<i32>} : memref<80x128xi32, #tpu.memory_space<vmem>>, vector<16xi32>,
      tpu.vector_store_idx %arg5[%get3A_31], %broadcast_in_dim3A_7 {add = true} : memref<10240xf32, #tpu.memory_space<vmem>>[vector<16xi32>], vector<16xf32>,
      %get3A_32 = arith.index_cast %add3A_17 : i32 to index
      %get3A_33 = arith.constant 80 : index
      %get3A_34 = tpu.vector_load %arg4[%get3A_32, %get3A_33] {strides = array<i32>} : memref<80x128xi32, #tpu.memory_space<vmem>>, vector<16xi32>,
      tpu.vector_store_idx %arg5[%get3A_34], %broadcast_in_dim3A_7 {add = true} : memref<10240xf32, #tpu.memory_space<vmem>>[vector<16xi32>], vector<16xf32>,
      %get3A_35 = arith.index_cast %add3A_17 : i32 to index
      %get3A_36 = arith.constant 96 : index
      %get3A_37 = tpu.vector_load %arg4[%get3A_35, %get3A_36] {strides = array<i32>} : memref<80x128xi32, #tpu.memory_space<vmem>>, vector<16xi32>,
      tpu.vector_store_idx %arg5[%get3A_37], %broadcast_in_dim3A_7 {add = true} : memref<10240xf32, #tpu.memory_space<vmem>>[vector<16xi32>], vector<16xf32>,
      %get3A_38 = arith.index_cast %add3A_17 : i32 to index
      %get3A_39 = arith.constant 112 : index
      %get3A_40 = tpu.vector_load %arg4[%get3A_38, %get3A_39] {strides = array<i32>} : memref<80x128xi32, #tpu.memory_space<vmem>>, vector<16xi32>,
      tpu.vector_store_idx %arg5[%get3A_40], %broadcast_in_dim3A_7 {add = true} : memref<10240xf32, #tpu.memory_space<vmem>>[vector<16xi32>], vector<16xf32>,
    }
    %scan3A_12 = arith.constant 80 : i32
    "tpu.region"() ({
      %run_scoped3A = tpu.sem_alloc : memref<!tpu.dma_semaphore, #tpu.memory_space<semaphore_mem>>
      %dma_start3A = arith.constant 0 : i32
      %dma_start3A_13 = tpu.memref_slice %arg3[%arg0, %arg1, %dma_start3A] : memref<2x16x10240xf32, #tpu.memory_space<hbm>> -> memref<1x1x10240xf32, #tpu.memory_space<hbm>>
      %dma_start3A_14 = tpu.memref_squeeze %dma_start3A_13 : memref<1x1x10240xf32, #tpu.memory_space<hbm>> -> memref<10240xf32, #tpu.memory_space<hbm>>
      %dma_start3A_15 = arith.constant 0 : i32
      %dma_start3A_16 = tpu.memref_slice %arg3[%arg0, %arg1, %dma_start3A_15] : memref<2x16x10240xf32, #tpu.memory_space<hbm>> -> memref<1x1x10240xf32, #tpu.memory_space<hbm>>
      %dma_start3A_17 = tpu.memref_squeeze %dma_start3A_16 : memref<1x1x10240xf32, #tpu.memory_space<hbm>> -> memref<10240xf32, #tpu.memory_space<hbm>>
      tpu.enqueue_dma source(%arg5 : memref<10240xf32, #tpu.memory_space<vmem>>) target(%dma_start3A_17 : memref<10240xf32, #tpu.memory_space<hbm>>) target_semaphore(%run_scoped3A : memref<!tpu.dma_semaphore, #tpu.memory_space<semaphore_mem>>)
      %dma_wait3A = arith.constant 0 : i32
      %dma_wait3A_18 = tpu.memref_slice %arg3[%arg0, %arg1, %dma_wait3A] : memref<2x16x10240xf32, #tpu.memory_space<hbm>> -> memref<1x1x10240xf32, #tpu.memory_space<hbm>>
      %dma_wait3A_19 = tpu.memref_squeeze %dma_wait3A_18 : memref<1x1x10240xf32, #tpu.memory_space<hbm>> -> memref<10240xf32, #tpu.memory_space<hbm>>
      %dma_wait3A_20 = arith.constant 0 : i32
      %dma_wait3A_21 = tpu.memref_slice %arg3[%arg0, %arg1, %dma_wait3A_20] : memref<2x16x10240xf32, #tpu.memory_space<hbm>> -> memref<1x1x10240xf32, #tpu.memory_space<hbm>>
      %dma_wait3A_22 = tpu.memref_squeeze %dma_wait3A_21 : memref<1x1x10240xf32, #tpu.memory_space<hbm>> -> memref<10240xf32, #tpu.memory_space<hbm>>
      tpu.wait_dma2 semaphore(%run_scoped3A : memref<!tpu.dma_semaphore, #tpu.memory_space<semaphore_mem>>) src(%arg5 : memref<10240xf32, #tpu.memory_space<vmem>>) dst(%dma_wait3A_22 : memref<10240xf32, #tpu.memory_space<hbm>>)
      tpu.yield
    }) : () -> ()
    return
  }
}

#map = affine_map<(d0, d1) -> (0, 0)>
#map1 = affine_map<(d0, d1) -> (0, 0, 0)>
module attributes {stable_mosaic.version = 14 : i64} {
  func.func @body(%arg0: i32, %arg1: i32, %arg2: memref<10240x64xf32, #tpu.memory_space<hbm>>, %arg3: memref<32x32x320xi32, #tpu.memory_space<hbm>>, %arg4: memref<32x32x320xi32, #tpu.memory_space<hbm>>, %arg5: memref<10240x64xf32, #tpu.memory_space<hbm>>, %arg6: memref<2x10240x64xf32, #tpu.memory_space<hbm>>, %arg7: memref<10240x64xf32, #tpu.memory_space<vmem_shared>>, %arg8: memref<32x320xi32, #tpu.memory_space<vmem>>, %arg9: memref<32x320xi32, #tpu.memory_space<vmem>>, %arg10: memref<2x320x64xf32, #tpu.memory_space<vmem>>, %arg11: memref<!tpu.dma_semaphore, #tpu.memory_space<semaphore_mem>>, %arg12: memref<!tpu.dma_semaphore, #tpu.memory_space<semaphore_mem>>, %arg13: memref<!tpu.dma_semaphore, #tpu.memory_space<semaphore_mem>>, %arg14: memref<!tpu.dma_semaphore, #tpu.memory_space<semaphore_mem>>) attributes {dimension_semantics = [#tpu.dimension_semantics<core_parallel>, #tpu.dimension_semantics<subcore_parallel>], iteration_bounds = array<i64: 2, 16>, scalar_prefetch = 0 : i64, scratch_operands = 8 : i64, tpu.core_type = #tpu.core_type<sc_vector_subcore>, window_params = [{transform_indices = #map}, {transform_indices = #map1}, {transform_indices = #map1}, {transform_indices = #map}, {transform_indices = #map1}]} {
    %mul3A = arith.constant 16 : i32
    %mul3A_0 = arith.muli %arg0, %mul3A : i32
    %add3A = arith.addi %mul3A_0, %arg1 : i32
    %mul3A_1 = arith.constant 640 : i32
    %mul3A_2 = arith.muli %arg1, %mul3A_1 : i32
    "tpu.region"() ({
      %run_scoped3A = tpu.sem_alloc : memref<!tpu.dma_semaphore, #tpu.memory_space<semaphore_mem>>
      %dma_start3A_30 = arith.constant 0 : i32
      %dma_start3A_31 = tpu.memref_slice %arg7[%mul3A_2, %dma_start3A_30] : memref<10240x64xf32, #tpu.memory_space<vmem_shared>> -> memref<640x64xf32, #tpu.memory_space<vmem_shared>>
      %dma_start3A_32 = arith.constant 0 : i32
      %dma_start3A_33 = tpu.memref_slice %arg5[%mul3A_2, %dma_start3A_32] : memref<10240x64xf32, #tpu.memory_space<hbm>> -> memref<640x64xf32, #tpu.memory_space<hbm>>
      tpu.enqueue_dma source(%dma_start3A_33 : memref<640x64xf32, #tpu.memory_space<hbm>>) target(%dma_start3A_31 : memref<640x64xf32, #tpu.memory_space<vmem_shared>>) target_semaphore(%run_scoped3A : memref<!tpu.dma_semaphore, #tpu.memory_space<semaphore_mem>>)
      %dma_wait3A_34 = arith.constant 0 : i32
      %dma_wait3A_35 = tpu.memref_slice %arg7[%mul3A_2, %dma_wait3A_34] : memref<10240x64xf32, #tpu.memory_space<vmem_shared>> -> memref<640x64xf32, #tpu.memory_space<vmem_shared>>
      %dma_wait3A_36 = arith.constant 0 : i32
      %dma_wait3A_37 = tpu.memref_slice %arg5[%mul3A_2, %dma_wait3A_36] : memref<10240x64xf32, #tpu.memory_space<hbm>> -> memref<640x64xf32, #tpu.memory_space<hbm>>
      tpu.wait_dma2 semaphore(%run_scoped3A : memref<!tpu.dma_semaphore, #tpu.memory_space<semaphore_mem>>) src(%dma_wait3A_37 : memref<640x64xf32, #tpu.memory_space<hbm>>) dst(%dma_wait3A_35 : memref<640x64xf32, #tpu.memory_space<vmem_shared>>)
      tpu.yield
    }) : () -> ()
    "tpu.region"() ({
      %run_scoped3A = tpu.sem_alloc : memref<!tpu.dma_semaphore, #tpu.memory_space<semaphore_mem>>
      %dma_start3A_30 = arith.constant 0 : i32
      %dma_start3A_31 = arith.constant 0 : i32
      %dma_start3A_32 = tpu.memref_slice %arg3[%add3A, %dma_start3A_30, %dma_start3A_31] : memref<32x32x320xi32, #tpu.memory_space<hbm>> -> memref<1x32x320xi32, #tpu.memory_space<hbm>>
      %dma_start3A_33 = tpu.memref_squeeze %dma_start3A_32 : memref<1x32x320xi32, #tpu.memory_space<hbm>> -> memref<32x320xi32, #tpu.memory_space<hbm>>
      %dma_start3A_34 = arith.constant 0 : i32
      %dma_start3A_35 = arith.constant 0 : i32
      %dma_start3A_36 = tpu.memref_slice %arg3[%add3A, %dma_start3A_34, %dma_start3A_35] : memref<32x32x320xi32, #tpu.memory_space<hbm>> -> memref<1x32x320xi32, #tpu.memory_space<hbm>>
      %dma_start3A_37 = tpu.memref_squeeze %dma_start3A_36 : memref<1x32x320xi32, #tpu.memory_space<hbm>> -> memref<32x320xi32, #tpu.memory_space<hbm>>
      tpu.enqueue_dma source(%dma_start3A_37 : memref<32x320xi32, #tpu.memory_space<hbm>>) target(%arg8 : memref<32x320xi32, #tpu.memory_space<vmem>>) target_semaphore(%run_scoped3A : memref<!tpu.dma_semaphore, #tpu.memory_space<semaphore_mem>>)
      %dma_wait3A_38 = arith.constant 0 : i32
      %dma_wait3A_39 = arith.constant 0 : i32
      %dma_wait3A_40 = tpu.memref_slice %arg3[%add3A, %dma_wait3A_38, %dma_wait3A_39] : memref<32x32x320xi32, #tpu.memory_space<hbm>> -> memref<1x32x320xi32, #tpu.memory_space<hbm>>
      %dma_wait3A_41 = tpu.memref_squeeze %dma_wait3A_40 : memref<1x32x320xi32, #tpu.memory_space<hbm>> -> memref<32x320xi32, #tpu.memory_space<hbm>>
      %dma_wait3A_42 = arith.constant 0 : i32
      %dma_wait3A_43 = arith.constant 0 : i32
      %dma_wait3A_44 = tpu.memref_slice %arg3[%add3A, %dma_wait3A_42, %dma_wait3A_43] : memref<32x32x320xi32, #tpu.memory_space<hbm>> -> memref<1x32x320xi32, #tpu.memory_space<hbm>>
      %dma_wait3A_45 = tpu.memref_squeeze %dma_wait3A_44 : memref<1x32x320xi32, #tpu.memory_space<hbm>> -> memref<32x320xi32, #tpu.memory_space<hbm>>
      tpu.wait_dma2 semaphore(%run_scoped3A : memref<!tpu.dma_semaphore, #tpu.memory_space<semaphore_mem>>) src(%dma_wait3A_45 : memref<32x320xi32, #tpu.memory_space<hbm>>) dst(%arg8 : memref<32x320xi32, #tpu.memory_space<vmem>>)
      tpu.yield
    }) : () -> ()
    "tpu.region"() ({
      %run_scoped3A = tpu.sem_alloc : memref<!tpu.dma_semaphore, #tpu.memory_space<semaphore_mem>>
      %dma_start3A_30 = arith.constant 0 : i32
      %dma_start3A_31 = arith.constant 0 : i32
      %dma_start3A_32 = tpu.memref_slice %arg4[%add3A, %dma_start3A_30, %dma_start3A_31] : memref<32x32x320xi32, #tpu.memory_space<hbm>> -> memref<1x32x320xi32, #tpu.memory_space<hbm>>
      %dma_start3A_33 = tpu.memref_squeeze %dma_start3A_32 : memref<1x32x320xi32, #tpu.memory_space<hbm>> -> memref<32x320xi32, #tpu.memory_space<hbm>>
      %dma_start3A_34 = arith.constant 0 : i32
      %dma_start3A_35 = arith.constant 0 : i32
      %dma_start3A_36 = tpu.memref_slice %arg4[%add3A, %dma_start3A_34, %dma_start3A_35] : memref<32x32x320xi32, #tpu.memory_space<hbm>> -> memref<1x32x320xi32, #tpu.memory_space<hbm>>
      %dma_start3A_37 = tpu.memref_squeeze %dma_start3A_36 : memref<1x32x320xi32, #tpu.memory_space<hbm>> -> memref<32x320xi32, #tpu.memory_space<hbm>>
      tpu.enqueue_dma source(%dma_start3A_37 : memref<32x320xi32, #tpu.memory_space<hbm>>) target(%arg9 : memref<32x320xi32, #tpu.memory_space<vmem>>) target_semaphore(%run_scoped3A : memref<!tpu.dma_semaphore, #tpu.memory_space<semaphore_mem>>)
      %dma_wait3A_38 = arith.constant 0 : i32
      %dma_wait3A_39 = arith.constant 0 : i32
      %dma_wait3A_40 = tpu.memref_slice %arg4[%add3A, %dma_wait3A_38, %dma_wait3A_39] : memref<32x32x320xi32, #tpu.memory_space<hbm>> -> memref<1x32x320xi32, #tpu.memory_space<hbm>>
      %dma_wait3A_41 = tpu.memref_squeeze %dma_wait3A_40 : memref<1x32x320xi32, #tpu.memory_space<hbm>> -> memref<32x320xi32, #tpu.memory_space<hbm>>
      %dma_wait3A_42 = arith.constant 0 : i32
      %dma_wait3A_43 = arith.constant 0 : i32
      %dma_wait3A_44 = tpu.memref_slice %arg4[%add3A, %dma_wait3A_42, %dma_wait3A_43] : memref<32x32x320xi32, #tpu.memory_space<hbm>> -> memref<1x32x320xi32, #tpu.memory_space<hbm>>
      %dma_wait3A_45 = tpu.memref_squeeze %dma_wait3A_44 : memref<1x32x320xi32, #tpu.memory_space<hbm>> -> memref<32x320xi32, #tpu.memory_space<hbm>>
      tpu.wait_dma2 semaphore(%run_scoped3A : memref<!tpu.dma_semaphore, #tpu.memory_space<semaphore_mem>>) src(%dma_wait3A_45 : memref<32x320xi32, #tpu.memory_space<hbm>>) dst(%arg9 : memref<32x320xi32, #tpu.memory_space<vmem>>)
      tpu.yield
    }) : () -> ()
    %barrier3A = arith.constant 0 : index
    tpu.barrier barrier_id(%barrier3A)
    %dma_start3A = arith.constant 0 : i32
    %dma_start3A_3 = arith.constant 0 : i32
    %dma_start3A_4 = arith.constant 0 : i32
    %dma_start3A_5 = arith.constant 0 : i32
    %dma_start3A_6 = tpu.memref_slice %arg10[%dma_start3A_3, %dma_start3A_4, %dma_start3A_5] : memref<2x320x64xf32, #tpu.memory_space<vmem>> -> memref<1x320x64xf32, #tpu.memory_space<vmem>>
    %dma_start3A_7 = tpu.memref_squeeze %dma_start3A_6 : memref<1x320x64xf32, #tpu.memory_space<vmem>> -> memref<320x64xf32, #tpu.memory_space<vmem>>
    %dma_start3A_8 = arith.constant 0 : i32
    %dma_start3A_9 = tpu.memref_slice %arg8[%dma_start3A, %dma_start3A_8] : memref<32x320xi32, #tpu.memory_space<vmem>> -> memref<1x320xi32, #tpu.memory_space<vmem>>
    %dma_start3A_10 = tpu.memref_squeeze %dma_start3A_9 : memref<1x320xi32, #tpu.memory_space<vmem>> -> memref<320xi32, #tpu.memory_space<vmem>>
    %dma_start3A_11 = arith.constant 0 : i32
    %dma_start3A_12 = arith.constant 0 : i32
    %dma_start3A_13 = tpu.memref_slice %arg2[%dma_start3A_11, %dma_start3A_12] : memref<10240x64xf32, #tpu.memory_space<hbm>> -> memref<10240x64xf32, #tpu.memory_space<hbm>>
    tpu.enqueue_indirect_dma source(%dma_start3A_13 : memref<10240x64xf32, #tpu.memory_space<hbm>>) target(%dma_start3A_7 : memref<320x64xf32, #tpu.memory_space<vmem>>) offsets(%dma_start3A_10 : memref<320xi32, #tpu.memory_space<vmem>>) semaphore(%arg11 : memref<!tpu.dma_semaphore, #tpu.memory_space<semaphore_mem>>)
    %scan3A = arith.constant 0 : i32
    %scan3A_14 = arith.constant 16 : i32
    %scan3A_15 = arith.addi %scan3A, %scan3A_14 : i32
    %scan3A_16 = arith.constant 1 : i32
    scf.for %scan3A_30 = %scan3A to %scan3A_15 step %scan3A_16  : i32 {
      %mul3A_31 = arith.constant 1 : i32
      %mul3A_32 = arith.muli %scan3A_30, %mul3A_31 : i32
      %add3A_33 = arith.constant 0 : i32
      %add3A_34 = arith.addi %add3A_33, %mul3A_32 : i32
      %mul3A_35 = arith.constant 2 : i32
      %mul3A_36 = arith.muli %add3A_34, %mul3A_35 : i32
      %add3A_37 = arith.constant 0 : i32
      %add3A_38 = arith.addi %mul3A_36, %add3A_37 : i32
      %add3A_39 = arith.constant 1 : i32
      %add3A_40 = arith.addi %add3A_38, %add3A_39 : i32
      %ge3A = arith.constant 2 : i32
      %ge3A_41 = arith.cmpi sge, %add3A_40, %ge3A : i32
      %convert_element_type3A = arith.extui %ge3A_41 : i1 to i32
      %cond3A = arith.constant 0 : i32
      %cond3A_42 = arith.cmpi ne, %convert_element_type3A, %cond3A : i32
      scf.if %cond3A_42 {
        %dma_wait3A_111 = arith.constant 1 : i32
        %dma_wait3A_112 = arith.constant 0 : i32
        %dma_wait3A_113 = arith.constant 0 : i32
        %dma_wait3A_114 = arith.constant 0 : i32
        %dma_wait3A_115 = tpu.memref_slice %arg10[%dma_wait3A_111, %dma_wait3A_113, %dma_wait3A_114] : memref<2x320x64xf32, #tpu.memory_space<vmem>> -> memref<1x320x64xf32, #tpu.memory_space<vmem>>
        %dma_wait3A_116 = tpu.memref_squeeze %dma_wait3A_115 : memref<1x320x64xf32, #tpu.memory_space<vmem>> -> memref<320x64xf32, #tpu.memory_space<vmem>>
        %dma_wait3A_117 = arith.constant 0 : i32
        %dma_wait3A_118 = tpu.memref_slice %arg9[%dma_wait3A_112, %dma_wait3A_117] : memref<32x320xi32, #tpu.memory_space<vmem>> -> memref<1x320xi32, #tpu.memory_space<vmem>>
        %dma_wait3A_119 = tpu.memref_squeeze %dma_wait3A_118 : memref<1x320xi32, #tpu.memory_space<vmem>> -> memref<320xi32, #tpu.memory_space<vmem>>
        %dma_wait3A_120 = arith.constant 0 : i32
        %dma_wait3A_121 = arith.constant 0 : i32
        %dma_wait3A_122 = tpu.memref_slice %arg7[%dma_wait3A_120, %dma_wait3A_121] : memref<10240x64xf32, #tpu.memory_space<vmem_shared>> -> memref<10240x64xf32, #tpu.memory_space<vmem_shared>>
        tpu.wait_indirect_dma semaphore(%arg14 : memref<!tpu.dma_semaphore, #tpu.memory_space<semaphore_mem>>) src(%dma_wait3A_116 : memref<320x64xf32, #tpu.memory_space<vmem>>) dst(%dma_wait3A_122 : memref<10240x64xf32, #tpu.memory_space<vmem_shared>>)
      } else {
      }
      %add3A_43 = arith.constant 1 : i32
      %add3A_44 = arith.addi %add3A_38, %add3A_43 : i32
      %lt3A = arith.constant 32 : i32
      %lt3A_45 = arith.cmpi slt, %add3A_44, %lt3A : i32
      %convert_element_type3A_46 = arith.extui %lt3A_45 : i1 to i32
      %cond3A_47 = arith.constant 0 : i32
      %cond3A_48 = arith.cmpi ne, %convert_element_type3A_46, %cond3A_47 : i32
      scf.if %cond3A_48 {
        %add3A_111 = arith.constant 1 : i32
        %add3A_112 = arith.addi %add3A_38, %add3A_111 : i32
        %dma_start3A_113 = arith.constant 1 : i32
        %dma_start3A_114 = arith.constant 0 : i32
        %dma_start3A_115 = arith.constant 0 : i32
        %dma_start3A_116 = tpu.memref_slice %arg10[%dma_start3A_113, %dma_start3A_114, %dma_start3A_115] : memref<2x320x64xf32, #tpu.memory_space<vmem>> -> memref<1x320x64xf32, #tpu.memory_space<vmem>>
        %dma_start3A_117 = tpu.memref_squeeze %dma_start3A_116 : memref<1x320x64xf32, #tpu.memory_space<vmem>> -> memref<320x64xf32, #tpu.memory_space<vmem>>
        %dma_start3A_118 = arith.constant 0 : i32
        %dma_start3A_119 = tpu.memref_slice %arg8[%add3A_112, %dma_start3A_118] : memref<32x320xi32, #tpu.memory_space<vmem>> -> memref<1x320xi32, #tpu.memory_space<vmem>>
        %dma_start3A_120 = tpu.memref_squeeze %dma_start3A_119 : memref<1x320xi32, #tpu.memory_space<vmem>> -> memref<320xi32, #tpu.memory_space<vmem>>
        %dma_start3A_121 = arith.constant 0 : i32
        %dma_start3A_122 = arith.constant 0 : i32
        %dma_start3A_123 = tpu.memref_slice %arg2[%dma_start3A_121, %dma_start3A_122] : memref<10240x64xf32, #tpu.memory_space<hbm>> -> memref<10240x64xf32, #tpu.memory_space<hbm>>
        tpu.enqueue_indirect_dma source(%dma_start3A_123 : memref<10240x64xf32, #tpu.memory_space<hbm>>) target(%dma_start3A_117 : memref<320x64xf32, #tpu.memory_space<vmem>>) offsets(%dma_start3A_120 : memref<320xi32, #tpu.memory_space<vmem>>) semaphore(%arg12 : memref<!tpu.dma_semaphore, #tpu.memory_space<semaphore_mem>>)
      } else {
      }
      %dma_wait3A_49 = arith.constant 0 : i32
      %dma_wait3A_50 = arith.constant 0 : i32
      %dma_wait3A_51 = arith.constant 0 : i32
      %dma_wait3A_52 = tpu.memref_slice %arg10[%dma_wait3A_49, %dma_wait3A_50, %dma_wait3A_51] : memref<2x320x64xf32, #tpu.memory_space<vmem>> -> memref<1x320x64xf32, #tpu.memory_space<vmem>>
      %dma_wait3A_53 = tpu.memref_squeeze %dma_wait3A_52 : memref<1x320x64xf32, #tpu.memory_space<vmem>> -> memref<320x64xf32, #tpu.memory_space<vmem>>
      %dma_wait3A_54 = arith.constant 0 : i32
      %dma_wait3A_55 = tpu.memref_slice %arg8[%add3A_38, %dma_wait3A_54] : memref<32x320xi32, #tpu.memory_space<vmem>> -> memref<1x320xi32, #tpu.memory_space<vmem>>
      %dma_wait3A_56 = tpu.memref_squeeze %dma_wait3A_55 : memref<1x320xi32, #tpu.memory_space<vmem>> -> memref<320xi32, #tpu.memory_space<vmem>>
      %dma_wait3A_57 = arith.constant 0 : i32
      %dma_wait3A_58 = arith.constant 0 : i32
      %dma_wait3A_59 = tpu.memref_slice %arg2[%dma_wait3A_57, %dma_wait3A_58] : memref<10240x64xf32, #tpu.memory_space<hbm>> -> memref<10240x64xf32, #tpu.memory_space<hbm>>
      tpu.wait_indirect_dma semaphore(%arg11 : memref<!tpu.dma_semaphore, #tpu.memory_space<semaphore_mem>>) src(%dma_wait3A_59 : memref<10240x64xf32, #tpu.memory_space<hbm>>) dst(%dma_wait3A_53 : memref<320x64xf32, #tpu.memory_space<vmem>>)
      %dma_start3A_60 = arith.constant 0 : i32
      %dma_start3A_61 = arith.constant 0 : i32
      %dma_start3A_62 = arith.constant 0 : i32
      %dma_start3A_63 = tpu.memref_slice %arg10[%dma_start3A_60, %dma_start3A_61, %dma_start3A_62] : memref<2x320x64xf32, #tpu.memory_space<vmem>> -> memref<1x320x64xf32, #tpu.memory_space<vmem>>
      %dma_start3A_64 = tpu.memref_squeeze %dma_start3A_63 : memref<1x320x64xf32, #tpu.memory_space<vmem>> -> memref<320x64xf32, #tpu.memory_space<vmem>>
      %dma_start3A_65 = arith.constant 0 : i32
      %dma_start3A_66 = tpu.memref_slice %arg9[%add3A_38, %dma_start3A_65] : memref<32x320xi32, #tpu.memory_space<vmem>> -> memref<1x320xi32, #tpu.memory_space<vmem>>
      %dma_start3A_67 = tpu.memref_squeeze %dma_start3A_66 : memref<1x320xi32, #tpu.memory_space<vmem>> -> memref<320xi32, #tpu.memory_space<vmem>>
      %dma_start3A_68 = arith.constant 0 : i32
      %dma_start3A_69 = arith.constant 0 : i32
      %dma_start3A_70 = tpu.memref_slice %arg7[%dma_start3A_68, %dma_start3A_69] : memref<10240x64xf32, #tpu.memory_space<vmem_shared>> -> memref<10240x64xf32, #tpu.memory_space<vmem_shared>>
      tpu.enqueue_indirect_dma source(%dma_start3A_64 : memref<320x64xf32, #tpu.memory_space<vmem>>) target(%dma_start3A_70 : memref<10240x64xf32, #tpu.memory_space<vmem_shared>>) offsets(%dma_start3A_67 : memref<320xi32, #tpu.memory_space<vmem>>) semaphore(%arg13 : memref<!tpu.dma_semaphore, #tpu.memory_space<semaphore_mem>>) {add = true}
      %mul3A_71 = arith.constant 2 : i32
      %mul3A_72 = arith.muli %add3A_34, %mul3A_71 : i32
      %add3A_73 = arith.constant 1 : i32
      %add3A_74 = arith.addi %mul3A_72, %add3A_73 : i32
      %add3A_75 = arith.constant 1 : i32
      %add3A_76 = arith.addi %add3A_74, %add3A_75 : i32
      %ge3A_77 = arith.constant 2 : i32
      %ge3A_78 = arith.cmpi sge, %add3A_76, %ge3A_77 : i32
      %convert_element_type3A_79 = arith.extui %ge3A_78 : i1 to i32
      %cond3A_80 = arith.constant 0 : i32
      %cond3A_81 = arith.cmpi ne, %convert_element_type3A_79, %cond3A_80 : i32
      scf.if %cond3A_81 {
        %dma_wait3A_111 = arith.constant 0 : i32
        %dma_wait3A_112 = arith.constant 0 : i32
        %dma_wait3A_113 = arith.constant 0 : i32
        %dma_wait3A_114 = arith.constant 0 : i32
        %dma_wait3A_115 = tpu.memref_slice %arg10[%dma_wait3A_111, %dma_wait3A_113, %dma_wait3A_114] : memref<2x320x64xf32, #tpu.memory_space<vmem>> -> memref<1x320x64xf32, #tpu.memory_space<vmem>>
        %dma_wait3A_116 = tpu.memref_squeeze %dma_wait3A_115 : memref<1x320x64xf32, #tpu.memory_space<vmem>> -> memref<320x64xf32, #tpu.memory_space<vmem>>
        %dma_wait3A_117 = arith.constant 0 : i32
        %dma_wait3A_118 = tpu.memref_slice %arg9[%dma_wait3A_112, %dma_wait3A_117] : memref<32x320xi32, #tpu.memory_space<vmem>> -> memref<1x320xi32, #tpu.memory_space<vmem>>
        %dma_wait3A_119 = tpu.memref_squeeze %dma_wait3A_118 : memref<1x320xi32, #tpu.memory_space<vmem>> -> memref<320xi32, #tpu.memory_space<vmem>>
        %dma_wait3A_120 = arith.constant 0 : i32
        %dma_wait3A_121 = arith.constant 0 : i32
        %dma_wait3A_122 = tpu.memref_slice %arg7[%dma_wait3A_120, %dma_wait3A_121] : memref<10240x64xf32, #tpu.memory_space<vmem_shared>> -> memref<10240x64xf32, #tpu.memory_space<vmem_shared>>
        tpu.wait_indirect_dma semaphore(%arg13 : memref<!tpu.dma_semaphore, #tpu.memory_space<semaphore_mem>>) src(%dma_wait3A_116 : memref<320x64xf32, #tpu.memory_space<vmem>>) dst(%dma_wait3A_122 : memref<10240x64xf32, #tpu.memory_space<vmem_shared>>)
      } else {
      }
      %add3A_82 = arith.constant 1 : i32
      %add3A_83 = arith.addi %add3A_74, %add3A_82 : i32
      %lt3A_84 = arith.constant 32 : i32
      %lt3A_85 = arith.cmpi slt, %add3A_83, %lt3A_84 : i32
      %convert_element_type3A_86 = arith.extui %lt3A_85 : i1 to i32
      %cond3A_87 = arith.constant 0 : i32
      %cond3A_88 = arith.cmpi ne, %convert_element_type3A_86, %cond3A_87 : i32
      scf.if %cond3A_88 {
        %add3A_111 = arith.constant 1 : i32
        %add3A_112 = arith.addi %add3A_74, %add3A_111 : i32
        %dma_start3A_113 = arith.constant 0 : i32
        %dma_start3A_114 = arith.constant 0 : i32
        %dma_start3A_115 = arith.constant 0 : i32
        %dma_start3A_116 = tpu.memref_slice %arg10[%dma_start3A_113, %dma_start3A_114, %dma_start3A_115] : memref<2x320x64xf32, #tpu.memory_space<vmem>> -> memref<1x320x64xf32, #tpu.memory_space<vmem>>
        %dma_start3A_117 = tpu.memref_squeeze %dma_start3A_116 : memref<1x320x64xf32, #tpu.memory_space<vmem>> -> memref<320x64xf32, #tpu.memory_space<vmem>>
        %dma_start3A_118 = arith.constant 0 : i32
        %dma_start3A_119 = tpu.memref_slice %arg8[%add3A_112, %dma_start3A_118] : memref<32x320xi32, #tpu.memory_space<vmem>> -> memref<1x320xi32, #tpu.memory_space<vmem>>
        %dma_start3A_120 = tpu.memref_squeeze %dma_start3A_119 : memref<1x320xi32, #tpu.memory_space<vmem>> -> memref<320xi32, #tpu.memory_space<vmem>>
        %dma_start3A_121 = arith.constant 0 : i32
        %dma_start3A_122 = arith.constant 0 : i32
        %dma_start3A_123 = tpu.memref_slice %arg2[%dma_start3A_121, %dma_start3A_122] : memref<10240x64xf32, #tpu.memory_space<hbm>> -> memref<10240x64xf32, #tpu.memory_space<hbm>>
        tpu.enqueue_indirect_dma source(%dma_start3A_123 : memref<10240x64xf32, #tpu.memory_space<hbm>>) target(%dma_start3A_117 : memref<320x64xf32, #tpu.memory_space<vmem>>) offsets(%dma_start3A_120 : memref<320xi32, #tpu.memory_space<vmem>>) semaphore(%arg11 : memref<!tpu.dma_semaphore, #tpu.memory_space<semaphore_mem>>)
      } else {
      }
      %dma_wait3A_89 = arith.constant 1 : i32
      %dma_wait3A_90 = arith.constant 0 : i32
      %dma_wait3A_91 = arith.constant 0 : i32
      %dma_wait3A_92 = tpu.memref_slice %arg10[%dma_wait3A_89, %dma_wait3A_90, %dma_wait3A_91] : memref<2x320x64xf32, #tpu.memory_space<vmem>> -> memref<1x320x64xf32, #tpu.memory_space<vmem>>
      %dma_wait3A_93 = tpu.memref_squeeze %dma_wait3A_92 : memref<1x320x64xf32, #tpu.memory_space<vmem>> -> memref<320x64xf32, #tpu.memory_space<vmem>>
      %dma_wait3A_94 = arith.constant 0 : i32
      %dma_wait3A_95 = tpu.memref_slice %arg8[%add3A_74, %dma_wait3A_94] : memref<32x320xi32, #tpu.memory_space<vmem>> -> memref<1x320xi32, #tpu.memory_space<vmem>>
      %dma_wait3A_96 = tpu.memref_squeeze %dma_wait3A_95 : memref<1x320xi32, #tpu.memory_space<vmem>> -> memref<320xi32, #tpu.memory_space<vmem>>
      %dma_wait3A_97 = arith.constant 0 : i32
      %dma_wait3A_98 = arith.constant 0 : i32
      %dma_wait3A_99 = tpu.memref_slice %arg2[%dma_wait3A_97, %dma_wait3A_98] : memref<10240x64xf32, #tpu.memory_space<hbm>> -> memref<10240x64xf32, #tpu.memory_space<hbm>>
      tpu.wait_indirect_dma semaphore(%arg12 : memref<!tpu.dma_semaphore, #tpu.memory_space<semaphore_mem>>) src(%dma_wait3A_99 : memref<10240x64xf32, #tpu.memory_space<hbm>>) dst(%dma_wait3A_93 : memref<320x64xf32, #tpu.memory_space<vmem>>)
      %dma_start3A_100 = arith.constant 1 : i32
      %dma_start3A_101 = arith.constant 0 : i32
      %dma_start3A_102 = arith.constant 0 : i32
      %dma_start3A_103 = tpu.memref_slice %arg10[%dma_start3A_100, %dma_start3A_101, %dma_start3A_102] : memref<2x320x64xf32, #tpu.memory_space<vmem>> -> memref<1x320x64xf32, #tpu.memory_space<vmem>>
      %dma_start3A_104 = tpu.memref_squeeze %dma_start3A_103 : memref<1x320x64xf32, #tpu.memory_space<vmem>> -> memref<320x64xf32, #tpu.memory_space<vmem>>
      %dma_start3A_105 = arith.constant 0 : i32
      %dma_start3A_106 = tpu.memref_slice %arg9[%add3A_74, %dma_start3A_105] : memref<32x320xi32, #tpu.memory_space<vmem>> -> memref<1x320xi32, #tpu.memory_space<vmem>>
      %dma_start3A_107 = tpu.memref_squeeze %dma_start3A_106 : memref<1x320xi32, #tpu.memory_space<vmem>> -> memref<320xi32, #tpu.memory_space<vmem>>
      %dma_start3A_108 = arith.constant 0 : i32
      %dma_start3A_109 = arith.constant 0 : i32
      %dma_start3A_110 = tpu.memref_slice %arg7[%dma_start3A_108, %dma_start3A_109] : memref<10240x64xf32, #tpu.memory_space<vmem_shared>> -> memref<10240x64xf32, #tpu.memory_space<vmem_shared>>
      tpu.enqueue_indirect_dma source(%dma_start3A_104 : memref<320x64xf32, #tpu.memory_space<vmem>>) target(%dma_start3A_110 : memref<10240x64xf32, #tpu.memory_space<vmem_shared>>) offsets(%dma_start3A_107 : memref<320xi32, #tpu.memory_space<vmem>>) semaphore(%arg14 : memref<!tpu.dma_semaphore, #tpu.memory_space<semaphore_mem>>) {add = true}
    }
    %scan3A_17 = arith.constant 16 : i32
    %dma_wait3A = arith.constant 1 : i32
    %dma_wait3A_18 = arith.constant 0 : i32
    %dma_wait3A_19 = arith.constant 0 : i32
    %dma_wait3A_20 = arith.constant 0 : i32
    %dma_wait3A_21 = tpu.memref_slice %arg10[%dma_wait3A, %dma_wait3A_19, %dma_wait3A_20] : memref<2x320x64xf32, #tpu.memory_space<vmem>> -> memref<1x320x64xf32, #tpu.memory_space<vmem>>
    %dma_wait3A_22 = tpu.memref_squeeze %dma_wait3A_21 : memref<1x320x64xf32, #tpu.memory_space<vmem>> -> memref<320x64xf32, #tpu.memory_space<vmem>>
    %dma_wait3A_23 = arith.constant 0 : i32
    %dma_wait3A_24 = tpu.memref_slice %arg9[%dma_wait3A_18, %dma_wait3A_23] : memref<32x320xi32, #tpu.memory_space<vmem>> -> memref<1x320xi32, #tpu.memory_space<vmem>>
    %dma_wait3A_25 = tpu.memref_squeeze %dma_wait3A_24 : memref<1x320xi32, #tpu.memory_space<vmem>> -> memref<320xi32, #tpu.memory_space<vmem>>
    %dma_wait3A_26 = arith.constant 0 : i32
    %dma_wait3A_27 = arith.constant 0 : i32
    %dma_wait3A_28 = tpu.memref_slice %arg7[%dma_wait3A_26, %dma_wait3A_27] : memref<10240x64xf32, #tpu.memory_space<vmem_shared>> -> memref<10240x64xf32, #tpu.memory_space<vmem_shared>>
    tpu.wait_indirect_dma semaphore(%arg14 : memref<!tpu.dma_semaphore, #tpu.memory_space<semaphore_mem>>) src(%dma_wait3A_22 : memref<320x64xf32, #tpu.memory_space<vmem>>) dst(%dma_wait3A_28 : memref<10240x64xf32, #tpu.memory_space<vmem_shared>>)
    %barrier3A_29 = arith.constant 0 : index
    tpu.barrier barrier_id(%barrier3A_29)
    "tpu.region"() ({
      %run_scoped3A = tpu.sem_alloc : memref<!tpu.dma_semaphore, #tpu.memory_space<semaphore_mem>>
      %dma_start3A_30 = arith.constant 0 : i32
      %dma_start3A_31 = tpu.memref_slice %arg6[%arg0, %mul3A_2, %dma_start3A_30] : memref<2x10240x64xf32, #tpu.memory_space<hbm>> -> memref<1x640x64xf32, #tpu.memory_space<hbm>>
      %dma_start3A_32 = tpu.memref_squeeze %dma_start3A_31 : memref<1x640x64xf32, #tpu.memory_space<hbm>> -> memref<640x64xf32, #tpu.memory_space<hbm>>
      %dma_start3A_33 = arith.constant 0 : i32
      %dma_start3A_34 = tpu.memref_slice %arg7[%mul3A_2, %dma_start3A_33] : memref<10240x64xf32, #tpu.memory_space<vmem_shared>> -> memref<640x64xf32, #tpu.memory_space<vmem_shared>>
      tpu.enqueue_dma source(%dma_start3A_34 : memref<640x64xf32, #tpu.memory_space<vmem_shared>>) target(%dma_start3A_32 : memref<640x64xf32, #tpu.memory_space<hbm>>) target_semaphore(%run_scoped3A : memref<!tpu.dma_semaphore, #tpu.memory_space<semaphore_mem>>)
      %dma_wait3A_35 = arith.constant 0 : i32
      %dma_wait3A_36 = tpu.memref_slice %arg6[%arg0, %mul3A_2, %dma_wait3A_35] : memref<2x10240x64xf32, #tpu.memory_space<hbm>> -> memref<1x640x64xf32, #tpu.memory_space<hbm>>
      %dma_wait3A_37 = tpu.memref_squeeze %dma_wait3A_36 : memref<1x640x64xf32, #tpu.memory_space<hbm>> -> memref<640x64xf32, #tpu.memory_space<hbm>>
      %dma_wait3A_38 = arith.constant 0 : i32
      %dma_wait3A_39 = tpu.memref_slice %arg7[%mul3A_2, %dma_wait3A_38] : memref<10240x64xf32, #tpu.memory_space<vmem_shared>> -> memref<640x64xf32, #tpu.memory_space<vmem_shared>>
      tpu.wait_dma2 semaphore(%run_scoped3A : memref<!tpu.dma_semaphore, #tpu.memory_space<semaphore_mem>>) src(%dma_wait3A_39 : memref<640x64xf32, #tpu.memory_space<vmem_shared>>) dst(%dma_wait3A_37 : memref<640x64xf32, #tpu.memory_space<hbm>>)
      tpu.yield
    }) : () -> ()
    return
  }
}

#map = affine_map<(d0, d1) -> (0, 0)>
#map1 = affine_map<(d0, d1) -> (0, 0, 0)>
module attributes {stable_mosaic.version = 14 : i64} {
  func.func @body(%arg0: i32, %arg1: i32, %arg2: memref<10240x32xf32, #tpu.memory_space<hbm>>, %arg3: memref<32x16x640xi32, #tpu.memory_space<hbm>>, %arg4: memref<32x16x640xi32, #tpu.memory_space<hbm>>, %arg5: memref<10240x32xf32, #tpu.memory_space<hbm>>, %arg6: memref<2x10240x32xf32, #tpu.memory_space<hbm>>, %arg7: memref<10240x32xf32, #tpu.memory_space<vmem_shared>>, %arg8: memref<16x640xi32, #tpu.memory_space<vmem>>, %arg9: memref<16x640xi32, #tpu.memory_space<vmem>>, %arg10: memref<2x640x32xf32, #tpu.memory_space<vmem>>, %arg11: memref<!tpu.dma_semaphore, #tpu.memory_space<semaphore_mem>>, %arg12: memref<!tpu.dma_semaphore, #tpu.memory_space<semaphore_mem>>, %arg13: memref<!tpu.dma_semaphore, #tpu.memory_space<semaphore_mem>>, %arg14: memref<!tpu.dma_semaphore, #tpu.memory_space<semaphore_mem>>) attributes {dimension_semantics = [#tpu.dimension_semantics<core_parallel>, #tpu.dimension_semantics<subcore_parallel>], iteration_bounds = array<i64: 2, 16>, scalar_prefetch = 0 : i64, scratch_operands = 8 : i64, tpu.core_type = #tpu.core_type<sc_vector_subcore>, window_params = [{transform_indices = #map}, {transform_indices = #map1}, {transform_indices = #map1}, {transform_indices = #map}, {transform_indices = #map1}]} {
    %mul3A = arith.constant 16 : i32
    %mul3A_0 = arith.muli %arg0, %mul3A : i32
    %add3A = arith.addi %mul3A_0, %arg1 : i32
    %mul3A_1 = arith.constant 640 : i32
    %mul3A_2 = arith.muli %arg1, %mul3A_1 : i32
    "tpu.region"() ({
      %run_scoped3A = tpu.sem_alloc : memref<!tpu.dma_semaphore, #tpu.memory_space<semaphore_mem>>
      %dma_start3A_30 = arith.constant 0 : i32
      %dma_start3A_31 = tpu.memref_slice %arg7[%mul3A_2, %dma_start3A_30] : memref<10240x32xf32, #tpu.memory_space<vmem_shared>> -> memref<640x32xf32, #tpu.memory_space<vmem_shared>>
      %dma_start3A_32 = arith.constant 0 : i32
      %dma_start3A_33 = tpu.memref_slice %arg5[%mul3A_2, %dma_start3A_32] : memref<10240x32xf32, #tpu.memory_space<hbm>> -> memref<640x32xf32, #tpu.memory_space<hbm>>
      tpu.enqueue_dma source(%dma_start3A_33 : memref<640x32xf32, #tpu.memory_space<hbm>>) target(%dma_start3A_31 : memref<640x32xf32, #tpu.memory_space<vmem_shared>>) target_semaphore(%run_scoped3A : memref<!tpu.dma_semaphore, #tpu.memory_space<semaphore_mem>>)
      %dma_wait3A_34 = arith.constant 0 : i32
      %dma_wait3A_35 = tpu.memref_slice %arg7[%mul3A_2, %dma_wait3A_34] : memref<10240x32xf32, #tpu.memory_space<vmem_shared>> -> memref<640x32xf32, #tpu.memory_space<vmem_shared>>
      %dma_wait3A_36 = arith.constant 0 : i32
      %dma_wait3A_37 = tpu.memref_slice %arg5[%mul3A_2, %dma_wait3A_36] : memref<10240x32xf32, #tpu.memory_space<hbm>> -> memref<640x32xf32, #tpu.memory_space<hbm>>
      tpu.wait_dma2 semaphore(%run_scoped3A : memref<!tpu.dma_semaphore, #tpu.memory_space<semaphore_mem>>) src(%dma_wait3A_37 : memref<640x32xf32, #tpu.memory_space<hbm>>) dst(%dma_wait3A_35 : memref<640x32xf32, #tpu.memory_space<vmem_shared>>)
      tpu.yield
    }) : () -> ()
    "tpu.region"() ({
      %run_scoped3A = tpu.sem_alloc : memref<!tpu.dma_semaphore, #tpu.memory_space<semaphore_mem>>
      %dma_start3A_30 = arith.constant 0 : i32
      %dma_start3A_31 = arith.constant 0 : i32
      %dma_start3A_32 = tpu.memref_slice %arg3[%add3A, %dma_start3A_30, %dma_start3A_31] : memref<32x16x640xi32, #tpu.memory_space<hbm>> -> memref<1x16x640xi32, #tpu.memory_space<hbm>>
      %dma_start3A_33 = tpu.memref_squeeze %dma_start3A_32 : memref<1x16x640xi32, #tpu.memory_space<hbm>> -> memref<16x640xi32, #tpu.memory_space<hbm>>
      %dma_start3A_34 = arith.constant 0 : i32
      %dma_start3A_35 = arith.constant 0 : i32
      %dma_start3A_36 = tpu.memref_slice %arg3[%add3A, %dma_start3A_34, %dma_start3A_35] : memref<32x16x640xi32, #tpu.memory_space<hbm>> -> memref<1x16x640xi32, #tpu.memory_space<hbm>>
      %dma_start3A_37 = tpu.memref_squeeze %dma_start3A_36 : memref<1x16x640xi32, #tpu.memory_space<hbm>> -> memref<16x640xi32, #tpu.memory_space<hbm>>
      tpu.enqueue_dma source(%dma_start3A_37 : memref<16x640xi32, #tpu.memory_space<hbm>>) target(%arg8 : memref<16x640xi32, #tpu.memory_space<vmem>>) target_semaphore(%run_scoped3A : memref<!tpu.dma_semaphore, #tpu.memory_space<semaphore_mem>>)
      %dma_wait3A_38 = arith.constant 0 : i32
      %dma_wait3A_39 = arith.constant 0 : i32
      %dma_wait3A_40 = tpu.memref_slice %arg3[%add3A, %dma_wait3A_38, %dma_wait3A_39] : memref<32x16x640xi32, #tpu.memory_space<hbm>> -> memref<1x16x640xi32, #tpu.memory_space<hbm>>
      %dma_wait3A_41 = tpu.memref_squeeze %dma_wait3A_40 : memref<1x16x640xi32, #tpu.memory_space<hbm>> -> memref<16x640xi32, #tpu.memory_space<hbm>>
      %dma_wait3A_42 = arith.constant 0 : i32
      %dma_wait3A_43 = arith.constant 0 : i32
      %dma_wait3A_44 = tpu.memref_slice %arg3[%add3A, %dma_wait3A_42, %dma_wait3A_43] : memref<32x16x640xi32, #tpu.memory_space<hbm>> -> memref<1x16x640xi32, #tpu.memory_space<hbm>>
      %dma_wait3A_45 = tpu.memref_squeeze %dma_wait3A_44 : memref<1x16x640xi32, #tpu.memory_space<hbm>> -> memref<16x640xi32, #tpu.memory_space<hbm>>
      tpu.wait_dma2 semaphore(%run_scoped3A : memref<!tpu.dma_semaphore, #tpu.memory_space<semaphore_mem>>) src(%dma_wait3A_45 : memref<16x640xi32, #tpu.memory_space<hbm>>) dst(%arg8 : memref<16x640xi32, #tpu.memory_space<vmem>>)
      tpu.yield
    }) : () -> ()
    "tpu.region"() ({
      %run_scoped3A = tpu.sem_alloc : memref<!tpu.dma_semaphore, #tpu.memory_space<semaphore_mem>>
      %dma_start3A_30 = arith.constant 0 : i32
      %dma_start3A_31 = arith.constant 0 : i32
      %dma_start3A_32 = tpu.memref_slice %arg4[%add3A, %dma_start3A_30, %dma_start3A_31] : memref<32x16x640xi32, #tpu.memory_space<hbm>> -> memref<1x16x640xi32, #tpu.memory_space<hbm>>
      %dma_start3A_33 = tpu.memref_squeeze %dma_start3A_32 : memref<1x16x640xi32, #tpu.memory_space<hbm>> -> memref<16x640xi32, #tpu.memory_space<hbm>>
      %dma_start3A_34 = arith.constant 0 : i32
      %dma_start3A_35 = arith.constant 0 : i32
      %dma_start3A_36 = tpu.memref_slice %arg4[%add3A, %dma_start3A_34, %dma_start3A_35] : memref<32x16x640xi32, #tpu.memory_space<hbm>> -> memref<1x16x640xi32, #tpu.memory_space<hbm>>
      %dma_start3A_37 = tpu.memref_squeeze %dma_start3A_36 : memref<1x16x640xi32, #tpu.memory_space<hbm>> -> memref<16x640xi32, #tpu.memory_space<hbm>>
      tpu.enqueue_dma source(%dma_start3A_37 : memref<16x640xi32, #tpu.memory_space<hbm>>) target(%arg9 : memref<16x640xi32, #tpu.memory_space<vmem>>) target_semaphore(%run_scoped3A : memref<!tpu.dma_semaphore, #tpu.memory_space<semaphore_mem>>)
      %dma_wait3A_38 = arith.constant 0 : i32
      %dma_wait3A_39 = arith.constant 0 : i32
      %dma_wait3A_40 = tpu.memref_slice %arg4[%add3A, %dma_wait3A_38, %dma_wait3A_39] : memref<32x16x640xi32, #tpu.memory_space<hbm>> -> memref<1x16x640xi32, #tpu.memory_space<hbm>>
      %dma_wait3A_41 = tpu.memref_squeeze %dma_wait3A_40 : memref<1x16x640xi32, #tpu.memory_space<hbm>> -> memref<16x640xi32, #tpu.memory_space<hbm>>
      %dma_wait3A_42 = arith.constant 0 : i32
      %dma_wait3A_43 = arith.constant 0 : i32
      %dma_wait3A_44 = tpu.memref_slice %arg4[%add3A, %dma_wait3A_42, %dma_wait3A_43] : memref<32x16x640xi32, #tpu.memory_space<hbm>> -> memref<1x16x640xi32, #tpu.memory_space<hbm>>
      %dma_wait3A_45 = tpu.memref_squeeze %dma_wait3A_44 : memref<1x16x640xi32, #tpu.memory_space<hbm>> -> memref<16x640xi32, #tpu.memory_space<hbm>>
      tpu.wait_dma2 semaphore(%run_scoped3A : memref<!tpu.dma_semaphore, #tpu.memory_space<semaphore_mem>>) src(%dma_wait3A_45 : memref<16x640xi32, #tpu.memory_space<hbm>>) dst(%arg9 : memref<16x640xi32, #tpu.memory_space<vmem>>)
      tpu.yield
    }) : () -> ()
    %barrier3A = arith.constant 0 : index
    tpu.barrier barrier_id(%barrier3A)
    %dma_start3A = arith.constant 0 : i32
    %dma_start3A_3 = arith.constant 0 : i32
    %dma_start3A_4 = arith.constant 0 : i32
    %dma_start3A_5 = arith.constant 0 : i32
    %dma_start3A_6 = tpu.memref_slice %arg10[%dma_start3A_3, %dma_start3A_4, %dma_start3A_5] : memref<2x640x32xf32, #tpu.memory_space<vmem>> -> memref<1x640x32xf32, #tpu.memory_space<vmem>>
    %dma_start3A_7 = tpu.memref_squeeze %dma_start3A_6 : memref<1x640x32xf32, #tpu.memory_space<vmem>> -> memref<640x32xf32, #tpu.memory_space<vmem>>
    %dma_start3A_8 = arith.constant 0 : i32
    %dma_start3A_9 = tpu.memref_slice %arg8[%dma_start3A, %dma_start3A_8] : memref<16x640xi32, #tpu.memory_space<vmem>> -> memref<1x640xi32, #tpu.memory_space<vmem>>
    %dma_start3A_10 = tpu.memref_squeeze %dma_start3A_9 : memref<1x640xi32, #tpu.memory_space<vmem>> -> memref<640xi32, #tpu.memory_space<vmem>>
    %dma_start3A_11 = arith.constant 0 : i32
    %dma_start3A_12 = arith.constant 0 : i32
    %dma_start3A_13 = tpu.memref_slice %arg2[%dma_start3A_11, %dma_start3A_12] : memref<10240x32xf32, #tpu.memory_space<hbm>> -> memref<10240x32xf32, #tpu.memory_space<hbm>>
    tpu.enqueue_indirect_dma source(%dma_start3A_13 : memref<10240x32xf32, #tpu.memory_space<hbm>>) target(%dma_start3A_7 : memref<640x32xf32, #tpu.memory_space<vmem>>) offsets(%dma_start3A_10 : memref<640xi32, #tpu.memory_space<vmem>>) semaphore(%arg11 : memref<!tpu.dma_semaphore, #tpu.memory_space<semaphore_mem>>)
    %scan3A = arith.constant 0 : i32
    %scan3A_14 = arith.constant 8 : i32
    %scan3A_15 = arith.addi %scan3A, %scan3A_14 : i32
    %scan3A_16 = arith.constant 1 : i32
    scf.for %scan3A_30 = %scan3A to %scan3A_15 step %scan3A_16  : i32 {
      %mul3A_31 = arith.constant 1 : i32
      %mul3A_32 = arith.muli %scan3A_30, %mul3A_31 : i32
      %add3A_33 = arith.constant 0 : i32
      %add3A_34 = arith.addi %add3A_33, %mul3A_32 : i32
      %mul3A_35 = arith.constant 2 : i32
      %mul3A_36 = arith.muli %add3A_34, %mul3A_35 : i32
      %add3A_37 = arith.constant 0 : i32
      %add3A_38 = arith.addi %mul3A_36, %add3A_37 : i32
      %add3A_39 = arith.constant 1 : i32
      %add3A_40 = arith.addi %add3A_38, %add3A_39 : i32
      %ge3A = arith.constant 2 : i32
      %ge3A_41 = arith.cmpi sge, %add3A_40, %ge3A : i32
      %convert_element_type3A = arith.extui %ge3A_41 : i1 to i32
      %cond3A = arith.constant 0 : i32
      %cond3A_42 = arith.cmpi ne, %convert_element_type3A, %cond3A : i32
      scf.if %cond3A_42 {
        %dma_wait3A_111 = arith.constant 1 : i32
        %dma_wait3A_112 = arith.constant 0 : i32
        %dma_wait3A_113 = arith.constant 0 : i32
        %dma_wait3A_114 = arith.constant 0 : i32
        %dma_wait3A_115 = tpu.memref_slice %arg10[%dma_wait3A_111, %dma_wait3A_113, %dma_wait3A_114] : memref<2x640x32xf32, #tpu.memory_space<vmem>> -> memref<1x640x32xf32, #tpu.memory_space<vmem>>
        %dma_wait3A_116 = tpu.memref_squeeze %dma_wait3A_115 : memref<1x640x32xf32, #tpu.memory_space<vmem>> -> memref<640x32xf32, #tpu.memory_space<vmem>>
        %dma_wait3A_117 = arith.constant 0 : i32
        %dma_wait3A_118 = tpu.memref_slice %arg9[%dma_wait3A_112, %dma_wait3A_117] : memref<16x640xi32, #tpu.memory_space<vmem>> -> memref<1x640xi32, #tpu.memory_space<vmem>>
        %dma_wait3A_119 = tpu.memref_squeeze %dma_wait3A_118 : memref<1x640xi32, #tpu.memory_space<vmem>> -> memref<640xi32, #tpu.memory_space<vmem>>
        %dma_wait3A_120 = arith.constant 0 : i32
        %dma_wait3A_121 = arith.constant 0 : i32
        %dma_wait3A_122 = tpu.memref_slice %arg7[%dma_wait3A_120, %dma_wait3A_121] : memref<10240x32xf32, #tpu.memory_space<vmem_shared>> -> memref<10240x32xf32, #tpu.memory_space<vmem_shared>>
        tpu.wait_indirect_dma semaphore(%arg14 : memref<!tpu.dma_semaphore, #tpu.memory_space<semaphore_mem>>) src(%dma_wait3A_116 : memref<640x32xf32, #tpu.memory_space<vmem>>) dst(%dma_wait3A_122 : memref<10240x32xf32, #tpu.memory_space<vmem_shared>>)
      } else {
      }
      %add3A_43 = arith.constant 1 : i32
      %add3A_44 = arith.addi %add3A_38, %add3A_43 : i32
      %lt3A = arith.constant 16 : i32
      %lt3A_45 = arith.cmpi slt, %add3A_44, %lt3A : i32
      %convert_element_type3A_46 = arith.extui %lt3A_45 : i1 to i32
      %cond3A_47 = arith.constant 0 : i32
      %cond3A_48 = arith.cmpi ne, %convert_element_type3A_46, %cond3A_47 : i32
      scf.if %cond3A_48 {
        %add3A_111 = arith.constant 1 : i32
        %add3A_112 = arith.addi %add3A_38, %add3A_111 : i32
        %dma_start3A_113 = arith.constant 1 : i32
        %dma_start3A_114 = arith.constant 0 : i32
        %dma_start3A_115 = arith.constant 0 : i32
        %dma_start3A_116 = tpu.memref_slice %arg10[%dma_start3A_113, %dma_start3A_114, %dma_start3A_115] : memref<2x640x32xf32, #tpu.memory_space<vmem>> -> memref<1x640x32xf32, #tpu.memory_space<vmem>>
        %dma_start3A_117 = tpu.memref_squeeze %dma_start3A_116 : memref<1x640x32xf32, #tpu.memory_space<vmem>> -> memref<640x32xf32, #tpu.memory_space<vmem>>
        %dma_start3A_118 = arith.constant 0 : i32
        %dma_start3A_119 = tpu.memref_slice %arg8[%add3A_112, %dma_start3A_118] : memref<16x640xi32, #tpu.memory_space<vmem>> -> memref<1x640xi32, #tpu.memory_space<vmem>>
        %dma_start3A_120 = tpu.memref_squeeze %dma_start3A_119 : memref<1x640xi32, #tpu.memory_space<vmem>> -> memref<640xi32, #tpu.memory_space<vmem>>
        %dma_start3A_121 = arith.constant 0 : i32
        %dma_start3A_122 = arith.constant 0 : i32
        %dma_start3A_123 = tpu.memref_slice %arg2[%dma_start3A_121, %dma_start3A_122] : memref<10240x32xf32, #tpu.memory_space<hbm>> -> memref<10240x32xf32, #tpu.memory_space<hbm>>
        tpu.enqueue_indirect_dma source(%dma_start3A_123 : memref<10240x32xf32, #tpu.memory_space<hbm>>) target(%dma_start3A_117 : memref<640x32xf32, #tpu.memory_space<vmem>>) offsets(%dma_start3A_120 : memref<640xi32, #tpu.memory_space<vmem>>) semaphore(%arg12 : memref<!tpu.dma_semaphore, #tpu.memory_space<semaphore_mem>>)
      } else {
      }
      %dma_wait3A_49 = arith.constant 0 : i32
      %dma_wait3A_50 = arith.constant 0 : i32
      %dma_wait3A_51 = arith.constant 0 : i32
      %dma_wait3A_52 = tpu.memref_slice %arg10[%dma_wait3A_49, %dma_wait3A_50, %dma_wait3A_51] : memref<2x640x32xf32, #tpu.memory_space<vmem>> -> memref<1x640x32xf32, #tpu.memory_space<vmem>>
      %dma_wait3A_53 = tpu.memref_squeeze %dma_wait3A_52 : memref<1x640x32xf32, #tpu.memory_space<vmem>> -> memref<640x32xf32, #tpu.memory_space<vmem>>
      %dma_wait3A_54 = arith.constant 0 : i32
      %dma_wait3A_55 = tpu.memref_slice %arg8[%add3A_38, %dma_wait3A_54] : memref<16x640xi32, #tpu.memory_space<vmem>> -> memref<1x640xi32, #tpu.memory_space<vmem>>
      %dma_wait3A_56 = tpu.memref_squeeze %dma_wait3A_55 : memref<1x640xi32, #tpu.memory_space<vmem>> -> memref<640xi32, #tpu.memory_space<vmem>>
      %dma_wait3A_57 = arith.constant 0 : i32
      %dma_wait3A_58 = arith.constant 0 : i32
      %dma_wait3A_59 = tpu.memref_slice %arg2[%dma_wait3A_57, %dma_wait3A_58] : memref<10240x32xf32, #tpu.memory_space<hbm>> -> memref<10240x32xf32, #tpu.memory_space<hbm>>
      tpu.wait_indirect_dma semaphore(%arg11 : memref<!tpu.dma_semaphore, #tpu.memory_space<semaphore_mem>>) src(%dma_wait3A_59 : memref<10240x32xf32, #tpu.memory_space<hbm>>) dst(%dma_wait3A_53 : memref<640x32xf32, #tpu.memory_space<vmem>>)
      %dma_start3A_60 = arith.constant 0 : i32
      %dma_start3A_61 = arith.constant 0 : i32
      %dma_start3A_62 = arith.constant 0 : i32
      %dma_start3A_63 = tpu.memref_slice %arg10[%dma_start3A_60, %dma_start3A_61, %dma_start3A_62] : memref<2x640x32xf32, #tpu.memory_space<vmem>> -> memref<1x640x32xf32, #tpu.memory_space<vmem>>
      %dma_start3A_64 = tpu.memref_squeeze %dma_start3A_63 : memref<1x640x32xf32, #tpu.memory_space<vmem>> -> memref<640x32xf32, #tpu.memory_space<vmem>>
      %dma_start3A_65 = arith.constant 0 : i32
      %dma_start3A_66 = tpu.memref_slice %arg9[%add3A_38, %dma_start3A_65] : memref<16x640xi32, #tpu.memory_space<vmem>> -> memref<1x640xi32, #tpu.memory_space<vmem>>
      %dma_start3A_67 = tpu.memref_squeeze %dma_start3A_66 : memref<1x640xi32, #tpu.memory_space<vmem>> -> memref<640xi32, #tpu.memory_space<vmem>>
      %dma_start3A_68 = arith.constant 0 : i32
      %dma_start3A_69 = arith.constant 0 : i32
      %dma_start3A_70 = tpu.memref_slice %arg7[%dma_start3A_68, %dma_start3A_69] : memref<10240x32xf32, #tpu.memory_space<vmem_shared>> -> memref<10240x32xf32, #tpu.memory_space<vmem_shared>>
      tpu.enqueue_indirect_dma source(%dma_start3A_64 : memref<640x32xf32, #tpu.memory_space<vmem>>) target(%dma_start3A_70 : memref<10240x32xf32, #tpu.memory_space<vmem_shared>>) offsets(%dma_start3A_67 : memref<640xi32, #tpu.memory_space<vmem>>) semaphore(%arg13 : memref<!tpu.dma_semaphore, #tpu.memory_space<semaphore_mem>>) {add = true}
      %mul3A_71 = arith.constant 2 : i32
      %mul3A_72 = arith.muli %add3A_34, %mul3A_71 : i32
      %add3A_73 = arith.constant 1 : i32
      %add3A_74 = arith.addi %mul3A_72, %add3A_73 : i32
      %add3A_75 = arith.constant 1 : i32
      %add3A_76 = arith.addi %add3A_74, %add3A_75 : i32
      %ge3A_77 = arith.constant 2 : i32
      %ge3A_78 = arith.cmpi sge, %add3A_76, %ge3A_77 : i32
      %convert_element_type3A_79 = arith.extui %ge3A_78 : i1 to i32
      %cond3A_80 = arith.constant 0 : i32
      %cond3A_81 = arith.cmpi ne, %convert_element_type3A_79, %cond3A_80 : i32
      scf.if %cond3A_81 {
        %dma_wait3A_111 = arith.constant 0 : i32
        %dma_wait3A_112 = arith.constant 0 : i32
        %dma_wait3A_113 = arith.constant 0 : i32
        %dma_wait3A_114 = arith.constant 0 : i32
        %dma_wait3A_115 = tpu.memref_slice %arg10[%dma_wait3A_111, %dma_wait3A_113, %dma_wait3A_114] : memref<2x640x32xf32, #tpu.memory_space<vmem>> -> memref<1x640x32xf32, #tpu.memory_space<vmem>>
        %dma_wait3A_116 = tpu.memref_squeeze %dma_wait3A_115 : memref<1x640x32xf32, #tpu.memory_space<vmem>> -> memref<640x32xf32, #tpu.memory_space<vmem>>
        %dma_wait3A_117 = arith.constant 0 : i32
        %dma_wait3A_118 = tpu.memref_slice %arg9[%dma_wait3A_112, %dma_wait3A_117] : memref<16x640xi32, #tpu.memory_space<vmem>> -> memref<1x640xi32, #tpu.memory_space<vmem>>
        %dma_wait3A_119 = tpu.memref_squeeze %dma_wait3A_118 : memref<1x640xi32, #tpu.memory_space<vmem>> -> memref<640xi32, #tpu.memory_space<vmem>>
        %dma_wait3A_120 = arith.constant 0 : i32
        %dma_wait3A_121 = arith.constant 0 : i32
        %dma_wait3A_122 = tpu.memref_slice %arg7[%dma_wait3A_120, %dma_wait3A_121] : memref<10240x32xf32, #tpu.memory_space<vmem_shared>> -> memref<10240x32xf32, #tpu.memory_space<vmem_shared>>
        tpu.wait_indirect_dma semaphore(%arg13 : memref<!tpu.dma_semaphore, #tpu.memory_space<semaphore_mem>>) src(%dma_wait3A_116 : memref<640x32xf32, #tpu.memory_space<vmem>>) dst(%dma_wait3A_122 : memref<10240x32xf32, #tpu.memory_space<vmem_shared>>)
      } else {
      }
      %add3A_82 = arith.constant 1 : i32
      %add3A_83 = arith.addi %add3A_74, %add3A_82 : i32
      %lt3A_84 = arith.constant 16 : i32
      %lt3A_85 = arith.cmpi slt, %add3A_83, %lt3A_84 : i32
      %convert_element_type3A_86 = arith.extui %lt3A_85 : i1 to i32
      %cond3A_87 = arith.constant 0 : i32
      %cond3A_88 = arith.cmpi ne, %convert_element_type3A_86, %cond3A_87 : i32
      scf.if %cond3A_88 {
        %add3A_111 = arith.constant 1 : i32
        %add3A_112 = arith.addi %add3A_74, %add3A_111 : i32
        %dma_start3A_113 = arith.constant 0 : i32
        %dma_start3A_114 = arith.constant 0 : i32
        %dma_start3A_115 = arith.constant 0 : i32
        %dma_start3A_116 = tpu.memref_slice %arg10[%dma_start3A_113, %dma_start3A_114, %dma_start3A_115] : memref<2x640x32xf32, #tpu.memory_space<vmem>> -> memref<1x640x32xf32, #tpu.memory_space<vmem>>
        %dma_start3A_117 = tpu.memref_squeeze %dma_start3A_116 : memref<1x640x32xf32, #tpu.memory_space<vmem>> -> memref<640x32xf32, #tpu.memory_space<vmem>>
        %dma_start3A_118 = arith.constant 0 : i32
        %dma_start3A_119 = tpu.memref_slice %arg8[%add3A_112, %dma_start3A_118] : memref<16x640xi32, #tpu.memory_space<vmem>> -> memref<1x640xi32, #tpu.memory_space<vmem>>
        %dma_start3A_120 = tpu.memref_squeeze %dma_start3A_119 : memref<1x640xi32, #tpu.memory_space<vmem>> -> memref<640xi32, #tpu.memory_space<vmem>>
        %dma_start3A_121 = arith.constant 0 : i32
        %dma_start3A_122 = arith.constant 0 : i32
        %dma_start3A_123 = tpu.memref_slice %arg2[%dma_start3A_121, %dma_start3A_122] : memref<10240x32xf32, #tpu.memory_space<hbm>> -> memref<10240x32xf32, #tpu.memory_space<hbm>>
        tpu.enqueue_indirect_dma source(%dma_start3A_123 : memref<10240x32xf32, #tpu.memory_space<hbm>>) target(%dma_start3A_117 : memref<640x32xf32, #tpu.memory_space<vmem>>) offsets(%dma_start3A_120 : memref<640xi32, #tpu.memory_space<vmem>>) semaphore(%arg11 : memref<!tpu.dma_semaphore, #tpu.memory_space<semaphore_mem>>)
      } else {
      }
      %dma_wait3A_89 = arith.constant 1 : i32
      %dma_wait3A_90 = arith.constant 0 : i32
      %dma_wait3A_91 = arith.constant 0 : i32
      %dma_wait3A_92 = tpu.memref_slice %arg10[%dma_wait3A_89, %dma_wait3A_90, %dma_wait3A_91] : memref<2x640x32xf32, #tpu.memory_space<vmem>> -> memref<1x640x32xf32, #tpu.memory_space<vmem>>
      %dma_wait3A_93 = tpu.memref_squeeze %dma_wait3A_92 : memref<1x640x32xf32, #tpu.memory_space<vmem>> -> memref<640x32xf32, #tpu.memory_space<vmem>>
      %dma_wait3A_94 = arith.constant 0 : i32
      %dma_wait3A_95 = tpu.memref_slice %arg8[%add3A_74, %dma_wait3A_94] : memref<16x640xi32, #tpu.memory_space<vmem>> -> memref<1x640xi32, #tpu.memory_space<vmem>>
      %dma_wait3A_96 = tpu.memref_squeeze %dma_wait3A_95 : memref<1x640xi32, #tpu.memory_space<vmem>> -> memref<640xi32, #tpu.memory_space<vmem>>
      %dma_wait3A_97 = arith.constant 0 : i32
      %dma_wait3A_98 = arith.constant 0 : i32
      %dma_wait3A_99 = tpu.memref_slice %arg2[%dma_wait3A_97, %dma_wait3A_98] : memref<10240x32xf32, #tpu.memory_space<hbm>> -> memref<10240x32xf32, #tpu.memory_space<hbm>>
      tpu.wait_indirect_dma semaphore(%arg12 : memref<!tpu.dma_semaphore, #tpu.memory_space<semaphore_mem>>) src(%dma_wait3A_99 : memref<10240x32xf32, #tpu.memory_space<hbm>>) dst(%dma_wait3A_93 : memref<640x32xf32, #tpu.memory_space<vmem>>)
      %dma_start3A_100 = arith.constant 1 : i32
      %dma_start3A_101 = arith.constant 0 : i32
      %dma_start3A_102 = arith.constant 0 : i32
      %dma_start3A_103 = tpu.memref_slice %arg10[%dma_start3A_100, %dma_start3A_101, %dma_start3A_102] : memref<2x640x32xf32, #tpu.memory_space<vmem>> -> memref<1x640x32xf32, #tpu.memory_space<vmem>>
      %dma_start3A_104 = tpu.memref_squeeze %dma_start3A_103 : memref<1x640x32xf32, #tpu.memory_space<vmem>> -> memref<640x32xf32, #tpu.memory_space<vmem>>
      %dma_start3A_105 = arith.constant 0 : i32
      %dma_start3A_106 = tpu.memref_slice %arg9[%add3A_74, %dma_start3A_105] : memref<16x640xi32, #tpu.memory_space<vmem>> -> memref<1x640xi32, #tpu.memory_space<vmem>>
      %dma_start3A_107 = tpu.memref_squeeze %dma_start3A_106 : memref<1x640xi32, #tpu.memory_space<vmem>> -> memref<640xi32, #tpu.memory_space<vmem>>
      %dma_start3A_108 = arith.constant 0 : i32
      %dma_start3A_109 = arith.constant 0 : i32
      %dma_start3A_110 = tpu.memref_slice %arg7[%dma_start3A_108, %dma_start3A_109] : memref<10240x32xf32, #tpu.memory_space<vmem_shared>> -> memref<10240x32xf32, #tpu.memory_space<vmem_shared>>
      tpu.enqueue_indirect_dma source(%dma_start3A_104 : memref<640x32xf32, #tpu.memory_space<vmem>>) target(%dma_start3A_110 : memref<10240x32xf32, #tpu.memory_space<vmem_shared>>) offsets(%dma_start3A_107 : memref<640xi32, #tpu.memory_space<vmem>>) semaphore(%arg14 : memref<!tpu.dma_semaphore, #tpu.memory_space<semaphore_mem>>) {add = true}
    }
    %scan3A_17 = arith.constant 8 : i32
    %dma_wait3A = arith.constant 1 : i32
    %dma_wait3A_18 = arith.constant 0 : i32
    %dma_wait3A_19 = arith.constant 0 : i32
    %dma_wait3A_20 = arith.constant 0 : i32
    %dma_wait3A_21 = tpu.memref_slice %arg10[%dma_wait3A, %dma_wait3A_19, %dma_wait3A_20] : memref<2x640x32xf32, #tpu.memory_space<vmem>> -> memref<1x640x32xf32, #tpu.memory_space<vmem>>
    %dma_wait3A_22 = tpu.memref_squeeze %dma_wait3A_21 : memref<1x640x32xf32, #tpu.memory_space<vmem>> -> memref<640x32xf32, #tpu.memory_space<vmem>>
    %dma_wait3A_23 = arith.constant 0 : i32
    %dma_wait3A_24 = tpu.memref_slice %arg9[%dma_wait3A_18, %dma_wait3A_23] : memref<16x640xi32, #tpu.memory_space<vmem>> -> memref<1x640xi32, #tpu.memory_space<vmem>>
    %dma_wait3A_25 = tpu.memref_squeeze %dma_wait3A_24 : memref<1x640xi32, #tpu.memory_space<vmem>> -> memref<640xi32, #tpu.memory_space<vmem>>
    %dma_wait3A_26 = arith.constant 0 : i32
    %dma_wait3A_27 = arith.constant 0 : i32
    %dma_wait3A_28 = tpu.memref_slice %arg7[%dma_wait3A_26, %dma_wait3A_27] : memref<10240x32xf32, #tpu.memory_space<vmem_shared>> -> memref<10240x32xf32, #tpu.memory_space<vmem_shared>>
    tpu.wait_indirect_dma semaphore(%arg14 : memref<!tpu.dma_semaphore, #tpu.memory_space<semaphore_mem>>) src(%dma_wait3A_22 : memref<640x32xf32, #tpu.memory_space<vmem>>) dst(%dma_wait3A_28 : memref<10240x32xf32, #tpu.memory_space<vmem_shared>>)
    %barrier3A_29 = arith.constant 0 : index
    tpu.barrier barrier_id(%barrier3A_29)
    "tpu.region"() ({
      %run_scoped3A = tpu.sem_alloc : memref<!tpu.dma_semaphore, #tpu.memory_space<semaphore_mem>>
      %dma_start3A_30 = arith.constant 0 : i32
      %dma_start3A_31 = tpu.memref_slice %arg6[%arg0, %mul3A_2, %dma_start3A_30] : memref<2x10240x32xf32, #tpu.memory_space<hbm>> -> memref<1x640x32xf32, #tpu.memory_space<hbm>>
      %dma_start3A_32 = tpu.memref_squeeze %dma_start3A_31 : memref<1x640x32xf32, #tpu.memory_space<hbm>> -> memref<640x32xf32, #tpu.memory_space<hbm>>
      %dma_start3A_33 = arith.constant 0 : i32
      %dma_start3A_34 = tpu.memref_slice %arg7[%mul3A_2, %dma_start3A_33] : memref<10240x32xf32, #tpu.memory_space<vmem_shared>> -> memref<640x32xf32, #tpu.memory_space<vmem_shared>>
      tpu.enqueue_dma source(%dma_start3A_34 : memref<640x32xf32, #tpu.memory_space<vmem_shared>>) target(%dma_start3A_32 : memref<640x32xf32, #tpu.memory_space<hbm>>) target_semaphore(%run_scoped3A : memref<!tpu.dma_semaphore, #tpu.memory_space<semaphore_mem>>)
      %dma_wait3A_35 = arith.constant 0 : i32
      %dma_wait3A_36 = tpu.memref_slice %arg6[%arg0, %mul3A_2, %dma_wait3A_35] : memref<2x10240x32xf32, #tpu.memory_space<hbm>> -> memref<1x640x32xf32, #tpu.memory_space<hbm>>
      %dma_wait3A_37 = tpu.memref_squeeze %dma_wait3A_36 : memref<1x640x32xf32, #tpu.memory_space<hbm>> -> memref<640x32xf32, #tpu.memory_space<hbm>>
      %dma_wait3A_38 = arith.constant 0 : i32
      %dma_wait3A_39 = tpu.memref_slice %arg7[%mul3A_2, %dma_wait3A_38] : memref<10240x32xf32, #tpu.memory_space<vmem_shared>> -> memref<640x32xf32, #tpu.memory_space<vmem_shared>>
      tpu.wait_dma2 semaphore(%run_scoped3A : memref<!tpu.dma_semaphore, #tpu.memory_space<semaphore_mem>>) src(%dma_wait3A_39 : memref<640x32xf32, #tpu.memory_space<vmem_shared>>) dst(%dma_wait3A_37 : memref<640x32xf32, #tpu.memory_space<hbm>>)
      tpu.yield
    }) : () -> ()
    return
  }
}

#map = affine_map<(d0, d1) -> (0, 0)>
#map1 = affine_map<(d0, d1) -> (0, 0, 0)>
module attributes {stable_mosaic.version = 14 : i64} {
  func.func @body(%arg0: i32, %arg1: i32, %arg2: memref<10240x64xf32, #tpu.memory_space<hbm>>, %arg3: memref<32x32x320xi32, #tpu.memory_space<hbm>>, %arg4: memref<32x32x320xi32, #tpu.memory_space<hbm>>, %arg5: memref<10240x64xf32, #tpu.memory_space<hbm>>, %arg6: memref<2x10240x64xf32, #tpu.memory_space<hbm>>, %arg7: memref<10240x64xf32, #tpu.memory_space<vmem_shared>>, %arg8: memref<32x320xi32, #tpu.memory_space<vmem>>, %arg9: memref<32x320xi32, #tpu.memory_space<vmem>>, %arg10: memref<2x320x64xf32, #tpu.memory_space<vmem>>, %arg11: memref<!tpu.dma_semaphore, #tpu.memory_space<semaphore_mem>>, %arg12: memref<!tpu.dma_semaphore, #tpu.memory_space<semaphore_mem>>, %arg13: memref<!tpu.dma_semaphore, #tpu.memory_space<semaphore_mem>>, %arg14: memref<!tpu.dma_semaphore, #tpu.memory_space<semaphore_mem>>) attributes {dimension_semantics = [#tpu.dimension_semantics<core_parallel>, #tpu.dimension_semantics<subcore_parallel>], iteration_bounds = array<i64: 2, 16>, scalar_prefetch = 0 : i64, scratch_operands = 8 : i64, tpu.core_type = #tpu.core_type<sc_vector_subcore>, window_params = [{transform_indices = #map}, {transform_indices = #map1}, {transform_indices = #map1}, {transform_indices = #map}, {transform_indices = #map1}]} {
    %mul3A = arith.constant 16 : i32
    %mul3A_0 = arith.muli %arg0, %mul3A : i32
    %add3A = arith.addi %mul3A_0, %arg1 : i32
    %mul3A_1 = arith.constant 640 : i32
    %mul3A_2 = arith.muli %arg1, %mul3A_1 : i32
    "tpu.region"() ({
      %run_scoped3A = tpu.sem_alloc : memref<!tpu.dma_semaphore, #tpu.memory_space<semaphore_mem>>
      %dma_start3A_30 = arith.constant 0 : i32
      %dma_start3A_31 = tpu.memref_slice %arg7[%mul3A_2, %dma_start3A_30] : memref<10240x64xf32, #tpu.memory_space<vmem_shared>> -> memref<640x64xf32, #tpu.memory_space<vmem_shared>>
      %dma_start3A_32 = arith.constant 0 : i32
      %dma_start3A_33 = tpu.memref_slice %arg5[%mul3A_2, %dma_start3A_32] : memref<10240x64xf32, #tpu.memory_space<hbm>> -> memref<640x64xf32, #tpu.memory_space<hbm>>
      tpu.enqueue_dma source(%dma_start3A_33 : memref<640x64xf32, #tpu.memory_space<hbm>>) target(%dma_start3A_31 : memref<640x64xf32, #tpu.memory_space<vmem_shared>>) target_semaphore(%run_scoped3A : memref<!tpu.dma_semaphore, #tpu.memory_space<semaphore_mem>>)
      %dma_wait3A_34 = arith.constant 0 : i32
      %dma_wait3A_35 = tpu.memref_slice %arg7[%mul3A_2, %dma_wait3A_34] : memref<10240x64xf32, #tpu.memory_space<vmem_shared>> -> memref<640x64xf32, #tpu.memory_space<vmem_shared>>
      %dma_wait3A_36 = arith.constant 0 : i32
      %dma_wait3A_37 = tpu.memref_slice %arg5[%mul3A_2, %dma_wait3A_36] : memref<10240x64xf32, #tpu.memory_space<hbm>> -> memref<640x64xf32, #tpu.memory_space<hbm>>
      tpu.wait_dma2 semaphore(%run_scoped3A : memref<!tpu.dma_semaphore, #tpu.memory_space<semaphore_mem>>) src(%dma_wait3A_37 : memref<640x64xf32, #tpu.memory_space<hbm>>) dst(%dma_wait3A_35 : memref<640x64xf32, #tpu.memory_space<vmem_shared>>)
      tpu.yield
    }) : () -> ()
    "tpu.region"() ({
      %run_scoped3A = tpu.sem_alloc : memref<!tpu.dma_semaphore, #tpu.memory_space<semaphore_mem>>
      %dma_start3A_30 = arith.constant 0 : i32
      %dma_start3A_31 = arith.constant 0 : i32
      %dma_start3A_32 = tpu.memref_slice %arg3[%add3A, %dma_start3A_30, %dma_start3A_31] : memref<32x32x320xi32, #tpu.memory_space<hbm>> -> memref<1x32x320xi32, #tpu.memory_space<hbm>>
      %dma_start3A_33 = tpu.memref_squeeze %dma_start3A_32 : memref<1x32x320xi32, #tpu.memory_space<hbm>> -> memref<32x320xi32, #tpu.memory_space<hbm>>
      %dma_start3A_34 = arith.constant 0 : i32
      %dma_start3A_35 = arith.constant 0 : i32
      %dma_start3A_36 = tpu.memref_slice %arg3[%add3A, %dma_start3A_34, %dma_start3A_35] : memref<32x32x320xi32, #tpu.memory_space<hbm>> -> memref<1x32x320xi32, #tpu.memory_space<hbm>>
      %dma_start3A_37 = tpu.memref_squeeze %dma_start3A_36 : memref<1x32x320xi32, #tpu.memory_space<hbm>> -> memref<32x320xi32, #tpu.memory_space<hbm>>
      tpu.enqueue_dma source(%dma_start3A_37 : memref<32x320xi32, #tpu.memory_space<hbm>>) target(%arg8 : memref<32x320xi32, #tpu.memory_space<vmem>>) target_semaphore(%run_scoped3A : memref<!tpu.dma_semaphore, #tpu.memory_space<semaphore_mem>>)
      %dma_wait3A_38 = arith.constant 0 : i32
      %dma_wait3A_39 = arith.constant 0 : i32
      %dma_wait3A_40 = tpu.memref_slice %arg3[%add3A, %dma_wait3A_38, %dma_wait3A_39] : memref<32x32x320xi32, #tpu.memory_space<hbm>> -> memref<1x32x320xi32, #tpu.memory_space<hbm>>
      %dma_wait3A_41 = tpu.memref_squeeze %dma_wait3A_40 : memref<1x32x320xi32, #tpu.memory_space<hbm>> -> memref<32x320xi32, #tpu.memory_space<hbm>>
      %dma_wait3A_42 = arith.constant 0 : i32
      %dma_wait3A_43 = arith.constant 0 : i32
      %dma_wait3A_44 = tpu.memref_slice %arg3[%add3A, %dma_wait3A_42, %dma_wait3A_43] : memref<32x32x320xi32, #tpu.memory_space<hbm>> -> memref<1x32x320xi32, #tpu.memory_space<hbm>>
      %dma_wait3A_45 = tpu.memref_squeeze %dma_wait3A_44 : memref<1x32x320xi32, #tpu.memory_space<hbm>> -> memref<32x320xi32, #tpu.memory_space<hbm>>
      tpu.wait_dma2 semaphore(%run_scoped3A : memref<!tpu.dma_semaphore, #tpu.memory_space<semaphore_mem>>) src(%dma_wait3A_45 : memref<32x320xi32, #tpu.memory_space<hbm>>) dst(%arg8 : memref<32x320xi32, #tpu.memory_space<vmem>>)
      tpu.yield
    }) : () -> ()
    "tpu.region"() ({
      %run_scoped3A = tpu.sem_alloc : memref<!tpu.dma_semaphore, #tpu.memory_space<semaphore_mem>>
      %dma_start3A_30 = arith.constant 0 : i32
      %dma_start3A_31 = arith.constant 0 : i32
      %dma_start3A_32 = tpu.memref_slice %arg4[%add3A, %dma_start3A_30, %dma_start3A_31] : memref<32x32x320xi32, #tpu.memory_space<hbm>> -> memref<1x32x320xi32, #tpu.memory_space<hbm>>
      %dma_start3A_33 = tpu.memref_squeeze %dma_start3A_32 : memref<1x32x320xi32, #tpu.memory_space<hbm>> -> memref<32x320xi32, #tpu.memory_space<hbm>>
      %dma_start3A_34 = arith.constant 0 : i32
      %dma_start3A_35 = arith.constant 0 : i32
      %dma_start3A_36 = tpu.memref_slice %arg4[%add3A, %dma_start3A_34, %dma_start3A_35] : memref<32x32x320xi32, #tpu.memory_space<hbm>> -> memref<1x32x320xi32, #tpu.memory_space<hbm>>
      %dma_start3A_37 = tpu.memref_squeeze %dma_start3A_36 : memref<1x32x320xi32, #tpu.memory_space<hbm>> -> memref<32x320xi32, #tpu.memory_space<hbm>>
      tpu.enqueue_dma source(%dma_start3A_37 : memref<32x320xi32, #tpu.memory_space<hbm>>) target(%arg9 : memref<32x320xi32, #tpu.memory_space<vmem>>) target_semaphore(%run_scoped3A : memref<!tpu.dma_semaphore, #tpu.memory_space<semaphore_mem>>)
      %dma_wait3A_38 = arith.constant 0 : i32
      %dma_wait3A_39 = arith.constant 0 : i32
      %dma_wait3A_40 = tpu.memref_slice %arg4[%add3A, %dma_wait3A_38, %dma_wait3A_39] : memref<32x32x320xi32, #tpu.memory_space<hbm>> -> memref<1x32x320xi32, #tpu.memory_space<hbm>>
      %dma_wait3A_41 = tpu.memref_squeeze %dma_wait3A_40 : memref<1x32x320xi32, #tpu.memory_space<hbm>> -> memref<32x320xi32, #tpu.memory_space<hbm>>
      %dma_wait3A_42 = arith.constant 0 : i32
      %dma_wait3A_43 = arith.constant 0 : i32
      %dma_wait3A_44 = tpu.memref_slice %arg4[%add3A, %dma_wait3A_42, %dma_wait3A_43] : memref<32x32x320xi32, #tpu.memory_space<hbm>> -> memref<1x32x320xi32, #tpu.memory_space<hbm>>
      %dma_wait3A_45 = tpu.memref_squeeze %dma_wait3A_44 : memref<1x32x320xi32, #tpu.memory_space<hbm>> -> memref<32x320xi32, #tpu.memory_space<hbm>>
      tpu.wait_dma2 semaphore(%run_scoped3A : memref<!tpu.dma_semaphore, #tpu.memory_space<semaphore_mem>>) src(%dma_wait3A_45 : memref<32x320xi32, #tpu.memory_space<hbm>>) dst(%arg9 : memref<32x320xi32, #tpu.memory_space<vmem>>)
      tpu.yield
    }) : () -> ()
    %barrier3A = arith.constant 0 : index
    tpu.barrier barrier_id(%barrier3A)
    %dma_start3A = arith.constant 0 : i32
    %dma_start3A_3 = arith.constant 0 : i32
    %dma_start3A_4 = arith.constant 0 : i32
    %dma_start3A_5 = arith.constant 0 : i32
    %dma_start3A_6 = tpu.memref_slice %arg10[%dma_start3A_3, %dma_start3A_4, %dma_start3A_5] : memref<2x320x64xf32, #tpu.memory_space<vmem>> -> memref<1x320x64xf32, #tpu.memory_space<vmem>>
    %dma_start3A_7 = tpu.memref_squeeze %dma_start3A_6 : memref<1x320x64xf32, #tpu.memory_space<vmem>> -> memref<320x64xf32, #tpu.memory_space<vmem>>
    %dma_start3A_8 = arith.constant 0 : i32
    %dma_start3A_9 = tpu.memref_slice %arg8[%dma_start3A, %dma_start3A_8] : memref<32x320xi32, #tpu.memory_space<vmem>> -> memref<1x320xi32, #tpu.memory_space<vmem>>
    %dma_start3A_10 = tpu.memref_squeeze %dma_start3A_9 : memref<1x320xi32, #tpu.memory_space<vmem>> -> memref<320xi32, #tpu.memory_space<vmem>>
    %dma_start3A_11 = arith.constant 0 : i32
    %dma_start3A_12 = arith.constant 0 : i32
    %dma_start3A_13 = tpu.memref_slice %arg2[%dma_start3A_11, %dma_start3A_12] : memref<10240x64xf32, #tpu.memory_space<hbm>> -> memref<10240x64xf32, #tpu.memory_space<hbm>>
    tpu.enqueue_indirect_dma source(%dma_start3A_13 : memref<10240x64xf32, #tpu.memory_space<hbm>>) target(%dma_start3A_7 : memref<320x64xf32, #tpu.memory_space<vmem>>) offsets(%dma_start3A_10 : memref<320xi32, #tpu.memory_space<vmem>>) semaphore(%arg11 : memref<!tpu.dma_semaphore, #tpu.memory_space<semaphore_mem>>)
    %scan3A = arith.constant 0 : i32
    %scan3A_14 = arith.constant 16 : i32
    %scan3A_15 = arith.addi %scan3A, %scan3A_14 : i32
    %scan3A_16 = arith.constant 1 : i32
    scf.for %scan3A_30 = %scan3A to %scan3A_15 step %scan3A_16  : i32 {
      %mul3A_31 = arith.constant 1 : i32
      %mul3A_32 = arith.muli %scan3A_30, %mul3A_31 : i32
      %add3A_33 = arith.constant 0 : i32
      %add3A_34 = arith.addi %add3A_33, %mul3A_32 : i32
      %mul3A_35 = arith.constant 2 : i32
      %mul3A_36 = arith.muli %add3A_34, %mul3A_35 : i32
      %add3A_37 = arith.constant 0 : i32
      %add3A_38 = arith.addi %mul3A_36, %add3A_37 : i32
      %add3A_39 = arith.constant 1 : i32
      %add3A_40 = arith.addi %add3A_38, %add3A_39 : i32
      %ge3A = arith.constant 2 : i32
      %ge3A_41 = arith.cmpi sge, %add3A_40, %ge3A : i32
      %convert_element_type3A = arith.extui %ge3A_41 : i1 to i32
      %cond3A = arith.constant 0 : i32
      %cond3A_42 = arith.cmpi ne, %convert_element_type3A, %cond3A : i32
      scf.if %cond3A_42 {
        %dma_wait3A_111 = arith.constant 1 : i32
        %dma_wait3A_112 = arith.constant 0 : i32
        %dma_wait3A_113 = arith.constant 0 : i32
        %dma_wait3A_114 = arith.constant 0 : i32
        %dma_wait3A_115 = tpu.memref_slice %arg10[%dma_wait3A_111, %dma_wait3A_113, %dma_wait3A_114] : memref<2x320x64xf32, #tpu.memory_space<vmem>> -> memref<1x320x64xf32, #tpu.memory_space<vmem>>
        %dma_wait3A_116 = tpu.memref_squeeze %dma_wait3A_115 : memref<1x320x64xf32, #tpu.memory_space<vmem>> -> memref<320x64xf32, #tpu.memory_space<vmem>>
        %dma_wait3A_117 = arith.constant 0 : i32
        %dma_wait3A_118 = tpu.memref_slice %arg9[%dma_wait3A_112, %dma_wait3A_117] : memref<32x320xi32, #tpu.memory_space<vmem>> -> memref<1x320xi32, #tpu.memory_space<vmem>>
        %dma_wait3A_119 = tpu.memref_squeeze %dma_wait3A_118 : memref<1x320xi32, #tpu.memory_space<vmem>> -> memref<320xi32, #tpu.memory_space<vmem>>
        %dma_wait3A_120 = arith.constant 0 : i32
        %dma_wait3A_121 = arith.constant 0 : i32
        %dma_wait3A_122 = tpu.memref_slice %arg7[%dma_wait3A_120, %dma_wait3A_121] : memref<10240x64xf32, #tpu.memory_space<vmem_shared>> -> memref<10240x64xf32, #tpu.memory_space<vmem_shared>>
        tpu.wait_indirect_dma semaphore(%arg14 : memref<!tpu.dma_semaphore, #tpu.memory_space<semaphore_mem>>) src(%dma_wait3A_116 : memref<320x64xf32, #tpu.memory_space<vmem>>) dst(%dma_wait3A_122 : memref<10240x64xf32, #tpu.memory_space<vmem_shared>>)
      } else {
      }
      %add3A_43 = arith.constant 1 : i32
      %add3A_44 = arith.addi %add3A_38, %add3A_43 : i32
      %lt3A = arith.constant 32 : i32
      %lt3A_45 = arith.cmpi slt, %add3A_44, %lt3A : i32
      %convert_element_type3A_46 = arith.extui %lt3A_45 : i1 to i32
      %cond3A_47 = arith.constant 0 : i32
      %cond3A_48 = arith.cmpi ne, %convert_element_type3A_46, %cond3A_47 : i32
      scf.if %cond3A_48 {
        %add3A_111 = arith.constant 1 : i32
        %add3A_112 = arith.addi %add3A_38, %add3A_111 : i32
        %dma_start3A_113 = arith.constant 1 : i32
        %dma_start3A_114 = arith.constant 0 : i32
        %dma_start3A_115 = arith.constant 0 : i32
        %dma_start3A_116 = tpu.memref_slice %arg10[%dma_start3A_113, %dma_start3A_114, %dma_start3A_115] : memref<2x320x64xf32, #tpu.memory_space<vmem>> -> memref<1x320x64xf32, #tpu.memory_space<vmem>>
        %dma_start3A_117 = tpu.memref_squeeze %dma_start3A_116 : memref<1x320x64xf32, #tpu.memory_space<vmem>> -> memref<320x64xf32, #tpu.memory_space<vmem>>
        %dma_start3A_118 = arith.constant 0 : i32
        %dma_start3A_119 = tpu.memref_slice %arg8[%add3A_112, %dma_start3A_118] : memref<32x320xi32, #tpu.memory_space<vmem>> -> memref<1x320xi32, #tpu.memory_space<vmem>>
        %dma_start3A_120 = tpu.memref_squeeze %dma_start3A_119 : memref<1x320xi32, #tpu.memory_space<vmem>> -> memref<320xi32, #tpu.memory_space<vmem>>
        %dma_start3A_121 = arith.constant 0 : i32
        %dma_start3A_122 = arith.constant 0 : i32
        %dma_start3A_123 = tpu.memref_slice %arg2[%dma_start3A_121, %dma_start3A_122] : memref<10240x64xf32, #tpu.memory_space<hbm>> -> memref<10240x64xf32, #tpu.memory_space<hbm>>
        tpu.enqueue_indirect_dma source(%dma_start3A_123 : memref<10240x64xf32, #tpu.memory_space<hbm>>) target(%dma_start3A_117 : memref<320x64xf32, #tpu.memory_space<vmem>>) offsets(%dma_start3A_120 : memref<320xi32, #tpu.memory_space<vmem>>) semaphore(%arg12 : memref<!tpu.dma_semaphore, #tpu.memory_space<semaphore_mem>>)
      } else {
      }
      %dma_wait3A_49 = arith.constant 0 : i32
      %dma_wait3A_50 = arith.constant 0 : i32
      %dma_wait3A_51 = arith.constant 0 : i32
      %dma_wait3A_52 = tpu.memref_slice %arg10[%dma_wait3A_49, %dma_wait3A_50, %dma_wait3A_51] : memref<2x320x64xf32, #tpu.memory_space<vmem>> -> memref<1x320x64xf32, #tpu.memory_space<vmem>>
      %dma_wait3A_53 = tpu.memref_squeeze %dma_wait3A_52 : memref<1x320x64xf32, #tpu.memory_space<vmem>> -> memref<320x64xf32, #tpu.memory_space<vmem>>
      %dma_wait3A_54 = arith.constant 0 : i32
      %dma_wait3A_55 = tpu.memref_slice %arg8[%add3A_38, %dma_wait3A_54] : memref<32x320xi32, #tpu.memory_space<vmem>> -> memref<1x320xi32, #tpu.memory_space<vmem>>
      %dma_wait3A_56 = tpu.memref_squeeze %dma_wait3A_55 : memref<1x320xi32, #tpu.memory_space<vmem>> -> memref<320xi32, #tpu.memory_space<vmem>>
      %dma_wait3A_57 = arith.constant 0 : i32
      %dma_wait3A_58 = arith.constant 0 : i32
      %dma_wait3A_59 = tpu.memref_slice %arg2[%dma_wait3A_57, %dma_wait3A_58] : memref<10240x64xf32, #tpu.memory_space<hbm>> -> memref<10240x64xf32, #tpu.memory_space<hbm>>
      tpu.wait_indirect_dma semaphore(%arg11 : memref<!tpu.dma_semaphore, #tpu.memory_space<semaphore_mem>>) src(%dma_wait3A_59 : memref<10240x64xf32, #tpu.memory_space<hbm>>) dst(%dma_wait3A_53 : memref<320x64xf32, #tpu.memory_space<vmem>>)
      %dma_start3A_60 = arith.constant 0 : i32
      %dma_start3A_61 = arith.constant 0 : i32
      %dma_start3A_62 = arith.constant 0 : i32
      %dma_start3A_63 = tpu.memref_slice %arg10[%dma_start3A_60, %dma_start3A_61, %dma_start3A_62] : memref<2x320x64xf32, #tpu.memory_space<vmem>> -> memref<1x320x64xf32, #tpu.memory_space<vmem>>
      %dma_start3A_64 = tpu.memref_squeeze %dma_start3A_63 : memref<1x320x64xf32, #tpu.memory_space<vmem>> -> memref<320x64xf32, #tpu.memory_space<vmem>>
      %dma_start3A_65 = arith.constant 0 : i32
      %dma_start3A_66 = tpu.memref_slice %arg9[%add3A_38, %dma_start3A_65] : memref<32x320xi32, #tpu.memory_space<vmem>> -> memref<1x320xi32, #tpu.memory_space<vmem>>
      %dma_start3A_67 = tpu.memref_squeeze %dma_start3A_66 : memref<1x320xi32, #tpu.memory_space<vmem>> -> memref<320xi32, #tpu.memory_space<vmem>>
      %dma_start3A_68 = arith.constant 0 : i32
      %dma_start3A_69 = arith.constant 0 : i32
      %dma_start3A_70 = tpu.memref_slice %arg7[%dma_start3A_68, %dma_start3A_69] : memref<10240x64xf32, #tpu.memory_space<vmem_shared>> -> memref<10240x64xf32, #tpu.memory_space<vmem_shared>>
      tpu.enqueue_indirect_dma source(%dma_start3A_64 : memref<320x64xf32, #tpu.memory_space<vmem>>) target(%dma_start3A_70 : memref<10240x64xf32, #tpu.memory_space<vmem_shared>>) offsets(%dma_start3A_67 : memref<320xi32, #tpu.memory_space<vmem>>) semaphore(%arg13 : memref<!tpu.dma_semaphore, #tpu.memory_space<semaphore_mem>>) {add = true}
      %mul3A_71 = arith.constant 2 : i32
      %mul3A_72 = arith.muli %add3A_34, %mul3A_71 : i32
      %add3A_73 = arith.constant 1 : i32
      %add3A_74 = arith.addi %mul3A_72, %add3A_73 : i32
      %add3A_75 = arith.constant 1 : i32
      %add3A_76 = arith.addi %add3A_74, %add3A_75 : i32
      %ge3A_77 = arith.constant 2 : i32
      %ge3A_78 = arith.cmpi sge, %add3A_76, %ge3A_77 : i32
      %convert_element_type3A_79 = arith.extui %ge3A_78 : i1 to i32
      %cond3A_80 = arith.constant 0 : i32
      %cond3A_81 = arith.cmpi ne, %convert_element_type3A_79, %cond3A_80 : i32
      scf.if %cond3A_81 {
        %dma_wait3A_111 = arith.constant 0 : i32
        %dma_wait3A_112 = arith.constant 0 : i32
        %dma_wait3A_113 = arith.constant 0 : i32
        %dma_wait3A_114 = arith.constant 0 : i32
        %dma_wait3A_115 = tpu.memref_slice %arg10[%dma_wait3A_111, %dma_wait3A_113, %dma_wait3A_114] : memref<2x320x64xf32, #tpu.memory_space<vmem>> -> memref<1x320x64xf32, #tpu.memory_space<vmem>>
        %dma_wait3A_116 = tpu.memref_squeeze %dma_wait3A_115 : memref<1x320x64xf32, #tpu.memory_space<vmem>> -> memref<320x64xf32, #tpu.memory_space<vmem>>
        %dma_wait3A_117 = arith.constant 0 : i32
        %dma_wait3A_118 = tpu.memref_slice %arg9[%dma_wait3A_112, %dma_wait3A_117] : memref<32x320xi32, #tpu.memory_space<vmem>> -> memref<1x320xi32, #tpu.memory_space<vmem>>
        %dma_wait3A_119 = tpu.memref_squeeze %dma_wait3A_118 : memref<1x320xi32, #tpu.memory_space<vmem>> -> memref<320xi32, #tpu.memory_space<vmem>>
        %dma_wait3A_120 = arith.constant 0 : i32
        %dma_wait3A_121 = arith.constant 0 : i32
        %dma_wait3A_122 = tpu.memref_slice %arg7[%dma_wait3A_120, %dma_wait3A_121] : memref<10240x64xf32, #tpu.memory_space<vmem_shared>> -> memref<10240x64xf32, #tpu.memory_space<vmem_shared>>
        tpu.wait_indirect_dma semaphore(%arg13 : memref<!tpu.dma_semaphore, #tpu.memory_space<semaphore_mem>>) src(%dma_wait3A_116 : memref<320x64xf32, #tpu.memory_space<vmem>>) dst(%dma_wait3A_122 : memref<10240x64xf32, #tpu.memory_space<vmem_shared>>)
      } else {
      }
      %add3A_82 = arith.constant 1 : i32
      %add3A_83 = arith.addi %add3A_74, %add3A_82 : i32
      %lt3A_84 = arith.constant 32 : i32
      %lt3A_85 = arith.cmpi slt, %add3A_83, %lt3A_84 : i32
      %convert_element_type3A_86 = arith.extui %lt3A_85 : i1 to i32
      %cond3A_87 = arith.constant 0 : i32
      %cond3A_88 = arith.cmpi ne, %convert_element_type3A_86, %cond3A_87 : i32
      scf.if %cond3A_88 {
        %add3A_111 = arith.constant 1 : i32
        %add3A_112 = arith.addi %add3A_74, %add3A_111 : i32
        %dma_start3A_113 = arith.constant 0 : i32
        %dma_start3A_114 = arith.constant 0 : i32
        %dma_start3A_115 = arith.constant 0 : i32
        %dma_start3A_116 = tpu.memref_slice %arg10[%dma_start3A_113, %dma_start3A_114, %dma_start3A_115] : memref<2x320x64xf32, #tpu.memory_space<vmem>> -> memref<1x320x64xf32, #tpu.memory_space<vmem>>
        %dma_start3A_117 = tpu.memref_squeeze %dma_start3A_116 : memref<1x320x64xf32, #tpu.memory_space<vmem>> -> memref<320x64xf32, #tpu.memory_space<vmem>>
        %dma_start3A_118 = arith.constant 0 : i32
        %dma_start3A_119 = tpu.memref_slice %arg8[%add3A_112, %dma_start3A_118] : memref<32x320xi32, #tpu.memory_space<vmem>> -> memref<1x320xi32, #tpu.memory_space<vmem>>
        %dma_start3A_120 = tpu.memref_squeeze %dma_start3A_119 : memref<1x320xi32, #tpu.memory_space<vmem>> -> memref<320xi32, #tpu.memory_space<vmem>>
        %dma_start3A_121 = arith.constant 0 : i32
        %dma_start3A_122 = arith.constant 0 : i32
        %dma_start3A_123 = tpu.memref_slice %arg2[%dma_start3A_121, %dma_start3A_122] : memref<10240x64xf32, #tpu.memory_space<hbm>> -> memref<10240x64xf32, #tpu.memory_space<hbm>>
        tpu.enqueue_indirect_dma source(%dma_start3A_123 : memref<10240x64xf32, #tpu.memory_space<hbm>>) target(%dma_start3A_117 : memref<320x64xf32, #tpu.memory_space<vmem>>) offsets(%dma_start3A_120 : memref<320xi32, #tpu.memory_space<vmem>>) semaphore(%arg11 : memref<!tpu.dma_semaphore, #tpu.memory_space<semaphore_mem>>)
      } else {
      }
      %dma_wait3A_89 = arith.constant 1 : i32
      %dma_wait3A_90 = arith.constant 0 : i32
      %dma_wait3A_91 = arith.constant 0 : i32
      %dma_wait3A_92 = tpu.memref_slice %arg10[%dma_wait3A_89, %dma_wait3A_90, %dma_wait3A_91] : memref<2x320x64xf32, #tpu.memory_space<vmem>> -> memref<1x320x64xf32, #tpu.memory_space<vmem>>
      %dma_wait3A_93 = tpu.memref_squeeze %dma_wait3A_92 : memref<1x320x64xf32, #tpu.memory_space<vmem>> -> memref<320x64xf32, #tpu.memory_space<vmem>>
      %dma_wait3A_94 = arith.constant 0 : i32
      %dma_wait3A_95 = tpu.memref_slice %arg8[%add3A_74, %dma_wait3A_94] : memref<32x320xi32, #tpu.memory_space<vmem>> -> memref<1x320xi32, #tpu.memory_space<vmem>>
      %dma_wait3A_96 = tpu.memref_squeeze %dma_wait3A_95 : memref<1x320xi32, #tpu.memory_space<vmem>> -> memref<320xi32, #tpu.memory_space<vmem>>
      %dma_wait3A_97 = arith.constant 0 : i32
      %dma_wait3A_98 = arith.constant 0 : i32
      %dma_wait3A_99 = tpu.memref_slice %arg2[%dma_wait3A_97, %dma_wait3A_98] : memref<10240x64xf32, #tpu.memory_space<hbm>> -> memref<10240x64xf32, #tpu.memory_space<hbm>>
      tpu.wait_indirect_dma semaphore(%arg12 : memref<!tpu.dma_semaphore, #tpu.memory_space<semaphore_mem>>) src(%dma_wait3A_99 : memref<10240x64xf32, #tpu.memory_space<hbm>>) dst(%dma_wait3A_93 : memref<320x64xf32, #tpu.memory_space<vmem>>)
      %dma_start3A_100 = arith.constant 1 : i32
      %dma_start3A_101 = arith.constant 0 : i32
      %dma_start3A_102 = arith.constant 0 : i32
      %dma_start3A_103 = tpu.memref_slice %arg10[%dma_start3A_100, %dma_start3A_101, %dma_start3A_102] : memref<2x320x64xf32, #tpu.memory_space<vmem>> -> memref<1x320x64xf32, #tpu.memory_space<vmem>>
      %dma_start3A_104 = tpu.memref_squeeze %dma_start3A_103 : memref<1x320x64xf32, #tpu.memory_space<vmem>> -> memref<320x64xf32, #tpu.memory_space<vmem>>
      %dma_start3A_105 = arith.constant 0 : i32
      %dma_start3A_106 = tpu.memref_slice %arg9[%add3A_74, %dma_start3A_105] : memref<32x320xi32, #tpu.memory_space<vmem>> -> memref<1x320xi32, #tpu.memory_space<vmem>>
      %dma_start3A_107 = tpu.memref_squeeze %dma_start3A_106 : memref<1x320xi32, #tpu.memory_space<vmem>> -> memref<320xi32, #tpu.memory_space<vmem>>
      %dma_start3A_108 = arith.constant 0 : i32
      %dma_start3A_109 = arith.constant 0 : i32
      %dma_start3A_110 = tpu.memref_slice %arg7[%dma_start3A_108, %dma_start3A_109] : memref<10240x64xf32, #tpu.memory_space<vmem_shared>> -> memref<10240x64xf32, #tpu.memory_space<vmem_shared>>
      tpu.enqueue_indirect_dma source(%dma_start3A_104 : memref<320x64xf32, #tpu.memory_space<vmem>>) target(%dma_start3A_110 : memref<10240x64xf32, #tpu.memory_space<vmem_shared>>) offsets(%dma_start3A_107 : memref<320xi32, #tpu.memory_space<vmem>>) semaphore(%arg14 : memref<!tpu.dma_semaphore, #tpu.memory_space<semaphore_mem>>) {add = true}
    }
    %scan3A_17 = arith.constant 16 : i32
    %dma_wait3A = arith.constant 1 : i32
    %dma_wait3A_18 = arith.constant 0 : i32
    %dma_wait3A_19 = arith.constant 0 : i32
    %dma_wait3A_20 = arith.constant 0 : i32
    %dma_wait3A_21 = tpu.memref_slice %arg10[%dma_wait3A, %dma_wait3A_19, %dma_wait3A_20] : memref<2x320x64xf32, #tpu.memory_space<vmem>> -> memref<1x320x64xf32, #tpu.memory_space<vmem>>
    %dma_wait3A_22 = tpu.memref_squeeze %dma_wait3A_21 : memref<1x320x64xf32, #tpu.memory_space<vmem>> -> memref<320x64xf32, #tpu.memory_space<vmem>>
    %dma_wait3A_23 = arith.constant 0 : i32
    %dma_wait3A_24 = tpu.memref_slice %arg9[%dma_wait3A_18, %dma_wait3A_23] : memref<32x320xi32, #tpu.memory_space<vmem>> -> memref<1x320xi32, #tpu.memory_space<vmem>>
    %dma_wait3A_25 = tpu.memref_squeeze %dma_wait3A_24 : memref<1x320xi32, #tpu.memory_space<vmem>> -> memref<320xi32, #tpu.memory_space<vmem>>
    %dma_wait3A_26 = arith.constant 0 : i32
    %dma_wait3A_27 = arith.constant 0 : i32
    %dma_wait3A_28 = tpu.memref_slice %arg7[%dma_wait3A_26, %dma_wait3A_27] : memref<10240x64xf32, #tpu.memory_space<vmem_shared>> -> memref<10240x64xf32, #tpu.memory_space<vmem_shared>>
    tpu.wait_indirect_dma semaphore(%arg14 : memref<!tpu.dma_semaphore, #tpu.memory_space<semaphore_mem>>) src(%dma_wait3A_22 : memref<320x64xf32, #tpu.memory_space<vmem>>) dst(%dma_wait3A_28 : memref<10240x64xf32, #tpu.memory_space<vmem_shared>>)
    %barrier3A_29 = arith.constant 0 : index
    tpu.barrier barrier_id(%barrier3A_29)
    "tpu.region"() ({
      %run_scoped3A = tpu.sem_alloc : memref<!tpu.dma_semaphore, #tpu.memory_space<semaphore_mem>>
      %dma_start3A_30 = arith.constant 0 : i32
      %dma_start3A_31 = tpu.memref_slice %arg6[%arg0, %mul3A_2, %dma_start3A_30] : memref<2x10240x64xf32, #tpu.memory_space<hbm>> -> memref<1x640x64xf32, #tpu.memory_space<hbm>>
      %dma_start3A_32 = tpu.memref_squeeze %dma_start3A_31 : memref<1x640x64xf32, #tpu.memory_space<hbm>> -> memref<640x64xf32, #tpu.memory_space<hbm>>
      %dma_start3A_33 = arith.constant 0 : i32
      %dma_start3A_34 = tpu.memref_slice %arg7[%mul3A_2, %dma_start3A_33] : memref<10240x64xf32, #tpu.memory_space<vmem_shared>> -> memref<640x64xf32, #tpu.memory_space<vmem_shared>>
      tpu.enqueue_dma source(%dma_start3A_34 : memref<640x64xf32, #tpu.memory_space<vmem_shared>>) target(%dma_start3A_32 : memref<640x64xf32, #tpu.memory_space<hbm>>) target_semaphore(%run_scoped3A : memref<!tpu.dma_semaphore, #tpu.memory_space<semaphore_mem>>)
      %dma_wait3A_35 = arith.constant 0 : i32
      %dma_wait3A_36 = tpu.memref_slice %arg6[%arg0, %mul3A_2, %dma_wait3A_35] : memref<2x10240x64xf32, #tpu.memory_space<hbm>> -> memref<1x640x64xf32, #tpu.memory_space<hbm>>
      %dma_wait3A_37 = tpu.memref_squeeze %dma_wait3A_36 : memref<1x640x64xf32, #tpu.memory_space<hbm>> -> memref<640x64xf32, #tpu.memory_space<hbm>>
      %dma_wait3A_38 = arith.constant 0 : i32
      %dma_wait3A_39 = tpu.memref_slice %arg7[%mul3A_2, %dma_wait3A_38] : memref<10240x64xf32, #tpu.memory_space<vmem_shared>> -> memref<640x64xf32, #tpu.memory_space<vmem_shared>>
      tpu.wait_dma2 semaphore(%run_scoped3A : memref<!tpu.dma_semaphore, #tpu.memory_space<semaphore_mem>>) src(%dma_wait3A_39 : memref<640x64xf32, #tpu.memory_space<vmem_shared>>) dst(%dma_wait3A_37 : memref<640x64xf32, #tpu.memory_space<hbm>>)
      tpu.yield
    }) : () -> ()
    return
  }
}

#map = affine_map<(d0, d1) -> (0, 0)>
#map1 = affine_map<(d0, d1) -> (0, 0, 0)>
module attributes {stable_mosaic.version = 14 : i64} {
  func.func @body(%arg0: i32, %arg1: i32, %arg2: memref<10240x32xf32, #tpu.memory_space<hbm>>, %arg3: memref<32x16x640xi32, #tpu.memory_space<hbm>>, %arg4: memref<32x16x640xi32, #tpu.memory_space<hbm>>, %arg5: memref<10240x32xf32, #tpu.memory_space<hbm>>, %arg6: memref<2x10240x32xf32, #tpu.memory_space<hbm>>, %arg7: memref<10240x32xf32, #tpu.memory_space<vmem_shared>>, %arg8: memref<16x640xi32, #tpu.memory_space<vmem>>, %arg9: memref<16x640xi32, #tpu.memory_space<vmem>>, %arg10: memref<2x640x32xf32, #tpu.memory_space<vmem>>, %arg11: memref<!tpu.dma_semaphore, #tpu.memory_space<semaphore_mem>>, %arg12: memref<!tpu.dma_semaphore, #tpu.memory_space<semaphore_mem>>, %arg13: memref<!tpu.dma_semaphore, #tpu.memory_space<semaphore_mem>>, %arg14: memref<!tpu.dma_semaphore, #tpu.memory_space<semaphore_mem>>) attributes {dimension_semantics = [#tpu.dimension_semantics<core_parallel>, #tpu.dimension_semantics<subcore_parallel>], iteration_bounds = array<i64: 2, 16>, scalar_prefetch = 0 : i64, scratch_operands = 8 : i64, tpu.core_type = #tpu.core_type<sc_vector_subcore>, window_params = [{transform_indices = #map}, {transform_indices = #map1}, {transform_indices = #map1}, {transform_indices = #map}, {transform_indices = #map1}]} {
    %mul3A = arith.constant 16 : i32
    %mul3A_0 = arith.muli %arg0, %mul3A : i32
    %add3A = arith.addi %mul3A_0, %arg1 : i32
    %mul3A_1 = arith.constant 640 : i32
    %mul3A_2 = arith.muli %arg1, %mul3A_1 : i32
    "tpu.region"() ({
      %run_scoped3A = tpu.sem_alloc : memref<!tpu.dma_semaphore, #tpu.memory_space<semaphore_mem>>
      %dma_start3A_30 = arith.constant 0 : i32
      %dma_start3A_31 = tpu.memref_slice %arg7[%mul3A_2, %dma_start3A_30] : memref<10240x32xf32, #tpu.memory_space<vmem_shared>> -> memref<640x32xf32, #tpu.memory_space<vmem_shared>>
      %dma_start3A_32 = arith.constant 0 : i32
      %dma_start3A_33 = tpu.memref_slice %arg5[%mul3A_2, %dma_start3A_32] : memref<10240x32xf32, #tpu.memory_space<hbm>> -> memref<640x32xf32, #tpu.memory_space<hbm>>
      tpu.enqueue_dma source(%dma_start3A_33 : memref<640x32xf32, #tpu.memory_space<hbm>>) target(%dma_start3A_31 : memref<640x32xf32, #tpu.memory_space<vmem_shared>>) target_semaphore(%run_scoped3A : memref<!tpu.dma_semaphore, #tpu.memory_space<semaphore_mem>>)
      %dma_wait3A_34 = arith.constant 0 : i32
      %dma_wait3A_35 = tpu.memref_slice %arg7[%mul3A_2, %dma_wait3A_34] : memref<10240x32xf32, #tpu.memory_space<vmem_shared>> -> memref<640x32xf32, #tpu.memory_space<vmem_shared>>
      %dma_wait3A_36 = arith.constant 0 : i32
      %dma_wait3A_37 = tpu.memref_slice %arg5[%mul3A_2, %dma_wait3A_36] : memref<10240x32xf32, #tpu.memory_space<hbm>> -> memref<640x32xf32, #tpu.memory_space<hbm>>
      tpu.wait_dma2 semaphore(%run_scoped3A : memref<!tpu.dma_semaphore, #tpu.memory_space<semaphore_mem>>) src(%dma_wait3A_37 : memref<640x32xf32, #tpu.memory_space<hbm>>) dst(%dma_wait3A_35 : memref<640x32xf32, #tpu.memory_space<vmem_shared>>)
      tpu.yield
    }) : () -> ()
    "tpu.region"() ({
      %run_scoped3A = tpu.sem_alloc : memref<!tpu.dma_semaphore, #tpu.memory_space<semaphore_mem>>
      %dma_start3A_30 = arith.constant 0 : i32
      %dma_start3A_31 = arith.constant 0 : i32
      %dma_start3A_32 = tpu.memref_slice %arg3[%add3A, %dma_start3A_30, %dma_start3A_31] : memref<32x16x640xi32, #tpu.memory_space<hbm>> -> memref<1x16x640xi32, #tpu.memory_space<hbm>>
      %dma_start3A_33 = tpu.memref_squeeze %dma_start3A_32 : memref<1x16x640xi32, #tpu.memory_space<hbm>> -> memref<16x640xi32, #tpu.memory_space<hbm>>
      %dma_start3A_34 = arith.constant 0 : i32
      %dma_start3A_35 = arith.constant 0 : i32
      %dma_start3A_36 = tpu.memref_slice %arg3[%add3A, %dma_start3A_34, %dma_start3A_35] : memref<32x16x640xi32, #tpu.memory_space<hbm>> -> memref<1x16x640xi32, #tpu.memory_space<hbm>>
      %dma_start3A_37 = tpu.memref_squeeze %dma_start3A_36 : memref<1x16x640xi32, #tpu.memory_space<hbm>> -> memref<16x640xi32, #tpu.memory_space<hbm>>
      tpu.enqueue_dma source(%dma_start3A_37 : memref<16x640xi32, #tpu.memory_space<hbm>>) target(%arg8 : memref<16x640xi32, #tpu.memory_space<vmem>>) target_semaphore(%run_scoped3A : memref<!tpu.dma_semaphore, #tpu.memory_space<semaphore_mem>>)
      %dma_wait3A_38 = arith.constant 0 : i32
      %dma_wait3A_39 = arith.constant 0 : i32
      %dma_wait3A_40 = tpu.memref_slice %arg3[%add3A, %dma_wait3A_38, %dma_wait3A_39] : memref<32x16x640xi32, #tpu.memory_space<hbm>> -> memref<1x16x640xi32, #tpu.memory_space<hbm>>
      %dma_wait3A_41 = tpu.memref_squeeze %dma_wait3A_40 : memref<1x16x640xi32, #tpu.memory_space<hbm>> -> memref<16x640xi32, #tpu.memory_space<hbm>>
      %dma_wait3A_42 = arith.constant 0 : i32
      %dma_wait3A_43 = arith.constant 0 : i32
      %dma_wait3A_44 = tpu.memref_slice %arg3[%add3A, %dma_wait3A_42, %dma_wait3A_43] : memref<32x16x640xi32, #tpu.memory_space<hbm>> -> memref<1x16x640xi32, #tpu.memory_space<hbm>>
      %dma_wait3A_45 = tpu.memref_squeeze %dma_wait3A_44 : memref<1x16x640xi32, #tpu.memory_space<hbm>> -> memref<16x640xi32, #tpu.memory_space<hbm>>
      tpu.wait_dma2 semaphore(%run_scoped3A : memref<!tpu.dma_semaphore, #tpu.memory_space<semaphore_mem>>) src(%dma_wait3A_45 : memref<16x640xi32, #tpu.memory_space<hbm>>) dst(%arg8 : memref<16x640xi32, #tpu.memory_space<vmem>>)
      tpu.yield
    }) : () -> ()
    "tpu.region"() ({
      %run_scoped3A = tpu.sem_alloc : memref<!tpu.dma_semaphore, #tpu.memory_space<semaphore_mem>>
      %dma_start3A_30 = arith.constant 0 : i32
      %dma_start3A_31 = arith.constant 0 : i32
      %dma_start3A_32 = tpu.memref_slice %arg4[%add3A, %dma_start3A_30, %dma_start3A_31] : memref<32x16x640xi32, #tpu.memory_space<hbm>> -> memref<1x16x640xi32, #tpu.memory_space<hbm>>
      %dma_start3A_33 = tpu.memref_squeeze %dma_start3A_32 : memref<1x16x640xi32, #tpu.memory_space<hbm>> -> memref<16x640xi32, #tpu.memory_space<hbm>>
      %dma_start3A_34 = arith.constant 0 : i32
      %dma_start3A_35 = arith.constant 0 : i32
      %dma_start3A_36 = tpu.memref_slice %arg4[%add3A, %dma_start3A_34, %dma_start3A_35] : memref<32x16x640xi32, #tpu.memory_space<hbm>> -> memref<1x16x640xi32, #tpu.memory_space<hbm>>
      %dma_start3A_37 = tpu.memref_squeeze %dma_start3A_36 : memref<1x16x640xi32, #tpu.memory_space<hbm>> -> memref<16x640xi32, #tpu.memory_space<hbm>>
      tpu.enqueue_dma source(%dma_start3A_37 : memref<16x640xi32, #tpu.memory_space<hbm>>) target(%arg9 : memref<16x640xi32, #tpu.memory_space<vmem>>) target_semaphore(%run_scoped3A : memref<!tpu.dma_semaphore, #tpu.memory_space<semaphore_mem>>)
      %dma_wait3A_38 = arith.constant 0 : i32
      %dma_wait3A_39 = arith.constant 0 : i32
      %dma_wait3A_40 = tpu.memref_slice %arg4[%add3A, %dma_wait3A_38, %dma_wait3A_39] : memref<32x16x640xi32, #tpu.memory_space<hbm>> -> memref<1x16x640xi32, #tpu.memory_space<hbm>>
      %dma_wait3A_41 = tpu.memref_squeeze %dma_wait3A_40 : memref<1x16x640xi32, #tpu.memory_space<hbm>> -> memref<16x640xi32, #tpu.memory_space<hbm>>
      %dma_wait3A_42 = arith.constant 0 : i32
      %dma_wait3A_43 = arith.constant 0 : i32
      %dma_wait3A_44 = tpu.memref_slice %arg4[%add3A, %dma_wait3A_42, %dma_wait3A_43] : memref<32x16x640xi32, #tpu.memory_space<hbm>> -> memref<1x16x640xi32, #tpu.memory_space<hbm>>
      %dma_wait3A_45 = tpu.memref_squeeze %dma_wait3A_44 : memref<1x16x640xi32, #tpu.memory_space<hbm>> -> memref<16x640xi32, #tpu.memory_space<hbm>>
      tpu.wait_dma2 semaphore(%run_scoped3A : memref<!tpu.dma_semaphore, #tpu.memory_space<semaphore_mem>>) src(%dma_wait3A_45 : memref<16x640xi32, #tpu.memory_space<hbm>>) dst(%arg9 : memref<16x640xi32, #tpu.memory_space<vmem>>)
      tpu.yield
    }) : () -> ()
    %barrier3A = arith.constant 0 : index
    tpu.barrier barrier_id(%barrier3A)
    %dma_start3A = arith.constant 0 : i32
    %dma_start3A_3 = arith.constant 0 : i32
    %dma_start3A_4 = arith.constant 0 : i32
    %dma_start3A_5 = arith.constant 0 : i32
    %dma_start3A_6 = tpu.memref_slice %arg10[%dma_start3A_3, %dma_start3A_4, %dma_start3A_5] : memref<2x640x32xf32, #tpu.memory_space<vmem>> -> memref<1x640x32xf32, #tpu.memory_space<vmem>>
    %dma_start3A_7 = tpu.memref_squeeze %dma_start3A_6 : memref<1x640x32xf32, #tpu.memory_space<vmem>> -> memref<640x32xf32, #tpu.memory_space<vmem>>
    %dma_start3A_8 = arith.constant 0 : i32
    %dma_start3A_9 = tpu.memref_slice %arg8[%dma_start3A, %dma_start3A_8] : memref<16x640xi32, #tpu.memory_space<vmem>> -> memref<1x640xi32, #tpu.memory_space<vmem>>
    %dma_start3A_10 = tpu.memref_squeeze %dma_start3A_9 : memref<1x640xi32, #tpu.memory_space<vmem>> -> memref<640xi32, #tpu.memory_space<vmem>>
    %dma_start3A_11 = arith.constant 0 : i32
    %dma_start3A_12 = arith.constant 0 : i32
    %dma_start3A_13 = tpu.memref_slice %arg2[%dma_start3A_11, %dma_start3A_12] : memref<10240x32xf32, #tpu.memory_space<hbm>> -> memref<10240x32xf32, #tpu.memory_space<hbm>>
    tpu.enqueue_indirect_dma source(%dma_start3A_13 : memref<10240x32xf32, #tpu.memory_space<hbm>>) target(%dma_start3A_7 : memref<640x32xf32, #tpu.memory_space<vmem>>) offsets(%dma_start3A_10 : memref<640xi32, #tpu.memory_space<vmem>>) semaphore(%arg11 : memref<!tpu.dma_semaphore, #tpu.memory_space<semaphore_mem>>)
    %scan3A = arith.constant 0 : i32
    %scan3A_14 = arith.constant 8 : i32
    %scan3A_15 = arith.addi %scan3A, %scan3A_14 : i32
    %scan3A_16 = arith.constant 1 : i32
    scf.for %scan3A_30 = %scan3A to %scan3A_15 step %scan3A_16  : i32 {
      %mul3A_31 = arith.constant 1 : i32
      %mul3A_32 = arith.muli %scan3A_30, %mul3A_31 : i32
      %add3A_33 = arith.constant 0 : i32
      %add3A_34 = arith.addi %add3A_33, %mul3A_32 : i32
      %mul3A_35 = arith.constant 2 : i32
      %mul3A_36 = arith.muli %add3A_34, %mul3A_35 : i32
      %add3A_37 = arith.constant 0 : i32
      %add3A_38 = arith.addi %mul3A_36, %add3A_37 : i32
      %add3A_39 = arith.constant 1 : i32
      %add3A_40 = arith.addi %add3A_38, %add3A_39 : i32
      %ge3A = arith.constant 2 : i32
      %ge3A_41 = arith.cmpi sge, %add3A_40, %ge3A : i32
      %convert_element_type3A = arith.extui %ge3A_41 : i1 to i32
      %cond3A = arith.constant 0 : i32
      %cond3A_42 = arith.cmpi ne, %convert_element_type3A, %cond3A : i32
      scf.if %cond3A_42 {
        %dma_wait3A_111 = arith.constant 1 : i32
        %dma_wait3A_112 = arith.constant 0 : i32
        %dma_wait3A_113 = arith.constant 0 : i32
        %dma_wait3A_114 = arith.constant 0 : i32
        %dma_wait3A_115 = tpu.memref_slice %arg10[%dma_wait3A_111, %dma_wait3A_113, %dma_wait3A_114] : memref<2x640x32xf32, #tpu.memory_space<vmem>> -> memref<1x640x32xf32, #tpu.memory_space<vmem>>
        %dma_wait3A_116 = tpu.memref_squeeze %dma_wait3A_115 : memref<1x640x32xf32, #tpu.memory_space<vmem>> -> memref<640x32xf32, #tpu.memory_space<vmem>>
        %dma_wait3A_117 = arith.constant 0 : i32
        %dma_wait3A_118 = tpu.memref_slice %arg9[%dma_wait3A_112, %dma_wait3A_117] : memref<16x640xi32, #tpu.memory_space<vmem>> -> memref<1x640xi32, #tpu.memory_space<vmem>>
        %dma_wait3A_119 = tpu.memref_squeeze %dma_wait3A_118 : memref<1x640xi32, #tpu.memory_space<vmem>> -> memref<640xi32, #tpu.memory_space<vmem>>
        %dma_wait3A_120 = arith.constant 0 : i32
        %dma_wait3A_121 = arith.constant 0 : i32
        %dma_wait3A_122 = tpu.memref_slice %arg7[%dma_wait3A_120, %dma_wait3A_121] : memref<10240x32xf32, #tpu.memory_space<vmem_shared>> -> memref<10240x32xf32, #tpu.memory_space<vmem_shared>>
        tpu.wait_indirect_dma semaphore(%arg14 : memref<!tpu.dma_semaphore, #tpu.memory_space<semaphore_mem>>) src(%dma_wait3A_116 : memref<640x32xf32, #tpu.memory_space<vmem>>) dst(%dma_wait3A_122 : memref<10240x32xf32, #tpu.memory_space<vmem_shared>>)
      } else {
      }
      %add3A_43 = arith.constant 1 : i32
      %add3A_44 = arith.addi %add3A_38, %add3A_43 : i32
      %lt3A = arith.constant 16 : i32
      %lt3A_45 = arith.cmpi slt, %add3A_44, %lt3A : i32
      %convert_element_type3A_46 = arith.extui %lt3A_45 : i1 to i32
      %cond3A_47 = arith.constant 0 : i32
      %cond3A_48 = arith.cmpi ne, %convert_element_type3A_46, %cond3A_47 : i32
      scf.if %cond3A_48 {
        %add3A_111 = arith.constant 1 : i32
        %add3A_112 = arith.addi %add3A_38, %add3A_111 : i32
        %dma_start3A_113 = arith.constant 1 : i32
        %dma_start3A_114 = arith.constant 0 : i32
        %dma_start3A_115 = arith.constant 0 : i32
        %dma_start3A_116 = tpu.memref_slice %arg10[%dma_start3A_113, %dma_start3A_114, %dma_start3A_115] : memref<2x640x32xf32, #tpu.memory_space<vmem>> -> memref<1x640x32xf32, #tpu.memory_space<vmem>>
        %dma_start3A_117 = tpu.memref_squeeze %dma_start3A_116 : memref<1x640x32xf32, #tpu.memory_space<vmem>> -> memref<640x32xf32, #tpu.memory_space<vmem>>
        %dma_start3A_118 = arith.constant 0 : i32
        %dma_start3A_119 = tpu.memref_slice %arg8[%add3A_112, %dma_start3A_118] : memref<16x640xi32, #tpu.memory_space<vmem>> -> memref<1x640xi32, #tpu.memory_space<vmem>>
        %dma_start3A_120 = tpu.memref_squeeze %dma_start3A_119 : memref<1x640xi32, #tpu.memory_space<vmem>> -> memref<640xi32, #tpu.memory_space<vmem>>
        %dma_start3A_121 = arith.constant 0 : i32
        %dma_start3A_122 = arith.constant 0 : i32
        %dma_start3A_123 = tpu.memref_slice %arg2[%dma_start3A_121, %dma_start3A_122] : memref<10240x32xf32, #tpu.memory_space<hbm>> -> memref<10240x32xf32, #tpu.memory_space<hbm>>
        tpu.enqueue_indirect_dma source(%dma_start3A_123 : memref<10240x32xf32, #tpu.memory_space<hbm>>) target(%dma_start3A_117 : memref<640x32xf32, #tpu.memory_space<vmem>>) offsets(%dma_start3A_120 : memref<640xi32, #tpu.memory_space<vmem>>) semaphore(%arg12 : memref<!tpu.dma_semaphore, #tpu.memory_space<semaphore_mem>>)
      } else {
      }
      %dma_wait3A_49 = arith.constant 0 : i32
      %dma_wait3A_50 = arith.constant 0 : i32
      %dma_wait3A_51 = arith.constant 0 : i32
      %dma_wait3A_52 = tpu.memref_slice %arg10[%dma_wait3A_49, %dma_wait3A_50, %dma_wait3A_51] : memref<2x640x32xf32, #tpu.memory_space<vmem>> -> memref<1x640x32xf32, #tpu.memory_space<vmem>>
      %dma_wait3A_53 = tpu.memref_squeeze %dma_wait3A_52 : memref<1x640x32xf32, #tpu.memory_space<vmem>> -> memref<640x32xf32, #tpu.memory_space<vmem>>
      %dma_wait3A_54 = arith.constant 0 : i32
      %dma_wait3A_55 = tpu.memref_slice %arg8[%add3A_38, %dma_wait3A_54] : memref<16x640xi32, #tpu.memory_space<vmem>> -> memref<1x640xi32, #tpu.memory_space<vmem>>
      %dma_wait3A_56 = tpu.memref_squeeze %dma_wait3A_55 : memref<1x640xi32, #tpu.memory_space<vmem>> -> memref<640xi32, #tpu.memory_space<vmem>>
      %dma_wait3A_57 = arith.constant 0 : i32
      %dma_wait3A_58 = arith.constant 0 : i32
      %dma_wait3A_59 = tpu.memref_slice %arg2[%dma_wait3A_57, %dma_wait3A_58] : memref<10240x32xf32, #tpu.memory_space<hbm>> -> memref<10240x32xf32, #tpu.memory_space<hbm>>
      tpu.wait_indirect_dma semaphore(%arg11 : memref<!tpu.dma_semaphore, #tpu.memory_space<semaphore_mem>>) src(%dma_wait3A_59 : memref<10240x32xf32, #tpu.memory_space<hbm>>) dst(%dma_wait3A_53 : memref<640x32xf32, #tpu.memory_space<vmem>>)
      %dma_start3A_60 = arith.constant 0 : i32
      %dma_start3A_61 = arith.constant 0 : i32
      %dma_start3A_62 = arith.constant 0 : i32
      %dma_start3A_63 = tpu.memref_slice %arg10[%dma_start3A_60, %dma_start3A_61, %dma_start3A_62] : memref<2x640x32xf32, #tpu.memory_space<vmem>> -> memref<1x640x32xf32, #tpu.memory_space<vmem>>
      %dma_start3A_64 = tpu.memref_squeeze %dma_start3A_63 : memref<1x640x32xf32, #tpu.memory_space<vmem>> -> memref<640x32xf32, #tpu.memory_space<vmem>>
      %dma_start3A_65 = arith.constant 0 : i32
      %dma_start3A_66 = tpu.memref_slice %arg9[%add3A_38, %dma_start3A_65] : memref<16x640xi32, #tpu.memory_space<vmem>> -> memref<1x640xi32, #tpu.memory_space<vmem>>
      %dma_start3A_67 = tpu.memref_squeeze %dma_start3A_66 : memref<1x640xi32, #tpu.memory_space<vmem>> -> memref<640xi32, #tpu.memory_space<vmem>>
      %dma_start3A_68 = arith.constant 0 : i32
      %dma_start3A_69 = arith.constant 0 : i32
      %dma_start3A_70 = tpu.memref_slice %arg7[%dma_start3A_68, %dma_start3A_69] : memref<10240x32xf32, #tpu.memory_space<vmem_shared>> -> memref<10240x32xf32, #tpu.memory_space<vmem_shared>>
      tpu.enqueue_indirect_dma source(%dma_start3A_64 : memref<640x32xf32, #tpu.memory_space<vmem>>) target(%dma_start3A_70 : memref<10240x32xf32, #tpu.memory_space<vmem_shared>>) offsets(%dma_start3A_67 : memref<640xi32, #tpu.memory_space<vmem>>) semaphore(%arg13 : memref<!tpu.dma_semaphore, #tpu.memory_space<semaphore_mem>>) {add = true}
      %mul3A_71 = arith.constant 2 : i32
      %mul3A_72 = arith.muli %add3A_34, %mul3A_71 : i32
      %add3A_73 = arith.constant 1 : i32
      %add3A_74 = arith.addi %mul3A_72, %add3A_73 : i32
      %add3A_75 = arith.constant 1 : i32
      %add3A_76 = arith.addi %add3A_74, %add3A_75 : i32
      %ge3A_77 = arith.constant 2 : i32
      %ge3A_78 = arith.cmpi sge, %add3A_76, %ge3A_77 : i32
      %convert_element_type3A_79 = arith.extui %ge3A_78 : i1 to i32
      %cond3A_80 = arith.constant 0 : i32
      %cond3A_81 = arith.cmpi ne, %convert_element_type3A_79, %cond3A_80 : i32
      scf.if %cond3A_81 {
        %dma_wait3A_111 = arith.constant 0 : i32
        %dma_wait3A_112 = arith.constant 0 : i32
        %dma_wait3A_113 = arith.constant 0 : i32
        %dma_wait3A_114 = arith.constant 0 : i32
        %dma_wait3A_115 = tpu.memref_slice %arg10[%dma_wait3A_111, %dma_wait3A_113, %dma_wait3A_114] : memref<2x640x32xf32, #tpu.memory_space<vmem>> -> memref<1x640x32xf32, #tpu.memory_space<vmem>>
        %dma_wait3A_116 = tpu.memref_squeeze %dma_wait3A_115 : memref<1x640x32xf32, #tpu.memory_space<vmem>> -> memref<640x32xf32, #tpu.memory_space<vmem>>
        %dma_wait3A_117 = arith.constant 0 : i32
        %dma_wait3A_118 = tpu.memref_slice %arg9[%dma_wait3A_112, %dma_wait3A_117] : memref<16x640xi32, #tpu.memory_space<vmem>> -> memref<1x640xi32, #tpu.memory_space<vmem>>
        %dma_wait3A_119 = tpu.memref_squeeze %dma_wait3A_118 : memref<1x640xi32, #tpu.memory_space<vmem>> -> memref<640xi32, #tpu.memory_space<vmem>>
        %dma_wait3A_120 = arith.constant 0 : i32
        %dma_wait3A_121 = arith.constant 0 : i32
        %dma_wait3A_122 = tpu.memref_slice %arg7[%dma_wait3A_120, %dma_wait3A_121] : memref<10240x32xf32, #tpu.memory_space<vmem_shared>> -> memref<10240x32xf32, #tpu.memory_space<vmem_shared>>
        tpu.wait_indirect_dma semaphore(%arg13 : memref<!tpu.dma_semaphore, #tpu.memory_space<semaphore_mem>>) src(%dma_wait3A_116 : memref<640x32xf32, #tpu.memory_space<vmem>>) dst(%dma_wait3A_122 : memref<10240x32xf32, #tpu.memory_space<vmem_shared>>)
      } else {
      }
      %add3A_82 = arith.constant 1 : i32
      %add3A_83 = arith.addi %add3A_74, %add3A_82 : i32
      %lt3A_84 = arith.constant 16 : i32
      %lt3A_85 = arith.cmpi slt, %add3A_83, %lt3A_84 : i32
      %convert_element_type3A_86 = arith.extui %lt3A_85 : i1 to i32
      %cond3A_87 = arith.constant 0 : i32
      %cond3A_88 = arith.cmpi ne, %convert_element_type3A_86, %cond3A_87 : i32
      scf.if %cond3A_88 {
        %add3A_111 = arith.constant 1 : i32
        %add3A_112 = arith.addi %add3A_74, %add3A_111 : i32
        %dma_start3A_113 = arith.constant 0 : i32
        %dma_start3A_114 = arith.constant 0 : i32
        %dma_start3A_115 = arith.constant 0 : i32
        %dma_start3A_116 = tpu.memref_slice %arg10[%dma_start3A_113, %dma_start3A_114, %dma_start3A_115] : memref<2x640x32xf32, #tpu.memory_space<vmem>> -> memref<1x640x32xf32, #tpu.memory_space<vmem>>
        %dma_start3A_117 = tpu.memref_squeeze %dma_start3A_116 : memref<1x640x32xf32, #tpu.memory_space<vmem>> -> memref<640x32xf32, #tpu.memory_space<vmem>>
        %dma_start3A_118 = arith.constant 0 : i32
        %dma_start3A_119 = tpu.memref_slice %arg8[%add3A_112, %dma_start3A_118] : memref<16x640xi32, #tpu.memory_space<vmem>> -> memref<1x640xi32, #tpu.memory_space<vmem>>
        %dma_start3A_120 = tpu.memref_squeeze %dma_start3A_119 : memref<1x640xi32, #tpu.memory_space<vmem>> -> memref<640xi32, #tpu.memory_space<vmem>>
        %dma_start3A_121 = arith.constant 0 : i32
        %dma_start3A_122 = arith.constant 0 : i32
        %dma_start3A_123 = tpu.memref_slice %arg2[%dma_start3A_121, %dma_start3A_122] : memref<10240x32xf32, #tpu.memory_space<hbm>> -> memref<10240x32xf32, #tpu.memory_space<hbm>>
        tpu.enqueue_indirect_dma source(%dma_start3A_123 : memref<10240x32xf32, #tpu.memory_space<hbm>>) target(%dma_start3A_117 : memref<640x32xf32, #tpu.memory_space<vmem>>) offsets(%dma_start3A_120 : memref<640xi32, #tpu.memory_space<vmem>>) semaphore(%arg11 : memref<!tpu.dma_semaphore, #tpu.memory_space<semaphore_mem>>)
      } else {
      }
      %dma_wait3A_89 = arith.constant 1 : i32
      %dma_wait3A_90 = arith.constant 0 : i32
      %dma_wait3A_91 = arith.constant 0 : i32
      %dma_wait3A_92 = tpu.memref_slice %arg10[%dma_wait3A_89, %dma_wait3A_90, %dma_wait3A_91] : memref<2x640x32xf32, #tpu.memory_space<vmem>> -> memref<1x640x32xf32, #tpu.memory_space<vmem>>
      %dma_wait3A_93 = tpu.memref_squeeze %dma_wait3A_92 : memref<1x640x32xf32, #tpu.memory_space<vmem>> -> memref<640x32xf32, #tpu.memory_space<vmem>>
      %dma_wait3A_94 = arith.constant 0 : i32
      %dma_wait3A_95 = tpu.memref_slice %arg8[%add3A_74, %dma_wait3A_94] : memref<16x640xi32, #tpu.memory_space<vmem>> -> memref<1x640xi32, #tpu.memory_space<vmem>>
      %dma_wait3A_96 = tpu.memref_squeeze %dma_wait3A_95 : memref<1x640xi32, #tpu.memory_space<vmem>> -> memref<640xi32, #tpu.memory_space<vmem>>
      %dma_wait3A_97 = arith.constant 0 : i32
      %dma_wait3A_98 = arith.constant 0 : i32
      %dma_wait3A_99 = tpu.memref_slice %arg2[%dma_wait3A_97, %dma_wait3A_98] : memref<10240x32xf32, #tpu.memory_space<hbm>> -> memref<10240x32xf32, #tpu.memory_space<hbm>>
      tpu.wait_indirect_dma semaphore(%arg12 : memref<!tpu.dma_semaphore, #tpu.memory_space<semaphore_mem>>) src(%dma_wait3A_99 : memref<10240x32xf32, #tpu.memory_space<hbm>>) dst(%dma_wait3A_93 : memref<640x32xf32, #tpu.memory_space<vmem>>)
      %dma_start3A_100 = arith.constant 1 : i32
      %dma_start3A_101 = arith.constant 0 : i32
      %dma_start3A_102 = arith.constant 0 : i32
      %dma_start3A_103 = tpu.memref_slice %arg10[%dma_start3A_100, %dma_start3A_101, %dma_start3A_102] : memref<2x640x32xf32, #tpu.memory_space<vmem>> -> memref<1x640x32xf32, #tpu.memory_space<vmem>>
      %dma_start3A_104 = tpu.memref_squeeze %dma_start3A_103 : memref<1x640x32xf32, #tpu.memory_space<vmem>> -> memref<640x32xf32, #tpu.memory_space<vmem>>
      %dma_start3A_105 = arith.constant 0 : i32
      %dma_start3A_106 = tpu.memref_slice %arg9[%add3A_74, %dma_start3A_105] : memref<16x640xi32, #tpu.memory_space<vmem>> -> memref<1x640xi32, #tpu.memory_space<vmem>>
      %dma_start3A_107 = tpu.memref_squeeze %dma_start3A_106 : memref<1x640xi32, #tpu.memory_space<vmem>> -> memref<640xi32, #tpu.memory_space<vmem>>
      %dma_start3A_108 = arith.constant 0 : i32
      %dma_start3A_109 = arith.constant 0 : i32
      %dma_start3A_110 = tpu.memref_slice %arg7[%dma_start3A_108, %dma_start3A_109] : memref<10240x32xf32, #tpu.memory_space<vmem_shared>> -> memref<10240x32xf32, #tpu.memory_space<vmem_shared>>
      tpu.enqueue_indirect_dma source(%dma_start3A_104 : memref<640x32xf32, #tpu.memory_space<vmem>>) target(%dma_start3A_110 : memref<10240x32xf32, #tpu.memory_space<vmem_shared>>) offsets(%dma_start3A_107 : memref<640xi32, #tpu.memory_space<vmem>>) semaphore(%arg14 : memref<!tpu.dma_semaphore, #tpu.memory_space<semaphore_mem>>) {add = true}
    }
    %scan3A_17 = arith.constant 8 : i32
    %dma_wait3A = arith.constant 1 : i32
    %dma_wait3A_18 = arith.constant 0 : i32
    %dma_wait3A_19 = arith.constant 0 : i32
    %dma_wait3A_20 = arith.constant 0 : i32
    %dma_wait3A_21 = tpu.memref_slice %arg10[%dma_wait3A, %dma_wait3A_19, %dma_wait3A_20] : memref<2x640x32xf32, #tpu.memory_space<vmem>> -> memref<1x640x32xf32, #tpu.memory_space<vmem>>
    %dma_wait3A_22 = tpu.memref_squeeze %dma_wait3A_21 : memref<1x640x32xf32, #tpu.memory_space<vmem>> -> memref<640x32xf32, #tpu.memory_space<vmem>>
    %dma_wait3A_23 = arith.constant 0 : i32
    %dma_wait3A_24 = tpu.memref_slice %arg9[%dma_wait3A_18, %dma_wait3A_23] : memref<16x640xi32, #tpu.memory_space<vmem>> -> memref<1x640xi32, #tpu.memory_space<vmem>>
    %dma_wait3A_25 = tpu.memref_squeeze %dma_wait3A_24 : memref<1x640xi32, #tpu.memory_space<vmem>> -> memref<640xi32, #tpu.memory_space<vmem>>
    %dma_wait3A_26 = arith.constant 0 : i32
    %dma_wait3A_27 = arith.constant 0 : i32
    %dma_wait3A_28 = tpu.memref_slice %arg7[%dma_wait3A_26, %dma_wait3A_27] : memref<10240x32xf32, #tpu.memory_space<vmem_shared>> -> memref<10240x32xf32, #tpu.memory_space<vmem_shared>>
    tpu.wait_indirect_dma semaphore(%arg14 : memref<!tpu.dma_semaphore, #tpu.memory_space<semaphore_mem>>) src(%dma_wait3A_22 : memref<640x32xf32, #tpu.memory_space<vmem>>) dst(%dma_wait3A_28 : memref<10240x32xf32, #tpu.memory_space<vmem_shared>>)
    %barrier3A_29 = arith.constant 0 : index
    tpu.barrier barrier_id(%barrier3A_29)
    "tpu.region"() ({
      %run_scoped3A = tpu.sem_alloc : memref<!tpu.dma_semaphore, #tpu.memory_space<semaphore_mem>>
      %dma_start3A_30 = arith.constant 0 : i32
      %dma_start3A_31 = tpu.memref_slice %arg6[%arg0, %mul3A_2, %dma_start3A_30] : memref<2x10240x32xf32, #tpu.memory_space<hbm>> -> memref<1x640x32xf32, #tpu.memory_space<hbm>>
      %dma_start3A_32 = tpu.memref_squeeze %dma_start3A_31 : memref<1x640x32xf32, #tpu.memory_space<hbm>> -> memref<640x32xf32, #tpu.memory_space<hbm>>
      %dma_start3A_33 = arith.constant 0 : i32
      %dma_start3A_34 = tpu.memref_slice %arg7[%mul3A_2, %dma_start3A_33] : memref<10240x32xf32, #tpu.memory_space<vmem_shared>> -> memref<640x32xf32, #tpu.memory_space<vmem_shared>>
      tpu.enqueue_dma source(%dma_start3A_34 : memref<640x32xf32, #tpu.memory_space<vmem_shared>>) target(%dma_start3A_32 : memref<640x32xf32, #tpu.memory_space<hbm>>) target_semaphore(%run_scoped3A : memref<!tpu.dma_semaphore, #tpu.memory_space<semaphore_mem>>)
      %dma_wait3A_35 = arith.constant 0 : i32
      %dma_wait3A_36 = tpu.memref_slice %arg6[%arg0, %mul3A_2, %dma_wait3A_35] : memref<2x10240x32xf32, #tpu.memory_space<hbm>> -> memref<1x640x32xf32, #tpu.memory_space<hbm>>
      %dma_wait3A_37 = tpu.memref_squeeze %dma_wait3A_36 : memref<1x640x32xf32, #tpu.memory_space<hbm>> -> memref<640x32xf32, #tpu.memory_space<hbm>>
      %dma_wait3A_38 = arith.constant 0 : i32
      %dma_wait3A_39 = tpu.memref_slice %arg7[%mul3A_2, %dma_wait3A_38] : memref<10240x32xf32, #tpu.memory_space<vmem_shared>> -> memref<640x32xf32, #tpu.memory_space<vmem_shared>>
      tpu.wait_dma2 semaphore(%run_scoped3A : memref<!tpu.dma_semaphore, #tpu.memory_space<semaphore_mem>>) src(%dma_wait3A_39 : memref<640x32xf32, #tpu.memory_space<vmem_shared>>) dst(%dma_wait3A_37 : memref<640x32xf32, #tpu.memory_space<hbm>>)
      tpu.yield
    }) : () -> ()
    return
  }
}

#map = affine_map<(d0, d1) -> (0, 0)>
#map1 = affine_map<(d0, d1) -> (0, 0, 0)>
module attributes {stable_mosaic.version = 14 : i64} {
  func.func @body(%arg0: i32, %arg1: i32, %arg2: memref<10240x16xf32, #tpu.memory_space<hbm>>, %arg3: memref<32x8x1280xi32, #tpu.memory_space<hbm>>, %arg4: memref<32x8x1280xi32, #tpu.memory_space<hbm>>, %arg5: memref<10240x16xf32, #tpu.memory_space<hbm>>, %arg6: memref<2x10240x16xf32, #tpu.memory_space<hbm>>, %arg7: memref<10240x16xf32, #tpu.memory_space<vmem_shared>>, %arg8: memref<8x1280xi32, #tpu.memory_space<vmem>>, %arg9: memref<8x1280xi32, #tpu.memory_space<vmem>>, %arg10: memref<2x1280x16xf32, #tpu.memory_space<vmem>>, %arg11: memref<!tpu.dma_semaphore, #tpu.memory_space<semaphore_mem>>, %arg12: memref<!tpu.dma_semaphore, #tpu.memory_space<semaphore_mem>>, %arg13: memref<!tpu.dma_semaphore, #tpu.memory_space<semaphore_mem>>, %arg14: memref<!tpu.dma_semaphore, #tpu.memory_space<semaphore_mem>>) attributes {dimension_semantics = [#tpu.dimension_semantics<core_parallel>, #tpu.dimension_semantics<subcore_parallel>], iteration_bounds = array<i64: 2, 16>, scalar_prefetch = 0 : i64, scratch_operands = 8 : i64, tpu.core_type = #tpu.core_type<sc_vector_subcore>, window_params = [{transform_indices = #map}, {transform_indices = #map1}, {transform_indices = #map1}, {transform_indices = #map}, {transform_indices = #map1}]} {
    %mul3A = arith.constant 16 : i32
    %mul3A_0 = arith.muli %arg0, %mul3A : i32
    %add3A = arith.addi %mul3A_0, %arg1 : i32
    %mul3A_1 = arith.constant 640 : i32
    %mul3A_2 = arith.muli %arg1, %mul3A_1 : i32
    "tpu.region"() ({
      %run_scoped3A = tpu.sem_alloc : memref<!tpu.dma_semaphore, #tpu.memory_space<semaphore_mem>>
      %dma_start3A_30 = arith.constant 0 : i32
      %dma_start3A_31 = tpu.memref_slice %arg7[%mul3A_2, %dma_start3A_30] : memref<10240x16xf32, #tpu.memory_space<vmem_shared>> -> memref<640x16xf32, #tpu.memory_space<vmem_shared>>
      %dma_start3A_32 = arith.constant 0 : i32
      %dma_start3A_33 = tpu.memref_slice %arg5[%mul3A_2, %dma_start3A_32] : memref<10240x16xf32, #tpu.memory_space<hbm>> -> memref<640x16xf32, #tpu.memory_space<hbm>>
      tpu.enqueue_dma source(%dma_start3A_33 : memref<640x16xf32, #tpu.memory_space<hbm>>) target(%dma_start3A_31 : memref<640x16xf32, #tpu.memory_space<vmem_shared>>) target_semaphore(%run_scoped3A : memref<!tpu.dma_semaphore, #tpu.memory_space<semaphore_mem>>)
      %dma_wait3A_34 = arith.constant 0 : i32
      %dma_wait3A_35 = tpu.memref_slice %arg7[%mul3A_2, %dma_wait3A_34] : memref<10240x16xf32, #tpu.memory_space<vmem_shared>> -> memref<640x16xf32, #tpu.memory_space<vmem_shared>>
      %dma_wait3A_36 = arith.constant 0 : i32
      %dma_wait3A_37 = tpu.memref_slice %arg5[%mul3A_2, %dma_wait3A_36] : memref<10240x16xf32, #tpu.memory_space<hbm>> -> memref<640x16xf32, #tpu.memory_space<hbm>>
      tpu.wait_dma2 semaphore(%run_scoped3A : memref<!tpu.dma_semaphore, #tpu.memory_space<semaphore_mem>>) src(%dma_wait3A_37 : memref<640x16xf32, #tpu.memory_space<hbm>>) dst(%dma_wait3A_35 : memref<640x16xf32, #tpu.memory_space<vmem_shared>>)
      tpu.yield
    }) : () -> ()
    "tpu.region"() ({
      %run_scoped3A = tpu.sem_alloc : memref<!tpu.dma_semaphore, #tpu.memory_space<semaphore_mem>>
      %dma_start3A_30 = arith.constant 0 : i32
      %dma_start3A_31 = arith.constant 0 : i32
      %dma_start3A_32 = tpu.memref_slice %arg3[%add3A, %dma_start3A_30, %dma_start3A_31] : memref<32x8x1280xi32, #tpu.memory_space<hbm>> -> memref<1x8x1280xi32, #tpu.memory_space<hbm>>
      %dma_start3A_33 = tpu.memref_squeeze %dma_start3A_32 : memref<1x8x1280xi32, #tpu.memory_space<hbm>> -> memref<8x1280xi32, #tpu.memory_space<hbm>>
      %dma_start3A_34 = arith.constant 0 : i32
      %dma_start3A_35 = arith.constant 0 : i32
      %dma_start3A_36 = tpu.memref_slice %arg3[%add3A, %dma_start3A_34, %dma_start3A_35] : memref<32x8x1280xi32, #tpu.memory_space<hbm>> -> memref<1x8x1280xi32, #tpu.memory_space<hbm>>
      %dma_start3A_37 = tpu.memref_squeeze %dma_start3A_36 : memref<1x8x1280xi32, #tpu.memory_space<hbm>> -> memref<8x1280xi32, #tpu.memory_space<hbm>>
      tpu.enqueue_dma source(%dma_start3A_37 : memref<8x1280xi32, #tpu.memory_space<hbm>>) target(%arg8 : memref<8x1280xi32, #tpu.memory_space<vmem>>) target_semaphore(%run_scoped3A : memref<!tpu.dma_semaphore, #tpu.memory_space<semaphore_mem>>)
      %dma_wait3A_38 = arith.constant 0 : i32
      %dma_wait3A_39 = arith.constant 0 : i32
      %dma_wait3A_40 = tpu.memref_slice %arg3[%add3A, %dma_wait3A_38, %dma_wait3A_39] : memref<32x8x1280xi32, #tpu.memory_space<hbm>> -> memref<1x8x1280xi32, #tpu.memory_space<hbm>>
      %dma_wait3A_41 = tpu.memref_squeeze %dma_wait3A_40 : memref<1x8x1280xi32, #tpu.memory_space<hbm>> -> memref<8x1280xi32, #tpu.memory_space<hbm>>
      %dma_wait3A_42 = arith.constant 0 : i32
      %dma_wait3A_43 = arith.constant 0 : i32
      %dma_wait3A_44 = tpu.memref_slice %arg3[%add3A, %dma_wait3A_42, %dma_wait3A_43] : memref<32x8x1280xi32, #tpu.memory_space<hbm>> -> memref<1x8x1280xi32, #tpu.memory_space<hbm>>
      %dma_wait3A_45 = tpu.memref_squeeze %dma_wait3A_44 : memref<1x8x1280xi32, #tpu.memory_space<hbm>> -> memref<8x1280xi32, #tpu.memory_space<hbm>>
      tpu.wait_dma2 semaphore(%run_scoped3A : memref<!tpu.dma_semaphore, #tpu.memory_space<semaphore_mem>>) src(%dma_wait3A_45 : memref<8x1280xi32, #tpu.memory_space<hbm>>) dst(%arg8 : memref<8x1280xi32, #tpu.memory_space<vmem>>)
      tpu.yield
    }) : () -> ()
    "tpu.region"() ({
      %run_scoped3A = tpu.sem_alloc : memref<!tpu.dma_semaphore, #tpu.memory_space<semaphore_mem>>
      %dma_start3A_30 = arith.constant 0 : i32
      %dma_start3A_31 = arith.constant 0 : i32
      %dma_start3A_32 = tpu.memref_slice %arg4[%add3A, %dma_start3A_30, %dma_start3A_31] : memref<32x8x1280xi32, #tpu.memory_space<hbm>> -> memref<1x8x1280xi32, #tpu.memory_space<hbm>>
      %dma_start3A_33 = tpu.memref_squeeze %dma_start3A_32 : memref<1x8x1280xi32, #tpu.memory_space<hbm>> -> memref<8x1280xi32, #tpu.memory_space<hbm>>
      %dma_start3A_34 = arith.constant 0 : i32
      %dma_start3A_35 = arith.constant 0 : i32
      %dma_start3A_36 = tpu.memref_slice %arg4[%add3A, %dma_start3A_34, %dma_start3A_35] : memref<32x8x1280xi32, #tpu.memory_space<hbm>> -> memref<1x8x1280xi32, #tpu.memory_space<hbm>>
      %dma_start3A_37 = tpu.memref_squeeze %dma_start3A_36 : memref<1x8x1280xi32, #tpu.memory_space<hbm>> -> memref<8x1280xi32, #tpu.memory_space<hbm>>
      tpu.enqueue_dma source(%dma_start3A_37 : memref<8x1280xi32, #tpu.memory_space<hbm>>) target(%arg9 : memref<8x1280xi32, #tpu.memory_space<vmem>>) target_semaphore(%run_scoped3A : memref<!tpu.dma_semaphore, #tpu.memory_space<semaphore_mem>>)
      %dma_wait3A_38 = arith.constant 0 : i32
      %dma_wait3A_39 = arith.constant 0 : i32
      %dma_wait3A_40 = tpu.memref_slice %arg4[%add3A, %dma_wait3A_38, %dma_wait3A_39] : memref<32x8x1280xi32, #tpu.memory_space<hbm>> -> memref<1x8x1280xi32, #tpu.memory_space<hbm>>
      %dma_wait3A_41 = tpu.memref_squeeze %dma_wait3A_40 : memref<1x8x1280xi32, #tpu.memory_space<hbm>> -> memref<8x1280xi32, #tpu.memory_space<hbm>>
      %dma_wait3A_42 = arith.constant 0 : i32
      %dma_wait3A_43 = arith.constant 0 : i32
      %dma_wait3A_44 = tpu.memref_slice %arg4[%add3A, %dma_wait3A_42, %dma_wait3A_43] : memref<32x8x1280xi32, #tpu.memory_space<hbm>> -> memref<1x8x1280xi32, #tpu.memory_space<hbm>>
      %dma_wait3A_45 = tpu.memref_squeeze %dma_wait3A_44 : memref<1x8x1280xi32, #tpu.memory_space<hbm>> -> memref<8x1280xi32, #tpu.memory_space<hbm>>
      tpu.wait_dma2 semaphore(%run_scoped3A : memref<!tpu.dma_semaphore, #tpu.memory_space<semaphore_mem>>) src(%dma_wait3A_45 : memref<8x1280xi32, #tpu.memory_space<hbm>>) dst(%arg9 : memref<8x1280xi32, #tpu.memory_space<vmem>>)
      tpu.yield
    }) : () -> ()
    %barrier3A = arith.constant 0 : index
    tpu.barrier barrier_id(%barrier3A)
    %dma_start3A = arith.constant 0 : i32
    %dma_start3A_3 = arith.constant 0 : i32
    %dma_start3A_4 = arith.constant 0 : i32
    %dma_start3A_5 = arith.constant 0 : i32
    %dma_start3A_6 = tpu.memref_slice %arg10[%dma_start3A_3, %dma_start3A_4, %dma_start3A_5] : memref<2x1280x16xf32, #tpu.memory_space<vmem>> -> memref<1x1280x16xf32, #tpu.memory_space<vmem>>
    %dma_start3A_7 = tpu.memref_squeeze %dma_start3A_6 : memref<1x1280x16xf32, #tpu.memory_space<vmem>> -> memref<1280x16xf32, #tpu.memory_space<vmem>>
    %dma_start3A_8 = arith.constant 0 : i32
    %dma_start3A_9 = tpu.memref_slice %arg8[%dma_start3A, %dma_start3A_8] : memref<8x1280xi32, #tpu.memory_space<vmem>> -> memref<1x1280xi32, #tpu.memory_space<vmem>>
    %dma_start3A_10 = tpu.memref_squeeze %dma_start3A_9 : memref<1x1280xi32, #tpu.memory_space<vmem>> -> memref<1280xi32, #tpu.memory_space<vmem>>
    %dma_start3A_11 = arith.constant 0 : i32
    %dma_start3A_12 = arith.constant 0 : i32
    %dma_start3A_13 = tpu.memref_slice %arg2[%dma_start3A_11, %dma_start3A_12] : memref<10240x16xf32, #tpu.memory_space<hbm>> -> memref<10240x16xf32, #tpu.memory_space<hbm>>
    tpu.enqueue_indirect_dma source(%dma_start3A_13 : memref<10240x16xf32, #tpu.memory_space<hbm>>) target(%dma_start3A_7 : memref<1280x16xf32, #tpu.memory_space<vmem>>) offsets(%dma_start3A_10 : memref<1280xi32, #tpu.memory_space<vmem>>) semaphore(%arg11 : memref<!tpu.dma_semaphore, #tpu.memory_space<semaphore_mem>>)
    %scan3A = arith.constant 0 : i32
    %scan3A_14 = arith.constant 4 : i32
    %scan3A_15 = arith.addi %scan3A, %scan3A_14 : i32
    %scan3A_16 = arith.constant 1 : i32
    scf.for %scan3A_30 = %scan3A to %scan3A_15 step %scan3A_16  : i32 {
      %mul3A_31 = arith.constant 1 : i32
      %mul3A_32 = arith.muli %scan3A_30, %mul3A_31 : i32
      %add3A_33 = arith.constant 0 : i32
      %add3A_34 = arith.addi %add3A_33, %mul3A_32 : i32
      %mul3A_35 = arith.constant 2 : i32
      %mul3A_36 = arith.muli %add3A_34, %mul3A_35 : i32
      %add3A_37 = arith.constant 0 : i32
      %add3A_38 = arith.addi %mul3A_36, %add3A_37 : i32
      %add3A_39 = arith.constant 1 : i32
      %add3A_40 = arith.addi %add3A_38, %add3A_39 : i32
      %ge3A = arith.constant 2 : i32
      %ge3A_41 = arith.cmpi sge, %add3A_40, %ge3A : i32
      %convert_element_type3A = arith.extui %ge3A_41 : i1 to i32
      %cond3A = arith.constant 0 : i32
      %cond3A_42 = arith.cmpi ne, %convert_element_type3A, %cond3A : i32
      scf.if %cond3A_42 {
        %dma_wait3A_111 = arith.constant 1 : i32
        %dma_wait3A_112 = arith.constant 0 : i32
        %dma_wait3A_113 = arith.constant 0 : i32
        %dma_wait3A_114 = arith.constant 0 : i32
        %dma_wait3A_115 = tpu.memref_slice %arg10[%dma_wait3A_111, %dma_wait3A_113, %dma_wait3A_114] : memref<2x1280x16xf32, #tpu.memory_space<vmem>> -> memref<1x1280x16xf32, #tpu.memory_space<vmem>>
        %dma_wait3A_116 = tpu.memref_squeeze %dma_wait3A_115 : memref<1x1280x16xf32, #tpu.memory_space<vmem>> -> memref<1280x16xf32, #tpu.memory_space<vmem>>
        %dma_wait3A_117 = arith.constant 0 : i32
        %dma_wait3A_118 = tpu.memref_slice %arg9[%dma_wait3A_112, %dma_wait3A_117] : memref<8x1280xi32, #tpu.memory_space<vmem>> -> memref<1x1280xi32, #tpu.memory_space<vmem>>
        %dma_wait3A_119 = tpu.memref_squeeze %dma_wait3A_118 : memref<1x1280xi32, #tpu.memory_space<vmem>> -> memref<1280xi32, #tpu.memory_space<vmem>>
        %dma_wait3A_120 = arith.constant 0 : i32
        %dma_wait3A_121 = arith.constant 0 : i32
        %dma_wait3A_122 = tpu.memref_slice %arg7[%dma_wait3A_120, %dma_wait3A_121] : memref<10240x16xf32, #tpu.memory_space<vmem_shared>> -> memref<10240x16xf32, #tpu.memory_space<vmem_shared>>
        tpu.wait_indirect_dma semaphore(%arg14 : memref<!tpu.dma_semaphore, #tpu.memory_space<semaphore_mem>>) src(%dma_wait3A_116 : memref<1280x16xf32, #tpu.memory_space<vmem>>) dst(%dma_wait3A_122 : memref<10240x16xf32, #tpu.memory_space<vmem_shared>>)
      } else {
      }
      %add3A_43 = arith.constant 1 : i32
      %add3A_44 = arith.addi %add3A_38, %add3A_43 : i32
      %lt3A = arith.constant 8 : i32
      %lt3A_45 = arith.cmpi slt, %add3A_44, %lt3A : i32
      %convert_element_type3A_46 = arith.extui %lt3A_45 : i1 to i32
      %cond3A_47 = arith.constant 0 : i32
      %cond3A_48 = arith.cmpi ne, %convert_element_type3A_46, %cond3A_47 : i32
      scf.if %cond3A_48 {
        %add3A_111 = arith.constant 1 : i32
        %add3A_112 = arith.addi %add3A_38, %add3A_111 : i32
        %dma_start3A_113 = arith.constant 1 : i32
        %dma_start3A_114 = arith.constant 0 : i32
        %dma_start3A_115 = arith.constant 0 : i32
        %dma_start3A_116 = tpu.memref_slice %arg10[%dma_start3A_113, %dma_start3A_114, %dma_start3A_115] : memref<2x1280x16xf32, #tpu.memory_space<vmem>> -> memref<1x1280x16xf32, #tpu.memory_space<vmem>>
        %dma_start3A_117 = tpu.memref_squeeze %dma_start3A_116 : memref<1x1280x16xf32, #tpu.memory_space<vmem>> -> memref<1280x16xf32, #tpu.memory_space<vmem>>
        %dma_start3A_118 = arith.constant 0 : i32
        %dma_start3A_119 = tpu.memref_slice %arg8[%add3A_112, %dma_start3A_118] : memref<8x1280xi32, #tpu.memory_space<vmem>> -> memref<1x1280xi32, #tpu.memory_space<vmem>>
        %dma_start3A_120 = tpu.memref_squeeze %dma_start3A_119 : memref<1x1280xi32, #tpu.memory_space<vmem>> -> memref<1280xi32, #tpu.memory_space<vmem>>
        %dma_start3A_121 = arith.constant 0 : i32
        %dma_start3A_122 = arith.constant 0 : i32
        %dma_start3A_123 = tpu.memref_slice %arg2[%dma_start3A_121, %dma_start3A_122] : memref<10240x16xf32, #tpu.memory_space<hbm>> -> memref<10240x16xf32, #tpu.memory_space<hbm>>
        tpu.enqueue_indirect_dma source(%dma_start3A_123 : memref<10240x16xf32, #tpu.memory_space<hbm>>) target(%dma_start3A_117 : memref<1280x16xf32, #tpu.memory_space<vmem>>) offsets(%dma_start3A_120 : memref<1280xi32, #tpu.memory_space<vmem>>) semaphore(%arg12 : memref<!tpu.dma_semaphore, #tpu.memory_space<semaphore_mem>>)
      } else {
      }
      %dma_wait3A_49 = arith.constant 0 : i32
      %dma_wait3A_50 = arith.constant 0 : i32
      %dma_wait3A_51 = arith.constant 0 : i32
      %dma_wait3A_52 = tpu.memref_slice %arg10[%dma_wait3A_49, %dma_wait3A_50, %dma_wait3A_51] : memref<2x1280x16xf32, #tpu.memory_space<vmem>> -> memref<1x1280x16xf32, #tpu.memory_space<vmem>>
      %dma_wait3A_53 = tpu.memref_squeeze %dma_wait3A_52 : memref<1x1280x16xf32, #tpu.memory_space<vmem>> -> memref<1280x16xf32, #tpu.memory_space<vmem>>
      %dma_wait3A_54 = arith.constant 0 : i32
      %dma_wait3A_55 = tpu.memref_slice %arg8[%add3A_38, %dma_wait3A_54] : memref<8x1280xi32, #tpu.memory_space<vmem>> -> memref<1x1280xi32, #tpu.memory_space<vmem>>
      %dma_wait3A_56 = tpu.memref_squeeze %dma_wait3A_55 : memref<1x1280xi32, #tpu.memory_space<vmem>> -> memref<1280xi32, #tpu.memory_space<vmem>>
      %dma_wait3A_57 = arith.constant 0 : i32
      %dma_wait3A_58 = arith.constant 0 : i32
      %dma_wait3A_59 = tpu.memref_slice %arg2[%dma_wait3A_57, %dma_wait3A_58] : memref<10240x16xf32, #tpu.memory_space<hbm>> -> memref<10240x16xf32, #tpu.memory_space<hbm>>
      tpu.wait_indirect_dma semaphore(%arg11 : memref<!tpu.dma_semaphore, #tpu.memory_space<semaphore_mem>>) src(%dma_wait3A_59 : memref<10240x16xf32, #tpu.memory_space<hbm>>) dst(%dma_wait3A_53 : memref<1280x16xf32, #tpu.memory_space<vmem>>)
      %dma_start3A_60 = arith.constant 0 : i32
      %dma_start3A_61 = arith.constant 0 : i32
      %dma_start3A_62 = arith.constant 0 : i32
      %dma_start3A_63 = tpu.memref_slice %arg10[%dma_start3A_60, %dma_start3A_61, %dma_start3A_62] : memref<2x1280x16xf32, #tpu.memory_space<vmem>> -> memref<1x1280x16xf32, #tpu.memory_space<vmem>>
      %dma_start3A_64 = tpu.memref_squeeze %dma_start3A_63 : memref<1x1280x16xf32, #tpu.memory_space<vmem>> -> memref<1280x16xf32, #tpu.memory_space<vmem>>
      %dma_start3A_65 = arith.constant 0 : i32
      %dma_start3A_66 = tpu.memref_slice %arg9[%add3A_38, %dma_start3A_65] : memref<8x1280xi32, #tpu.memory_space<vmem>> -> memref<1x1280xi32, #tpu.memory_space<vmem>>
      %dma_start3A_67 = tpu.memref_squeeze %dma_start3A_66 : memref<1x1280xi32, #tpu.memory_space<vmem>> -> memref<1280xi32, #tpu.memory_space<vmem>>
      %dma_start3A_68 = arith.constant 0 : i32
      %dma_start3A_69 = arith.constant 0 : i32
      %dma_start3A_70 = tpu.memref_slice %arg7[%dma_start3A_68, %dma_start3A_69] : memref<10240x16xf32, #tpu.memory_space<vmem_shared>> -> memref<10240x16xf32, #tpu.memory_space<vmem_shared>>
      tpu.enqueue_indirect_dma source(%dma_start3A_64 : memref<1280x16xf32, #tpu.memory_space<vmem>>) target(%dma_start3A_70 : memref<10240x16xf32, #tpu.memory_space<vmem_shared>>) offsets(%dma_start3A_67 : memref<1280xi32, #tpu.memory_space<vmem>>) semaphore(%arg13 : memref<!tpu.dma_semaphore, #tpu.memory_space<semaphore_mem>>) {add = true}
      %mul3A_71 = arith.constant 2 : i32
      %mul3A_72 = arith.muli %add3A_34, %mul3A_71 : i32
      %add3A_73 = arith.constant 1 : i32
      %add3A_74 = arith.addi %mul3A_72, %add3A_73 : i32
      %add3A_75 = arith.constant 1 : i32
      %add3A_76 = arith.addi %add3A_74, %add3A_75 : i32
      %ge3A_77 = arith.constant 2 : i32
      %ge3A_78 = arith.cmpi sge, %add3A_76, %ge3A_77 : i32
      %convert_element_type3A_79 = arith.extui %ge3A_78 : i1 to i32
      %cond3A_80 = arith.constant 0 : i32
      %cond3A_81 = arith.cmpi ne, %convert_element_type3A_79, %cond3A_80 : i32
      scf.if %cond3A_81 {
        %dma_wait3A_111 = arith.constant 0 : i32
        %dma_wait3A_112 = arith.constant 0 : i32
        %dma_wait3A_113 = arith.constant 0 : i32
        %dma_wait3A_114 = arith.constant 0 : i32
        %dma_wait3A_115 = tpu.memref_slice %arg10[%dma_wait3A_111, %dma_wait3A_113, %dma_wait3A_114] : memref<2x1280x16xf32, #tpu.memory_space<vmem>> -> memref<1x1280x16xf32, #tpu.memory_space<vmem>>
        %dma_wait3A_116 = tpu.memref_squeeze %dma_wait3A_115 : memref<1x1280x16xf32, #tpu.memory_space<vmem>> -> memref<1280x16xf32, #tpu.memory_space<vmem>>
        %dma_wait3A_117 = arith.constant 0 : i32
        %dma_wait3A_118 = tpu.memref_slice %arg9[%dma_wait3A_112, %dma_wait3A_117] : memref<8x1280xi32, #tpu.memory_space<vmem>> -> memref<1x1280xi32, #tpu.memory_space<vmem>>
        %dma_wait3A_119 = tpu.memref_squeeze %dma_wait3A_118 : memref<1x1280xi32, #tpu.memory_space<vmem>> -> memref<1280xi32, #tpu.memory_space<vmem>>
        %dma_wait3A_120 = arith.constant 0 : i32
        %dma_wait3A_121 = arith.constant 0 : i32
        %dma_wait3A_122 = tpu.memref_slice %arg7[%dma_wait3A_120, %dma_wait3A_121] : memref<10240x16xf32, #tpu.memory_space<vmem_shared>> -> memref<10240x16xf32, #tpu.memory_space<vmem_shared>>
        tpu.wait_indirect_dma semaphore(%arg13 : memref<!tpu.dma_semaphore, #tpu.memory_space<semaphore_mem>>) src(%dma_wait3A_116 : memref<1280x16xf32, #tpu.memory_space<vmem>>) dst(%dma_wait3A_122 : memref<10240x16xf32, #tpu.memory_space<vmem_shared>>)
      } else {
      }
      %add3A_82 = arith.constant 1 : i32
      %add3A_83 = arith.addi %add3A_74, %add3A_82 : i32
      %lt3A_84 = arith.constant 8 : i32
      %lt3A_85 = arith.cmpi slt, %add3A_83, %lt3A_84 : i32
      %convert_element_type3A_86 = arith.extui %lt3A_85 : i1 to i32
      %cond3A_87 = arith.constant 0 : i32
      %cond3A_88 = arith.cmpi ne, %convert_element_type3A_86, %cond3A_87 : i32
      scf.if %cond3A_88 {
        %add3A_111 = arith.constant 1 : i32
        %add3A_112 = arith.addi %add3A_74, %add3A_111 : i32
        %dma_start3A_113 = arith.constant 0 : i32
        %dma_start3A_114 = arith.constant 0 : i32
        %dma_start3A_115 = arith.constant 0 : i32
        %dma_start3A_116 = tpu.memref_slice %arg10[%dma_start3A_113, %dma_start3A_114, %dma_start3A_115] : memref<2x1280x16xf32, #tpu.memory_space<vmem>> -> memref<1x1280x16xf32, #tpu.memory_space<vmem>>
        %dma_start3A_117 = tpu.memref_squeeze %dma_start3A_116 : memref<1x1280x16xf32, #tpu.memory_space<vmem>> -> memref<1280x16xf32, #tpu.memory_space<vmem>>
        %dma_start3A_118 = arith.constant 0 : i32
        %dma_start3A_119 = tpu.memref_slice %arg8[%add3A_112, %dma_start3A_118] : memref<8x1280xi32, #tpu.memory_space<vmem>> -> memref<1x1280xi32, #tpu.memory_space<vmem>>
        %dma_start3A_120 = tpu.memref_squeeze %dma_start3A_119 : memref<1x1280xi32, #tpu.memory_space<vmem>> -> memref<1280xi32, #tpu.memory_space<vmem>>
        %dma_start3A_121 = arith.constant 0 : i32
        %dma_start3A_122 = arith.constant 0 : i32
        %dma_start3A_123 = tpu.memref_slice %arg2[%dma_start3A_121, %dma_start3A_122] : memref<10240x16xf32, #tpu.memory_space<hbm>> -> memref<10240x16xf32, #tpu.memory_space<hbm>>
        tpu.enqueue_indirect_dma source(%dma_start3A_123 : memref<10240x16xf32, #tpu.memory_space<hbm>>) target(%dma_start3A_117 : memref<1280x16xf32, #tpu.memory_space<vmem>>) offsets(%dma_start3A_120 : memref<1280xi32, #tpu.memory_space<vmem>>) semaphore(%arg11 : memref<!tpu.dma_semaphore, #tpu.memory_space<semaphore_mem>>)
      } else {
      }
      %dma_wait3A_89 = arith.constant 1 : i32
      %dma_wait3A_90 = arith.constant 0 : i32
      %dma_wait3A_91 = arith.constant 0 : i32
      %dma_wait3A_92 = tpu.memref_slice %arg10[%dma_wait3A_89, %dma_wait3A_90, %dma_wait3A_91] : memref<2x1280x16xf32, #tpu.memory_space<vmem>> -> memref<1x1280x16xf32, #tpu.memory_space<vmem>>
      %dma_wait3A_93 = tpu.memref_squeeze %dma_wait3A_92 : memref<1x1280x16xf32, #tpu.memory_space<vmem>> -> memref<1280x16xf32, #tpu.memory_space<vmem>>
      %dma_wait3A_94 = arith.constant 0 : i32
      %dma_wait3A_95 = tpu.memref_slice %arg8[%add3A_74, %dma_wait3A_94] : memref<8x1280xi32, #tpu.memory_space<vmem>> -> memref<1x1280xi32, #tpu.memory_space<vmem>>
      %dma_wait3A_96 = tpu.memref_squeeze %dma_wait3A_95 : memref<1x1280xi32, #tpu.memory_space<vmem>> -> memref<1280xi32, #tpu.memory_space<vmem>>
      %dma_wait3A_97 = arith.constant 0 : i32
      %dma_wait3A_98 = arith.constant 0 : i32
      %dma_wait3A_99 = tpu.memref_slice %arg2[%dma_wait3A_97, %dma_wait3A_98] : memref<10240x16xf32, #tpu.memory_space<hbm>> -> memref<10240x16xf32, #tpu.memory_space<hbm>>
      tpu.wait_indirect_dma semaphore(%arg12 : memref<!tpu.dma_semaphore, #tpu.memory_space<semaphore_mem>>) src(%dma_wait3A_99 : memref<10240x16xf32, #tpu.memory_space<hbm>>) dst(%dma_wait3A_93 : memref<1280x16xf32, #tpu.memory_space<vmem>>)
      %dma_start3A_100 = arith.constant 1 : i32
      %dma_start3A_101 = arith.constant 0 : i32
      %dma_start3A_102 = arith.constant 0 : i32
      %dma_start3A_103 = tpu.memref_slice %arg10[%dma_start3A_100, %dma_start3A_101, %dma_start3A_102] : memref<2x1280x16xf32, #tpu.memory_space<vmem>> -> memref<1x1280x16xf32, #tpu.memory_space<vmem>>
      %dma_start3A_104 = tpu.memref_squeeze %dma_start3A_103 : memref<1x1280x16xf32, #tpu.memory_space<vmem>> -> memref<1280x16xf32, #tpu.memory_space<vmem>>
      %dma_start3A_105 = arith.constant 0 : i32
      %dma_start3A_106 = tpu.memref_slice %arg9[%add3A_74, %dma_start3A_105] : memref<8x1280xi32, #tpu.memory_space<vmem>> -> memref<1x1280xi32, #tpu.memory_space<vmem>>
      %dma_start3A_107 = tpu.memref_squeeze %dma_start3A_106 : memref<1x1280xi32, #tpu.memory_space<vmem>> -> memref<1280xi32, #tpu.memory_space<vmem>>
      %dma_start3A_108 = arith.constant 0 : i32
      %dma_start3A_109 = arith.constant 0 : i32
      %dma_start3A_110 = tpu.memref_slice %arg7[%dma_start3A_108, %dma_start3A_109] : memref<10240x16xf32, #tpu.memory_space<vmem_shared>> -> memref<10240x16xf32, #tpu.memory_space<vmem_shared>>
      tpu.enqueue_indirect_dma source(%dma_start3A_104 : memref<1280x16xf32, #tpu.memory_space<vmem>>) target(%dma_start3A_110 : memref<10240x16xf32, #tpu.memory_space<vmem_shared>>) offsets(%dma_start3A_107 : memref<1280xi32, #tpu.memory_space<vmem>>) semaphore(%arg14 : memref<!tpu.dma_semaphore, #tpu.memory_space<semaphore_mem>>) {add = true}
    }
    %scan3A_17 = arith.constant 4 : i32
    %dma_wait3A = arith.constant 1 : i32
    %dma_wait3A_18 = arith.constant 0 : i32
    %dma_wait3A_19 = arith.constant 0 : i32
    %dma_wait3A_20 = arith.constant 0 : i32
    %dma_wait3A_21 = tpu.memref_slice %arg10[%dma_wait3A, %dma_wait3A_19, %dma_wait3A_20] : memref<2x1280x16xf32, #tpu.memory_space<vmem>> -> memref<1x1280x16xf32, #tpu.memory_space<vmem>>
    %dma_wait3A_22 = tpu.memref_squeeze %dma_wait3A_21 : memref<1x1280x16xf32, #tpu.memory_space<vmem>> -> memref<1280x16xf32, #tpu.memory_space<vmem>>
    %dma_wait3A_23 = arith.constant 0 : i32
    %dma_wait3A_24 = tpu.memref_slice %arg9[%dma_wait3A_18, %dma_wait3A_23] : memref<8x1280xi32, #tpu.memory_space<vmem>> -> memref<1x1280xi32, #tpu.memory_space<vmem>>
    %dma_wait3A_25 = tpu.memref_squeeze %dma_wait3A_24 : memref<1x1280xi32, #tpu.memory_space<vmem>> -> memref<1280xi32, #tpu.memory_space<vmem>>
    %dma_wait3A_26 = arith.constant 0 : i32
    %dma_wait3A_27 = arith.constant 0 : i32
    %dma_wait3A_28 = tpu.memref_slice %arg7[%dma_wait3A_26, %dma_wait3A_27] : memref<10240x16xf32, #tpu.memory_space<vmem_shared>> -> memref<10240x16xf32, #tpu.memory_space<vmem_shared>>
    tpu.wait_indirect_dma semaphore(%arg14 : memref<!tpu.dma_semaphore, #tpu.memory_space<semaphore_mem>>) src(%dma_wait3A_22 : memref<1280x16xf32, #tpu.memory_space<vmem>>) dst(%dma_wait3A_28 : memref<10240x16xf32, #tpu.memory_space<vmem_shared>>)
    %barrier3A_29 = arith.constant 0 : index
    tpu.barrier barrier_id(%barrier3A_29)
    "tpu.region"() ({
      %run_scoped3A = tpu.sem_alloc : memref<!tpu.dma_semaphore, #tpu.memory_space<semaphore_mem>>
      %dma_start3A_30 = arith.constant 0 : i32
      %dma_start3A_31 = tpu.memref_slice %arg6[%arg0, %mul3A_2, %dma_start3A_30] : memref<2x10240x16xf32, #tpu.memory_space<hbm>> -> memref<1x640x16xf32, #tpu.memory_space<hbm>>
      %dma_start3A_32 = tpu.memref_squeeze %dma_start3A_31 : memref<1x640x16xf32, #tpu.memory_space<hbm>> -> memref<640x16xf32, #tpu.memory_space<hbm>>
      %dma_start3A_33 = arith.constant 0 : i32
      %dma_start3A_34 = tpu.memref_slice %arg7[%mul3A_2, %dma_start3A_33] : memref<10240x16xf32, #tpu.memory_space<vmem_shared>> -> memref<640x16xf32, #tpu.memory_space<vmem_shared>>
      tpu.enqueue_dma source(%dma_start3A_34 : memref<640x16xf32, #tpu.memory_space<vmem_shared>>) target(%dma_start3A_32 : memref<640x16xf32, #tpu.memory_space<hbm>>) target_semaphore(%run_scoped3A : memref<!tpu.dma_semaphore, #tpu.memory_space<semaphore_mem>>)
      %dma_wait3A_35 = arith.constant 0 : i32
      %dma_wait3A_36 = tpu.memref_slice %arg6[%arg0, %mul3A_2, %dma_wait3A_35] : memref<2x10240x16xf32, #tpu.memory_space<hbm>> -> memref<1x640x16xf32, #tpu.memory_space<hbm>>
      %dma_wait3A_37 = tpu.memref_squeeze %dma_wait3A_36 : memref<1x640x16xf32, #tpu.memory_space<hbm>> -> memref<640x16xf32, #tpu.memory_space<hbm>>
      %dma_wait3A_38 = arith.constant 0 : i32
      %dma_wait3A_39 = tpu.memref_slice %arg7[%mul3A_2, %dma_wait3A_38] : memref<10240x16xf32, #tpu.memory_space<vmem_shared>> -> memref<640x16xf32, #tpu.memory_space<vmem_shared>>
      tpu.wait_dma2 semaphore(%run_scoped3A : memref<!tpu.dma_semaphore, #tpu.memory_space<semaphore_mem>>) src(%dma_wait3A_39 : memref<640x16xf32, #tpu.memory_space<vmem_shared>>) dst(%dma_wait3A_37 : memref<640x16xf32, #tpu.memory_space<hbm>>)
      tpu.yield
    }) : () -> ()
    return
  }
}

#map = affine_map<(d0, d1) -> (0, 0)>
#map1 = affine_map<(d0, d1) -> (0, 0, 0)>
module attributes {stable_mosaic.version = 14 : i64} {
  func.func @body(%arg0: i32, %arg1: i32, %arg2: memref<10240x16xf32, #tpu.memory_space<hbm>>, %arg3: memref<32x8x1280xi32, #tpu.memory_space<hbm>>, %arg4: memref<32x8x1280xi32, #tpu.memory_space<hbm>>, %arg5: memref<10240x16xf32, #tpu.memory_space<hbm>>, %arg6: memref<2x10240x16xf32, #tpu.memory_space<hbm>>, %arg7: memref<10240x16xf32, #tpu.memory_space<vmem_shared>>, %arg8: memref<8x1280xi32, #tpu.memory_space<vmem>>, %arg9: memref<8x1280xi32, #tpu.memory_space<vmem>>, %arg10: memref<2x1280x16xf32, #tpu.memory_space<vmem>>, %arg11: memref<!tpu.dma_semaphore, #tpu.memory_space<semaphore_mem>>, %arg12: memref<!tpu.dma_semaphore, #tpu.memory_space<semaphore_mem>>, %arg13: memref<!tpu.dma_semaphore, #tpu.memory_space<semaphore_mem>>, %arg14: memref<!tpu.dma_semaphore, #tpu.memory_space<semaphore_mem>>) attributes {dimension_semantics = [#tpu.dimension_semantics<core_parallel>, #tpu.dimension_semantics<subcore_parallel>], iteration_bounds = array<i64: 2, 16>, scalar_prefetch = 0 : i64, scratch_operands = 8 : i64, tpu.core_type = #tpu.core_type<sc_vector_subcore>, window_params = [{transform_indices = #map}, {transform_indices = #map1}, {transform_indices = #map1}, {transform_indices = #map}, {transform_indices = #map1}]} {
    %mul3A = arith.constant 16 : i32
    %mul3A_0 = arith.muli %arg0, %mul3A : i32
    %add3A = arith.addi %mul3A_0, %arg1 : i32
    %mul3A_1 = arith.constant 640 : i32
    %mul3A_2 = arith.muli %arg1, %mul3A_1 : i32
    "tpu.region"() ({
      %run_scoped3A = tpu.sem_alloc : memref<!tpu.dma_semaphore, #tpu.memory_space<semaphore_mem>>
      %dma_start3A_30 = arith.constant 0 : i32
      %dma_start3A_31 = tpu.memref_slice %arg7[%mul3A_2, %dma_start3A_30] : memref<10240x16xf32, #tpu.memory_space<vmem_shared>> -> memref<640x16xf32, #tpu.memory_space<vmem_shared>>
      %dma_start3A_32 = arith.constant 0 : i32
      %dma_start3A_33 = tpu.memref_slice %arg5[%mul3A_2, %dma_start3A_32] : memref<10240x16xf32, #tpu.memory_space<hbm>> -> memref<640x16xf32, #tpu.memory_space<hbm>>
      tpu.enqueue_dma source(%dma_start3A_33 : memref<640x16xf32, #tpu.memory_space<hbm>>) target(%dma_start3A_31 : memref<640x16xf32, #tpu.memory_space<vmem_shared>>) target_semaphore(%run_scoped3A : memref<!tpu.dma_semaphore, #tpu.memory_space<semaphore_mem>>)
      %dma_wait3A_34 = arith.constant 0 : i32
      %dma_wait3A_35 = tpu.memref_slice %arg7[%mul3A_2, %dma_wait3A_34] : memref<10240x16xf32, #tpu.memory_space<vmem_shared>> -> memref<640x16xf32, #tpu.memory_space<vmem_shared>>
      %dma_wait3A_36 = arith.constant 0 : i32
      %dma_wait3A_37 = tpu.memref_slice %arg5[%mul3A_2, %dma_wait3A_36] : memref<10240x16xf32, #tpu.memory_space<hbm>> -> memref<640x16xf32, #tpu.memory_space<hbm>>
      tpu.wait_dma2 semaphore(%run_scoped3A : memref<!tpu.dma_semaphore, #tpu.memory_space<semaphore_mem>>) src(%dma_wait3A_37 : memref<640x16xf32, #tpu.memory_space<hbm>>) dst(%dma_wait3A_35 : memref<640x16xf32, #tpu.memory_space<vmem_shared>>)
      tpu.yield
    }) : () -> ()
    "tpu.region"() ({
      %run_scoped3A = tpu.sem_alloc : memref<!tpu.dma_semaphore, #tpu.memory_space<semaphore_mem>>
      %dma_start3A_30 = arith.constant 0 : i32
      %dma_start3A_31 = arith.constant 0 : i32
      %dma_start3A_32 = tpu.memref_slice %arg3[%add3A, %dma_start3A_30, %dma_start3A_31] : memref<32x8x1280xi32, #tpu.memory_space<hbm>> -> memref<1x8x1280xi32, #tpu.memory_space<hbm>>
      %dma_start3A_33 = tpu.memref_squeeze %dma_start3A_32 : memref<1x8x1280xi32, #tpu.memory_space<hbm>> -> memref<8x1280xi32, #tpu.memory_space<hbm>>
      %dma_start3A_34 = arith.constant 0 : i32
      %dma_start3A_35 = arith.constant 0 : i32
      %dma_start3A_36 = tpu.memref_slice %arg3[%add3A, %dma_start3A_34, %dma_start3A_35] : memref<32x8x1280xi32, #tpu.memory_space<hbm>> -> memref<1x8x1280xi32, #tpu.memory_space<hbm>>
      %dma_start3A_37 = tpu.memref_squeeze %dma_start3A_36 : memref<1x8x1280xi32, #tpu.memory_space<hbm>> -> memref<8x1280xi32, #tpu.memory_space<hbm>>
      tpu.enqueue_dma source(%dma_start3A_37 : memref<8x1280xi32, #tpu.memory_space<hbm>>) target(%arg8 : memref<8x1280xi32, #tpu.memory_space<vmem>>) target_semaphore(%run_scoped3A : memref<!tpu.dma_semaphore, #tpu.memory_space<semaphore_mem>>)
      %dma_wait3A_38 = arith.constant 0 : i32
      %dma_wait3A_39 = arith.constant 0 : i32
      %dma_wait3A_40 = tpu.memref_slice %arg3[%add3A, %dma_wait3A_38, %dma_wait3A_39] : memref<32x8x1280xi32, #tpu.memory_space<hbm>> -> memref<1x8x1280xi32, #tpu.memory_space<hbm>>
      %dma_wait3A_41 = tpu.memref_squeeze %dma_wait3A_40 : memref<1x8x1280xi32, #tpu.memory_space<hbm>> -> memref<8x1280xi32, #tpu.memory_space<hbm>>
      %dma_wait3A_42 = arith.constant 0 : i32
      %dma_wait3A_43 = arith.constant 0 : i32
      %dma_wait3A_44 = tpu.memref_slice %arg3[%add3A, %dma_wait3A_42, %dma_wait3A_43] : memref<32x8x1280xi32, #tpu.memory_space<hbm>> -> memref<1x8x1280xi32, #tpu.memory_space<hbm>>
      %dma_wait3A_45 = tpu.memref_squeeze %dma_wait3A_44 : memref<1x8x1280xi32, #tpu.memory_space<hbm>> -> memref<8x1280xi32, #tpu.memory_space<hbm>>
      tpu.wait_dma2 semaphore(%run_scoped3A : memref<!tpu.dma_semaphore, #tpu.memory_space<semaphore_mem>>) src(%dma_wait3A_45 : memref<8x1280xi32, #tpu.memory_space<hbm>>) dst(%arg8 : memref<8x1280xi32, #tpu.memory_space<vmem>>)
      tpu.yield
    }) : () -> ()
    "tpu.region"() ({
      %run_scoped3A = tpu.sem_alloc : memref<!tpu.dma_semaphore, #tpu.memory_space<semaphore_mem>>
      %dma_start3A_30 = arith.constant 0 : i32
      %dma_start3A_31 = arith.constant 0 : i32
      %dma_start3A_32 = tpu.memref_slice %arg4[%add3A, %dma_start3A_30, %dma_start3A_31] : memref<32x8x1280xi32, #tpu.memory_space<hbm>> -> memref<1x8x1280xi32, #tpu.memory_space<hbm>>
      %dma_start3A_33 = tpu.memref_squeeze %dma_start3A_32 : memref<1x8x1280xi32, #tpu.memory_space<hbm>> -> memref<8x1280xi32, #tpu.memory_space<hbm>>
      %dma_start3A_34 = arith.constant 0 : i32
      %dma_start3A_35 = arith.constant 0 : i32
      %dma_start3A_36 = tpu.memref_slice %arg4[%add3A, %dma_start3A_34, %dma_start3A_35] : memref<32x8x1280xi32, #tpu.memory_space<hbm>> -> memref<1x8x1280xi32, #tpu.memory_space<hbm>>
      %dma_start3A_37 = tpu.memref_squeeze %dma_start3A_36 : memref<1x8x1280xi32, #tpu.memory_space<hbm>> -> memref<8x1280xi32, #tpu.memory_space<hbm>>
      tpu.enqueue_dma source(%dma_start3A_37 : memref<8x1280xi32, #tpu.memory_space<hbm>>) target(%arg9 : memref<8x1280xi32, #tpu.memory_space<vmem>>) target_semaphore(%run_scoped3A : memref<!tpu.dma_semaphore, #tpu.memory_space<semaphore_mem>>)
      %dma_wait3A_38 = arith.constant 0 : i32
      %dma_wait3A_39 = arith.constant 0 : i32
      %dma_wait3A_40 = tpu.memref_slice %arg4[%add3A, %dma_wait3A_38, %dma_wait3A_39] : memref<32x8x1280xi32, #tpu.memory_space<hbm>> -> memref<1x8x1280xi32, #tpu.memory_space<hbm>>
      %dma_wait3A_41 = tpu.memref_squeeze %dma_wait3A_40 : memref<1x8x1280xi32, #tpu.memory_space<hbm>> -> memref<8x1280xi32, #tpu.memory_space<hbm>>
      %dma_wait3A_42 = arith.constant 0 : i32
      %dma_wait3A_43 = arith.constant 0 : i32
      %dma_wait3A_44 = tpu.memref_slice %arg4[%add3A, %dma_wait3A_42, %dma_wait3A_43] : memref<32x8x1280xi32, #tpu.memory_space<hbm>> -> memref<1x8x1280xi32, #tpu.memory_space<hbm>>
      %dma_wait3A_45 = tpu.memref_squeeze %dma_wait3A_44 : memref<1x8x1280xi32, #tpu.memory_space<hbm>> -> memref<8x1280xi32, #tpu.memory_space<hbm>>
      tpu.wait_dma2 semaphore(%run_scoped3A : memref<!tpu.dma_semaphore, #tpu.memory_space<semaphore_mem>>) src(%dma_wait3A_45 : memref<8x1280xi32, #tpu.memory_space<hbm>>) dst(%arg9 : memref<8x1280xi32, #tpu.memory_space<vmem>>)
      tpu.yield
    }) : () -> ()
    %barrier3A = arith.constant 0 : index
    tpu.barrier barrier_id(%barrier3A)
    %dma_start3A = arith.constant 0 : i32
    %dma_start3A_3 = arith.constant 0 : i32
    %dma_start3A_4 = arith.constant 0 : i32
    %dma_start3A_5 = arith.constant 0 : i32
    %dma_start3A_6 = tpu.memref_slice %arg10[%dma_start3A_3, %dma_start3A_4, %dma_start3A_5] : memref<2x1280x16xf32, #tpu.memory_space<vmem>> -> memref<1x1280x16xf32, #tpu.memory_space<vmem>>
    %dma_start3A_7 = tpu.memref_squeeze %dma_start3A_6 : memref<1x1280x16xf32, #tpu.memory_space<vmem>> -> memref<1280x16xf32, #tpu.memory_space<vmem>>
    %dma_start3A_8 = arith.constant 0 : i32
    %dma_start3A_9 = tpu.memref_slice %arg8[%dma_start3A, %dma_start3A_8] : memref<8x1280xi32, #tpu.memory_space<vmem>> -> memref<1x1280xi32, #tpu.memory_space<vmem>>
    %dma_start3A_10 = tpu.memref_squeeze %dma_start3A_9 : memref<1x1280xi32, #tpu.memory_space<vmem>> -> memref<1280xi32, #tpu.memory_space<vmem>>
    %dma_start3A_11 = arith.constant 0 : i32
    %dma_start3A_12 = arith.constant 0 : i32
    %dma_start3A_13 = tpu.memref_slice %arg2[%dma_start3A_11, %dma_start3A_12] : memref<10240x16xf32, #tpu.memory_space<hbm>> -> memref<10240x16xf32, #tpu.memory_space<hbm>>
    tpu.enqueue_indirect_dma source(%dma_start3A_13 : memref<10240x16xf32, #tpu.memory_space<hbm>>) target(%dma_start3A_7 : memref<1280x16xf32, #tpu.memory_space<vmem>>) offsets(%dma_start3A_10 : memref<1280xi32, #tpu.memory_space<vmem>>) semaphore(%arg11 : memref<!tpu.dma_semaphore, #tpu.memory_space<semaphore_mem>>)
    %scan3A = arith.constant 0 : i32
    %scan3A_14 = arith.constant 4 : i32
    %scan3A_15 = arith.addi %scan3A, %scan3A_14 : i32
    %scan3A_16 = arith.constant 1 : i32
    scf.for %scan3A_30 = %scan3A to %scan3A_15 step %scan3A_16  : i32 {
      %mul3A_31 = arith.constant 1 : i32
      %mul3A_32 = arith.muli %scan3A_30, %mul3A_31 : i32
      %add3A_33 = arith.constant 0 : i32
      %add3A_34 = arith.addi %add3A_33, %mul3A_32 : i32
      %mul3A_35 = arith.constant 2 : i32
      %mul3A_36 = arith.muli %add3A_34, %mul3A_35 : i32
      %add3A_37 = arith.constant 0 : i32
      %add3A_38 = arith.addi %mul3A_36, %add3A_37 : i32
      %add3A_39 = arith.constant 1 : i32
      %add3A_40 = arith.addi %add3A_38, %add3A_39 : i32
      %ge3A = arith.constant 2 : i32
      %ge3A_41 = arith.cmpi sge, %add3A_40, %ge3A : i32
      %convert_element_type3A = arith.extui %ge3A_41 : i1 to i32
      %cond3A = arith.constant 0 : i32
      %cond3A_42 = arith.cmpi ne, %convert_element_type3A, %cond3A : i32
      scf.if %cond3A_42 {
        %dma_wait3A_111 = arith.constant 1 : i32
        %dma_wait3A_112 = arith.constant 0 : i32
        %dma_wait3A_113 = arith.constant 0 : i32
        %dma_wait3A_114 = arith.constant 0 : i32
        %dma_wait3A_115 = tpu.memref_slice %arg10[%dma_wait3A_111, %dma_wait3A_113, %dma_wait3A_114] : memref<2x1280x16xf32, #tpu.memory_space<vmem>> -> memref<1x1280x16xf32, #tpu.memory_space<vmem>>
        %dma_wait3A_116 = tpu.memref_squeeze %dma_wait3A_115 : memref<1x1280x16xf32, #tpu.memory_space<vmem>> -> memref<1280x16xf32, #tpu.memory_space<vmem>>
        %dma_wait3A_117 = arith.constant 0 : i32
        %dma_wait3A_118 = tpu.memref_slice %arg9[%dma_wait3A_112, %dma_wait3A_117] : memref<8x1280xi32, #tpu.memory_space<vmem>> -> memref<1x1280xi32, #tpu.memory_space<vmem>>
        %dma_wait3A_119 = tpu.memref_squeeze %dma_wait3A_118 : memref<1x1280xi32, #tpu.memory_space<vmem>> -> memref<1280xi32, #tpu.memory_space<vmem>>
        %dma_wait3A_120 = arith.constant 0 : i32
        %dma_wait3A_121 = arith.constant 0 : i32
        %dma_wait3A_122 = tpu.memref_slice %arg7[%dma_wait3A_120, %dma_wait3A_121] : memref<10240x16xf32, #tpu.memory_space<vmem_shared>> -> memref<10240x16xf32, #tpu.memory_space<vmem_shared>>
        tpu.wait_indirect_dma semaphore(%arg14 : memref<!tpu.dma_semaphore, #tpu.memory_space<semaphore_mem>>) src(%dma_wait3A_116 : memref<1280x16xf32, #tpu.memory_space<vmem>>) dst(%dma_wait3A_122 : memref<10240x16xf32, #tpu.memory_space<vmem_shared>>)
      } else {
      }
      %add3A_43 = arith.constant 1 : i32
      %add3A_44 = arith.addi %add3A_38, %add3A_43 : i32
      %lt3A = arith.constant 8 : i32
      %lt3A_45 = arith.cmpi slt, %add3A_44, %lt3A : i32
      %convert_element_type3A_46 = arith.extui %lt3A_45 : i1 to i32
      %cond3A_47 = arith.constant 0 : i32
      %cond3A_48 = arith.cmpi ne, %convert_element_type3A_46, %cond3A_47 : i32
      scf.if %cond3A_48 {
        %add3A_111 = arith.constant 1 : i32
        %add3A_112 = arith.addi %add3A_38, %add3A_111 : i32
        %dma_start3A_113 = arith.constant 1 : i32
        %dma_start3A_114 = arith.constant 0 : i32
        %dma_start3A_115 = arith.constant 0 : i32
        %dma_start3A_116 = tpu.memref_slice %arg10[%dma_start3A_113, %dma_start3A_114, %dma_start3A_115] : memref<2x1280x16xf32, #tpu.memory_space<vmem>> -> memref<1x1280x16xf32, #tpu.memory_space<vmem>>
        %dma_start3A_117 = tpu.memref_squeeze %dma_start3A_116 : memref<1x1280x16xf32, #tpu.memory_space<vmem>> -> memref<1280x16xf32, #tpu.memory_space<vmem>>
        %dma_start3A_118 = arith.constant 0 : i32
        %dma_start3A_119 = tpu.memref_slice %arg8[%add3A_112, %dma_start3A_118] : memref<8x1280xi32, #tpu.memory_space<vmem>> -> memref<1x1280xi32, #tpu.memory_space<vmem>>
        %dma_start3A_120 = tpu.memref_squeeze %dma_start3A_119 : memref<1x1280xi32, #tpu.memory_space<vmem>> -> memref<1280xi32, #tpu.memory_space<vmem>>
        %dma_start3A_121 = arith.constant 0 : i32
        %dma_start3A_122 = arith.constant 0 : i32
        %dma_start3A_123 = tpu.memref_slice %arg2[%dma_start3A_121, %dma_start3A_122] : memref<10240x16xf32, #tpu.memory_space<hbm>> -> memref<10240x16xf32, #tpu.memory_space<hbm>>
        tpu.enqueue_indirect_dma source(%dma_start3A_123 : memref<10240x16xf32, #tpu.memory_space<hbm>>) target(%dma_start3A_117 : memref<1280x16xf32, #tpu.memory_space<vmem>>) offsets(%dma_start3A_120 : memref<1280xi32, #tpu.memory_space<vmem>>) semaphore(%arg12 : memref<!tpu.dma_semaphore, #tpu.memory_space<semaphore_mem>>)
      } else {
      }
      %dma_wait3A_49 = arith.constant 0 : i32
      %dma_wait3A_50 = arith.constant 0 : i32
      %dma_wait3A_51 = arith.constant 0 : i32
      %dma_wait3A_52 = tpu.memref_slice %arg10[%dma_wait3A_49, %dma_wait3A_50, %dma_wait3A_51] : memref<2x1280x16xf32, #tpu.memory_space<vmem>> -> memref<1x1280x16xf32, #tpu.memory_space<vmem>>
      %dma_wait3A_53 = tpu.memref_squeeze %dma_wait3A_52 : memref<1x1280x16xf32, #tpu.memory_space<vmem>> -> memref<1280x16xf32, #tpu.memory_space<vmem>>
      %dma_wait3A_54 = arith.constant 0 : i32
      %dma_wait3A_55 = tpu.memref_slice %arg8[%add3A_38, %dma_wait3A_54] : memref<8x1280xi32, #tpu.memory_space<vmem>> -> memref<1x1280xi32, #tpu.memory_space<vmem>>
      %dma_wait3A_56 = tpu.memref_squeeze %dma_wait3A_55 : memref<1x1280xi32, #tpu.memory_space<vmem>> -> memref<1280xi32, #tpu.memory_space<vmem>>
      %dma_wait3A_57 = arith.constant 0 : i32
      %dma_wait3A_58 = arith.constant 0 : i32
      %dma_wait3A_59 = tpu.memref_slice %arg2[%dma_wait3A_57, %dma_wait3A_58] : memref<10240x16xf32, #tpu.memory_space<hbm>> -> memref<10240x16xf32, #tpu.memory_space<hbm>>
      tpu.wait_indirect_dma semaphore(%arg11 : memref<!tpu.dma_semaphore, #tpu.memory_space<semaphore_mem>>) src(%dma_wait3A_59 : memref<10240x16xf32, #tpu.memory_space<hbm>>) dst(%dma_wait3A_53 : memref<1280x16xf32, #tpu.memory_space<vmem>>)
      %dma_start3A_60 = arith.constant 0 : i32
      %dma_start3A_61 = arith.constant 0 : i32
      %dma_start3A_62 = arith.constant 0 : i32
      %dma_start3A_63 = tpu.memref_slice %arg10[%dma_start3A_60, %dma_start3A_61, %dma_start3A_62] : memref<2x1280x16xf32, #tpu.memory_space<vmem>> -> memref<1x1280x16xf32, #tpu.memory_space<vmem>>
      %dma_start3A_64 = tpu.memref_squeeze %dma_start3A_63 : memref<1x1280x16xf32, #tpu.memory_space<vmem>> -> memref<1280x16xf32, #tpu.memory_space<vmem>>
      %dma_start3A_65 = arith.constant 0 : i32
      %dma_start3A_66 = tpu.memref_slice %arg9[%add3A_38, %dma_start3A_65] : memref<8x1280xi32, #tpu.memory_space<vmem>> -> memref<1x1280xi32, #tpu.memory_space<vmem>>
      %dma_start3A_67 = tpu.memref_squeeze %dma_start3A_66 : memref<1x1280xi32, #tpu.memory_space<vmem>> -> memref<1280xi32, #tpu.memory_space<vmem>>
      %dma_start3A_68 = arith.constant 0 : i32
      %dma_start3A_69 = arith.constant 0 : i32
      %dma_start3A_70 = tpu.memref_slice %arg7[%dma_start3A_68, %dma_start3A_69] : memref<10240x16xf32, #tpu.memory_space<vmem_shared>> -> memref<10240x16xf32, #tpu.memory_space<vmem_shared>>
      tpu.enqueue_indirect_dma source(%dma_start3A_64 : memref<1280x16xf32, #tpu.memory_space<vmem>>) target(%dma_start3A_70 : memref<10240x16xf32, #tpu.memory_space<vmem_shared>>) offsets(%dma_start3A_67 : memref<1280xi32, #tpu.memory_space<vmem>>) semaphore(%arg13 : memref<!tpu.dma_semaphore, #tpu.memory_space<semaphore_mem>>) {add = true}
      %mul3A_71 = arith.constant 2 : i32
      %mul3A_72 = arith.muli %add3A_34, %mul3A_71 : i32
      %add3A_73 = arith.constant 1 : i32
      %add3A_74 = arith.addi %mul3A_72, %add3A_73 : i32
      %add3A_75 = arith.constant 1 : i32
      %add3A_76 = arith.addi %add3A_74, %add3A_75 : i32
      %ge3A_77 = arith.constant 2 : i32
      %ge3A_78 = arith.cmpi sge, %add3A_76, %ge3A_77 : i32
      %convert_element_type3A_79 = arith.extui %ge3A_78 : i1 to i32
      %cond3A_80 = arith.constant 0 : i32
      %cond3A_81 = arith.cmpi ne, %convert_element_type3A_79, %cond3A_80 : i32
      scf.if %cond3A_81 {
        %dma_wait3A_111 = arith.constant 0 : i32
        %dma_wait3A_112 = arith.constant 0 : i32
        %dma_wait3A_113 = arith.constant 0 : i32
        %dma_wait3A_114 = arith.constant 0 : i32
        %dma_wait3A_115 = tpu.memref_slice %arg10[%dma_wait3A_111, %dma_wait3A_113, %dma_wait3A_114] : memref<2x1280x16xf32, #tpu.memory_space<vmem>> -> memref<1x1280x16xf32, #tpu.memory_space<vmem>>
        %dma_wait3A_116 = tpu.memref_squeeze %dma_wait3A_115 : memref<1x1280x16xf32, #tpu.memory_space<vmem>> -> memref<1280x16xf32, #tpu.memory_space<vmem>>
        %dma_wait3A_117 = arith.constant 0 : i32
        %dma_wait3A_118 = tpu.memref_slice %arg9[%dma_wait3A_112, %dma_wait3A_117] : memref<8x1280xi32, #tpu.memory_space<vmem>> -> memref<1x1280xi32, #tpu.memory_space<vmem>>
        %dma_wait3A_119 = tpu.memref_squeeze %dma_wait3A_118 : memref<1x1280xi32, #tpu.memory_space<vmem>> -> memref<1280xi32, #tpu.memory_space<vmem>>
        %dma_wait3A_120 = arith.constant 0 : i32
        %dma_wait3A_121 = arith.constant 0 : i32
        %dma_wait3A_122 = tpu.memref_slice %arg7[%dma_wait3A_120, %dma_wait3A_121] : memref<10240x16xf32, #tpu.memory_space<vmem_shared>> -> memref<10240x16xf32, #tpu.memory_space<vmem_shared>>
        tpu.wait_indirect_dma semaphore(%arg13 : memref<!tpu.dma_semaphore, #tpu.memory_space<semaphore_mem>>) src(%dma_wait3A_116 : memref<1280x16xf32, #tpu.memory_space<vmem>>) dst(%dma_wait3A_122 : memref<10240x16xf32, #tpu.memory_space<vmem_shared>>)
      } else {
      }
      %add3A_82 = arith.constant 1 : i32
      %add3A_83 = arith.addi %add3A_74, %add3A_82 : i32
      %lt3A_84 = arith.constant 8 : i32
      %lt3A_85 = arith.cmpi slt, %add3A_83, %lt3A_84 : i32
      %convert_element_type3A_86 = arith.extui %lt3A_85 : i1 to i32
      %cond3A_87 = arith.constant 0 : i32
      %cond3A_88 = arith.cmpi ne, %convert_element_type3A_86, %cond3A_87 : i32
      scf.if %cond3A_88 {
        %add3A_111 = arith.constant 1 : i32
        %add3A_112 = arith.addi %add3A_74, %add3A_111 : i32
        %dma_start3A_113 = arith.constant 0 : i32
        %dma_start3A_114 = arith.constant 0 : i32
        %dma_start3A_115 = arith.constant 0 : i32
        %dma_start3A_116 = tpu.memref_slice %arg10[%dma_start3A_113, %dma_start3A_114, %dma_start3A_115] : memref<2x1280x16xf32, #tpu.memory_space<vmem>> -> memref<1x1280x16xf32, #tpu.memory_space<vmem>>
        %dma_start3A_117 = tpu.memref_squeeze %dma_start3A_116 : memref<1x1280x16xf32, #tpu.memory_space<vmem>> -> memref<1280x16xf32, #tpu.memory_space<vmem>>
        %dma_start3A_118 = arith.constant 0 : i32
        %dma_start3A_119 = tpu.memref_slice %arg8[%add3A_112, %dma_start3A_118] : memref<8x1280xi32, #tpu.memory_space<vmem>> -> memref<1x1280xi32, #tpu.memory_space<vmem>>
        %dma_start3A_120 = tpu.memref_squeeze %dma_start3A_119 : memref<1x1280xi32, #tpu.memory_space<vmem>> -> memref<1280xi32, #tpu.memory_space<vmem>>
        %dma_start3A_121 = arith.constant 0 : i32
        %dma_start3A_122 = arith.constant 0 : i32
        %dma_start3A_123 = tpu.memref_slice %arg2[%dma_start3A_121, %dma_start3A_122] : memref<10240x16xf32, #tpu.memory_space<hbm>> -> memref<10240x16xf32, #tpu.memory_space<hbm>>
        tpu.enqueue_indirect_dma source(%dma_start3A_123 : memref<10240x16xf32, #tpu.memory_space<hbm>>) target(%dma_start3A_117 : memref<1280x16xf32, #tpu.memory_space<vmem>>) offsets(%dma_start3A_120 : memref<1280xi32, #tpu.memory_space<vmem>>) semaphore(%arg11 : memref<!tpu.dma_semaphore, #tpu.memory_space<semaphore_mem>>)
      } else {
      }
      %dma_wait3A_89 = arith.constant 1 : i32
      %dma_wait3A_90 = arith.constant 0 : i32
      %dma_wait3A_91 = arith.constant 0 : i32
      %dma_wait3A_92 = tpu.memref_slice %arg10[%dma_wait3A_89, %dma_wait3A_90, %dma_wait3A_91] : memref<2x1280x16xf32, #tpu.memory_space<vmem>> -> memref<1x1280x16xf32, #tpu.memory_space<vmem>>
      %dma_wait3A_93 = tpu.memref_squeeze %dma_wait3A_92 : memref<1x1280x16xf32, #tpu.memory_space<vmem>> -> memref<1280x16xf32, #tpu.memory_space<vmem>>
      %dma_wait3A_94 = arith.constant 0 : i32
      %dma_wait3A_95 = tpu.memref_slice %arg8[%add3A_74, %dma_wait3A_94] : memref<8x1280xi32, #tpu.memory_space<vmem>> -> memref<1x1280xi32, #tpu.memory_space<vmem>>
      %dma_wait3A_96 = tpu.memref_squeeze %dma_wait3A_95 : memref<1x1280xi32, #tpu.memory_space<vmem>> -> memref<1280xi32, #tpu.memory_space<vmem>>
      %dma_wait3A_97 = arith.constant 0 : i32
      %dma_wait3A_98 = arith.constant 0 : i32
      %dma_wait3A_99 = tpu.memref_slice %arg2[%dma_wait3A_97, %dma_wait3A_98] : memref<10240x16xf32, #tpu.memory_space<hbm>> -> memref<10240x16xf32, #tpu.memory_space<hbm>>
      tpu.wait_indirect_dma semaphore(%arg12 : memref<!tpu.dma_semaphore, #tpu.memory_space<semaphore_mem>>) src(%dma_wait3A_99 : memref<10240x16xf32, #tpu.memory_space<hbm>>) dst(%dma_wait3A_93 : memref<1280x16xf32, #tpu.memory_space<vmem>>)
      %dma_start3A_100 = arith.constant 1 : i32
      %dma_start3A_101 = arith.constant 0 : i32
      %dma_start3A_102 = arith.constant 0 : i32
      %dma_start3A_103 = tpu.memref_slice %arg10[%dma_start3A_100, %dma_start3A_101, %dma_start3A_102] : memref<2x1280x16xf32, #tpu.memory_space<vmem>> -> memref<1x1280x16xf32, #tpu.memory_space<vmem>>
      %dma_start3A_104 = tpu.memref_squeeze %dma_start3A_103 : memref<1x1280x16xf32, #tpu.memory_space<vmem>> -> memref<1280x16xf32, #tpu.memory_space<vmem>>
      %dma_start3A_105 = arith.constant 0 : i32
      %dma_start3A_106 = tpu.memref_slice %arg9[%add3A_74, %dma_start3A_105] : memref<8x1280xi32, #tpu.memory_space<vmem>> -> memref<1x1280xi32, #tpu.memory_space<vmem>>
      %dma_start3A_107 = tpu.memref_squeeze %dma_start3A_106 : memref<1x1280xi32, #tpu.memory_space<vmem>> -> memref<1280xi32, #tpu.memory_space<vmem>>
      %dma_start3A_108 = arith.constant 0 : i32
      %dma_start3A_109 = arith.constant 0 : i32
      %dma_start3A_110 = tpu.memref_slice %arg7[%dma_start3A_108, %dma_start3A_109] : memref<10240x16xf32, #tpu.memory_space<vmem_shared>> -> memref<10240x16xf32, #tpu.memory_space<vmem_shared>>
      tpu.enqueue_indirect_dma source(%dma_start3A_104 : memref<1280x16xf32, #tpu.memory_space<vmem>>) target(%dma_start3A_110 : memref<10240x16xf32, #tpu.memory_space<vmem_shared>>) offsets(%dma_start3A_107 : memref<1280xi32, #tpu.memory_space<vmem>>) semaphore(%arg14 : memref<!tpu.dma_semaphore, #tpu.memory_space<semaphore_mem>>) {add = true}
    }
    %scan3A_17 = arith.constant 4 : i32
    %dma_wait3A = arith.constant 1 : i32
    %dma_wait3A_18 = arith.constant 0 : i32
    %dma_wait3A_19 = arith.constant 0 : i32
    %dma_wait3A_20 = arith.constant 0 : i32
    %dma_wait3A_21 = tpu.memref_slice %arg10[%dma_wait3A, %dma_wait3A_19, %dma_wait3A_20] : memref<2x1280x16xf32, #tpu.memory_space<vmem>> -> memref<1x1280x16xf32, #tpu.memory_space<vmem>>
    %dma_wait3A_22 = tpu.memref_squeeze %dma_wait3A_21 : memref<1x1280x16xf32, #tpu.memory_space<vmem>> -> memref<1280x16xf32, #tpu.memory_space<vmem>>
    %dma_wait3A_23 = arith.constant 0 : i32
    %dma_wait3A_24 = tpu.memref_slice %arg9[%dma_wait3A_18, %dma_wait3A_23] : memref<8x1280xi32, #tpu.memory_space<vmem>> -> memref<1x1280xi32, #tpu.memory_space<vmem>>
    %dma_wait3A_25 = tpu.memref_squeeze %dma_wait3A_24 : memref<1x1280xi32, #tpu.memory_space<vmem>> -> memref<1280xi32, #tpu.memory_space<vmem>>
    %dma_wait3A_26 = arith.constant 0 : i32
    %dma_wait3A_27 = arith.constant 0 : i32
    %dma_wait3A_28 = tpu.memref_slice %arg7[%dma_wait3A_26, %dma_wait3A_27] : memref<10240x16xf32, #tpu.memory_space<vmem_shared>> -> memref<10240x16xf32, #tpu.memory_space<vmem_shared>>
    tpu.wait_indirect_dma semaphore(%arg14 : memref<!tpu.dma_semaphore, #tpu.memory_space<semaphore_mem>>) src(%dma_wait3A_22 : memref<1280x16xf32, #tpu.memory_space<vmem>>) dst(%dma_wait3A_28 : memref<10240x16xf32, #tpu.memory_space<vmem_shared>>)
    %barrier3A_29 = arith.constant 0 : index
    tpu.barrier barrier_id(%barrier3A_29)
    "tpu.region"() ({
      %run_scoped3A = tpu.sem_alloc : memref<!tpu.dma_semaphore, #tpu.memory_space<semaphore_mem>>
      %dma_start3A_30 = arith.constant 0 : i32
      %dma_start3A_31 = tpu.memref_slice %arg6[%arg0, %mul3A_2, %dma_start3A_30] : memref<2x10240x16xf32, #tpu.memory_space<hbm>> -> memref<1x640x16xf32, #tpu.memory_space<hbm>>
      %dma_start3A_32 = tpu.memref_squeeze %dma_start3A_31 : memref<1x640x16xf32, #tpu.memory_space<hbm>> -> memref<640x16xf32, #tpu.memory_space<hbm>>
      %dma_start3A_33 = arith.constant 0 : i32
      %dma_start3A_34 = tpu.memref_slice %arg7[%mul3A_2, %dma_start3A_33] : memref<10240x16xf32, #tpu.memory_space<vmem_shared>> -> memref<640x16xf32, #tpu.memory_space<vmem_shared>>
      tpu.enqueue_dma source(%dma_start3A_34 : memref<640x16xf32, #tpu.memory_space<vmem_shared>>) target(%dma_start3A_32 : memref<640x16xf32, #tpu.memory_space<hbm>>) target_semaphore(%run_scoped3A : memref<!tpu.dma_semaphore, #tpu.memory_space<semaphore_mem>>)
      %dma_wait3A_35 = arith.constant 0 : i32
      %dma_wait3A_36 = tpu.memref_slice %arg6[%arg0, %mul3A_2, %dma_wait3A_35] : memref<2x10240x16xf32, #tpu.memory_space<hbm>> -> memref<1x640x16xf32, #tpu.memory_space<hbm>>
      %dma_wait3A_37 = tpu.memref_squeeze %dma_wait3A_36 : memref<1x640x16xf32, #tpu.memory_space<hbm>> -> memref<640x16xf32, #tpu.memory_space<hbm>>
      %dma_wait3A_38 = arith.constant 0 : i32
      %dma_wait3A_39 = tpu.memref_slice %arg7[%mul3A_2, %dma_wait3A_38] : memref<10240x16xf32, #tpu.memory_space<vmem_shared>> -> memref<640x16xf32, #tpu.memory_space<vmem_shared>>
      tpu.wait_dma2 semaphore(%run_scoped3A : memref<!tpu.dma_semaphore, #tpu.memory_space<semaphore_mem>>) src(%dma_wait3A_39 : memref<640x16xf32, #tpu.memory_space<vmem_shared>>) dst(%dma_wait3A_37 : memref<640x16xf32, #tpu.memory_space<hbm>>)
      tpu.yield
    }) : () -> ()
    return
  }
}

#map = affine_map<(d0, d1) -> (0, 0)>
#map1 = affine_map<(d0, d1) -> (0, 0, 0)>
module attributes {stable_mosaic.version = 14 : i64} {
  func.func @body(%arg0: i32, %arg1: i32, %arg2: memref<10240x16xf32, #tpu.memory_space<hbm>>, %arg3: memref<32x8x1280xi32, #tpu.memory_space<hbm>>, %arg4: memref<32x8x1280xi32, #tpu.memory_space<hbm>>, %arg5: memref<10240x16xf32, #tpu.memory_space<hbm>>, %arg6: memref<2x10240x16xf32, #tpu.memory_space<hbm>>, %arg7: memref<10240x16xf32, #tpu.memory_space<vmem_shared>>, %arg8: memref<8x1280xi32, #tpu.memory_space<vmem>>, %arg9: memref<8x1280xi32, #tpu.memory_space<vmem>>, %arg10: memref<2x1280x16xf32, #tpu.memory_space<vmem>>, %arg11: memref<!tpu.dma_semaphore, #tpu.memory_space<semaphore_mem>>, %arg12: memref<!tpu.dma_semaphore, #tpu.memory_space<semaphore_mem>>, %arg13: memref<!tpu.dma_semaphore, #tpu.memory_space<semaphore_mem>>, %arg14: memref<!tpu.dma_semaphore, #tpu.memory_space<semaphore_mem>>) attributes {dimension_semantics = [#tpu.dimension_semantics<core_parallel>, #tpu.dimension_semantics<subcore_parallel>], iteration_bounds = array<i64: 2, 16>, scalar_prefetch = 0 : i64, scratch_operands = 8 : i64, tpu.core_type = #tpu.core_type<sc_vector_subcore>, window_params = [{transform_indices = #map}, {transform_indices = #map1}, {transform_indices = #map1}, {transform_indices = #map}, {transform_indices = #map1}]} {
    %mul3A = arith.constant 16 : i32
    %mul3A_0 = arith.muli %arg0, %mul3A : i32
    %add3A = arith.addi %mul3A_0, %arg1 : i32
    %mul3A_1 = arith.constant 640 : i32
    %mul3A_2 = arith.muli %arg1, %mul3A_1 : i32
    "tpu.region"() ({
      %run_scoped3A = tpu.sem_alloc : memref<!tpu.dma_semaphore, #tpu.memory_space<semaphore_mem>>
      %dma_start3A_30 = arith.constant 0 : i32
      %dma_start3A_31 = tpu.memref_slice %arg7[%mul3A_2, %dma_start3A_30] : memref<10240x16xf32, #tpu.memory_space<vmem_shared>> -> memref<640x16xf32, #tpu.memory_space<vmem_shared>>
      %dma_start3A_32 = arith.constant 0 : i32
      %dma_start3A_33 = tpu.memref_slice %arg5[%mul3A_2, %dma_start3A_32] : memref<10240x16xf32, #tpu.memory_space<hbm>> -> memref<640x16xf32, #tpu.memory_space<hbm>>
      tpu.enqueue_dma source(%dma_start3A_33 : memref<640x16xf32, #tpu.memory_space<hbm>>) target(%dma_start3A_31 : memref<640x16xf32, #tpu.memory_space<vmem_shared>>) target_semaphore(%run_scoped3A : memref<!tpu.dma_semaphore, #tpu.memory_space<semaphore_mem>>)
      %dma_wait3A_34 = arith.constant 0 : i32
      %dma_wait3A_35 = tpu.memref_slice %arg7[%mul3A_2, %dma_wait3A_34] : memref<10240x16xf32, #tpu.memory_space<vmem_shared>> -> memref<640x16xf32, #tpu.memory_space<vmem_shared>>
      %dma_wait3A_36 = arith.constant 0 : i32
      %dma_wait3A_37 = tpu.memref_slice %arg5[%mul3A_2, %dma_wait3A_36] : memref<10240x16xf32, #tpu.memory_space<hbm>> -> memref<640x16xf32, #tpu.memory_space<hbm>>
      tpu.wait_dma2 semaphore(%run_scoped3A : memref<!tpu.dma_semaphore, #tpu.memory_space<semaphore_mem>>) src(%dma_wait3A_37 : memref<640x16xf32, #tpu.memory_space<hbm>>) dst(%dma_wait3A_35 : memref<640x16xf32, #tpu.memory_space<vmem_shared>>)
      tpu.yield
    }) : () -> ()
    "tpu.region"() ({
      %run_scoped3A = tpu.sem_alloc : memref<!tpu.dma_semaphore, #tpu.memory_space<semaphore_mem>>
      %dma_start3A_30 = arith.constant 0 : i32
      %dma_start3A_31 = arith.constant 0 : i32
      %dma_start3A_32 = tpu.memref_slice %arg3[%add3A, %dma_start3A_30, %dma_start3A_31] : memref<32x8x1280xi32, #tpu.memory_space<hbm>> -> memref<1x8x1280xi32, #tpu.memory_space<hbm>>
      %dma_start3A_33 = tpu.memref_squeeze %dma_start3A_32 : memref<1x8x1280xi32, #tpu.memory_space<hbm>> -> memref<8x1280xi32, #tpu.memory_space<hbm>>
      %dma_start3A_34 = arith.constant 0 : i32
      %dma_start3A_35 = arith.constant 0 : i32
      %dma_start3A_36 = tpu.memref_slice %arg3[%add3A, %dma_start3A_34, %dma_start3A_35] : memref<32x8x1280xi32, #tpu.memory_space<hbm>> -> memref<1x8x1280xi32, #tpu.memory_space<hbm>>
      %dma_start3A_37 = tpu.memref_squeeze %dma_start3A_36 : memref<1x8x1280xi32, #tpu.memory_space<hbm>> -> memref<8x1280xi32, #tpu.memory_space<hbm>>
      tpu.enqueue_dma source(%dma_start3A_37 : memref<8x1280xi32, #tpu.memory_space<hbm>>) target(%arg8 : memref<8x1280xi32, #tpu.memory_space<vmem>>) target_semaphore(%run_scoped3A : memref<!tpu.dma_semaphore, #tpu.memory_space<semaphore_mem>>)
      %dma_wait3A_38 = arith.constant 0 : i32
      %dma_wait3A_39 = arith.constant 0 : i32
      %dma_wait3A_40 = tpu.memref_slice %arg3[%add3A, %dma_wait3A_38, %dma_wait3A_39] : memref<32x8x1280xi32, #tpu.memory_space<hbm>> -> memref<1x8x1280xi32, #tpu.memory_space<hbm>>
      %dma_wait3A_41 = tpu.memref_squeeze %dma_wait3A_40 : memref<1x8x1280xi32, #tpu.memory_space<hbm>> -> memref<8x1280xi32, #tpu.memory_space<hbm>>
      %dma_wait3A_42 = arith.constant 0 : i32
      %dma_wait3A_43 = arith.constant 0 : i32
      %dma_wait3A_44 = tpu.memref_slice %arg3[%add3A, %dma_wait3A_42, %dma_wait3A_43] : memref<32x8x1280xi32, #tpu.memory_space<hbm>> -> memref<1x8x1280xi32, #tpu.memory_space<hbm>>
      %dma_wait3A_45 = tpu.memref_squeeze %dma_wait3A_44 : memref<1x8x1280xi32, #tpu.memory_space<hbm>> -> memref<8x1280xi32, #tpu.memory_space<hbm>>
      tpu.wait_dma2 semaphore(%run_scoped3A : memref<!tpu.dma_semaphore, #tpu.memory_space<semaphore_mem>>) src(%dma_wait3A_45 : memref<8x1280xi32, #tpu.memory_space<hbm>>) dst(%arg8 : memref<8x1280xi32, #tpu.memory_space<vmem>>)
      tpu.yield
    }) : () -> ()
    "tpu.region"() ({
      %run_scoped3A = tpu.sem_alloc : memref<!tpu.dma_semaphore, #tpu.memory_space<semaphore_mem>>
      %dma_start3A_30 = arith.constant 0 : i32
      %dma_start3A_31 = arith.constant 0 : i32
      %dma_start3A_32 = tpu.memref_slice %arg4[%add3A, %dma_start3A_30, %dma_start3A_31] : memref<32x8x1280xi32, #tpu.memory_space<hbm>> -> memref<1x8x1280xi32, #tpu.memory_space<hbm>>
      %dma_start3A_33 = tpu.memref_squeeze %dma_start3A_32 : memref<1x8x1280xi32, #tpu.memory_space<hbm>> -> memref<8x1280xi32, #tpu.memory_space<hbm>>
      %dma_start3A_34 = arith.constant 0 : i32
      %dma_start3A_35 = arith.constant 0 : i32
      %dma_start3A_36 = tpu.memref_slice %arg4[%add3A, %dma_start3A_34, %dma_start3A_35] : memref<32x8x1280xi32, #tpu.memory_space<hbm>> -> memref<1x8x1280xi32, #tpu.memory_space<hbm>>
      %dma_start3A_37 = tpu.memref_squeeze %dma_start3A_36 : memref<1x8x1280xi32, #tpu.memory_space<hbm>> -> memref<8x1280xi32, #tpu.memory_space<hbm>>
      tpu.enqueue_dma source(%dma_start3A_37 : memref<8x1280xi32, #tpu.memory_space<hbm>>) target(%arg9 : memref<8x1280xi32, #tpu.memory_space<vmem>>) target_semaphore(%run_scoped3A : memref<!tpu.dma_semaphore, #tpu.memory_space<semaphore_mem>>)
      %dma_wait3A_38 = arith.constant 0 : i32
      %dma_wait3A_39 = arith.constant 0 : i32
      %dma_wait3A_40 = tpu.memref_slice %arg4[%add3A, %dma_wait3A_38, %dma_wait3A_39] : memref<32x8x1280xi32, #tpu.memory_space<hbm>> -> memref<1x8x1280xi32, #tpu.memory_space<hbm>>
      %dma_wait3A_41 = tpu.memref_squeeze %dma_wait3A_40 : memref<1x8x1280xi32, #tpu.memory_space<hbm>> -> memref<8x1280xi32, #tpu.memory_space<hbm>>
      %dma_wait3A_42 = arith.constant 0 : i32
      %dma_wait3A_43 = arith.constant 0 : i32
      %dma_wait3A_44 = tpu.memref_slice %arg4[%add3A, %dma_wait3A_42, %dma_wait3A_43] : memref<32x8x1280xi32, #tpu.memory_space<hbm>> -> memref<1x8x1280xi32, #tpu.memory_space<hbm>>
      %dma_wait3A_45 = tpu.memref_squeeze %dma_wait3A_44 : memref<1x8x1280xi32, #tpu.memory_space<hbm>> -> memref<8x1280xi32, #tpu.memory_space<hbm>>
      tpu.wait_dma2 semaphore(%run_scoped3A : memref<!tpu.dma_semaphore, #tpu.memory_space<semaphore_mem>>) src(%dma_wait3A_45 : memref<8x1280xi32, #tpu.memory_space<hbm>>) dst(%arg9 : memref<8x1280xi32, #tpu.memory_space<vmem>>)
      tpu.yield
    }) : () -> ()
    %barrier3A = arith.constant 0 : index
    tpu.barrier barrier_id(%barrier3A)
    %dma_start3A = arith.constant 0 : i32
    %dma_start3A_3 = arith.constant 0 : i32
    %dma_start3A_4 = arith.constant 0 : i32
    %dma_start3A_5 = arith.constant 0 : i32
    %dma_start3A_6 = tpu.memref_slice %arg10[%dma_start3A_3, %dma_start3A_4, %dma_start3A_5] : memref<2x1280x16xf32, #tpu.memory_space<vmem>> -> memref<1x1280x16xf32, #tpu.memory_space<vmem>>
    %dma_start3A_7 = tpu.memref_squeeze %dma_start3A_6 : memref<1x1280x16xf32, #tpu.memory_space<vmem>> -> memref<1280x16xf32, #tpu.memory_space<vmem>>
    %dma_start3A_8 = arith.constant 0 : i32
    %dma_start3A_9 = tpu.memref_slice %arg8[%dma_start3A, %dma_start3A_8] : memref<8x1280xi32, #tpu.memory_space<vmem>> -> memref<1x1280xi32, #tpu.memory_space<vmem>>
    %dma_start3A_10 = tpu.memref_squeeze %dma_start3A_9 : memref<1x1280xi32, #tpu.memory_space<vmem>> -> memref<1280xi32, #tpu.memory_space<vmem>>
    %dma_start3A_11 = arith.constant 0 : i32
    %dma_start3A_12 = arith.constant 0 : i32
    %dma_start3A_13 = tpu.memref_slice %arg2[%dma_start3A_11, %dma_start3A_12] : memref<10240x16xf32, #tpu.memory_space<hbm>> -> memref<10240x16xf32, #tpu.memory_space<hbm>>
    tpu.enqueue_indirect_dma source(%dma_start3A_13 : memref<10240x16xf32, #tpu.memory_space<hbm>>) target(%dma_start3A_7 : memref<1280x16xf32, #tpu.memory_space<vmem>>) offsets(%dma_start3A_10 : memref<1280xi32, #tpu.memory_space<vmem>>) semaphore(%arg11 : memref<!tpu.dma_semaphore, #tpu.memory_space<semaphore_mem>>)
    %scan3A = arith.constant 0 : i32
    %scan3A_14 = arith.constant 4 : i32
    %scan3A_15 = arith.addi %scan3A, %scan3A_14 : i32
    %scan3A_16 = arith.constant 1 : i32
    scf.for %scan3A_30 = %scan3A to %scan3A_15 step %scan3A_16  : i32 {
      %mul3A_31 = arith.constant 1 : i32
      %mul3A_32 = arith.muli %scan3A_30, %mul3A_31 : i32
      %add3A_33 = arith.constant 0 : i32
      %add3A_34 = arith.addi %add3A_33, %mul3A_32 : i32
      %mul3A_35 = arith.constant 2 : i32
      %mul3A_36 = arith.muli %add3A_34, %mul3A_35 : i32
      %add3A_37 = arith.constant 0 : i32
      %add3A_38 = arith.addi %mul3A_36, %add3A_37 : i32
      %add3A_39 = arith.constant 1 : i32
      %add3A_40 = arith.addi %add3A_38, %add3A_39 : i32
      %ge3A = arith.constant 2 : i32
      %ge3A_41 = arith.cmpi sge, %add3A_40, %ge3A : i32
      %convert_element_type3A = arith.extui %ge3A_41 : i1 to i32
      %cond3A = arith.constant 0 : i32
      %cond3A_42 = arith.cmpi ne, %convert_element_type3A, %cond3A : i32
      scf.if %cond3A_42 {
        %dma_wait3A_111 = arith.constant 1 : i32
        %dma_wait3A_112 = arith.constant 0 : i32
        %dma_wait3A_113 = arith.constant 0 : i32
        %dma_wait3A_114 = arith.constant 0 : i32
        %dma_wait3A_115 = tpu.memref_slice %arg10[%dma_wait3A_111, %dma_wait3A_113, %dma_wait3A_114] : memref<2x1280x16xf32, #tpu.memory_space<vmem>> -> memref<1x1280x16xf32, #tpu.memory_space<vmem>>
        %dma_wait3A_116 = tpu.memref_squeeze %dma_wait3A_115 : memref<1x1280x16xf32, #tpu.memory_space<vmem>> -> memref<1280x16xf32, #tpu.memory_space<vmem>>
        %dma_wait3A_117 = arith.constant 0 : i32
        %dma_wait3A_118 = tpu.memref_slice %arg9[%dma_wait3A_112, %dma_wait3A_117] : memref<8x1280xi32, #tpu.memory_space<vmem>> -> memref<1x1280xi32, #tpu.memory_space<vmem>>
        %dma_wait3A_119 = tpu.memref_squeeze %dma_wait3A_118 : memref<1x1280xi32, #tpu.memory_space<vmem>> -> memref<1280xi32, #tpu.memory_space<vmem>>
        %dma_wait3A_120 = arith.constant 0 : i32
        %dma_wait3A_121 = arith.constant 0 : i32
        %dma_wait3A_122 = tpu.memref_slice %arg7[%dma_wait3A_120, %dma_wait3A_121] : memref<10240x16xf32, #tpu.memory_space<vmem_shared>> -> memref<10240x16xf32, #tpu.memory_space<vmem_shared>>
        tpu.wait_indirect_dma semaphore(%arg14 : memref<!tpu.dma_semaphore, #tpu.memory_space<semaphore_mem>>) src(%dma_wait3A_116 : memref<1280x16xf32, #tpu.memory_space<vmem>>) dst(%dma_wait3A_122 : memref<10240x16xf32, #tpu.memory_space<vmem_shared>>)
      } else {
      }
      %add3A_43 = arith.constant 1 : i32
      %add3A_44 = arith.addi %add3A_38, %add3A_43 : i32
      %lt3A = arith.constant 8 : i32
      %lt3A_45 = arith.cmpi slt, %add3A_44, %lt3A : i32
      %convert_element_type3A_46 = arith.extui %lt3A_45 : i1 to i32
      %cond3A_47 = arith.constant 0 : i32
      %cond3A_48 = arith.cmpi ne, %convert_element_type3A_46, %cond3A_47 : i32
      scf.if %cond3A_48 {
        %add3A_111 = arith.constant 1 : i32
        %add3A_112 = arith.addi %add3A_38, %add3A_111 : i32
        %dma_start3A_113 = arith.constant 1 : i32
        %dma_start3A_114 = arith.constant 0 : i32
        %dma_start3A_115 = arith.constant 0 : i32
        %dma_start3A_116 = tpu.memref_slice %arg10[%dma_start3A_113, %dma_start3A_114, %dma_start3A_115] : memref<2x1280x16xf32, #tpu.memory_space<vmem>> -> memref<1x1280x16xf32, #tpu.memory_space<vmem>>
        %dma_start3A_117 = tpu.memref_squeeze %dma_start3A_116 : memref<1x1280x16xf32, #tpu.memory_space<vmem>> -> memref<1280x16xf32, #tpu.memory_space<vmem>>
        %dma_start3A_118 = arith.constant 0 : i32
        %dma_start3A_119 = tpu.memref_slice %arg8[%add3A_112, %dma_start3A_118] : memref<8x1280xi32, #tpu.memory_space<vmem>> -> memref<1x1280xi32, #tpu.memory_space<vmem>>
        %dma_start3A_120 = tpu.memref_squeeze %dma_start3A_119 : memref<1x1280xi32, #tpu.memory_space<vmem>> -> memref<1280xi32, #tpu.memory_space<vmem>>
        %dma_start3A_121 = arith.constant 0 : i32
        %dma_start3A_122 = arith.constant 0 : i32
        %dma_start3A_123 = tpu.memref_slice %arg2[%dma_start3A_121, %dma_start3A_122] : memref<10240x16xf32, #tpu.memory_space<hbm>> -> memref<10240x16xf32, #tpu.memory_space<hbm>>
        tpu.enqueue_indirect_dma source(%dma_start3A_123 : memref<10240x16xf32, #tpu.memory_space<hbm>>) target(%dma_start3A_117 : memref<1280x16xf32, #tpu.memory_space<vmem>>) offsets(%dma_start3A_120 : memref<1280xi32, #tpu.memory_space<vmem>>) semaphore(%arg12 : memref<!tpu.dma_semaphore, #tpu.memory_space<semaphore_mem>>)
      } else {
      }
      %dma_wait3A_49 = arith.constant 0 : i32
      %dma_wait3A_50 = arith.constant 0 : i32
      %dma_wait3A_51 = arith.constant 0 : i32
      %dma_wait3A_52 = tpu.memref_slice %arg10[%dma_wait3A_49, %dma_wait3A_50, %dma_wait3A_51] : memref<2x1280x16xf32, #tpu.memory_space<vmem>> -> memref<1x1280x16xf32, #tpu.memory_space<vmem>>
      %dma_wait3A_53 = tpu.memref_squeeze %dma_wait3A_52 : memref<1x1280x16xf32, #tpu.memory_space<vmem>> -> memref<1280x16xf32, #tpu.memory_space<vmem>>
      %dma_wait3A_54 = arith.constant 0 : i32
      %dma_wait3A_55 = tpu.memref_slice %arg8[%add3A_38, %dma_wait3A_54] : memref<8x1280xi32, #tpu.memory_space<vmem>> -> memref<1x1280xi32, #tpu.memory_space<vmem>>
      %dma_wait3A_56 = tpu.memref_squeeze %dma_wait3A_55 : memref<1x1280xi32, #tpu.memory_space<vmem>> -> memref<1280xi32, #tpu.memory_space<vmem>>
      %dma_wait3A_57 = arith.constant 0 : i32
      %dma_wait3A_58 = arith.constant 0 : i32
      %dma_wait3A_59 = tpu.memref_slice %arg2[%dma_wait3A_57, %dma_wait3A_58] : memref<10240x16xf32, #tpu.memory_space<hbm>> -> memref<10240x16xf32, #tpu.memory_space<hbm>>
      tpu.wait_indirect_dma semaphore(%arg11 : memref<!tpu.dma_semaphore, #tpu.memory_space<semaphore_mem>>) src(%dma_wait3A_59 : memref<10240x16xf32, #tpu.memory_space<hbm>>) dst(%dma_wait3A_53 : memref<1280x16xf32, #tpu.memory_space<vmem>>)
      %dma_start3A_60 = arith.constant 0 : i32
      %dma_start3A_61 = arith.constant 0 : i32
      %dma_start3A_62 = arith.constant 0 : i32
      %dma_start3A_63 = tpu.memref_slice %arg10[%dma_start3A_60, %dma_start3A_61, %dma_start3A_62] : memref<2x1280x16xf32, #tpu.memory_space<vmem>> -> memref<1x1280x16xf32, #tpu.memory_space<vmem>>
      %dma_start3A_64 = tpu.memref_squeeze %dma_start3A_63 : memref<1x1280x16xf32, #tpu.memory_space<vmem>> -> memref<1280x16xf32, #tpu.memory_space<vmem>>
      %dma_start3A_65 = arith.constant 0 : i32
      %dma_start3A_66 = tpu.memref_slice %arg9[%add3A_38, %dma_start3A_65] : memref<8x1280xi32, #tpu.memory_space<vmem>> -> memref<1x1280xi32, #tpu.memory_space<vmem>>
      %dma_start3A_67 = tpu.memref_squeeze %dma_start3A_66 : memref<1x1280xi32, #tpu.memory_space<vmem>> -> memref<1280xi32, #tpu.memory_space<vmem>>
      %dma_start3A_68 = arith.constant 0 : i32
      %dma_start3A_69 = arith.constant 0 : i32
      %dma_start3A_70 = tpu.memref_slice %arg7[%dma_start3A_68, %dma_start3A_69] : memref<10240x16xf32, #tpu.memory_space<vmem_shared>> -> memref<10240x16xf32, #tpu.memory_space<vmem_shared>>
      tpu.enqueue_indirect_dma source(%dma_start3A_64 : memref<1280x16xf32, #tpu.memory_space<vmem>>) target(%dma_start3A_70 : memref<10240x16xf32, #tpu.memory_space<vmem_shared>>) offsets(%dma_start3A_67 : memref<1280xi32, #tpu.memory_space<vmem>>) semaphore(%arg13 : memref<!tpu.dma_semaphore, #tpu.memory_space<semaphore_mem>>) {add = true}
      %mul3A_71 = arith.constant 2 : i32
      %mul3A_72 = arith.muli %add3A_34, %mul3A_71 : i32
      %add3A_73 = arith.constant 1 : i32
      %add3A_74 = arith.addi %mul3A_72, %add3A_73 : i32
      %add3A_75 = arith.constant 1 : i32
      %add3A_76 = arith.addi %add3A_74, %add3A_75 : i32
      %ge3A_77 = arith.constant 2 : i32
      %ge3A_78 = arith.cmpi sge, %add3A_76, %ge3A_77 : i32
      %convert_element_type3A_79 = arith.extui %ge3A_78 : i1 to i32
      %cond3A_80 = arith.constant 0 : i32
      %cond3A_81 = arith.cmpi ne, %convert_element_type3A_79, %cond3A_80 : i32
      scf.if %cond3A_81 {
        %dma_wait3A_111 = arith.constant 0 : i32
        %dma_wait3A_112 = arith.constant 0 : i32
        %dma_wait3A_113 = arith.constant 0 : i32
        %dma_wait3A_114 = arith.constant 0 : i32
        %dma_wait3A_115 = tpu.memref_slice %arg10[%dma_wait3A_111, %dma_wait3A_113, %dma_wait3A_114] : memref<2x1280x16xf32, #tpu.memory_space<vmem>> -> memref<1x1280x16xf32, #tpu.memory_space<vmem>>
        %dma_wait3A_116 = tpu.memref_squeeze %dma_wait3A_115 : memref<1x1280x16xf32, #tpu.memory_space<vmem>> -> memref<1280x16xf32, #tpu.memory_space<vmem>>
        %dma_wait3A_117 = arith.constant 0 : i32
        %dma_wait3A_118 = tpu.memref_slice %arg9[%dma_wait3A_112, %dma_wait3A_117] : memref<8x1280xi32, #tpu.memory_space<vmem>> -> memref<1x1280xi32, #tpu.memory_space<vmem>>
        %dma_wait3A_119 = tpu.memref_squeeze %dma_wait3A_118 : memref<1x1280xi32, #tpu.memory_space<vmem>> -> memref<1280xi32, #tpu.memory_space<vmem>>
        %dma_wait3A_120 = arith.constant 0 : i32
        %dma_wait3A_121 = arith.constant 0 : i32
        %dma_wait3A_122 = tpu.memref_slice %arg7[%dma_wait3A_120, %dma_wait3A_121] : memref<10240x16xf32, #tpu.memory_space<vmem_shared>> -> memref<10240x16xf32, #tpu.memory_space<vmem_shared>>
        tpu.wait_indirect_dma semaphore(%arg13 : memref<!tpu.dma_semaphore, #tpu.memory_space<semaphore_mem>>) src(%dma_wait3A_116 : memref<1280x16xf32, #tpu.memory_space<vmem>>) dst(%dma_wait3A_122 : memref<10240x16xf32, #tpu.memory_space<vmem_shared>>)
      } else {
      }
      %add3A_82 = arith.constant 1 : i32
      %add3A_83 = arith.addi %add3A_74, %add3A_82 : i32
      %lt3A_84 = arith.constant 8 : i32
      %lt3A_85 = arith.cmpi slt, %add3A_83, %lt3A_84 : i32
      %convert_element_type3A_86 = arith.extui %lt3A_85 : i1 to i32
      %cond3A_87 = arith.constant 0 : i32
      %cond3A_88 = arith.cmpi ne, %convert_element_type3A_86, %cond3A_87 : i32
      scf.if %cond3A_88 {
        %add3A_111 = arith.constant 1 : i32
        %add3A_112 = arith.addi %add3A_74, %add3A_111 : i32
        %dma_start3A_113 = arith.constant 0 : i32
        %dma_start3A_114 = arith.constant 0 : i32
        %dma_start3A_115 = arith.constant 0 : i32
        %dma_start3A_116 = tpu.memref_slice %arg10[%dma_start3A_113, %dma_start3A_114, %dma_start3A_115] : memref<2x1280x16xf32, #tpu.memory_space<vmem>> -> memref<1x1280x16xf32, #tpu.memory_space<vmem>>
        %dma_start3A_117 = tpu.memref_squeeze %dma_start3A_116 : memref<1x1280x16xf32, #tpu.memory_space<vmem>> -> memref<1280x16xf32, #tpu.memory_space<vmem>>
        %dma_start3A_118 = arith.constant 0 : i32
        %dma_start3A_119 = tpu.memref_slice %arg8[%add3A_112, %dma_start3A_118] : memref<8x1280xi32, #tpu.memory_space<vmem>> -> memref<1x1280xi32, #tpu.memory_space<vmem>>
        %dma_start3A_120 = tpu.memref_squeeze %dma_start3A_119 : memref<1x1280xi32, #tpu.memory_space<vmem>> -> memref<1280xi32, #tpu.memory_space<vmem>>
        %dma_start3A_121 = arith.constant 0 : i32
        %dma_start3A_122 = arith.constant 0 : i32
        %dma_start3A_123 = tpu.memref_slice %arg2[%dma_start3A_121, %dma_start3A_122] : memref<10240x16xf32, #tpu.memory_space<hbm>> -> memref<10240x16xf32, #tpu.memory_space<hbm>>
        tpu.enqueue_indirect_dma source(%dma_start3A_123 : memref<10240x16xf32, #tpu.memory_space<hbm>>) target(%dma_start3A_117 : memref<1280x16xf32, #tpu.memory_space<vmem>>) offsets(%dma_start3A_120 : memref<1280xi32, #tpu.memory_space<vmem>>) semaphore(%arg11 : memref<!tpu.dma_semaphore, #tpu.memory_space<semaphore_mem>>)
      } else {
      }
      %dma_wait3A_89 = arith.constant 1 : i32
      %dma_wait3A_90 = arith.constant 0 : i32
      %dma_wait3A_91 = arith.constant 0 : i32
      %dma_wait3A_92 = tpu.memref_slice %arg10[%dma_wait3A_89, %dma_wait3A_90, %dma_wait3A_91] : memref<2x1280x16xf32, #tpu.memory_space<vmem>> -> memref<1x1280x16xf32, #tpu.memory_space<vmem>>
      %dma_wait3A_93 = tpu.memref_squeeze %dma_wait3A_92 : memref<1x1280x16xf32, #tpu.memory_space<vmem>> -> memref<1280x16xf32, #tpu.memory_space<vmem>>
      %dma_wait3A_94 = arith.constant 0 : i32
      %dma_wait3A_95 = tpu.memref_slice %arg8[%add3A_74, %dma_wait3A_94] : memref<8x1280xi32, #tpu.memory_space<vmem>> -> memref<1x1280xi32, #tpu.memory_space<vmem>>
      %dma_wait3A_96 = tpu.memref_squeeze %dma_wait3A_95 : memref<1x1280xi32, #tpu.memory_space<vmem>> -> memref<1280xi32, #tpu.memory_space<vmem>>
      %dma_wait3A_97 = arith.constant 0 : i32
      %dma_wait3A_98 = arith.constant 0 : i32
      %dma_wait3A_99 = tpu.memref_slice %arg2[%dma_wait3A_97, %dma_wait3A_98] : memref<10240x16xf32, #tpu.memory_space<hbm>> -> memref<10240x16xf32, #tpu.memory_space<hbm>>
      tpu.wait_indirect_dma semaphore(%arg12 : memref<!tpu.dma_semaphore, #tpu.memory_space<semaphore_mem>>) src(%dma_wait3A_99 : memref<10240x16xf32, #tpu.memory_space<hbm>>) dst(%dma_wait3A_93 : memref<1280x16xf32, #tpu.memory_space<vmem>>)
      %dma_start3A_100 = arith.constant 1 : i32
      %dma_start3A_101 = arith.constant 0 : i32
      %dma_start3A_102 = arith.constant 0 : i32
      %dma_start3A_103 = tpu.memref_slice %arg10[%dma_start3A_100, %dma_start3A_101, %dma_start3A_102] : memref<2x1280x16xf32, #tpu.memory_space<vmem>> -> memref<1x1280x16xf32, #tpu.memory_space<vmem>>
      %dma_start3A_104 = tpu.memref_squeeze %dma_start3A_103 : memref<1x1280x16xf32, #tpu.memory_space<vmem>> -> memref<1280x16xf32, #tpu.memory_space<vmem>>
      %dma_start3A_105 = arith.constant 0 : i32
      %dma_start3A_106 = tpu.memref_slice %arg9[%add3A_74, %dma_start3A_105] : memref<8x1280xi32, #tpu.memory_space<vmem>> -> memref<1x1280xi32, #tpu.memory_space<vmem>>
      %dma_start3A_107 = tpu.memref_squeeze %dma_start3A_106 : memref<1x1280xi32, #tpu.memory_space<vmem>> -> memref<1280xi32, #tpu.memory_space<vmem>>
      %dma_start3A_108 = arith.constant 0 : i32
      %dma_start3A_109 = arith.constant 0 : i32
      %dma_start3A_110 = tpu.memref_slice %arg7[%dma_start3A_108, %dma_start3A_109] : memref<10240x16xf32, #tpu.memory_space<vmem_shared>> -> memref<10240x16xf32, #tpu.memory_space<vmem_shared>>
      tpu.enqueue_indirect_dma source(%dma_start3A_104 : memref<1280x16xf32, #tpu.memory_space<vmem>>) target(%dma_start3A_110 : memref<10240x16xf32, #tpu.memory_space<vmem_shared>>) offsets(%dma_start3A_107 : memref<1280xi32, #tpu.memory_space<vmem>>) semaphore(%arg14 : memref<!tpu.dma_semaphore, #tpu.memory_space<semaphore_mem>>) {add = true}
    }
    %scan3A_17 = arith.constant 4 : i32
    %dma_wait3A = arith.constant 1 : i32
    %dma_wait3A_18 = arith.constant 0 : i32
    %dma_wait3A_19 = arith.constant 0 : i32
    %dma_wait3A_20 = arith.constant 0 : i32
    %dma_wait3A_21 = tpu.memref_slice %arg10[%dma_wait3A, %dma_wait3A_19, %dma_wait3A_20] : memref<2x1280x16xf32, #tpu.memory_space<vmem>> -> memref<1x1280x16xf32, #tpu.memory_space<vmem>>
    %dma_wait3A_22 = tpu.memref_squeeze %dma_wait3A_21 : memref<1x1280x16xf32, #tpu.memory_space<vmem>> -> memref<1280x16xf32, #tpu.memory_space<vmem>>
    %dma_wait3A_23 = arith.constant 0 : i32
    %dma_wait3A_24 = tpu.memref_slice %arg9[%dma_wait3A_18, %dma_wait3A_23] : memref<8x1280xi32, #tpu.memory_space<vmem>> -> memref<1x1280xi32, #tpu.memory_space<vmem>>
    %dma_wait3A_25 = tpu.memref_squeeze %dma_wait3A_24 : memref<1x1280xi32, #tpu.memory_space<vmem>> -> memref<1280xi32, #tpu.memory_space<vmem>>
    %dma_wait3A_26 = arith.constant 0 : i32
    %dma_wait3A_27 = arith.constant 0 : i32
    %dma_wait3A_28 = tpu.memref_slice %arg7[%dma_wait3A_26, %dma_wait3A_27] : memref<10240x16xf32, #tpu.memory_space<vmem_shared>> -> memref<10240x16xf32, #tpu.memory_space<vmem_shared>>
    tpu.wait_indirect_dma semaphore(%arg14 : memref<!tpu.dma_semaphore, #tpu.memory_space<semaphore_mem>>) src(%dma_wait3A_22 : memref<1280x16xf32, #tpu.memory_space<vmem>>) dst(%dma_wait3A_28 : memref<10240x16xf32, #tpu.memory_space<vmem_shared>>)
    %barrier3A_29 = arith.constant 0 : index
    tpu.barrier barrier_id(%barrier3A_29)
    "tpu.region"() ({
      %run_scoped3A = tpu.sem_alloc : memref<!tpu.dma_semaphore, #tpu.memory_space<semaphore_mem>>
      %dma_start3A_30 = arith.constant 0 : i32
      %dma_start3A_31 = tpu.memref_slice %arg6[%arg0, %mul3A_2, %dma_start3A_30] : memref<2x10240x16xf32, #tpu.memory_space<hbm>> -> memref<1x640x16xf32, #tpu.memory_space<hbm>>
      %dma_start3A_32 = tpu.memref_squeeze %dma_start3A_31 : memref<1x640x16xf32, #tpu.memory_space<hbm>> -> memref<640x16xf32, #tpu.memory_space<hbm>>
      %dma_start3A_33 = arith.constant 0 : i32
      %dma_start3A_34 = tpu.memref_slice %arg7[%mul3A_2, %dma_start3A_33] : memref<10240x16xf32, #tpu.memory_space<vmem_shared>> -> memref<640x16xf32, #tpu.memory_space<vmem_shared>>
      tpu.enqueue_dma source(%dma_start3A_34 : memref<640x16xf32, #tpu.memory_space<vmem_shared>>) target(%dma_start3A_32 : memref<640x16xf32, #tpu.memory_space<hbm>>) target_semaphore(%run_scoped3A : memref<!tpu.dma_semaphore, #tpu.memory_space<semaphore_mem>>)
      %dma_wait3A_35 = arith.constant 0 : i32
      %dma_wait3A_36 = tpu.memref_slice %arg6[%arg0, %mul3A_2, %dma_wait3A_35] : memref<2x10240x16xf32, #tpu.memory_space<hbm>> -> memref<1x640x16xf32, #tpu.memory_space<hbm>>
      %dma_wait3A_37 = tpu.memref_squeeze %dma_wait3A_36 : memref<1x640x16xf32, #tpu.memory_space<hbm>> -> memref<640x16xf32, #tpu.memory_space<hbm>>
      %dma_wait3A_38 = arith.constant 0 : i32
      %dma_wait3A_39 = tpu.memref_slice %arg7[%mul3A_2, %dma_wait3A_38] : memref<10240x16xf32, #tpu.memory_space<vmem_shared>> -> memref<640x16xf32, #tpu.memory_space<vmem_shared>>
      tpu.wait_dma2 semaphore(%run_scoped3A : memref<!tpu.dma_semaphore, #tpu.memory_space<semaphore_mem>>) src(%dma_wait3A_39 : memref<640x16xf32, #tpu.memory_space<vmem_shared>>) dst(%dma_wait3A_37 : memref<640x16xf32, #tpu.memory_space<hbm>>)
      tpu.yield
    }) : () -> ()
    return
  }
}

module attributes {stable_mosaic.version = 14 : i64} {
  func.func @body(%arg0: i32, %arg1: memref<512x128xf32, #tpu.memory_space<vmem>>, %arg2: memref<2x16x512xf32, #tpu.memory_space<vmem>>, %arg3: memref<128x64xf32, #tpu.memory_space<vmem>>, %arg4: memref<512x64xf32, #tpu.memory_space<vmem>>) attributes {dimension_semantics = [#tpu.dimension_semantics<arbitrary>], iteration_bounds = array<i64: 20>, scalar_prefetch = 0 : i64, scratch_operands = 0 : i64, tpu.core_type = #tpu.core_type<tc>, window_params = [{transform_indices = @transform_0, window_bounds = array<i64: 512, 128>}, {transform_indices = @transform_1, window_bounds = array<i64: 2, 16, 512>}, {pipeline_mode = #tpu.pipeline_mode<synchronous>, transform_indices = @transform_2, window_bounds = array<i64: 128, 64>}, {transform_indices = @transform_3, window_bounds = array<i64: 512, 64>}]} {
    %get3A = arith.constant 0 : index
    %get3A_0 = arith.constant 0 : index
    %get3A_1 = arith.constant 0 : index
    %get3A_2 = vector.load %arg2[%get3A, %get3A_0, %get3A_1] : memref<2x16x512xf32, #tpu.memory_space<vmem>>, vector<2x16x512xf32>
    %reduce_sum3A = arith.constant dense<0.000000e+00> : vector<512xf32>
    %reduce_sum3A_3 = vector.multi_reduction <add>, %get3A_2, %reduce_sum3A [0, 1] : vector<2x16x512xf32> to vector<512xf32>
    %broadcast_in_dim3A = vector.shape_cast %reduce_sum3A_3 : vector<512xf32> to vector<512x1xf32>
    %add3A = arith.constant 1.000000e+00 : f32
    %add3A_4 = vector.broadcast %add3A : f32 to vector<512x1xf32>
    %add3A_5 = arith.addf %broadcast_in_dim3A, %add3A_4 : vector<512x1xf32>
    %rsqrt3A = math.rsqrt %add3A_5 : vector<512x1xf32>
    %get3A_6 = arith.constant 0 : index
    %get3A_7 = arith.constant 0 : index
    %get3A_8 = vector.load %arg1[%get3A_6, %get3A_7] : memref<512x128xf32, #tpu.memory_space<vmem>>, vector<512x128xf32>
    %get3A_9 = arith.constant 0 : index
    %get3A_10 = arith.constant 0 : index
    %get3A_11 = vector.load %arg3[%get3A_9, %get3A_10] : memref<128x64xf32, #tpu.memory_space<vmem>>, vector<128x64xf32>
    %dot_general3A = arith.constant dense<0.000000e+00> : vector<512x64xf32>
    %dot_general3A_12 = tpu.matmul %get3A_8, %get3A_11, %dot_general3A {dimension_numbers = #tpu.dot_dimension_numbers<[1], [0], [0], [1], [0, 0, 1, 1], [], []>, transpose_lhs_hint = false} : vector<512x128xf32>, vector<128x64xf32>, vector<512x64xf32> -> vector<512x64xf32>
    %mul3A = vector.broadcast %rsqrt3A : vector<512x1xf32> to vector<512x64xf32>
    %mul3A_13 = arith.mulf %dot_general3A_12, %mul3A : vector<512x64xf32>
    %swap3A = arith.constant 0 : index
    %swap3A_14 = arith.constant 0 : index
    %swap3A_15 = vector.load %arg4[%swap3A, %swap3A_14] : memref<512x64xf32, #tpu.memory_space<vmem>>, vector<512x64xf32>
    tpu.vector_store %arg4[%swap3A, %swap3A_14], %mul3A_13 {strides = array<i32>} : memref<512x64xf32, #tpu.memory_space<vmem>>, vector<512x64xf32>,
    return
  }
  func.func @transform_0(%arg0: i32) -> (i32, i32) {
    %c0_i32 = arith.constant 0 : i32
    %c0_i32_0 = arith.constant 0 : i32
    return %arg0, %c0_i32 : i32, i32
  }
  func.func @transform_1(%arg0: i32) -> (i32, i32, i32) {
    %c0_i32 = arith.constant 0 : i32
    %c0_i32_0 = arith.constant 0 : i32
    %c0_i32_1 = arith.constant 0 : i32
    return %c0_i32, %c0_i32_0, %arg0 : i32, i32, i32
  }
  func.func @transform_2(%arg0: i32) -> (i32, i32) {
    %c0_i32 = arith.constant 0 : i32
    %c0_i32_0 = arith.constant 0 : i32
    %c0_i32_1 = arith.constant 0 : i32
    return %c0_i32, %c0_i32_0 : i32, i32
  }
  func.func @transform_3(%arg0: i32) -> (i32, i32) {
    %c0_i32 = arith.constant 0 : i32
    %c0_i32_0 = arith.constant 0 : i32
    return %arg0, %c0_i32 : i32, i32
  }
}

module attributes {stable_mosaic.version = 14 : i64} {
  func.func @body(%arg0: i32, %arg1: memref<2x512x64xf32, #tpu.memory_space<vmem>>, %arg2: memref<512x64xf32, #tpu.memory_space<vmem>>, %arg3: memref<2x16x512xf32, #tpu.memory_space<vmem>>, %arg4: memref<1x64xf32, #tpu.memory_space<vmem>>, %arg5: memref<64x64xf32, #tpu.memory_space<vmem>>, %arg6: memref<512x64xf32, #tpu.memory_space<vmem>>) attributes {dimension_semantics = [#tpu.dimension_semantics<arbitrary>], iteration_bounds = array<i64: 20>, scalar_prefetch = 0 : i64, scratch_operands = 0 : i64, tpu.core_type = #tpu.core_type<tc>, window_params = [{transform_indices = @transform_0, window_bounds = array<i64: 2, 512, 64>}, {transform_indices = @transform_1, window_bounds = array<i64: 512, 64>}, {transform_indices = @transform_2, window_bounds = array<i64: 2, 16, 512>}, {pipeline_mode = #tpu.pipeline_mode<synchronous>, transform_indices = @transform_3, window_bounds = array<i64: 1, 64>}, {pipeline_mode = #tpu.pipeline_mode<synchronous>, transform_indices = @transform_4, window_bounds = array<i64: 64, 64>}, {transform_indices = @transform_5, window_bounds = array<i64: 512, 64>}]} {
    %get3A = arith.constant 0 : index
    %get3A_0 = arith.constant 0 : index
    %get3A_1 = arith.constant 0 : index
    %get3A_2 = vector.load %arg3[%get3A, %get3A_0, %get3A_1] : memref<2x16x512xf32, #tpu.memory_space<vmem>>, vector<2x16x512xf32>
    %reduce_sum3A = arith.constant dense<0.000000e+00> : vector<512xf32>
    %reduce_sum3A_3 = vector.multi_reduction <add>, %get3A_2, %reduce_sum3A [0, 1] : vector<2x16x512xf32> to vector<512xf32>
    %broadcast_in_dim3A = vector.shape_cast %reduce_sum3A_3 : vector<512xf32> to vector<512x1xf32>
    %add3A = arith.constant 1.000000e+00 : f32
    %add3A_4 = vector.broadcast %add3A : f32 to vector<512x1xf32>
    %add3A_5 = arith.addf %broadcast_in_dim3A, %add3A_4 : vector<512x1xf32>
    %rsqrt3A = math.rsqrt %add3A_5 : vector<512x1xf32>
    %get3A_6 = arith.constant 0 : index
    %get3A_7 = arith.constant 0 : index
    %get3A_8 = arith.constant 0 : index
    %get3A_9 = vector.load %arg1[%get3A_6, %get3A_7, %get3A_8] : memref<2x512x64xf32, #tpu.memory_space<vmem>>, vector<2x512x64xf32>
    %slice3A = vector.extract_strided_slice %get3A_9 {offsets = [0, 0, 0], sizes = [1, 512, 64], strides = [1, 1, 1]} : vector<2x512x64xf32> to vector<1x512x64xf32>
    %squeeze3A = vector.shape_cast %slice3A : vector<1x512x64xf32> to vector<512x64xf32>
    %slice3A_10 = vector.extract_strided_slice %get3A_9 {offsets = [1, 0, 0], sizes = [1, 512, 64], strides = [1, 1, 1]} : vector<2x512x64xf32> to vector<1x512x64xf32>
    %squeeze3A_11 = vector.shape_cast %slice3A_10 : vector<1x512x64xf32> to vector<512x64xf32>
    %add3A_12 = arith.addf %squeeze3A, %squeeze3A_11 : vector<512x64xf32>
    %get3A_13 = arith.constant 0 : index
    %get3A_14 = arith.constant 0 : index
    %get3A_15 = vector.load %arg2[%get3A_13, %get3A_14] : memref<512x64xf32, #tpu.memory_space<vmem>>, vector<512x64xf32>
    %add3A_16 = arith.addf %add3A_12, %get3A_15 : vector<512x64xf32>
    %mul3A = vector.broadcast %rsqrt3A : vector<512x1xf32> to vector<512x64xf32>
    %mul3A_17 = arith.mulf %add3A_16, %mul3A : vector<512x64xf32>
    %get3A_18 = arith.constant 0 : index
    %get3A_19 = arith.constant 0 : index
    %get3A_20 = vector.load %arg4[%get3A_18, %get3A_19] : memref<1x64xf32, #tpu.memory_space<vmem>>, vector<1x64xf32>
    %add3A_21 = vector.broadcast %get3A_20 : vector<1x64xf32> to vector<512x64xf32>
    %add3A_22 = arith.addf %mul3A_17, %add3A_21 : vector<512x64xf32>
    %max3A = arith.constant 0.000000e+00 : f32
    %max3A_23 = vector.broadcast %max3A : f32 to vector<512x64xf32>
    %max3A_24 = arith.maximumf %add3A_22, %max3A_23 : vector<512x64xf32>
    %get3A_25 = arith.constant 0 : index
    %get3A_26 = arith.constant 0 : index
    %get3A_27 = vector.load %arg5[%get3A_25, %get3A_26] : memref<64x64xf32, #tpu.memory_space<vmem>>, vector<64x64xf32>
    %dot_general3A = arith.constant dense<0.000000e+00> : vector<512x64xf32>
    %dot_general3A_28 = tpu.matmul %max3A_24, %get3A_27, %dot_general3A {dimension_numbers = #tpu.dot_dimension_numbers<[1], [0], [0], [1], [0, 0, 1, 1], [], []>, transpose_lhs_hint = false} : vector<512x64xf32>, vector<64x64xf32>, vector<512x64xf32> -> vector<512x64xf32>
    %mul3A_29 = vector.broadcast %rsqrt3A : vector<512x1xf32> to vector<512x64xf32>
    %mul3A_30 = arith.mulf %dot_general3A_28, %mul3A_29 : vector<512x64xf32>
    %swap3A = arith.constant 0 : index
    %swap3A_31 = arith.constant 0 : index
    %swap3A_32 = vector.load %arg6[%swap3A, %swap3A_31] : memref<512x64xf32, #tpu.memory_space<vmem>>, vector<512x64xf32>
    tpu.vector_store %arg6[%swap3A, %swap3A_31], %mul3A_30 {strides = array<i32>} : memref<512x64xf32, #tpu.memory_space<vmem>>, vector<512x64xf32>,
    return
  }
  func.func @transform_0(%arg0: i32) -> (i32, i32, i32) {
    %c0_i32 = arith.constant 0 : i32
    %c0_i32_0 = arith.constant 0 : i32
    %c0_i32_1 = arith.constant 0 : i32
    return %c0_i32, %arg0, %c0_i32_0 : i32, i32, i32
  }
  func.func @transform_1(%arg0: i32) -> (i32, i32) {
    %c0_i32 = arith.constant 0 : i32
    %c0_i32_0 = arith.constant 0 : i32
    return %arg0, %c0_i32 : i32, i32
  }
  func.func @transform_2(%arg0: i32) -> (i32, i32, i32) {
    %c0_i32 = arith.constant 0 : i32
    %c0_i32_0 = arith.constant 0 : i32
    %c0_i32_1 = arith.constant 0 : i32
    return %c0_i32, %c0_i32_0, %arg0 : i32, i32, i32
  }
  func.func @transform_3(%arg0: i32) -> (i32, i32) {
    %c0_i32 = arith.constant 0 : i32
    %c0_i32_0 = arith.constant 0 : i32
    %c0_i32_1 = arith.constant 0 : i32
    return %c0_i32, %c0_i32_0 : i32, i32
  }
  func.func @transform_4(%arg0: i32) -> (i32, i32) {
    %c0_i32 = arith.constant 0 : i32
    %c0_i32_0 = arith.constant 0 : i32
    %c0_i32_1 = arith.constant 0 : i32
    return %c0_i32, %c0_i32_0 : i32, i32
  }
  func.func @transform_5(%arg0: i32) -> (i32, i32) {
    %c0_i32 = arith.constant 0 : i32
    %c0_i32_0 = arith.constant 0 : i32
    return %arg0, %c0_i32 : i32, i32
  }
}

module attributes {stable_mosaic.version = 14 : i64} {
  func.func @body(%arg0: i32, %arg1: memref<2x512x64xf32, #tpu.memory_space<vmem>>, %arg2: memref<512x64xf32, #tpu.memory_space<vmem>>, %arg3: memref<2x16x512xf32, #tpu.memory_space<vmem>>, %arg4: memref<1x64xf32, #tpu.memory_space<vmem>>, %arg5: memref<64x32xf32, #tpu.memory_space<vmem>>, %arg6: memref<512x32xf32, #tpu.memory_space<vmem>>) attributes {dimension_semantics = [#tpu.dimension_semantics<arbitrary>], iteration_bounds = array<i64: 20>, scalar_prefetch = 0 : i64, scratch_operands = 0 : i64, tpu.core_type = #tpu.core_type<tc>, window_params = [{transform_indices = @transform_0, window_bounds = array<i64: 2, 512, 64>}, {transform_indices = @transform_1, window_bounds = array<i64: 512, 64>}, {transform_indices = @transform_2, window_bounds = array<i64: 2, 16, 512>}, {pipeline_mode = #tpu.pipeline_mode<synchronous>, transform_indices = @transform_3, window_bounds = array<i64: 1, 64>}, {pipeline_mode = #tpu.pipeline_mode<synchronous>, transform_indices = @transform_4, window_bounds = array<i64: 64, 32>}, {transform_indices = @transform_5, window_bounds = array<i64: 512, 32>}]} {
    %get3A = arith.constant 0 : index
    %get3A_0 = arith.constant 0 : index
    %get3A_1 = arith.constant 0 : index
    %get3A_2 = vector.load %arg3[%get3A, %get3A_0, %get3A_1] : memref<2x16x512xf32, #tpu.memory_space<vmem>>, vector<2x16x512xf32>
    %reduce_sum3A = arith.constant dense<0.000000e+00> : vector<512xf32>
    %reduce_sum3A_3 = vector.multi_reduction <add>, %get3A_2, %reduce_sum3A [0, 1] : vector<2x16x512xf32> to vector<512xf32>
    %broadcast_in_dim3A = vector.shape_cast %reduce_sum3A_3 : vector<512xf32> to vector<512x1xf32>
    %add3A = arith.constant 1.000000e+00 : f32
    %add3A_4 = vector.broadcast %add3A : f32 to vector<512x1xf32>
    %add3A_5 = arith.addf %broadcast_in_dim3A, %add3A_4 : vector<512x1xf32>
    %rsqrt3A = math.rsqrt %add3A_5 : vector<512x1xf32>
    %get3A_6 = arith.constant 0 : index
    %get3A_7 = arith.constant 0 : index
    %get3A_8 = arith.constant 0 : index
    %get3A_9 = vector.load %arg1[%get3A_6, %get3A_7, %get3A_8] : memref<2x512x64xf32, #tpu.memory_space<vmem>>, vector<2x512x64xf32>
    %slice3A = vector.extract_strided_slice %get3A_9 {offsets = [0, 0, 0], sizes = [1, 512, 64], strides = [1, 1, 1]} : vector<2x512x64xf32> to vector<1x512x64xf32>
    %squeeze3A = vector.shape_cast %slice3A : vector<1x512x64xf32> to vector<512x64xf32>
    %slice3A_10 = vector.extract_strided_slice %get3A_9 {offsets = [1, 0, 0], sizes = [1, 512, 64], strides = [1, 1, 1]} : vector<2x512x64xf32> to vector<1x512x64xf32>
    %squeeze3A_11 = vector.shape_cast %slice3A_10 : vector<1x512x64xf32> to vector<512x64xf32>
    %add3A_12 = arith.addf %squeeze3A, %squeeze3A_11 : vector<512x64xf32>
    %get3A_13 = arith.constant 0 : index
    %get3A_14 = arith.constant 0 : index
    %get3A_15 = vector.load %arg2[%get3A_13, %get3A_14] : memref<512x64xf32, #tpu.memory_space<vmem>>, vector<512x64xf32>
    %add3A_16 = arith.addf %add3A_12, %get3A_15 : vector<512x64xf32>
    %mul3A = vector.broadcast %rsqrt3A : vector<512x1xf32> to vector<512x64xf32>
    %mul3A_17 = arith.mulf %add3A_16, %mul3A : vector<512x64xf32>
    %get3A_18 = arith.constant 0 : index
    %get3A_19 = arith.constant 0 : index
    %get3A_20 = vector.load %arg4[%get3A_18, %get3A_19] : memref<1x64xf32, #tpu.memory_space<vmem>>, vector<1x64xf32>
    %add3A_21 = vector.broadcast %get3A_20 : vector<1x64xf32> to vector<512x64xf32>
    %add3A_22 = arith.addf %mul3A_17, %add3A_21 : vector<512x64xf32>
    %max3A = arith.constant 0.000000e+00 : f32
    %max3A_23 = vector.broadcast %max3A : f32 to vector<512x64xf32>
    %max3A_24 = arith.maximumf %add3A_22, %max3A_23 : vector<512x64xf32>
    %get3A_25 = arith.constant 0 : index
    %get3A_26 = arith.constant 0 : index
    %get3A_27 = vector.load %arg5[%get3A_25, %get3A_26] : memref<64x32xf32, #tpu.memory_space<vmem>>, vector<64x32xf32>
    %dot_general3A = arith.constant dense<0.000000e+00> : vector<512x32xf32>
    %dot_general3A_28 = tpu.matmul %max3A_24, %get3A_27, %dot_general3A {dimension_numbers = #tpu.dot_dimension_numbers<[1], [0], [0], [1], [0, 0, 1, 1], [], []>, transpose_lhs_hint = false} : vector<512x64xf32>, vector<64x32xf32>, vector<512x32xf32> -> vector<512x32xf32>
    %mul3A_29 = vector.broadcast %rsqrt3A : vector<512x1xf32> to vector<512x32xf32>
    %mul3A_30 = arith.mulf %dot_general3A_28, %mul3A_29 : vector<512x32xf32>
    %swap3A = arith.constant 0 : index
    %swap3A_31 = arith.constant 0 : index
    %swap3A_32 = vector.load %arg6[%swap3A, %swap3A_31] : memref<512x32xf32, #tpu.memory_space<vmem>>, vector<512x32xf32>
    tpu.vector_store %arg6[%swap3A, %swap3A_31], %mul3A_30 {strides = array<i32>} : memref<512x32xf32, #tpu.memory_space<vmem>>, vector<512x32xf32>,
    return
  }
  func.func @transform_0(%arg0: i32) -> (i32, i32, i32) {
    %c0_i32 = arith.constant 0 : i32
    %c0_i32_0 = arith.constant 0 : i32
    %c0_i32_1 = arith.constant 0 : i32
    return %c0_i32, %arg0, %c0_i32_0 : i32, i32, i32
  }
  func.func @transform_1(%arg0: i32) -> (i32, i32) {
    %c0_i32 = arith.constant 0 : i32
    %c0_i32_0 = arith.constant 0 : i32
    return %arg0, %c0_i32 : i32, i32
  }
  func.func @transform_2(%arg0: i32) -> (i32, i32, i32) {
    %c0_i32 = arith.constant 0 : i32
    %c0_i32_0 = arith.constant 0 : i32
    %c0_i32_1 = arith.constant 0 : i32
    return %c0_i32, %c0_i32_0, %arg0 : i32, i32, i32
  }
  func.func @transform_3(%arg0: i32) -> (i32, i32) {
    %c0_i32 = arith.constant 0 : i32
    %c0_i32_0 = arith.constant 0 : i32
    %c0_i32_1 = arith.constant 0 : i32
    return %c0_i32, %c0_i32_0 : i32, i32
  }
  func.func @transform_4(%arg0: i32) -> (i32, i32) {
    %c0_i32 = arith.constant 0 : i32
    %c0_i32_0 = arith.constant 0 : i32
    %c0_i32_1 = arith.constant 0 : i32
    return %c0_i32, %c0_i32_0 : i32, i32
  }
  func.func @transform_5(%arg0: i32) -> (i32, i32) {
    %c0_i32 = arith.constant 0 : i32
    %c0_i32_0 = arith.constant 0 : i32
    return %arg0, %c0_i32 : i32, i32
  }
}

module attributes {stable_mosaic.version = 14 : i64} {
  func.func @body(%arg0: i32, %arg1: memref<2x512x32xf32, #tpu.memory_space<vmem>>, %arg2: memref<512x32xf32, #tpu.memory_space<vmem>>, %arg3: memref<2x16x512xf32, #tpu.memory_space<vmem>>, %arg4: memref<1x32xf32, #tpu.memory_space<vmem>>, %arg5: memref<32x32xf32, #tpu.memory_space<vmem>>, %arg6: memref<512x32xf32, #tpu.memory_space<vmem>>) attributes {dimension_semantics = [#tpu.dimension_semantics<arbitrary>], iteration_bounds = array<i64: 20>, scalar_prefetch = 0 : i64, scratch_operands = 0 : i64, tpu.core_type = #tpu.core_type<tc>, window_params = [{transform_indices = @transform_0, window_bounds = array<i64: 2, 512, 32>}, {transform_indices = @transform_1, window_bounds = array<i64: 512, 32>}, {transform_indices = @transform_2, window_bounds = array<i64: 2, 16, 512>}, {pipeline_mode = #tpu.pipeline_mode<synchronous>, transform_indices = @transform_3, window_bounds = array<i64: 1, 32>}, {pipeline_mode = #tpu.pipeline_mode<synchronous>, transform_indices = @transform_4, window_bounds = array<i64: 32, 32>}, {transform_indices = @transform_5, window_bounds = array<i64: 512, 32>}]} {
    %get3A = arith.constant 0 : index
    %get3A_0 = arith.constant 0 : index
    %get3A_1 = arith.constant 0 : index
    %get3A_2 = vector.load %arg3[%get3A, %get3A_0, %get3A_1] : memref<2x16x512xf32, #tpu.memory_space<vmem>>, vector<2x16x512xf32>
    %reduce_sum3A = arith.constant dense<0.000000e+00> : vector<512xf32>
    %reduce_sum3A_3 = vector.multi_reduction <add>, %get3A_2, %reduce_sum3A [0, 1] : vector<2x16x512xf32> to vector<512xf32>
    %broadcast_in_dim3A = vector.shape_cast %reduce_sum3A_3 : vector<512xf32> to vector<512x1xf32>
    %add3A = arith.constant 1.000000e+00 : f32
    %add3A_4 = vector.broadcast %add3A : f32 to vector<512x1xf32>
    %add3A_5 = arith.addf %broadcast_in_dim3A, %add3A_4 : vector<512x1xf32>
    %rsqrt3A = math.rsqrt %add3A_5 : vector<512x1xf32>
    %get3A_6 = arith.constant 0 : index
    %get3A_7 = arith.constant 0 : index
    %get3A_8 = arith.constant 0 : index
    %get3A_9 = vector.load %arg1[%get3A_6, %get3A_7, %get3A_8] : memref<2x512x32xf32, #tpu.memory_space<vmem>>, vector<2x512x32xf32>
    %slice3A = vector.extract_strided_slice %get3A_9 {offsets = [0, 0, 0], sizes = [1, 512, 32], strides = [1, 1, 1]} : vector<2x512x32xf32> to vector<1x512x32xf32>
    %squeeze3A = vector.shape_cast %slice3A : vector<1x512x32xf32> to vector<512x32xf32>
    %slice3A_10 = vector.extract_strided_slice %get3A_9 {offsets = [1, 0, 0], sizes = [1, 512, 32], strides = [1, 1, 1]} : vector<2x512x32xf32> to vector<1x512x32xf32>
    %squeeze3A_11 = vector.shape_cast %slice3A_10 : vector<1x512x32xf32> to vector<512x32xf32>
    %add3A_12 = arith.addf %squeeze3A, %squeeze3A_11 : vector<512x32xf32>
    %get3A_13 = arith.constant 0 : index
    %get3A_14 = arith.constant 0 : index
    %get3A_15 = vector.load %arg2[%get3A_13, %get3A_14] : memref<512x32xf32, #tpu.memory_space<vmem>>, vector<512x32xf32>
    %add3A_16 = arith.addf %add3A_12, %get3A_15 : vector<512x32xf32>
    %mul3A = vector.broadcast %rsqrt3A : vector<512x1xf32> to vector<512x32xf32>
    %mul3A_17 = arith.mulf %add3A_16, %mul3A : vector<512x32xf32>
    %get3A_18 = arith.constant 0 : index
    %get3A_19 = arith.constant 0 : index
    %get3A_20 = vector.load %arg4[%get3A_18, %get3A_19] : memref<1x32xf32, #tpu.memory_space<vmem>>, vector<1x32xf32>
    %add3A_21 = vector.broadcast %get3A_20 : vector<1x32xf32> to vector<512x32xf32>
    %add3A_22 = arith.addf %mul3A_17, %add3A_21 : vector<512x32xf32>
    %max3A = arith.constant 0.000000e+00 : f32
    %max3A_23 = vector.broadcast %max3A : f32 to vector<512x32xf32>
    %max3A_24 = arith.maximumf %add3A_22, %max3A_23 : vector<512x32xf32>
    %get3A_25 = arith.constant 0 : index
    %get3A_26 = arith.constant 0 : index
    %get3A_27 = vector.load %arg5[%get3A_25, %get3A_26] : memref<32x32xf32, #tpu.memory_space<vmem>>, vector<32x32xf32>
    %dot_general3A = arith.constant dense<0.000000e+00> : vector<512x32xf32>
    %dot_general3A_28 = tpu.matmul %max3A_24, %get3A_27, %dot_general3A {dimension_numbers = #tpu.dot_dimension_numbers<[1], [0], [0], [1], [0, 0, 1, 1], [], []>, transpose_lhs_hint = false} : vector<512x32xf32>, vector<32x32xf32>, vector<512x32xf32> -> vector<512x32xf32>
    %mul3A_29 = vector.broadcast %rsqrt3A : vector<512x1xf32> to vector<512x32xf32>
    %mul3A_30 = arith.mulf %dot_general3A_28, %mul3A_29 : vector<512x32xf32>
    %swap3A = arith.constant 0 : index
    %swap3A_31 = arith.constant 0 : index
    %swap3A_32 = vector.load %arg6[%swap3A, %swap3A_31] : memref<512x32xf32, #tpu.memory_space<vmem>>, vector<512x32xf32>
    tpu.vector_store %arg6[%swap3A, %swap3A_31], %mul3A_30 {strides = array<i32>} : memref<512x32xf32, #tpu.memory_space<vmem>>, vector<512x32xf32>,
    return
  }
  func.func @transform_0(%arg0: i32) -> (i32, i32, i32) {
    %c0_i32 = arith.constant 0 : i32
    %c0_i32_0 = arith.constant 0 : i32
    %c0_i32_1 = arith.constant 0 : i32
    return %c0_i32, %arg0, %c0_i32_0 : i32, i32, i32
  }
  func.func @transform_1(%arg0: i32) -> (i32, i32) {
    %c0_i32 = arith.constant 0 : i32
    %c0_i32_0 = arith.constant 0 : i32
    return %arg0, %c0_i32 : i32, i32
  }
  func.func @transform_2(%arg0: i32) -> (i32, i32, i32) {
    %c0_i32 = arith.constant 0 : i32
    %c0_i32_0 = arith.constant 0 : i32
    %c0_i32_1 = arith.constant 0 : i32
    return %c0_i32, %c0_i32_0, %arg0 : i32, i32, i32
  }
  func.func @transform_3(%arg0: i32) -> (i32, i32) {
    %c0_i32 = arith.constant 0 : i32
    %c0_i32_0 = arith.constant 0 : i32
    %c0_i32_1 = arith.constant 0 : i32
    return %c0_i32, %c0_i32_0 : i32, i32
  }
  func.func @transform_4(%arg0: i32) -> (i32, i32) {
    %c0_i32 = arith.constant 0 : i32
    %c0_i32_0 = arith.constant 0 : i32
    %c0_i32_1 = arith.constant 0 : i32
    return %c0_i32, %c0_i32_0 : i32, i32
  }
  func.func @transform_5(%arg0: i32) -> (i32, i32) {
    %c0_i32 = arith.constant 0 : i32
    %c0_i32_0 = arith.constant 0 : i32
    return %arg0, %c0_i32 : i32, i32
  }
}

module attributes {stable_mosaic.version = 14 : i64} {
  func.func @body(%arg0: i32, %arg1: memref<2x512x32xf32, #tpu.memory_space<vmem>>, %arg2: memref<512x32xf32, #tpu.memory_space<vmem>>, %arg3: memref<2x16x512xf32, #tpu.memory_space<vmem>>, %arg4: memref<1x32xf32, #tpu.memory_space<vmem>>, %arg5: memref<32x16xf32, #tpu.memory_space<vmem>>, %arg6: memref<512x16xf32, #tpu.memory_space<vmem>>) attributes {dimension_semantics = [#tpu.dimension_semantics<arbitrary>], iteration_bounds = array<i64: 20>, scalar_prefetch = 0 : i64, scratch_operands = 0 : i64, tpu.core_type = #tpu.core_type<tc>, window_params = [{transform_indices = @transform_0, window_bounds = array<i64: 2, 512, 32>}, {transform_indices = @transform_1, window_bounds = array<i64: 512, 32>}, {transform_indices = @transform_2, window_bounds = array<i64: 2, 16, 512>}, {pipeline_mode = #tpu.pipeline_mode<synchronous>, transform_indices = @transform_3, window_bounds = array<i64: 1, 32>}, {pipeline_mode = #tpu.pipeline_mode<synchronous>, transform_indices = @transform_4, window_bounds = array<i64: 32, 16>}, {transform_indices = @transform_5, window_bounds = array<i64: 512, 16>}]} {
    %get3A = arith.constant 0 : index
    %get3A_0 = arith.constant 0 : index
    %get3A_1 = arith.constant 0 : index
    %get3A_2 = vector.load %arg3[%get3A, %get3A_0, %get3A_1] : memref<2x16x512xf32, #tpu.memory_space<vmem>>, vector<2x16x512xf32>
    %reduce_sum3A = arith.constant dense<0.000000e+00> : vector<512xf32>
    %reduce_sum3A_3 = vector.multi_reduction <add>, %get3A_2, %reduce_sum3A [0, 1] : vector<2x16x512xf32> to vector<512xf32>
    %broadcast_in_dim3A = vector.shape_cast %reduce_sum3A_3 : vector<512xf32> to vector<512x1xf32>
    %add3A = arith.constant 1.000000e+00 : f32
    %add3A_4 = vector.broadcast %add3A : f32 to vector<512x1xf32>
    %add3A_5 = arith.addf %broadcast_in_dim3A, %add3A_4 : vector<512x1xf32>
    %rsqrt3A = math.rsqrt %add3A_5 : vector<512x1xf32>
    %get3A_6 = arith.constant 0 : index
    %get3A_7 = arith.constant 0 : index
    %get3A_8 = arith.constant 0 : index
    %get3A_9 = vector.load %arg1[%get3A_6, %get3A_7, %get3A_8] : memref<2x512x32xf32, #tpu.memory_space<vmem>>, vector<2x512x32xf32>
    %slice3A = vector.extract_strided_slice %get3A_9 {offsets = [0, 0, 0], sizes = [1, 512, 32], strides = [1, 1, 1]} : vector<2x512x32xf32> to vector<1x512x32xf32>
    %squeeze3A = vector.shape_cast %slice3A : vector<1x512x32xf32> to vector<512x32xf32>
    %slice3A_10 = vector.extract_strided_slice %get3A_9 {offsets = [1, 0, 0], sizes = [1, 512, 32], strides = [1, 1, 1]} : vector<2x512x32xf32> to vector<1x512x32xf32>
    %squeeze3A_11 = vector.shape_cast %slice3A_10 : vector<1x512x32xf32> to vector<512x32xf32>
    %add3A_12 = arith.addf %squeeze3A, %squeeze3A_11 : vector<512x32xf32>
    %get3A_13 = arith.constant 0 : index
    %get3A_14 = arith.constant 0 : index
    %get3A_15 = vector.load %arg2[%get3A_13, %get3A_14] : memref<512x32xf32, #tpu.memory_space<vmem>>, vector<512x32xf32>
    %add3A_16 = arith.addf %add3A_12, %get3A_15 : vector<512x32xf32>
    %mul3A = vector.broadcast %rsqrt3A : vector<512x1xf32> to vector<512x32xf32>
    %mul3A_17 = arith.mulf %add3A_16, %mul3A : vector<512x32xf32>
    %get3A_18 = arith.constant 0 : index
    %get3A_19 = arith.constant 0 : index
    %get3A_20 = vector.load %arg4[%get3A_18, %get3A_19] : memref<1x32xf32, #tpu.memory_space<vmem>>, vector<1x32xf32>
    %add3A_21 = vector.broadcast %get3A_20 : vector<1x32xf32> to vector<512x32xf32>
    %add3A_22 = arith.addf %mul3A_17, %add3A_21 : vector<512x32xf32>
    %max3A = arith.constant 0.000000e+00 : f32
    %max3A_23 = vector.broadcast %max3A : f32 to vector<512x32xf32>
    %max3A_24 = arith.maximumf %add3A_22, %max3A_23 : vector<512x32xf32>
    %get3A_25 = arith.constant 0 : index
    %get3A_26 = arith.constant 0 : index
    %get3A_27 = vector.load %arg5[%get3A_25, %get3A_26] : memref<32x16xf32, #tpu.memory_space<vmem>>, vector<32x16xf32>
    %dot_general3A = arith.constant dense<0.000000e+00> : vector<512x16xf32>
    %dot_general3A_28 = tpu.matmul %max3A_24, %get3A_27, %dot_general3A {dimension_numbers = #tpu.dot_dimension_numbers<[1], [0], [0], [1], [0, 0, 1, 1], [], []>, transpose_lhs_hint = false} : vector<512x32xf32>, vector<32x16xf32>, vector<512x16xf32> -> vector<512x16xf32>
    %mul3A_29 = vector.broadcast %rsqrt3A : vector<512x1xf32> to vector<512x16xf32>
    %mul3A_30 = arith.mulf %dot_general3A_28, %mul3A_29 : vector<512x16xf32>
    %swap3A = arith.constant 0 : index
    %swap3A_31 = arith.constant 0 : index
    %swap3A_32 = vector.load %arg6[%swap3A, %swap3A_31] : memref<512x16xf32, #tpu.memory_space<vmem>>, vector<512x16xf32>
    tpu.vector_store %arg6[%swap3A, %swap3A_31], %mul3A_30 {strides = array<i32>} : memref<512x16xf32, #tpu.memory_space<vmem>>, vector<512x16xf32>,
    return
  }
  func.func @transform_0(%arg0: i32) -> (i32, i32, i32) {
    %c0_i32 = arith.constant 0 : i32
    %c0_i32_0 = arith.constant 0 : i32
    %c0_i32_1 = arith.constant 0 : i32
    return %c0_i32, %arg0, %c0_i32_0 : i32, i32, i32
  }
  func.func @transform_1(%arg0: i32) -> (i32, i32) {
    %c0_i32 = arith.constant 0 : i32
    %c0_i32_0 = arith.constant 0 : i32
    return %arg0, %c0_i32 : i32, i32
  }
  func.func @transform_2(%arg0: i32) -> (i32, i32, i32) {
    %c0_i32 = arith.constant 0 : i32
    %c0_i32_0 = arith.constant 0 : i32
    %c0_i32_1 = arith.constant 0 : i32
    return %c0_i32, %c0_i32_0, %arg0 : i32, i32, i32
  }
  func.func @transform_3(%arg0: i32) -> (i32, i32) {
    %c0_i32 = arith.constant 0 : i32
    %c0_i32_0 = arith.constant 0 : i32
    %c0_i32_1 = arith.constant 0 : i32
    return %c0_i32, %c0_i32_0 : i32, i32
  }
  func.func @transform_4(%arg0: i32) -> (i32, i32) {
    %c0_i32 = arith.constant 0 : i32
    %c0_i32_0 = arith.constant 0 : i32
    %c0_i32_1 = arith.constant 0 : i32
    return %c0_i32, %c0_i32_0 : i32, i32
  }
  func.func @transform_5(%arg0: i32) -> (i32, i32) {
    %c0_i32 = arith.constant 0 : i32
    %c0_i32_0 = arith.constant 0 : i32
    return %arg0, %c0_i32 : i32, i32
  }
}

module attributes {stable_mosaic.version = 14 : i64} {
  func.func @body(%arg0: i32, %arg1: memref<2x512x16xf32, #tpu.memory_space<vmem>>, %arg2: memref<512x16xf32, #tpu.memory_space<vmem>>, %arg3: memref<2x16x512xf32, #tpu.memory_space<vmem>>, %arg4: memref<1x16xf32, #tpu.memory_space<vmem>>, %arg5: memref<16x16xf32, #tpu.memory_space<vmem>>, %arg6: memref<512x16xf32, #tpu.memory_space<vmem>>) attributes {dimension_semantics = [#tpu.dimension_semantics<arbitrary>], iteration_bounds = array<i64: 20>, scalar_prefetch = 0 : i64, scratch_operands = 0 : i64, tpu.core_type = #tpu.core_type<tc>, window_params = [{transform_indices = @transform_0, window_bounds = array<i64: 2, 512, 16>}, {transform_indices = @transform_1, window_bounds = array<i64: 512, 16>}, {transform_indices = @transform_2, window_bounds = array<i64: 2, 16, 512>}, {pipeline_mode = #tpu.pipeline_mode<synchronous>, transform_indices = @transform_3, window_bounds = array<i64: 1, 16>}, {pipeline_mode = #tpu.pipeline_mode<synchronous>, transform_indices = @transform_4, window_bounds = array<i64: 16, 16>}, {transform_indices = @transform_5, window_bounds = array<i64: 512, 16>}]} {
    %get3A = arith.constant 0 : index
    %get3A_0 = arith.constant 0 : index
    %get3A_1 = arith.constant 0 : index
    %get3A_2 = vector.load %arg3[%get3A, %get3A_0, %get3A_1] : memref<2x16x512xf32, #tpu.memory_space<vmem>>, vector<2x16x512xf32>
    %reduce_sum3A = arith.constant dense<0.000000e+00> : vector<512xf32>
    %reduce_sum3A_3 = vector.multi_reduction <add>, %get3A_2, %reduce_sum3A [0, 1] : vector<2x16x512xf32> to vector<512xf32>
    %broadcast_in_dim3A = vector.shape_cast %reduce_sum3A_3 : vector<512xf32> to vector<512x1xf32>
    %add3A = arith.constant 1.000000e+00 : f32
    %add3A_4 = vector.broadcast %add3A : f32 to vector<512x1xf32>
    %add3A_5 = arith.addf %broadcast_in_dim3A, %add3A_4 : vector<512x1xf32>
    %rsqrt3A = math.rsqrt %add3A_5 : vector<512x1xf32>
    %get3A_6 = arith.constant 0 : index
    %get3A_7 = arith.constant 0 : index
    %get3A_8 = arith.constant 0 : index
    %get3A_9 = vector.load %arg1[%get3A_6, %get3A_7, %get3A_8] : memref<2x512x16xf32, #tpu.memory_space<vmem>>, vector<2x512x16xf32>
    %slice3A = vector.extract_strided_slice %get3A_9 {offsets = [0, 0, 0], sizes = [1, 512, 16], strides = [1, 1, 1]} : vector<2x512x16xf32> to vector<1x512x16xf32>
    %squeeze3A = vector.shape_cast %slice3A : vector<1x512x16xf32> to vector<512x16xf32>
    %slice3A_10 = vector.extract_strided_slice %get3A_9 {offsets = [1, 0, 0], sizes = [1, 512, 16], strides = [1, 1, 1]} : vector<2x512x16xf32> to vector<1x512x16xf32>
    %squeeze3A_11 = vector.shape_cast %slice3A_10 : vector<1x512x16xf32> to vector<512x16xf32>
    %add3A_12 = arith.addf %squeeze3A, %squeeze3A_11 : vector<512x16xf32>
    %get3A_13 = arith.constant 0 : index
    %get3A_14 = arith.constant 0 : index
    %get3A_15 = vector.load %arg2[%get3A_13, %get3A_14] : memref<512x16xf32, #tpu.memory_space<vmem>>, vector<512x16xf32>
    %add3A_16 = arith.addf %add3A_12, %get3A_15 : vector<512x16xf32>
    %mul3A = vector.broadcast %rsqrt3A : vector<512x1xf32> to vector<512x16xf32>
    %mul3A_17 = arith.mulf %add3A_16, %mul3A : vector<512x16xf32>
    %get3A_18 = arith.constant 0 : index
    %get3A_19 = arith.constant 0 : index
    %get3A_20 = vector.load %arg4[%get3A_18, %get3A_19] : memref<1x16xf32, #tpu.memory_space<vmem>>, vector<1x16xf32>
    %add3A_21 = vector.broadcast %get3A_20 : vector<1x16xf32> to vector<512x16xf32>
    %add3A_22 = arith.addf %mul3A_17, %add3A_21 : vector<512x16xf32>
    %max3A = arith.constant 0.000000e+00 : f32
    %max3A_23 = vector.broadcast %max3A : f32 to vector<512x16xf32>
    %max3A_24 = arith.maximumf %add3A_22, %max3A_23 : vector<512x16xf32>
    %get3A_25 = arith.constant 0 : index
    %get3A_26 = arith.constant 0 : index
    %get3A_27 = vector.load %arg5[%get3A_25, %get3A_26] : memref<16x16xf32, #tpu.memory_space<vmem>>, vector<16x16xf32>
    %dot_general3A = arith.constant dense<0.000000e+00> : vector<512x16xf32>
    %dot_general3A_28 = tpu.matmul %max3A_24, %get3A_27, %dot_general3A {dimension_numbers = #tpu.dot_dimension_numbers<[1], [0], [0], [1], [0, 0, 1, 1], [], []>, transpose_lhs_hint = false} : vector<512x16xf32>, vector<16x16xf32>, vector<512x16xf32> -> vector<512x16xf32>
    %mul3A_29 = vector.broadcast %rsqrt3A : vector<512x1xf32> to vector<512x16xf32>
    %mul3A_30 = arith.mulf %dot_general3A_28, %mul3A_29 : vector<512x16xf32>
    %swap3A = arith.constant 0 : index
    %swap3A_31 = arith.constant 0 : index
    %swap3A_32 = vector.load %arg6[%swap3A, %swap3A_31] : memref<512x16xf32, #tpu.memory_space<vmem>>, vector<512x16xf32>
    tpu.vector_store %arg6[%swap3A, %swap3A_31], %mul3A_30 {strides = array<i32>} : memref<512x16xf32, #tpu.memory_space<vmem>>, vector<512x16xf32>,
    return
  }
  func.func @transform_0(%arg0: i32) -> (i32, i32, i32) {
    %c0_i32 = arith.constant 0 : i32
    %c0_i32_0 = arith.constant 0 : i32
    %c0_i32_1 = arith.constant 0 : i32
    return %c0_i32, %arg0, %c0_i32_0 : i32, i32, i32
  }
  func.func @transform_1(%arg0: i32) -> (i32, i32) {
    %c0_i32 = arith.constant 0 : i32
    %c0_i32_0 = arith.constant 0 : i32
    return %arg0, %c0_i32 : i32, i32
  }
  func.func @transform_2(%arg0: i32) -> (i32, i32, i32) {
    %c0_i32 = arith.constant 0 : i32
    %c0_i32_0 = arith.constant 0 : i32
    %c0_i32_1 = arith.constant 0 : i32
    return %c0_i32, %c0_i32_0, %arg0 : i32, i32, i32
  }
  func.func @transform_3(%arg0: i32) -> (i32, i32) {
    %c0_i32 = arith.constant 0 : i32
    %c0_i32_0 = arith.constant 0 : i32
    %c0_i32_1 = arith.constant 0 : i32
    return %c0_i32, %c0_i32_0 : i32, i32
  }
  func.func @transform_4(%arg0: i32) -> (i32, i32) {
    %c0_i32 = arith.constant 0 : i32
    %c0_i32_0 = arith.constant 0 : i32
    %c0_i32_1 = arith.constant 0 : i32
    return %c0_i32, %c0_i32_0 : i32, i32
  }
  func.func @transform_5(%arg0: i32) -> (i32, i32) {
    %c0_i32 = arith.constant 0 : i32
    %c0_i32_0 = arith.constant 0 : i32
    return %arg0, %c0_i32 : i32, i32
  }
}

module attributes {stable_mosaic.version = 14 : i64} {
  func.func @body(%arg0: i32, %arg1: memref<2x512x16xf32, #tpu.memory_space<vmem>>, %arg2: memref<512x16xf32, #tpu.memory_space<vmem>>, %arg3: memref<2x16x512xf32, #tpu.memory_space<vmem>>, %arg4: memref<1x16xf32, #tpu.memory_space<vmem>>, %arg5: memref<512x16xf32, #tpu.memory_space<vmem>>) attributes {dimension_semantics = [#tpu.dimension_semantics<arbitrary>], iteration_bounds = array<i64: 20>, scalar_prefetch = 0 : i64, scratch_operands = 0 : i64, tpu.core_type = #tpu.core_type<tc>, window_params = [{transform_indices = @transform_0, window_bounds = array<i64: 2, 512, 16>}, {transform_indices = @transform_1, window_bounds = array<i64: 512, 16>}, {transform_indices = @transform_2, window_bounds = array<i64: 2, 16, 512>}, {pipeline_mode = #tpu.pipeline_mode<synchronous>, transform_indices = @transform_3, window_bounds = array<i64: 1, 16>}, {transform_indices = @transform_4, window_bounds = array<i64: 512, 16>}]} {
    %get3A = arith.constant 0 : index
    %get3A_0 = arith.constant 0 : index
    %get3A_1 = arith.constant 0 : index
    %get3A_2 = vector.load %arg3[%get3A, %get3A_0, %get3A_1] : memref<2x16x512xf32, #tpu.memory_space<vmem>>, vector<2x16x512xf32>
    %reduce_sum3A = arith.constant dense<0.000000e+00> : vector<512xf32>
    %reduce_sum3A_3 = vector.multi_reduction <add>, %get3A_2, %reduce_sum3A [0, 1] : vector<2x16x512xf32> to vector<512xf32>
    %broadcast_in_dim3A = vector.shape_cast %reduce_sum3A_3 : vector<512xf32> to vector<512x1xf32>
    %add3A = arith.constant 1.000000e+00 : f32
    %add3A_4 = vector.broadcast %add3A : f32 to vector<512x1xf32>
    %add3A_5 = arith.addf %broadcast_in_dim3A, %add3A_4 : vector<512x1xf32>
    %rsqrt3A = math.rsqrt %add3A_5 : vector<512x1xf32>
    %get3A_6 = arith.constant 0 : index
    %get3A_7 = arith.constant 0 : index
    %get3A_8 = arith.constant 0 : index
    %get3A_9 = vector.load %arg1[%get3A_6, %get3A_7, %get3A_8] : memref<2x512x16xf32, #tpu.memory_space<vmem>>, vector<2x512x16xf32>
    %slice3A = vector.extract_strided_slice %get3A_9 {offsets = [0, 0, 0], sizes = [1, 512, 16], strides = [1, 1, 1]} : vector<2x512x16xf32> to vector<1x512x16xf32>
    %squeeze3A = vector.shape_cast %slice3A : vector<1x512x16xf32> to vector<512x16xf32>
    %slice3A_10 = vector.extract_strided_slice %get3A_9 {offsets = [1, 0, 0], sizes = [1, 512, 16], strides = [1, 1, 1]} : vector<2x512x16xf32> to vector<1x512x16xf32>
    %squeeze3A_11 = vector.shape_cast %slice3A_10 : vector<1x512x16xf32> to vector<512x16xf32>
    %add3A_12 = arith.addf %squeeze3A, %squeeze3A_11 : vector<512x16xf32>
    %get3A_13 = arith.constant 0 : index
    %get3A_14 = arith.constant 0 : index
    %get3A_15 = vector.load %arg2[%get3A_13, %get3A_14] : memref<512x16xf32, #tpu.memory_space<vmem>>, vector<512x16xf32>
    %add3A_16 = arith.addf %add3A_12, %get3A_15 : vector<512x16xf32>
    %mul3A = vector.broadcast %rsqrt3A : vector<512x1xf32> to vector<512x16xf32>
    %mul3A_17 = arith.mulf %add3A_16, %mul3A : vector<512x16xf32>
    %get3A_18 = arith.constant 0 : index
    %get3A_19 = arith.constant 0 : index
    %get3A_20 = vector.load %arg4[%get3A_18, %get3A_19] : memref<1x16xf32, #tpu.memory_space<vmem>>, vector<1x16xf32>
    %add3A_21 = vector.broadcast %get3A_20 : vector<1x16xf32> to vector<512x16xf32>
    %add3A_22 = arith.addf %mul3A_17, %add3A_21 : vector<512x16xf32>
    %swap3A = arith.constant 0 : index
    %swap3A_23 = arith.constant 0 : index
    %swap3A_24 = vector.load %arg5[%swap3A, %swap3A_23] : memref<512x16xf32, #tpu.memory_space<vmem>>, vector<512x16xf32>
    tpu.vector_store %arg5[%swap3A, %swap3A_23], %add3A_22 {strides = array<i32>} : memref<512x16xf32, #tpu.memory_space<vmem>>, vector<512x16xf32>,
    return
  }
  func.func @transform_0(%arg0: i32) -> (i32, i32, i32) {
    %c0_i32 = arith.constant 0 : i32
    %c0_i32_0 = arith.constant 0 : i32
    %c0_i32_1 = arith.constant 0 : i32
    return %c0_i32, %arg0, %c0_i32_0 : i32, i32, i32
  }
  func.func @transform_1(%arg0: i32) -> (i32, i32) {
    %c0_i32 = arith.constant 0 : i32
    %c0_i32_0 = arith.constant 0 : i32
    return %arg0, %c0_i32 : i32, i32
  }
  func.func @transform_2(%arg0: i32) -> (i32, i32, i32) {
    %c0_i32 = arith.constant 0 : i32
    %c0_i32_0 = arith.constant 0 : i32
    %c0_i32_1 = arith.constant 0 : i32
    return %c0_i32, %c0_i32_0, %arg0 : i32, i32, i32
  }
  func.func @transform_3(%arg0: i32) -> (i32, i32) {
    %c0_i32 = arith.constant 0 : i32
    %c0_i32_0 = arith.constant 0 : i32
    %c0_i32_1 = arith.constant 0 : i32
    return %c0_i32, %c0_i32_0 : i32, i32
  }
  func.func @transform_4(%arg0: i32) -> (i32, i32) {
    %c0_i32 = arith.constant 0 : i32
    %c0_i32_0 = arith.constant 0 : i32
    return %arg0, %c0_i32 : i32, i32
  }
}

</mosaic_0001>

<sc_bundles>
// kernel: kernel.18.cloned.1.call-start
scs
__scs_entry_jumppad:
0x0: {  	(pc) =	sbr.rel $0x88, $3  }
0x1: {  	(tag) =	ssettag $0x0;
	lr =	simm.s32 $0x1  }
0x2: {  	[smem:$0x3F91] =	sst lr;
	_ =	strace $0xD0000000  }
0x3: {  	_ = 	snop  }
0x4: {  	_ = 	snop  }
0x5: {  	_ = 	snop  }
0x6: {  	_ = 	snop  }
0x7: {  	_ = 	snop  }
__scs_overlays_trampoline_lowered:
0x8: {  	[smem:$0x3FA0] =	sst s0  }
0x9: {  	[smem:$0x3FA1] =	sst s1  }
0xa: {  	[smem:$0x3FA2] =	sst s2  }
0xb: {  	[smem:$0x3FA3] =	sst s3  }
0xc: {  	[smem:$0x3FA4] =	sst s4  }
0xd: {  	[smem:$0x3FA5] =	sst s5  }
0xe: {  	[smem:$0x3FA6] =	sst s6  }
0xf: {  	[smem:$0x3FA7] =	sst s7  }
0x10: {  	[smem:$0x3FA8] =	sst s8  }
0x11: {  	[smem:$0x3FA9] =	sst s9;
	s0 =	simm.s32 @!p0 $0x0  }
0x12: {  	s1 =	sld [smem:$0x3F8F];
	s0 =	simm.s32 @p0 $0x1  }
0x13: {  	[smem:$0x3FAA] =	sst s0;
	s0 =	simm.s32 @!p1 $0x0  }
0x14: {  	s2 =	sld [smem:$0x3F8E];
	s0 =	simm.s32 @p1 $0x1  }
0x15: {  	[smem:$0x3FAB] =	sst s0;
	s0 =	simm.s32 @!p2 $0x0  }
0x16: {  	s3 =	sld [smem:$0x3FDB];
	s0 =	simm.s32 @p2 $0x1  }
0x17: {  	s4 =	simm.s32 $0x1BF5;
	[smem:$0x3FAD] =	sst s0  }
0x18: {  	s0 =	sld [smem:$0x3F90];
	_ =	swait.ge [sflag:s4], $0x0  }
0x19: {  	s7 =	sld [smem:$0x3F91]  }
0x1a: {  	s8 =	sadd.s32 $0xFFFFE003, lr  }
0x1b: {  	s9 =	sadd.s32 $0xFFFFFEF7, lr;
	s5 =	simm.s32 $0xFFFFFFFF;
	p2 =	slt.u32 s8, $0xFFFFF086  }
0x1c: {  	p1 =	slt.u32 s9, $0xF7A;
	s5 =	simm.s32 @!p2 $0x0  }
0x1d: {  	s5 =	simm.s32 @p1 $0x1;
	p0 =	seq.s32 s7, s2  }
0x1e: {  	s7 =	smul.u32 @!p0 $0xF7A, s2;
	p2 =	seq.s32 @!p0 s5, $0x0  }
0x1f: {  	s9 =	smul.u32 $0xF7A, s1;
	s8 =	simm.s32 @!p0 $0x1BF5;
	p2 =	por !p2, p0  }
0x20: {  	[sflag:s8] =	ssyncset.s32 @!p0 $0xFFFFF086;
	s6 =	sadd.s32 @!p0 s3, s7;
	s7 =	simm.s32 @!p0 $0x108  }
0x21: {  	s3 =	sadd.s32 s3, s9;
	s6 =	sadd.s32 @!p0 $0x88, s6;
	s7 =	simm.s32 @p2 $0x1082  }
0x22: {  	[simem:s7], [sflag:s8] =	dma.local @!p0 [hbm:s6], $0xF7A  }
0x23: {  	s9 =	sor.u32 $0xD0000000, s2;
	s6 =	simm.s32 $0x108;
	_ =	swait.ge @!p0 [sflag:s8], $0x0  }
0x24: {  	s3 =	sadd.s32 $0x88, s3;
	s6 =	simm.s32 @!p1 $0x1082;
	[sflag:s4] =	ssyncset.s32 $0xFFFFF086  }
0x25: {  	[simem:s6], [sflag:s4] =	dma.local [hbm:s3], $0xF7A  }
0x26: {  	[smem:$0x3F91] =	sst s1;
	(tag) =	ssettag s2;
	_ =	strace s9  }
0x27: {  	s1 =	sld [smem:$0x3FA1]  }
0x28: {  	s2 =	sld [smem:$0x3FA2]  }
0x29: {  	s4 =	sld [smem:$0x3FA4]  }
0x2a: {  	p0 =	seq.s32 s5, $0x0;
	s5 =	sld [smem:$0x3FA5]  }
0x2b: {  	s6 =	sld [smem:$0x3FA6]  }
0x2c: {  	s7 =	sld [smem:$0x3FA7]  }
0x2d: {  	s3 =	simm.s32 $0x108;
	s8 =	sld [smem:$0x3FA8]  }
0x2e: {  	s3 =	simm.s32 @!p0 $0x1082;
	s9 =	sld [smem:$0x3FA9]  }
0x2f: {  	lr =	sadd.s32 s0, s3;
	s0 =	sld [smem:$0x3FA0]  }
0x30: {  	s3 =	sld [smem:$0x3FA3]  }
0x31: {  	[smem:$0x3FAC] =	sst s10  }
0x32: {  	s10 =	sld [smem:$0x3FAA];
	_ =	sdelay $0x3  }
0x33: {  	p0 =	seq.s32 s10, $0x1;
	s10 =	sld [smem:$0x3FAC];
	_ =	sdelay $0x3  }
0x34: {  	[smem:$0x3FAC] =	sst s10  }
0x35: {  	s10 =	sld [smem:$0x3FAB];
	_ =	sdelay $0x3  }
0x36: {  	p1 =	seq.s32 s10, $0x1;
	s10 =	sld [smem:$0x3FAC];
	_ =	sdelay $0x3  }
0x37: {  	[smem:$0x3FAC] =	sst s10  }
0x38: {  	s10 =	sld [smem:$0x3FAD]  }
0x39: {  	_ = 	snop;
	(pc) =	sbr.ind lr, $3  }
0x3a: {  	_ = 	snop  }
0x3b: {  	_ = 	snop  }
0x3c: {  	p2 =	seq.s32 s10, $0x1;
	s10 =	sld [smem:$0x3FAC]  }
0x3d: {  	_ =	shalt  }
0x3e: {  	_ =	shalt  }
0x3f: {  	_ =	shalt  }
0x40: {  	_ =	shalt  }
0x41: {  	_ =	shalt  }
0x42: {  	_ =	shalt  }
0x43: {  	_ =	shalt  }
0x44: {  	_ =	shalt  }
0x45: {  	_ =	shalt  }
0x46: {  	_ =	shalt  }
0x47: {  	_ =	shalt  }
0x48: {  	_ =	shalt  }
0x49: {  	_ =	shalt  }
0x4a: {  	_ =	shalt  }
0x4b: {  	_ =	shalt  }
0x4c: {  	_ =	shalt  }
0x4d: {  	_ =	shalt  }
0x4e: {  	_ =	shalt  }
0x4f: {  	_ =	shalt  }
0x50: {  	_ =	shalt  }
0x51: {  	_ =	shalt  }
0x52: {  	_ =	shalt  }
0x53: {  	_ =	shalt  }
0x54: {  	_ =	shalt  }
0x55: {  	_ =	shalt  }
0x56: {  	_ =	shalt  }
0x57: {  	_ =	shalt  }
0x58: {  	_ =	shalt  }
0x59: {  	_ =	shalt  }
0x5a: {  	_ =	shalt  }
0x5b: {  	_ =	shalt  }
0x5c: {  	_ =	shalt  }
0x5d: {  	_ =	shalt  }
0x5e: {  	_ =	shalt  }
0x5f: {  	_ =	shalt  }
0x60: {  	_ =	shalt  }
0x61: {  	_ =	shalt  }
0x62: {  	_ =	shalt  }
0x63: {  	_ =	shalt  }
0x64: {  	_ =	shalt  }
0x65: {  	_ =	shalt  }
0x66: {  	_ =	shalt  }
0x67: {  	_ =	shalt  }
0x68: {  	_ =	shalt  }
0x69: {  	_ =	shalt  }
0x6a: {  	_ =	shalt  }
0x6b: {  	_ =	shalt  }
0x6c: {  	_ =	shalt  }
0x6d: {  	_ =	shalt  }
0x6e: {  	_ =	shalt  }
0x6f: {  	_ =	shalt  }
0x70: {  	_ =	shalt  }
0x71: {  	_ =	shalt  }
0x72: {  	_ =	shalt  }
0x73: {  	_ =	shalt  }
0x74: {  	_ =	shalt  }
0x75: {  	_ =	shalt  }
0x76: {  	_ =	shalt  }
0x77: {  	_ =	shalt  }
0x78: {  	_ =	shalt  }
0x79: {  	_ =	shalt  }
0x7a: {  	_ =	shalt  }
0x7b: {  	_ =	shalt  }
0x7c: {  	_ =	shalt  }
0x7d: {  	_ =	shalt  }
0x7e: {  	_ =	shalt  }
0x7f: {  	_ =	shalt  }
0x80: {  	_ =	shalt  }
0x81: {  	_ =	shalt  }
0x82: {  	_ =	shalt  }
0x83: {  	_ =	shalt  }
0x84: {  	_ =	shalt  }
0x85: {  	_ =	shalt  }
0x86: {  	_ =	shalt  }
0x87: {  	_ =	shalt  }
.Lfunc_end0:
.L_simem_size_0:
called_computation_lowered:
.L_overlay_start_0:
0x88: {  	s2 =	sld [smem:$0x3FD9]  }
0x89: {  	s3 =	sld [smem:$0x3FFE];
	_ =	sdelay $0x1  }
0x8a: {  	s1 =	srdreg.scid  }
0x8b: {  	s0 =	sand.u32 $0x1, s1  }
0x8c: {  	s16 =	sshll.u32 s0, $0xA;
	s2 =	sadd.s32 s3, s2  }
0x8d: {  	s2 =	sadd.s32 s2, s16  }
0x8e: {  	[smem:$0x3FB8] =	sst s2  }
0x8f: {  	_ = 	snop  }
0x90: {  	(tm) =	ssettm $0x1  }
0x91: {  	s17 =	sld [smem:$0x3FFB];
	_ =	sdelay $0x3  }
0x92: {  	_ =	strace s17  }
0x93: {  	s2 =	sld [smem:$0x3FFC];
	_ =	sdelay $0x3  }
0x94: {  	_ =	strace s2  }
0x95: {  	s2 =	sld [smem:$0x3FFD];
	_ =	sdelay $0x3  }
0x96: {  	_ =	strace s2  }
0x97: {  	_ =	strace $0x8FFFFFFF  }
0x98: {  	s18 =	sld [smem:$0x3FDB];
	_ =	sdelay $0x1  }
0x99: {  	s19 =	simm.s32 $_scs_section_size  }
0x9a: {  	s4 =	simm.s32 $_size__tile_overlayer_lowered;
	s5 =	simm.s32 $_tile_overlayer_lowered  }
0x9b: {  	s22 =	simm.s32 $0x1BFF;
	s21 =	sshll.u32 s5, $0x1;
	s2 =	sadd.s32 s19, s18  }
0x9c: {  	s6 =	simm.s32 $0x0;
	s20 =	sshll.u32 s4, $0x1;
	s4 =	sadd.s32 s21, s2  }
0x9d: {  	[timem:s6], [sflag:s22] =	dma.local [hbm:s4], s20  }
0x9e: {  	_ =	swait.ge [sflag:s22], s20  }
0x9f: {  	s3 =	ssub.s32 $0x0, s20;
	[sflag:s22] =	ssyncset.done $0x0  }
0xa0: {  	[sflag:s22] =	ssyncadd.s32 s3;
	_ =	sdelay $0x1  }
0xa1: {  	s23 =	simm.s32 $0x1B8B  }
0xa2: {  	_ =	swait.ge [sflag:s23], $0x1  }
0xa3: {  	[sflag:s23] =	ssyncset.done $0x0  }
0xa4: {  	s25 =	simm.s32 $0x1B8E;
	s24 =	sld [smem:$0x3FFE];
	[sflag:s23] =	ssyncadd.s32 $0xFFFFFFFF  }
0xa5: {  	s26 =	simm.s32 $execute0_lowered;
	[smem:$0x3FD2] =	sst s25  }
0xa6: {  	s4 =	sshll.u32 s26, $0x1;
	_ =	strace $0x80000046;
	[dreg:$0x1] =	wrdreg $0xFFFFFFFF  }
0xa7: {  	s28 =	simm.s32 $_size_execute0_lowered;
	s2 =	sadd.s32 s2, s4;
	[dreg:$0x0] =	wrdreg $0x0  }
0xa8: {  	s4 =	sshll.u32 s28, $0x1;
	[dreg:$0x2] =	wrdreg s2  }
0xa9: {  	[dreg:$0x3] =	wrdreg s4  }
0xaa: {  	[dreg:$0x4] =	wrdreg $0xC0  }
0xab: {  	_ =	task [dreg:s6], $0x5FFFF  }
0xac: {  	[dreg:$0x1] =	wrdreg $0xFFFFFFFF  }
0xad: {  	[dreg:$0x0] =	wrdreg $0x60  }
0xae: {  	[dreg:$0x2] =	wrdreg s24  }
0xaf: {  	[dreg:$0x3] =	wrdreg $0x9  }
0xb0: {  	_ =	task.clear_ibuf [dreg:s6], $0x4FFFF;
	_ =	strace $0x90000046  }
0xb1: {  	s29 =	simm.s32 $0x9;
	_ =	strace $0x80000048  }
0xb2: {  	_ =	swait.ge [sflag:s29], $0x1  }
0xb3: {  	[sflag:s29] =	ssyncadd.s32 $0xFFFFFFFF  }
0xb4: {  	_ =	strace $0x90000048  }
0xb5: {  	_ =	sfence  }
0xb6: {  	s30 =	sld [smem:$0x0];
	_ =	sdelay $0x2  }
0xb7: {  	s31 =	sshll.u32 s1, $0xD;
	s1 =	sshrl.u32 s1, $0x2  }
0xb8: {  	s3 =	sand.u32 $0x4000, s31;
	s1 =	sadd.s32 s1, s30  }
0xb9: {  	s0 =	sor.u32 s3, s0;
	s1 =	sshll.u32 s1, $0x11  }
0xba: {  	s0 =	sor.u32 s1, s0  }
0xbb: {  	s0 =	sadd.s32 $0x8F2B, s0  }
0xbc: {  	[sflag:s0] =	ssyncadd.remote.s32 $0x1  }
0xbd: {  	_ =	sfence.sel $0xFFFF  }
0xbe: {  	[dreg:$0x0] =	wrdreg $0xFFFFFFFF;
	(pc) =	sbr.abs _section_cstart, $3  }
0xbf: {  	[dreg:$0x1] =	wrdreg $0xFFFFFFFF  }
0xc0: {  	_ =	task.clear_ibuf [dreg:s6], $0x2FFFF;
	_ =	strace $0x9FFFFFFF  }
0xc1: {  	(tm) =	ssettm $0x7FFFFFFF  }
tec
execute0_lowered:
.L_overlay_start_1:
0x0: {  	(tag) =	ssettag $0x1  }
0x1: {  	s1 =	srdreg.scid  }
0x2: {  	s3 =	rddreg [dreg:$0x0];
	s4 =	sand.u32 $0x1, s1  }
0x3: {  	s1 =	stileid.u32;
	s5 =	smul.u32 $0x28000, s4  }
0x4: {  	s0 =	rddreg [dreg:$0x1];
	s6 =	sshll.u32 s4, $0x4;
	s7 =	smul.u32 $0x2800, s1  }
0x5: {  	s2 =	simm.s32 $0x0;
	s8 =	simm.s32 $0x0;
	s6 =	sor.u32 s1, s6  }
0x6: {  	[smem:$0x7FF] =	sst s2;
	s6 =	smul.u32 $0x500, s6;
	s5 =	sadd.s32 s7, s5  }
0x7: {  	s4 =	ssub.s32 $0x2, s4;
	_ =	strace $0x80000047;
	s5 =	sshrl.u32 s5, $0x3  }
0x8: {  	s31 =	sshrl.u32 s4, $0x1;
	s6 =	sadd.s32 s6, s3;
	s5 =	sadd.s32 s5, s3  }
0x9: {  	s7 =	ssub.s32 s4, s31;
	s3 =	sadd.s32 $0x4800, s6;
	s4 =	sadd.s32 $0xE800, s5  }
0xa: {  	v0 =	vimm.f32 $0.0e+00;
	v1 =	vimm.f32 $1.000000000e+00;
	s5 =	smax.u32 s7, $0x1;
	s6 =	simm.s32 $0x1;
	s7 =	simm.s32 $0x2800  }
.LBB2_1:
0xb: {  	[tilespmem:s2], [sflag:$0x1] =	stream.linear.gather [hbm4b:s3+s2], $0x2800, $0x38;
	[tilespmem:$0x5000] =	vst v63  }
0xc: {  	_ =	swait.ge [sflag:s6], $0x2800  }
0xd: {  	[sflag:s6] =	ssyncset.done $0x0  }
0xe: {  	s9 =	simm.s32 $0x0;
	[sflag:s6] =	ssyncadd.s32 $0xFFFFD800  }
.LBB2_2:
0xf: {  	p0 =	sne.s32 s9, $0x9FC0  }
.Ltmp0:
0x10: {  	_ = 	snop;
	(pc) =	sbr.rel @p0 .LBB2_2-.Ltmp0, $3  }
0x11: {  	_ =	sdelay $0x1  }
0x12: {  	s10 =	sshra.s32 s9, $0x2  }
0x13: {  	s9 =	sadd.s32 $0x40, s9;
	[tilespmem:s10+$0x2800] =	vst v0  }
0x14: {  	s9 =	simm.s32 $0x0  }
.LBB2_4:
0x15: {  	s10 =	sshra.s32 s9, $0x2  }
0x16: {  	v2 =	vld [tilespmem:s10+$0x0];
	_ =	sdelay $0x7  }
0x17: {  	[tilespmem:v2+s7+$0x0] =	vst.idx.add.f32.msk $0xffff, v1  }
0x18: {  	v2 =	vld [tilespmem:s10+$0x10];
	_ =	sdelay $0x7  }
0x19: {  	[tilespmem:v2+s7+$0x0] =	vst.idx.add.f32.msk $0xffff, v1  }
0x1a: {  	v2 =	vld [tilespmem:s10+$0x20];
	_ =	sdelay $0x7  }
0x1b: {  	[tilespmem:v2+s7+$0x0] =	vst.idx.add.f32.msk $0xffff, v1  }
0x1c: {  	v2 =	vld [tilespmem:s10+$0x30];
	_ =	sdelay $0x7  }
0x1d: {  	[tilespmem:v2+s7+$0x0] =	vst.idx.add.f32.msk $0xffff, v1  }
0x1e: {  	v2 =	vld [tilespmem:s10+$0x40];
	_ =	sdelay $0x7  }
0x1f: {  	[tilespmem:v2+s7+$0x0] =	vst.idx.add.f32.msk $0xffff, v1  }
0x20: {  	v2 =	vld [tilespmem:s10+$0x50];
	_ =	sdelay $0x7  }
0x21: {  	[tilespmem:v2+s7+$0x0] =	vst.idx.add.f32.msk $0xffff, v1  }
0x22: {  	v2 =	vld [tilespmem:s10+$0x60];
	_ =	sdelay $0x7  }
0x23: {  	[tilespmem:v2+s7+$0x0] =	vst.idx.add.f32.msk $0xffff, v1  }
0x24: {  	v2 =	vld [tilespmem:s10+$0x70];
	_ =	sdelay $0x2  }
0x25: {  	p0 =	sne.s32 s9, $0x9E00  }
.Ltmp1:
0x26: {  	_ = 	snop;
	(pc) =	sbr.rel @p0 .LBB2_4-.Ltmp1, $2  }
0x27: {  	_ =	sdelay $0x2  }
0x28: {  	s9 =	sadd.s32 $0x200, s9;
	[tilespmem:v2+s7+$0x0] =	vst.idx.add.f32.msk $0xffff, v1  }
0x29: {  	s8 =	sadd.s32 $0x1, s8  }
0x2a: {  	p0 =	sne.s32 s8, s5  }
.Ltmp2:
0x2b: {  	_ = 	snop;
	(pc) =	sbr.rel @p0 .LBB2_1-.Ltmp2, $4  }
0x2c: {  	[hbm4b:s4+s2] =	stream.linear.scatter [tilespmem:s7], [sflag:$0x1], $0x2800, $0x38;
	[tilespmem:$0x5000] =	vst v63  }
0x2d: {  	_ =	swait.ge [sflag:s6], $0x2800  }
0x2e: {  	[sflag:s6] =	ssyncset.done $0x0  }
0x2f: {  	[sflag:s6] =	ssyncadd.s32 $0xFFFFD800  }
0x30: {  	_ =	sfence.sel $0x180000  }
0x31: {  	[bflag:$0x0] =	sbarrier.arrive $0xFFFF  }
0x32: {  	p0 =	sne.s32 s1, $0x0;
	_ =	strace $0x90000047  }
0x33: {  	s0 =	sadd.s32 @!p0 $0x100000, s0;
	[bflag:$0x2] =	sbarrier.arrive $0xFFFF  }
0x34: {  	[sflag:s0] =	ssyncadd.tile.s32 @!p0 $0x1;
	_ =	shalt  }
.Lfunc_end2:
_tile_overlayer_lowered:
.L_overlay_start_2:
0x35: {  	(tag) =	ssettag $0x2  }
0x36: {  	s0 =	rddreg [dreg:$0x0];
	s2 =	stileid.u32  }
0x37: {  	s1 =	rddreg [dreg:$0x1];
	p0 =	sne.s32 s2, $0x0  }
0x38: {  	s3 =	rddreg [dreg:$0x2];
	[bflag:$0x3] =	sbarrier.arrive $0xFFFF;
	s2 =	simm.s32 @!p0 $0x1C01  }
0x39: {  	[timem:s3], [sflag:s2] =	dma.local @!p0 [hbm:s0], s1  }
0x3a: {  	s0 =	simm.s32 @!p0 $0x1  }
0x3b: {  	_ =	swait.ge @!p0 [sflag:s0], s1  }
0x3c: {  	s1 =	ssub.s32 @!p0 $0x0, s1;
	[sflag:s0] =	ssyncset.done @!p0 $0x0  }
0x3d: {  	[sflag:s0] =	ssyncadd.s32 @!p0 s1  }
0x3e: {  	[bflag:$0x3] =	sbarrier.arrive $0xFFFF  }
0x3f: {  	_ =	shalt  }

// kernel: kernel.21.cloned.1.call-start
scs
__scs_entry_jumppad:
0x0: {  	(pc) =	sbr.rel $0x88, $3  }
0x1: {  	(tag) =	ssettag $0x0;
	lr =	simm.s32 $0x1  }
0x2: {  	[smem:$0x3F91] =	sst lr;
	_ =	strace $0xD0000000  }
0x3: {  	_ = 	snop  }
0x4: {  	_ = 	snop  }
0x5: {  	_ = 	snop  }
0x6: {  	_ = 	snop  }
0x7: {  	_ = 	snop  }
__scs_overlays_trampoline_lowered:
0x8: {  	[smem:$0x3FA0] =	sst s0  }
0x9: {  	[smem:$0x3FA1] =	sst s1  }
0xa: {  	[smem:$0x3FA2] =	sst s2  }
0xb: {  	[smem:$0x3FA3] =	sst s3  }
0xc: {  	[smem:$0x3FA4] =	sst s4  }
0xd: {  	[smem:$0x3FA5] =	sst s5  }
0xe: {  	[smem:$0x3FA6] =	sst s6  }
0xf: {  	[smem:$0x3FA7] =	sst s7  }
0x10: {  	[smem:$0x3FA8] =	sst s8  }
0x11: {  	[smem:$0x3FA9] =	sst s9;
	s0 =	simm.s32 @!p0 $0x0  }
0x12: {  	s1 =	sld [smem:$0x3F8F];
	s0 =	simm.s32 @p0 $0x1  }
0x13: {  	[smem:$0x3FAA] =	sst s0;
	s0 =	simm.s32 @!p1 $0x0  }
0x14: {  	s2 =	sld [smem:$0x3F8E];
	s0 =	simm.s32 @p1 $0x1  }
0x15: {  	[smem:$0x3FAB] =	sst s0;
	s0 =	simm.s32 @!p2 $0x0  }
0x16: {  	s3 =	sld [smem:$0x3FDB];
	s0 =	simm.s32 @p2 $0x1  }
0x17: {  	s4 =	simm.s32 $0x1BF5;
	[smem:$0x3FAD] =	sst s0  }
0x18: {  	s0 =	sld [smem:$0x3F90];
	_ =	swait.ge [sflag:s4], $0x0  }
0x19: {  	s7 =	sld [smem:$0x3F91]  }
0x1a: {  	s8 =	sadd.s32 $0xFFFFE003, lr  }
0x1b: {  	s9 =	sadd.s32 $0xFFFFFEF7, lr;
	s5 =	simm.s32 $0xFFFFFFFF;
	p2 =	slt.u32 s8, $0xFFFFF086  }
0x1c: {  	p1 =	slt.u32 s9, $0xF7A;
	s5 =	simm.s32 @!p2 $0x0  }
0x1d: {  	s5 =	simm.s32 @p1 $0x1;
	p0 =	seq.s32 s7, s2  }
0x1e: {  	s7 =	smul.u32 @!p0 $0xF7A, s2;
	p2 =	seq.s32 @!p0 s5, $0x0  }
0x1f: {  	s9 =	smul.u32 $0xF7A, s1;
	s8 =	simm.s32 @!p0 $0x1BF5;
	p2 =	por !p2, p0  }
0x20: {  	[sflag:s8] =	ssyncset.s32 @!p0 $0xFFFFF086;
	s6 =	sadd.s32 @!p0 s3, s7;
	s7 =	simm.s32 @!p0 $0x108  }
0x21: {  	s3 =	sadd.s32 s3, s9;
	s6 =	sadd.s32 @!p0 $0x88, s6;
	s7 =	simm.s32 @p2 $0x1082  }
0x22: {  	[simem:s7], [sflag:s8] =	dma.local @!p0 [hbm:s6], $0xF7A  }
0x23: {  	s9 =	sor.u32 $0xD0000000, s2;
	s6 =	simm.s32 $0x108;
	_ =	swait.ge @!p0 [sflag:s8], $0x0  }
0x24: {  	s3 =	sadd.s32 $0x88, s3;
	s6 =	simm.s32 @!p1 $0x1082;
	[sflag:s4] =	ssyncset.s32 $0xFFFFF086  }
0x25: {  	[simem:s6], [sflag:s4] =	dma.local [hbm:s3], $0xF7A  }
0x26: {  	[smem:$0x3F91] =	sst s1;
	(tag) =	ssettag s2;
	_ =	strace s9  }
0x27: {  	s1 =	sld [smem:$0x3FA1]  }
0x28: {  	s2 =	sld [smem:$0x3FA2]  }
0x29: {  	s4 =	sld [smem:$0x3FA4]  }
0x2a: {  	p0 =	seq.s32 s5, $0x0;
	s5 =	sld [smem:$0x3FA5]  }
0x2b: {  	s6 =	sld [smem:$0x3FA6]  }
0x2c: {  	s7 =	sld [smem:$0x3FA7]  }
0x2d: {  	s3 =	simm.s32 $0x108;
	s8 =	sld [smem:$0x3FA8]  }
0x2e: {  	s3 =	simm.s32 @!p0 $0x1082;
	s9 =	sld [smem:$0x3FA9]  }
0x2f: {  	lr =	sadd.s32 s0, s3;
	s0 =	sld [smem:$0x3FA0]  }
0x30: {  	s3 =	sld [smem:$0x3FA3]  }
0x31: {  	[smem:$0x3FAC] =	sst s10  }
0x32: {  	s10 =	sld [smem:$0x3FAA];
	_ =	sdelay $0x3  }
0x33: {  	p0 =	seq.s32 s10, $0x1;
	s10 =	sld [smem:$0x3FAC];
	_ =	sdelay $0x3  }
0x34: {  	[smem:$0x3FAC] =	sst s10  }
0x35: {  	s10 =	sld [smem:$0x3FAB];
	_ =	sdelay $0x3  }
0x36: {  	p1 =	seq.s32 s10, $0x1;
	s10 =	sld [smem:$0x3FAC];
	_ =	sdelay $0x3  }
0x37: {  	[smem:$0x3FAC] =	sst s10  }
0x38: {  	s10 =	sld [smem:$0x3FAD]  }
0x39: {  	_ = 	snop;
	(pc) =	sbr.ind lr, $3  }
0x3a: {  	_ = 	snop  }
0x3b: {  	_ = 	snop  }
0x3c: {  	p2 =	seq.s32 s10, $0x1;
	s10 =	sld [smem:$0x3FAC]  }
0x3d: {  	_ =	shalt  }
0x3e: {  	_ =	shalt  }
0x3f: {  	_ =	shalt  }
0x40: {  	_ =	shalt  }
0x41: {  	_ =	shalt  }
0x42: {  	_ =	shalt  }
0x43: {  	_ =	shalt  }
0x44: {  	_ =	shalt  }
0x45: {  	_ =	shalt  }
0x46: {  	_ =	shalt  }
0x47: {  	_ =	shalt  }
0x48: {  	_ =	shalt  }
0x49: {  	_ =	shalt  }
0x4a: {  	_ =	shalt  }
0x4b: {  	_ =	shalt  }
0x4c: {  	_ =	shalt  }
0x4d: {  	_ =	shalt  }
0x4e: {  	_ =	shalt  }
0x4f: {  	_ =	shalt  }
0x50: {  	_ =	shalt  }
0x51: {  	_ =	shalt  }
0x52: {  	_ =	shalt  }
0x53: {  	_ =	shalt  }
0x54: {  	_ =	shalt  }
0x55: {  	_ =	shalt  }
0x56: {  	_ =	shalt  }
0x57: {  	_ =	shalt  }
0x58: {  	_ =	shalt  }
0x59: {  	_ =	shalt  }
0x5a: {  	_ =	shalt  }
0x5b: {  	_ =	shalt  }
0x5c: {  	_ =	shalt  }
0x5d: {  	_ =	shalt  }
0x5e: {  	_ =	shalt  }
0x5f: {  	_ =	shalt  }
0x60: {  	_ =	shalt  }
0x61: {  	_ =	shalt  }
0x62: {  	_ =	shalt  }
0x63: {  	_ =	shalt  }
0x64: {  	_ =	shalt  }
0x65: {  	_ =	shalt  }
0x66: {  	_ =	shalt  }
0x67: {  	_ =	shalt  }
0x68: {  	_ =	shalt  }
0x69: {  	_ =	shalt  }
0x6a: {  	_ =	shalt  }
0x6b: {  	_ =	shalt  }
0x6c: {  	_ =	shalt  }
0x6d: {  	_ =	shalt  }
0x6e: {  	_ =	shalt  }
0x6f: {  	_ =	shalt  }
0x70: {  	_ =	shalt  }
0x71: {  	_ =	shalt  }
0x72: {  	_ =	shalt  }
0x73: {  	_ =	shalt  }
0x74: {  	_ =	shalt  }
0x75: {  	_ =	shalt  }
0x76: {  	_ =	shalt  }
0x77: {  	_ =	shalt  }
0x78: {  	_ =	shalt  }
0x79: {  	_ =	shalt  }
0x7a: {  	_ =	shalt  }
0x7b: {  	_ =	shalt  }
0x7c: {  	_ =	shalt  }
0x7d: {  	_ =	shalt  }
0x7e: {  	_ =	shalt  }
0x7f: {  	_ =	shalt  }
0x80: {  	_ =	shalt  }
0x81: {  	_ =	shalt  }
0x82: {  	_ =	shalt  }
0x83: {  	_ =	shalt  }
0x84: {  	_ =	shalt  }
0x85: {  	_ =	shalt  }
0x86: {  	_ =	shalt  }
0x87: {  	_ =	shalt  }
.Lfunc_end0:
.L_simem_size_0:
called_computation.1_lowered:
.L_overlay_start_0:
0x88: {  	s2 =	sld [smem:$0x3FD9]  }
0x89: {  	s3 =	sld [smem:$0x3FFE];
	_ =	sdelay $0x1  }
0x8a: {  	s1 =	srdreg.scid  }
0x8b: {  	s0 =	sand.u32 $0x1, s1  }
0x8c: {  	s16 =	sshll.u32 s0, $0xA;
	s2 =	sadd.s32 s3, s2  }
0x8d: {  	s2 =	sadd.s32 s2, s16  }
0x8e: {  	[smem:$0x3FB8] =	sst s2  }
0x8f: {  	_ = 	snop  }
0x90: {  	(tm) =	ssettm $0x1  }
0x91: {  	s17 =	sld [smem:$0x3FFB];
	_ =	sdelay $0x3  }
0x92: {  	_ =	strace s17  }
0x93: {  	s2 =	sld [smem:$0x3FFC];
	_ =	sdelay $0x3  }
0x94: {  	_ =	strace s2  }
0x95: {  	s2 =	sld [smem:$0x3FFD];
	_ =	sdelay $0x3  }
0x96: {  	_ =	strace s2  }
0x97: {  	_ =	strace $0x8FFFFFFF  }
0x98: {  	s18 =	sld [smem:$0x3FDB];
	_ =	sdelay $0x1  }
0x99: {  	s19 =	simm.s32 $_scs_section_size  }
0x9a: {  	s4 =	simm.s32 $_size__tile_overlayer_lowered;
	s5 =	simm.s32 $_tile_overlayer_lowered  }
0x9b: {  	s22 =	simm.s32 $0x1BFF;
	s21 =	sshll.u32 s5, $0x1;
	s2 =	sadd.s32 s19, s18  }
0x9c: {  	s6 =	simm.s32 $0x0;
	s20 =	sshll.u32 s4, $0x1;
	s4 =	sadd.s32 s21, s2  }
0x9d: {  	[timem:s6], [sflag:s22] =	dma.local [hbm:s4], s20  }
0x9e: {  	_ =	swait.ge [sflag:s22], s20  }
0x9f: {  	s3 =	ssub.s32 $0x0, s20;
	[sflag:s22] =	ssyncset.done $0x0  }
0xa0: {  	[sflag:s22] =	ssyncadd.s32 s3;
	_ =	sdelay $0x1  }
0xa1: {  	s23 =	simm.s32 $0x1B8B  }
0xa2: {  	_ =	swait.ge [sflag:s23], $0x1  }
0xa3: {  	[sflag:s23] =	ssyncset.done $0x0  }
0xa4: {  	s25 =	simm.s32 $0x1B8E;
	s24 =	sld [smem:$0x3FFE];
	[sflag:s23] =	ssyncadd.s32 $0xFFFFFFFF  }
0xa5: {  	s26 =	simm.s32 $execute0_lowered;
	[smem:$0x3FD2] =	sst s25  }
0xa6: {  	s4 =	sshll.u32 s26, $0x1;
	_ =	strace $0x80000049;
	[dreg:$0x1] =	wrdreg $0xFFFFFFFF  }
0xa7: {  	s28 =	simm.s32 $_size_execute0_lowered;
	s2 =	sadd.s32 s2, s4;
	[dreg:$0x0] =	wrdreg $0x0  }
0xa8: {  	s4 =	sshll.u32 s28, $0x1;
	[dreg:$0x2] =	wrdreg s2  }
0xa9: {  	[dreg:$0x3] =	wrdreg s4  }
0xaa: {  	[dreg:$0x4] =	wrdreg $0xC0  }
0xab: {  	_ =	task [dreg:s6], $0x5FFFF  }
0xac: {  	[dreg:$0x1] =	wrdreg $0xFFFFFFFF  }
0xad: {  	[dreg:$0x0] =	wrdreg $0x60  }
0xae: {  	[dreg:$0x2] =	wrdreg s24  }
0xaf: {  	[dreg:$0x3] =	wrdreg $0x0  }
0xb0: {  	[dreg:$0x4] =	wrdreg $0x9  }
0xb1: {  	_ =	task.clear_ibuf [dreg:s6], $0x5FFFF;
	_ =	strace $0x90000049  }
0xb2: {  	s29 =	simm.s32 $0x9;
	_ =	strace $0x8000004B  }
0xb3: {  	_ =	swait.ge [sflag:s29], $0x1  }
0xb4: {  	[sflag:s29] =	ssyncadd.s32 $0xFFFFFFFF  }
0xb5: {  	_ =	strace $0x9000004B  }
0xb6: {  	_ =	sfence  }
0xb7: {  	s30 =	sld [smem:$0x0];
	_ =	sdelay $0x2  }
0xb8: {  	s31 =	sshll.u32 s1, $0xD;
	s1 =	sshrl.u32 s1, $0x2  }
0xb9: {  	s3 =	sand.u32 $0x4000, s31;
	s1 =	sadd.s32 s1, s30  }
0xba: {  	s0 =	sor.u32 s3, s0;
	s1 =	sshll.u32 s1, $0x11  }
0xbb: {  	s0 =	sor.u32 s1, s0  }
0xbc: {  	s0 =	sadd.s32 $0x8F2B, s0  }
0xbd: {  	[sflag:s0] =	ssyncadd.remote.s32 $0x1  }
0xbe: {  	_ =	sfence.sel $0xFFFF  }
0xbf: {  	[dreg:$0x0] =	wrdreg $0xFFFFFFFF;
	(pc) =	sbr.abs _section_cstart, $3  }
0xc0: {  	[dreg:$0x1] =	wrdreg $0xFFFFFFFF  }
0xc1: {  	_ =	task.clear_ibuf [dreg:s6], $0x2FFFF;
	_ =	strace $0x9FFFFFFF  }
0xc2: {  	(tm) =	ssettm $0x7FFFFFFF  }
0xc3: {  	_ =	shalt  }
tec
execute0_lowered:
.L_overlay_start_1:
0x0: {  	(tag) =	ssettag $0x1  }
0x1: {  	s0 =	srdreg.scid;
	s6 =	rddreg [dreg:$0x0]  }
0x2: {  	s2 =	rddreg [dreg:$0x1];
	s3 =	simm.s32 $0x0;
	s14 =	simm.s32 $0xC800  }
0x3: {  	s15 =	simm.s32 $0x140;
	s16 =	simm.s32 $0xF000;
	s17 =	simm.s32 $0xA140  }
0x4: {  	s18 =	simm.s32 $0x14000;
	s19 =	simm.s32 $0x1;
	s20 =	simm.s32 $0x3  }
0x5: {  	s21 =	simm.s32 $0xA280;
	s22 =	simm.s32 $0x2;
	s23 =	simm.s32 $0xC940  }
0x6: {  	s24 =	simm.s32 $0x4;
	s5 =	sand.u32 $0x1, s0;
	s0 =	stileid.u32  }
0x7: {  	s25 =	simm.s32 $0x0;
	[smem:$0x7FF] =	sst s3;
	s8 =	smul.u32 $0xA000, s0  }
0x8: {  	s4 =	sadd.s32 $0x22800, s6;
	s1 =	sshll.u32 s5, $0x4;
	s9 =	smul.u32 $0xA0000, s5  }
0x9: {  	s5 =	ssub.s32 $0x2, s5;
	s31 =	sshll.u32 s0, $0x6;
	s1 =	sor.u32 s0, s1  }
0xa: {  	s30 =	sshrl.u32 s5, $0x1;
	s7 =	smul.u32 $0x500, s1;
	s1 =	rddreg [dreg:$0x2]  }
0xb: {  	_ =	strace $0x8000004A;
	s28 =	sadd.s32 s8, s9;
	s29 =	sshrl.u32 s8, $0x3  }
0xc: {  	s12 =	ssub.s32 s5, s30;
	s13 =	sadd.s32 s8, s2;
	s9 =	sadd.s32 s29, s6  }
0xd: {  	s10 =	sadd.s32 s7, s6;
	s7 =	sshrl.u32 s28, $0x3;
	s5 =	sadd.s32 $0x36800, s9  }
0xe: {  	s11 =	sadd.s32 s7, s6;
	s6 =	sor.u32 $0x1C05, s31;
	s7 =	sadd.s32 $0x18800, s10  }
0xf: {  	s8 =	sadd.s32 $0x4800, s10;
	s10 =	smax.u32 s12, $0x1;
	s12 =	simm.s32 $0x5  }
0x10: {  	s9 =	sadd.s32 $0x4A800, s11;
	s11 =	sshrl.u32 s13, $0x3;
	s13 =	simm.s32 $0xA000  }
.LBB2_1:
0x11: {  	[spmem:s11], [sflag:s6] =	dma.local [hbm:s5], $0x1400  }
0x12: {  	_ =	swait.ge [sflag:s12], $0x1400  }
0x13: {  	[sflag:s12] =	ssyncset.done $0x0  }
0x14: {  	[sflag:s12] =	ssyncadd.s32 $0xFFFFEC00  }
0x15: {  	[tilespmem:s13], [sflag:$0x5] =	stream.linear.gather [hbm4b:s7+s3], $0x2800, $0x38;
	[tilespmem:$0x19000] =	vst v63  }
0x16: {  	_ =	swait.ge [sflag:s12], $0x2800  }
0x17: {  	[sflag:s12] =	ssyncset.done $0x0  }
0x18: {  	[sflag:s12] =	ssyncadd.s32 $0xFFFFD800  }
0x19: {  	[tilespmem:s14], [sflag:$0x5] =	stream.linear.gather [hbm4b:s8+s3], $0x2800, $0x38;
	[tilespmem:$0x19000] =	vst v63  }
0x1a: {  	_ =	swait.ge [sflag:s12], $0x2800  }
0x1b: {  	[sflag:s12] =	ssyncset.done $0x0  }
0x1c: {  	[sflag:s12] =	ssyncadd.s32 $0xFFFFD800  }
0x1d: {  	[bflag:$0x0] =	sbarrier.arrive $0xFFFF  }
0x1e: {  	[tilespmem:s16], [sflag:$0x1] =	stream.indirect.gather [hbm4b:s4+s15], $0x40, s13, s15, $0xb8;
	[tilespmem:$0x19000] =	vst v63  }
0x1f: {  	_ = 	snop  }
0x20: {  	[tilespmem:s18], [sflag:$0x2] =	stream.indirect.gather [hbm4b:s4+s15], $0x40, s17, s15, $0xb8;
	[tilespmem:$0x19000] =	vst v63  }
0x21: {  	_ =	swait.ge [sflag:s19], $0x5000  }
0x22: {  	[sflag:s19] =	ssyncset.done $0x0  }
0x23: {  	[sflag:s19] =	ssyncadd.s32 $0xFFFFB000  }
0x24: {  	[spmem:s2] =	stream.indirect.scatter.add.f32 [tilespmem:s16], [sflag:$0x3], $0x40, s14, s15, $0xb8;
	[tilespmem:$0x19000] =	vst v63  }
0x25: {  	_ =	swait.ge [sflag:s20], $0x5000  }
0x26: {  	[sflag:s20] =	ssyncset.done $0x0  }
0x27: {  	[sflag:s20] =	ssyncadd.s32 $0xFFFFB000  }
0x28: {  	[tilespmem:s16], [sflag:$0x1] =	stream.indirect.gather [hbm4b:s4+s15], $0x40, s21, s15, $0xb8;
	[tilespmem:$0x19000] =	vst v63  }
0x29: {  	_ =	swait.ge [sflag:s22], $0x5000  }
0x2a: {  	[sflag:s22] =	ssyncset.done $0x0  }
0x2b: {  	[sflag:s22] =	ssyncadd.s32 $0xFFFFB000  }
0x2c: {  	[spmem:s2] =	stream.indirect.scatter.add.f32 [tilespmem:s18], [sflag:$0x4], $0x40, s23, s15, $0xb8;
	[tilespmem:$0x19000] =	vst v63  }
0x2d: {  	_ =	swait.ge [sflag:s24], $0x5000  }
0x2e: {  	[sflag:s24] =	ssyncset.done $0x0  }
0x2f: {  	s26 =	simm.s32 $0xA3C0;
	[sflag:s24] =	ssyncadd.s32 $0xFFFFB000  }
0x30: {  	[tilespmem:s18], [sflag:$0x2] =	stream.indirect.gather [hbm4b:s4+s15], $0x40, s26, s15, $0xb8;
	[tilespmem:$0x19000] =	vst v63  }
0x31: {  	_ =	swait.ge [sflag:s19], $0x5000  }
0x32: {  	[sflag:s19] =	ssyncset.done $0x0  }
0x33: {  	s30 =	simm.s32 $0xCA80;
	[sflag:s19] =	ssyncadd.s32 $0xFFFFB000  }
0x34: {  	[spmem:s2] =	stream.indirect.scatter.add.f32 [tilespmem:s16], [sflag:$0x3], $0x40, s30, s15, $0xb8;
	[tilespmem:$0x19000] =	vst v63  }
0x35: {  	_ =	swait.ge [sflag:s20], $0x5000  }
0x36: {  	[sflag:s20] =	ssyncset.done $0x0  }
0x37: {  	s31 =	simm.s32 $0xA500;
	[sflag:s20] =	ssyncadd.s32 $0xFFFFB000  }
0x38: {  	[tilespmem:s16], [sflag:$0x1] =	stream.indirect.gather [hbm4b:s4+s15], $0x40, s31, s15, $0xb8;
	[tilespmem:$0x19000] =	vst v63  }
0x39: {  	_ =	swait.ge [sflag:s22], $0x5000  }
0x3a: {  	[sflag:s22] =	ssyncset.done $0x0  }
0x3b: {  	s28 =	simm.s32 $0xCBC0;
	s26 =	simm.s32 $0xFFFF7E00;
	[sflag:s22] =	ssyncadd.s32 $0xFFFFB000  }
.LBB2_2:
0x3c: {  	[spmem:s2] =	stream.indirect.scatter.add.f32 [tilespmem:s18], [sflag:$0x4], $0x40, s28, s15, $0xb8;
	[tilespmem:$0x19000] =	vst v63  }
0x3d: {  	s28 =	smov.u32 s26;
	s26 =	sadd.s32 $0xA00, s26;
	_ =	swait.ge [sflag:s24], $0x5000  }
0x3e: {  	s28 =	sshra.s32 s28, $0x2;
	p0 =	sne.s32 s26, $0x0;
	[sflag:s24] =	ssyncset.done $0x0  }
0x3f: {  	s29 =	sadd.s32 $0xC6C0, s28;
	[sflag:s24] =	ssyncadd.s32 $0xFFFFB000  }
0x40: {  	[tilespmem:s18], [sflag:$0x2] =	stream.indirect.gather [hbm4b:s4+s15], $0x40, s29, s15, $0xb8;
	[tilespmem:$0x19000] =	vst v63  }
0x41: {  	_ =	swait.ge [sflag:s19], $0x5000  }
0x42: {  	[sflag:s19] =	ssyncset.done $0x0  }
0x43: {  	s29 =	sadd.s32 $0xED80, s28;
	[sflag:s19] =	ssyncadd.s32 $0xFFFFB000  }
0x44: {  	[spmem:s2] =	stream.indirect.scatter.add.f32 [tilespmem:s16], [sflag:$0x3], $0x40, s29, s15, $0xb8;
	[tilespmem:$0x19000] =	vst v63  }
0x45: {  	_ =	swait.ge [sflag:s20], $0x5000  }
0x46: {  	[sflag:s20] =	ssyncset.done $0x0  }
.Ltmp0:
0x47: {  	s29 =	sadd.s32 $0xC800, s28;
	[sflag:s20] =	ssyncadd.s32 $0xFFFFB000;
	(pc) =	sbr.rel @p0 .LBB2_2-.Ltmp0, $4  }
0x48: {  	[tilespmem:s16], [sflag:$0x1] =	stream.indirect.gather [hbm4b:s4+s15], $0x40, s29, s15, $0xb8;
	[tilespmem:$0x19000] =	vst v63  }
0x49: {  	_ =	swait.ge [sflag:s22], $0x5000  }
0x4a: {  	[sflag:s22] =	ssyncset.done $0x0  }
0x4b: {  	s28 =	sadd.s32 $0xEEC0, s28;
	[sflag:s22] =	ssyncadd.s32 $0xFFFFB000  }
0x4c: {  	[spmem:s2] =	stream.indirect.scatter.add.f32 [tilespmem:s18], [sflag:$0x4], $0x40, s28, s15, $0xb8;
	[tilespmem:$0x19000] =	vst v63  }
0x4d: {  	_ =	swait.ge [sflag:s24], $0x5000  }
0x4e: {  	s26 =	sshra.s32 s26, $0x2;
	[sflag:s24] =	ssyncset.done $0x0  }
0x4f: {  	s30 =	sadd.s32 $0xC6C0, s26;
	[sflag:s24] =	ssyncadd.s32 $0xFFFFB000  }
0x50: {  	[tilespmem:s18], [sflag:$0x2] =	stream.indirect.gather [hbm4b:s4+s15], $0x40, s30, s15, $0xb8;
	[tilespmem:$0x19000] =	vst v63  }
0x51: {  	_ =	swait.ge [sflag:s19], $0x5000  }
0x52: {  	[sflag:s19] =	ssyncset.done $0x0  }
0x53: {  	s31 =	sadd.s32 $0xED80, s26;
	[sflag:s19] =	ssyncadd.s32 $0xFFFFB000  }
0x54: {  	[spmem:s2] =	stream.indirect.scatter.add.f32 [tilespmem:s16], [sflag:$0x3], $0x40, s31, s15, $0xb8;
	[tilespmem:$0x19000] =	vst v63  }
0x55: {  	_ =	swait.ge [sflag:s20], $0x5000  }
0x56: {  	[sflag:s20] =	ssyncset.done $0x0  }
0x57: {  	[sflag:s20] =	ssyncadd.s32 $0xFFFFB000  }
0x58: {  	_ =	swait.ge [sflag:s22], $0x5000  }
0x59: {  	[sflag:s22] =	ssyncset.done $0x0  }
0x5a: {  	s26 =	sadd.s32 $0xEEC0, s26;
	[sflag:s22] =	ssyncadd.s32 $0xFFFFB000  }
0x5b: {  	[spmem:s2] =	stream.indirect.scatter.add.f32 [tilespmem:s18], [sflag:$0x4], $0x40, s26, s15, $0xb8;
	[tilespmem:$0x19000] =	vst v63  }
0x5c: {  	_ =	swait.ge [sflag:s24], $0x5000  }
0x5d: {  	s25 =	sadd.s32 $0x1, s25;
	[sflag:s24] =	ssyncset.done $0x0  }
0x5e: {  	p0 =	sne.s32 s25, s10;
	[sflag:s24] =	ssyncadd.s32 $0xFFFFB000  }
.Ltmp1:
0x5f: {  	[bflag:$0x0] =	sbarrier.arrive $0xFFFF;
	(pc) =	sbr.rel @p0 .LBB2_1-.Ltmp1, $4  }
0x60: {  	[hbm:s9], [sflag:s6] =	dma.local [spmem:s11], $0x1400  }
0x61: {  	_ =	swait.ge [sflag:s12], $0x1400  }
0x62: {  	[sflag:s12] =	ssyncset.done $0x0  }
0x63: {  	[sflag:s12] =	ssyncadd.s32 $0xFFFFEC00  }
0x64: {  	_ =	sfence.sel $0x180000  }
0x65: {  	[bflag:$0x0] =	sbarrier.arrive $0xFFFF  }
0x66: {  	p0 =	sne.s32 s0, $0x0;
	_ =	strace $0x9000004A  }
0x67: {  	s0 =	sadd.s32 @!p0 $0x100000, s1;
	[bflag:$0x2] =	sbarrier.arrive $0xFFFF  }
0x68: {  	[sflag:s0] =	ssyncadd.tile.s32 @!p0 $0x1;
	_ =	shalt  }
.Lfunc_end2:
_tile_overlayer_lowered:
.L_overlay_start_2:
0x69: {  	(tag) =	ssettag $0x2  }
0x6a: {  	s0 =	rddreg [dreg:$0x0];
	s2 =	stileid.u32  }
0x6b: {  	s1 =	rddreg [dreg:$0x1];
	p0 =	sne.s32 s2, $0x0  }
0x6c: {  	s3 =	rddreg [dreg:$0x2];
	[bflag:$0x3] =	sbarrier.arrive $0xFFFF;
	s2 =	simm.s32 @!p0 $0x1C05  }
0x6d: {  	[timem:s3], [sflag:s2] =	dma.local @!p0 [hbm:s0], s1  }
0x6e: {  	s0 =	simm.s32 @!p0 $0x5  }
0x6f: {  	_ =	swait.ge @!p0 [sflag:s0], s1  }
0x70: {  	s1 =	ssub.s32 @!p0 $0x0, s1;
	[sflag:s0] =	ssyncset.done @!p0 $0x0  }
0x71: {  	[sflag:s0] =	ssyncadd.s32 @!p0 s1  }
0x72: {  	[bflag:$0x3] =	sbarrier.arrive $0xFFFF  }
0x73: {  	_ =	shalt  }

// kernel: kernel.24.cloned.1.call-start
scs
__scs_entry_jumppad:
0x0: {  	(pc) =	sbr.rel $0x88, $3  }
0x1: {  	(tag) =	ssettag $0x0;
	lr =	simm.s32 $0x1  }
0x2: {  	[smem:$0x3F91] =	sst lr;
	_ =	strace $0xD0000000  }
0x3: {  	_ = 	snop  }
0x4: {  	_ = 	snop  }
0x5: {  	_ = 	snop  }
0x6: {  	_ = 	snop  }
0x7: {  	_ = 	snop  }
__scs_overlays_trampoline_lowered:
0x8: {  	[smem:$0x3FA0] =	sst s0  }
0x9: {  	[smem:$0x3FA1] =	sst s1  }
0xa: {  	[smem:$0x3FA2] =	sst s2  }
0xb: {  	[smem:$0x3FA3] =	sst s3  }
0xc: {  	[smem:$0x3FA4] =	sst s4  }
0xd: {  	[smem:$0x3FA5] =	sst s5  }
0xe: {  	[smem:$0x3FA6] =	sst s6  }
0xf: {  	[smem:$0x3FA7] =	sst s7  }
0x10: {  	[smem:$0x3FA8] =	sst s8  }
0x11: {  	[smem:$0x3FA9] =	sst s9;
	s0 =	simm.s32 @!p0 $0x0  }
0x12: {  	s1 =	sld [smem:$0x3F8F];
	s0 =	simm.s32 @p0 $0x1  }
0x13: {  	[smem:$0x3FAA] =	sst s0;
	s0 =	simm.s32 @!p1 $0x0  }
0x14: {  	s2 =	sld [smem:$0x3F8E];
	s0 =	simm.s32 @p1 $0x1  }
0x15: {  	[smem:$0x3FAB] =	sst s0;
	s0 =	simm.s32 @!p2 $0x0  }
0x16: {  	s3 =	sld [smem:$0x3FDB];
	s0 =	simm.s32 @p2 $0x1  }
0x17: {  	s4 =	simm.s32 $0x1BF5;
	[smem:$0x3FAD] =	sst s0  }
0x18: {  	s0 =	sld [smem:$0x3F90];
	_ =	swait.ge [sflag:s4], $0x0  }
0x19: {  	s7 =	sld [smem:$0x3F91]  }
0x1a: {  	s8 =	sadd.s32 $0xFFFFE003, lr  }
0x1b: {  	s9 =	sadd.s32 $0xFFFFFEF7, lr;
	s5 =	simm.s32 $0xFFFFFFFF;
	p2 =	slt.u32 s8, $0xFFFFF086  }
0x1c: {  	p1 =	slt.u32 s9, $0xF7A;
	s5 =	simm.s32 @!p2 $0x0  }
0x1d: {  	s5 =	simm.s32 @p1 $0x1;
	p0 =	seq.s32 s7, s2  }
0x1e: {  	s7 =	smul.u32 @!p0 $0xF7A, s2;
	p2 =	seq.s32 @!p0 s5, $0x0  }
0x1f: {  	s9 =	smul.u32 $0xF7A, s1;
	s8 =	simm.s32 @!p0 $0x1BF5;
	p2 =	por !p2, p0  }
0x20: {  	[sflag:s8] =	ssyncset.s32 @!p0 $0xFFFFF086;
	s6 =	sadd.s32 @!p0 s3, s7;
	s7 =	simm.s32 @!p0 $0x108  }
0x21: {  	s3 =	sadd.s32 s3, s9;
	s6 =	sadd.s32 @!p0 $0x88, s6;
	s7 =	simm.s32 @p2 $0x1082  }
0x22: {  	[simem:s7], [sflag:s8] =	dma.local @!p0 [hbm:s6], $0xF7A  }
0x23: {  	s9 =	sor.u32 $0xD0000000, s2;
	s6 =	simm.s32 $0x108;
	_ =	swait.ge @!p0 [sflag:s8], $0x0  }
0x24: {  	s3 =	sadd.s32 $0x88, s3;
	s6 =	simm.s32 @!p1 $0x1082;
	[sflag:s4] =	ssyncset.s32 $0xFFFFF086  }
0x25: {  	[simem:s6], [sflag:s4] =	dma.local [hbm:s3], $0xF7A  }
0x26: {  	[smem:$0x3F91] =	sst s1;
	(tag) =	ssettag s2;
	_ =	strace s9  }
0x27: {  	s1 =	sld [smem:$0x3FA1]  }
0x28: {  	s2 =	sld [smem:$0x3FA2]  }
0x29: {  	s4 =	sld [smem:$0x3FA4]  }
0x2a: {  	p0 =	seq.s32 s5, $0x0;
	s5 =	sld [smem:$0x3FA5]  }
0x2b: {  	s6 =	sld [smem:$0x3FA6]  }
0x2c: {  	s7 =	sld [smem:$0x3FA7]  }
0x2d: {  	s3 =	simm.s32 $0x108;
	s8 =	sld [smem:$0x3FA8]  }
0x2e: {  	s3 =	simm.s32 @!p0 $0x1082;
	s9 =	sld [smem:$0x3FA9]  }
0x2f: {  	lr =	sadd.s32 s0, s3;
	s0 =	sld [smem:$0x3FA0]  }
0x30: {  	s3 =	sld [smem:$0x3FA3]  }
0x31: {  	[smem:$0x3FAC] =	sst s10  }
0x32: {  	s10 =	sld [smem:$0x3FAA];
	_ =	sdelay $0x3  }
0x33: {  	p0 =	seq.s32 s10, $0x1;
	s10 =	sld [smem:$0x3FAC];
	_ =	sdelay $0x3  }
0x34: {  	[smem:$0x3FAC] =	sst s10  }
0x35: {  	s10 =	sld [smem:$0x3FAB];
	_ =	sdelay $0x3  }
0x36: {  	p1 =	seq.s32 s10, $0x1;
	s10 =	sld [smem:$0x3FAC];
	_ =	sdelay $0x3  }
0x37: {  	[smem:$0x3FAC] =	sst s10  }
0x38: {  	s10 =	sld [smem:$0x3FAD]  }
0x39: {  	_ = 	snop;
	(pc) =	sbr.ind lr, $3  }
0x3a: {  	_ = 	snop  }
0x3b: {  	_ = 	snop  }
0x3c: {  	p2 =	seq.s32 s10, $0x1;
	s10 =	sld [smem:$0x3FAC]  }
0x3d: {  	_ =	shalt  }
0x3e: {  	_ =	shalt  }
0x3f: {  	_ =	shalt  }
0x40: {  	_ =	shalt  }
0x41: {  	_ =	shalt  }
0x42: {  	_ =	shalt  }
0x43: {  	_ =	shalt  }
0x44: {  	_ =	shalt  }
0x45: {  	_ =	shalt  }
0x46: {  	_ =	shalt  }
0x47: {  	_ =	shalt  }
0x48: {  	_ =	shalt  }
0x49: {  	_ =	shalt  }
0x4a: {  	_ =	shalt  }
0x4b: {  	_ =	shalt  }
0x4c: {  	_ =	shalt  }
0x4d: {  	_ =	shalt  }
0x4e: {  	_ =	shalt  }
0x4f: {  	_ =	shalt  }
0x50: {  	_ =	shalt  }
0x51: {  	_ =	shalt  }
0x52: {  	_ =	shalt  }
0x53: {  	_ =	shalt  }
0x54: {  	_ =	shalt  }
0x55: {  	_ =	shalt  }
0x56: {  	_ =	shalt  }
0x57: {  	_ =	shalt  }
0x58: {  	_ =	shalt  }
0x59: {  	_ =	shalt  }
0x5a: {  	_ =	shalt  }
0x5b: {  	_ =	shalt  }
0x5c: {  	_ =	shalt  }
0x5d: {  	_ =	shalt  }
0x5e: {  	_ =	shalt  }
0x5f: {  	_ =	shalt  }
0x60: {  	_ =	shalt  }
0x61: {  	_ =	shalt  }
0x62: {  	_ =	shalt  }
0x63: {  	_ =	shalt  }
0x64: {  	_ =	shalt  }
0x65: {  	_ =	shalt  }
0x66: {  	_ =	shalt  }
0x67: {  	_ =	shalt  }
0x68: {  	_ =	shalt  }
0x69: {  	_ =	shalt  }
0x6a: {  	_ =	shalt  }
0x6b: {  	_ =	shalt  }
0x6c: {  	_ =	shalt  }
0x6d: {  	_ =	shalt  }
0x6e: {  	_ =	shalt  }
0x6f: {  	_ =	shalt  }
0x70: {  	_ =	shalt  }
0x71: {  	_ =	shalt  }
0x72: {  	_ =	shalt  }
0x73: {  	_ =	shalt  }
0x74: {  	_ =	shalt  }
0x75: {  	_ =	shalt  }
0x76: {  	_ =	shalt  }
0x77: {  	_ =	shalt  }
0x78: {  	_ =	shalt  }
0x79: {  	_ =	shalt  }
0x7a: {  	_ =	shalt  }
0x7b: {  	_ =	shalt  }
0x7c: {  	_ =	shalt  }
0x7d: {  	_ =	shalt  }
0x7e: {  	_ =	shalt  }
0x7f: {  	_ =	shalt  }
0x80: {  	_ =	shalt  }
0x81: {  	_ =	shalt  }
0x82: {  	_ =	shalt  }
0x83: {  	_ =	shalt  }
0x84: {  	_ =	shalt  }
0x85: {  	_ =	shalt  }
0x86: {  	_ =	shalt  }
0x87: {  	_ =	shalt  }
.Lfunc_end0:
.L_simem_size_0:
called_computation.2_lowered:
.L_overlay_start_0:
0x88: {  	s2 =	sld [smem:$0x3FD9]  }
0x89: {  	s3 =	sld [smem:$0x3FFE];
	_ =	sdelay $0x1  }
0x8a: {  	s1 =	srdreg.scid  }
0x8b: {  	s0 =	sand.u32 $0x1, s1  }
0x8c: {  	s16 =	sshll.u32 s0, $0xA;
	s2 =	sadd.s32 s3, s2  }
0x8d: {  	s2 =	sadd.s32 s2, s16  }
0x8e: {  	[smem:$0x3FB8] =	sst s2  }
0x8f: {  	_ = 	snop  }
0x90: {  	(tm) =	ssettm $0x1  }
0x91: {  	s17 =	sld [smem:$0x3FFB];
	_ =	sdelay $0x3  }
0x92: {  	_ =	strace s17  }
0x93: {  	s2 =	sld [smem:$0x3FFC];
	_ =	sdelay $0x3  }
0x94: {  	_ =	strace s2  }
0x95: {  	s2 =	sld [smem:$0x3FFD];
	_ =	sdelay $0x3  }
0x96: {  	_ =	strace s2  }
0x97: {  	_ =	strace $0x8FFFFFFF  }
0x98: {  	s18 =	sld [smem:$0x3FDB];
	_ =	sdelay $0x1  }
0x99: {  	s19 =	simm.s32 $_scs_section_size  }
0x9a: {  	s4 =	simm.s32 $_size__tile_overlayer_lowered;
	s5 =	simm.s32 $_tile_overlayer_lowered  }
0x9b: {  	s22 =	simm.s32 $0x1BFF;
	s21 =	sshll.u32 s5, $0x1;
	s2 =	sadd.s32 s19, s18  }
0x9c: {  	s6 =	simm.s32 $0x0;
	s20 =	sshll.u32 s4, $0x1;
	s4 =	sadd.s32 s21, s2  }
0x9d: {  	[timem:s6], [sflag:s22] =	dma.local [hbm:s4], s20  }
0x9e: {  	_ =	swait.ge [sflag:s22], s20  }
0x9f: {  	s3 =	ssub.s32 $0x0, s20;
	[sflag:s22] =	ssyncset.done $0x0  }
0xa0: {  	[sflag:s22] =	ssyncadd.s32 s3;
	_ =	sdelay $0x1  }
0xa1: {  	s23 =	simm.s32 $0x1B8B  }
0xa2: {  	_ =	swait.ge [sflag:s23], $0x1  }
0xa3: {  	[sflag:s23] =	ssyncset.done $0x0  }
0xa4: {  	s25 =	simm.s32 $0x1B8E;
	s24 =	sld [smem:$0x3FFE];
	[sflag:s23] =	ssyncadd.s32 $0xFFFFFFFF  }
0xa5: {  	s26 =	simm.s32 $execute0_lowered;
	[smem:$0x3FD2] =	sst s25  }
0xa6: {  	s4 =	sshll.u32 s26, $0x1;
	_ =	strace $0x8000004C;
	[dreg:$0x1] =	wrdreg $0xFFFFFFFF  }
0xa7: {  	s28 =	simm.s32 $_size_execute0_lowered;
	s2 =	sadd.s32 s2, s4;
	[dreg:$0x0] =	wrdreg $0x0  }
0xa8: {  	s4 =	sshll.u32 s28, $0x1;
	[dreg:$0x2] =	wrdreg s2  }
0xa9: {  	[dreg:$0x3] =	wrdreg s4  }
0xaa: {  	[dreg:$0x4] =	wrdreg $0xC0  }
0xab: {  	_ =	task [dreg:s6], $0x5FFFF  }
0xac: {  	[dreg:$0x1] =	wrdreg $0xFFFFFFFF  }
0xad: {  	[dreg:$0x0] =	wrdreg $0x60  }
0xae: {  	[dreg:$0x2] =	wrdreg s24  }
0xaf: {  	[dreg:$0x3] =	wrdreg $0x0  }
0xb0: {  	[dreg:$0x4] =	wrdreg $0x9  }
0xb1: {  	_ =	task.clear_ibuf [dreg:s6], $0x5FFFF;
	_ =	strace $0x9000004C  }
0xb2: {  	s29 =	simm.s32 $0x9;
	_ =	strace $0x8000004E  }
0xb3: {  	_ =	swait.ge [sflag:s29], $0x1  }
0xb4: {  	[sflag:s29] =	ssyncadd.s32 $0xFFFFFFFF  }
0xb5: {  	_ =	strace $0x9000004E  }
0xb6: {  	_ =	sfence  }
0xb7: {  	s30 =	sld [smem:$0x0];
	_ =	sdelay $0x2  }
0xb8: {  	s31 =	sshll.u32 s1, $0xD;
	s1 =	sshrl.u32 s1, $0x2  }
0xb9: {  	s3 =	sand.u32 $0x4000, s31;
	s1 =	sadd.s32 s1, s30  }
0xba: {  	s0 =	sor.u32 s3, s0;
	s1 =	sshll.u32 s1, $0x11  }
0xbb: {  	s0 =	sor.u32 s1, s0  }
0xbc: {  	s0 =	sadd.s32 $0x8F2B, s0  }
0xbd: {  	[sflag:s0] =	ssyncadd.remote.s32 $0x1  }
0xbe: {  	_ =	sfence.sel $0xFFFF  }
0xbf: {  	[dreg:$0x0] =	wrdreg $0xFFFFFFFF;
	(pc) =	sbr.abs _section_cstart, $3  }
0xc0: {  	[dreg:$0x1] =	wrdreg $0xFFFFFFFF  }
0xc1: {  	_ =	task.clear_ibuf [dreg:s6], $0x2FFFF;
	_ =	strace $0x9FFFFFFF  }
0xc2: {  	(tm) =	ssettm $0x7FFFFFFF  }
0xc3: {  	_ =	shalt  }
tec
execute0_lowered:
.L_overlay_start_1:
0x0: {  	(tag) =	ssettag $0x1  }
0x1: {  	s0 =	srdreg.scid;
	s6 =	rddreg [dreg:$0x0]  }
0x2: {  	s2 =	rddreg [dreg:$0x1];
	s3 =	simm.s32 $0x0;
	s14 =	simm.s32 $0xC800  }
0x3: {  	s15 =	simm.s32 $0x140;
	s16 =	simm.s32 $0xF000;
	s17 =	simm.s32 $0xA140  }
0x4: {  	s18 =	simm.s32 $0x14000;
	s19 =	simm.s32 $0x1;
	s20 =	simm.s32 $0x3  }
0x5: {  	s21 =	simm.s32 $0xA280;
	s22 =	simm.s32 $0x2;
	s23 =	simm.s32 $0xC940  }
0x6: {  	s24 =	simm.s32 $0x4;
	s5 =	sand.u32 $0x1, s0;
	s0 =	stileid.u32  }
0x7: {  	s25 =	simm.s32 $0x0;
	[smem:$0x7FF] =	sst s3;
	s8 =	smul.u32 $0xA000, s0  }
0x8: {  	s4 =	sadd.s32 $0x22800, s6;
	s1 =	sshll.u32 s5, $0x4;
	s9 =	smul.u32 $0xA0000, s5  }
0x9: {  	s5 =	ssub.s32 $0x2, s5;
	s31 =	sshll.u32 s0, $0x6;
	s1 =	sor.u32 s0, s1  }
0xa: {  	s30 =	sshrl.u32 s5, $0x1;
	s7 =	smul.u32 $0x500, s1;
	s1 =	rddreg [dreg:$0x2]  }
0xb: {  	_ =	strace $0x8000004D;
	s28 =	sadd.s32 s8, s9;
	s29 =	sshrl.u32 s8, $0x3  }
0xc: {  	s12 =	ssub.s32 s5, s30;
	s13 =	sadd.s32 s8, s2;
	s9 =	sadd.s32 s29, s6  }
0xd: {  	s10 =	sadd.s32 s7, s6;
	s7 =	sshrl.u32 s28, $0x3;
	s5 =	sadd.s32 $0x36800, s9  }
0xe: {  	s11 =	sadd.s32 s7, s6;
	s6 =	sor.u32 $0x1C05, s31;
	s7 =	sadd.s32 $0x18800, s10  }
0xf: {  	s8 =	sadd.s32 $0x4800, s10;
	s10 =	smax.u32 s12, $0x1;
	s12 =	simm.s32 $0x5  }
0x10: {  	s9 =	sadd.s32 $0x72800, s11;
	s11 =	sshrl.u32 s13, $0x3;
	s13 =	simm.s32 $0xA000  }
.LBB2_1:
0x11: {  	[spmem:s11], [sflag:s6] =	dma.local [hbm:s5], $0x1400  }
0x12: {  	_ =	swait.ge [sflag:s12], $0x1400  }
0x13: {  	[sflag:s12] =	ssyncset.done $0x0  }
0x14: {  	[sflag:s12] =	ssyncadd.s32 $0xFFFFEC00  }
0x15: {  	[tilespmem:s13], [sflag:$0x5] =	stream.linear.gather [hbm4b:s7+s3], $0x2800, $0x38;
	[tilespmem:$0x19000] =	vst v63  }
0x16: {  	_ =	swait.ge [sflag:s12], $0x2800  }
0x17: {  	[sflag:s12] =	ssyncset.done $0x0  }
0x18: {  	[sflag:s12] =	ssyncadd.s32 $0xFFFFD800  }
0x19: {  	[tilespmem:s14], [sflag:$0x5] =	stream.linear.gather [hbm4b:s8+s3], $0x2800, $0x38;
	[tilespmem:$0x19000] =	vst v63  }
0x1a: {  	_ =	swait.ge [sflag:s12], $0x2800  }
0x1b: {  	[sflag:s12] =	ssyncset.done $0x0  }
0x1c: {  	[sflag:s12] =	ssyncadd.s32 $0xFFFFD800  }
0x1d: {  	[bflag:$0x0] =	sbarrier.arrive $0xFFFF  }
0x1e: {  	[tilespmem:s16], [sflag:$0x1] =	stream.indirect.gather [hbm4b:s4+s15], $0x40, s13, s15, $0xb8;
	[tilespmem:$0x19000] =	vst v63  }
0x1f: {  	_ = 	snop  }
0x20: {  	[tilespmem:s18], [sflag:$0x2] =	stream.indirect.gather [hbm4b:s4+s15], $0x40, s17, s15, $0xb8;
	[tilespmem:$0x19000] =	vst v63  }
0x21: {  	_ =	swait.ge [sflag:s19], $0x5000  }
0x22: {  	[sflag:s19] =	ssyncset.done $0x0  }
0x23: {  	[sflag:s19] =	ssyncadd.s32 $0xFFFFB000  }
0x24: {  	[spmem:s2] =	stream.indirect.scatter.add.f32 [tilespmem:s16], [sflag:$0x3], $0x40, s14, s15, $0xb8;
	[tilespmem:$0x19000] =	vst v63  }
0x25: {  	_ =	swait.ge [sflag:s20], $0x5000  }
0x26: {  	[sflag:s20] =	ssyncset.done $0x0  }
0x27: {  	[sflag:s20] =	ssyncadd.s32 $0xFFFFB000  }
0x28: {  	[tilespmem:s16], [sflag:$0x1] =	stream.indirect.gather [hbm4b:s4+s15], $0x40, s21, s15, $0xb8;
	[tilespmem:$0x19000] =	vst v63  }
0x29: {  	_ =	swait.ge [sflag:s22], $0x5000  }
0x2a: {  	[sflag:s22] =	ssyncset.done $0x0  }
0x2b: {  	[sflag:s22] =	ssyncadd.s32 $0xFFFFB000  }
0x2c: {  	[spmem:s2] =	stream.indirect.scatter.add.f32 [tilespmem:s18], [sflag:$0x4], $0x40, s23, s15, $0xb8;
	[tilespmem:$0x19000] =	vst v63  }
0x2d: {  	_ =	swait.ge [sflag:s24], $0x5000  }
0x2e: {  	[sflag:s24] =	ssyncset.done $0x0  }
0x2f: {  	s26 =	simm.s32 $0xA3C0;
	[sflag:s24] =	ssyncadd.s32 $0xFFFFB000  }
0x30: {  	[tilespmem:s18], [sflag:$0x2] =	stream.indirect.gather [hbm4b:s4+s15], $0x40, s26, s15, $0xb8;
	[tilespmem:$0x19000] =	vst v63  }
0x31: {  	_ =	swait.ge [sflag:s19], $0x5000  }
0x32: {  	[sflag:s19] =	ssyncset.done $0x0  }
0x33: {  	s30 =	simm.s32 $0xCA80;
	[sflag:s19] =	ssyncadd.s32 $0xFFFFB000  }
0x34: {  	[spmem:s2] =	stream.indirect.scatter.add.f32 [tilespmem:s16], [sflag:$0x3], $0x40, s30, s15, $0xb8;
	[tilespmem:$0x19000] =	vst v63  }
0x35: {  	_ =	swait.ge [sflag:s20], $0x5000  }
0x36: {  	[sflag:s20] =	ssyncset.done $0x0  }
0x37: {  	s31 =	simm.s32 $0xA500;
	[sflag:s20] =	ssyncadd.s32 $0xFFFFB000  }
0x38: {  	[tilespmem:s16], [sflag:$0x1] =	stream.indirect.gather [hbm4b:s4+s15], $0x40, s31, s15, $0xb8;
	[tilespmem:$0x19000] =	vst v63  }
0x39: {  	_ =	swait.ge [sflag:s22], $0x5000  }
0x3a: {  	[sflag:s22] =	ssyncset.done $0x0  }
0x3b: {  	s28 =	simm.s32 $0xCBC0;
	s26 =	simm.s32 $0xFFFF7E00;
	[sflag:s22] =	ssyncadd.s32 $0xFFFFB000  }
.LBB2_2:
0x3c: {  	[spmem:s2] =	stream.indirect.scatter.add.f32 [tilespmem:s18], [sflag:$0x4], $0x40, s28, s15, $0xb8;
	[tilespmem:$0x19000] =	vst v63  }
0x3d: {  	s28 =	smov.u32 s26;
	s26 =	sadd.s32 $0xA00, s26;
	_ =	swait.ge [sflag:s24], $0x5000  }
0x3e: {  	s28 =	sshra.s32 s28, $0x2;
	p0 =	sne.s32 s26, $0x0;
	[sflag:s24] =	ssyncset.done $0x0  }
0x3f: {  	s29 =	sadd.s32 $0xC6C0, s28;
	[sflag:s24] =	ssyncadd.s32 $0xFFFFB000  }
0x40: {  	[tilespmem:s18], [sflag:$0x2] =	stream.indirect.gather [hbm4b:s4+s15], $0x40, s29, s15, $0xb8;
	[tilespmem:$0x19000] =	vst v63  }
0x41: {  	_ =	swait.ge [sflag:s19], $0x5000  }
0x42: {  	[sflag:s19] =	ssyncset.done $0x0  }
0x43: {  	s29 =	sadd.s32 $0xED80, s28;
	[sflag:s19] =	ssyncadd.s32 $0xFFFFB000  }
0x44: {  	[spmem:s2] =	stream.indirect.scatter.add.f32 [tilespmem:s16], [sflag:$0x3], $0x40, s29, s15, $0xb8;
	[tilespmem:$0x19000] =	vst v63  }
0x45: {  	_ =	swait.ge [sflag:s20], $0x5000  }
0x46: {  	[sflag:s20] =	ssyncset.done $0x0  }
.Ltmp0:
0x47: {  	s29 =	sadd.s32 $0xC800, s28;
	[sflag:s20] =	ssyncadd.s32 $0xFFFFB000;
	(pc) =	sbr.rel @p0 .LBB2_2-.Ltmp0, $4  }
0x48: {  	[tilespmem:s16], [sflag:$0x1] =	stream.indirect.gather [hbm4b:s4+s15], $0x40, s29, s15, $0xb8;
	[tilespmem:$0x19000] =	vst v63  }
0x49: {  	_ =	swait.ge [sflag:s22], $0x5000  }
0x4a: {  	[sflag:s22] =	ssyncset.done $0x0  }
0x4b: {  	s28 =	sadd.s32 $0xEEC0, s28;
	[sflag:s22] =	ssyncadd.s32 $0xFFFFB000  }
0x4c: {  	[spmem:s2] =	stream.indirect.scatter.add.f32 [tilespmem:s18], [sflag:$0x4], $0x40, s28, s15, $0xb8;
	[tilespmem:$0x19000] =	vst v63  }
0x4d: {  	_ =	swait.ge [sflag:s24], $0x5000  }
0x4e: {  	s26 =	sshra.s32 s26, $0x2;
	[sflag:s24] =	ssyncset.done $0x0  }
0x4f: {  	s30 =	sadd.s32 $0xC6C0, s26;
	[sflag:s24] =	ssyncadd.s32 $0xFFFFB000  }
0x50: {  	[tilespmem:s18], [sflag:$0x2] =	stream.indirect.gather [hbm4b:s4+s15], $0x40, s30, s15, $0xb8;
	[tilespmem:$0x19000] =	vst v63  }
0x51: {  	_ =	swait.ge [sflag:s19], $0x5000  }
0x52: {  	[sflag:s19] =	ssyncset.done $0x0  }
0x53: {  	s31 =	sadd.s32 $0xED80, s26;
	[sflag:s19] =	ssyncadd.s32 $0xFFFFB000  }
0x54: {  	[spmem:s2] =	stream.indirect.scatter.add.f32 [tilespmem:s16], [sflag:$0x3], $0x40, s31, s15, $0xb8;
	[tilespmem:$0x19000] =	vst v63  }
0x55: {  	_ =	swait.ge [sflag:s20], $0x5000  }
0x56: {  	[sflag:s20] =	ssyncset.done $0x0  }
0x57: {  	[sflag:s20] =	ssyncadd.s32 $0xFFFFB000  }
0x58: {  	_ =	swait.ge [sflag:s22], $0x5000  }
0x59: {  	[sflag:s22] =	ssyncset.done $0x0  }
0x5a: {  	s26 =	sadd.s32 $0xEEC0, s26;
	[sflag:s22] =	ssyncadd.s32 $0xFFFFB000  }
0x5b: {  	[spmem:s2] =	stream.indirect.scatter.add.f32 [tilespmem:s18], [sflag:$0x4], $0x40, s26, s15, $0xb8;
	[tilespmem:$0x19000] =	vst v63  }
0x5c: {  	_ =	swait.ge [sflag:s24], $0x5000  }
0x5d: {  	s25 =	sadd.s32 $0x1, s25;
	[sflag:s24] =	ssyncset.done $0x0  }
0x5e: {  	p0 =	sne.s32 s25, s10;
	[sflag:s24] =	ssyncadd.s32 $0xFFFFB000  }
.Ltmp1:
0x5f: {  	[bflag:$0x0] =	sbarrier.arrive $0xFFFF;
	(pc) =	sbr.rel @p0 .LBB2_1-.Ltmp1, $4  }
0x60: {  	[hbm:s9], [sflag:s6] =	dma.local [spmem:s11], $0x1400  }
0x61: {  	_ =	swait.ge [sflag:s12], $0x1400  }
0x62: {  	[sflag:s12] =	ssyncset.done $0x0  }
0x63: {  	[sflag:s12] =	ssyncadd.s32 $0xFFFFEC00  }
0x64: {  	_ =	sfence.sel $0x180000  }
0x65: {  	[bflag:$0x0] =	sbarrier.arrive $0xFFFF  }
0x66: {  	p0 =	sne.s32 s0, $0x0;
	_ =	strace $0x9000004D  }
0x67: {  	s0 =	sadd.s32 @!p0 $0x100000, s1;
	[bflag:$0x2] =	sbarrier.arrive $0xFFFF  }
0x68: {  	[sflag:s0] =	ssyncadd.tile.s32 @!p0 $0x1;
	_ =	shalt  }
.Lfunc_end2:
_tile_overlayer_lowered:
.L_overlay_start_2:
0x69: {  	(tag) =	ssettag $0x2  }
0x6a: {  	s0 =	rddreg [dreg:$0x0];
	s2 =	stileid.u32  }
0x6b: {  	s1 =	rddreg [dreg:$0x1];
	p0 =	sne.s32 s2, $0x0  }
0x6c: {  	s3 =	rddreg [dreg:$0x2];
	[bflag:$0x3] =	sbarrier.arrive $0xFFFF;
	s2 =	simm.s32 @!p0 $0x1C05  }
0x6d: {  	[timem:s3], [sflag:s2] =	dma.local @!p0 [hbm:s0], s1  }
0x6e: {  	s0 =	simm.s32 @!p0 $0x5  }
0x6f: {  	_ =	swait.ge @!p0 [sflag:s0], s1  }
0x70: {  	s1 =	ssub.s32 @!p0 $0x0, s1;
	[sflag:s0] =	ssyncset.done @!p0 $0x0  }
0x71: {  	[sflag:s0] =	ssyncadd.s32 @!p0 s1  }
0x72: {  	[bflag:$0x3] =	sbarrier.arrive $0xFFFF  }
0x73: {  	_ =	shalt  }

// kernel: kernel.27.cloned.1.call-start
scs
__scs_entry_jumppad:
0x0: {  	(pc) =	sbr.rel $0x88, $3  }
0x1: {  	(tag) =	ssettag $0x0;
	lr =	simm.s32 $0x1  }
0x2: {  	[smem:$0x3F91] =	sst lr;
	_ =	strace $0xD0000000  }
0x3: {  	_ = 	snop  }
0x4: {  	_ = 	snop  }
0x5: {  	_ = 	snop  }
0x6: {  	_ = 	snop  }
0x7: {  	_ = 	snop  }
__scs_overlays_trampoline_lowered:
0x8: {  	[smem:$0x3FA0] =	sst s0  }
0x9: {  	[smem:$0x3FA1] =	sst s1  }
0xa: {  	[smem:$0x3FA2] =	sst s2  }
0xb: {  	[smem:$0x3FA3] =	sst s3  }
0xc: {  	[smem:$0x3FA4] =	sst s4  }
0xd: {  	[smem:$0x3FA5] =	sst s5  }
0xe: {  	[smem:$0x3FA6] =	sst s6  }
0xf: {  	[smem:$0x3FA7] =	sst s7  }
0x10: {  	[smem:$0x3FA8] =	sst s8  }
0x11: {  	[smem:$0x3FA9] =	sst s9;
	s0 =	simm.s32 @!p0 $0x0  }
0x12: {  	s1 =	sld [smem:$0x3F8F];
	s0 =	simm.s32 @p0 $0x1  }
0x13: {  	[smem:$0x3FAA] =	sst s0;
	s0 =	simm.s32 @!p1 $0x0  }
0x14: {  	s2 =	sld [smem:$0x3F8E];
	s0 =	simm.s32 @p1 $0x1  }
0x15: {  	[smem:$0x3FAB] =	sst s0;
	s0 =	simm.s32 @!p2 $0x0  }
0x16: {  	s3 =	sld [smem:$0x3FDB];
	s0 =	simm.s32 @p2 $0x1  }
0x17: {  	s4 =	simm.s32 $0x1BF5;
	[smem:$0x3FAD] =	sst s0  }
0x18: {  	s0 =	sld [smem:$0x3F90];
	_ =	swait.ge [sflag:s4], $0x0  }
0x19: {  	s7 =	sld [smem:$0x3F91]  }
0x1a: {  	s8 =	sadd.s32 $0xFFFFE003, lr  }
0x1b: {  	s9 =	sadd.s32 $0xFFFFFEF7, lr;
	s5 =	simm.s32 $0xFFFFFFFF;
	p2 =	slt.u32 s8, $0xFFFFF086  }
0x1c: {  	p1 =	slt.u32 s9, $0xF7A;
	s5 =	simm.s32 @!p2 $0x0  }
0x1d: {  	s5 =	simm.s32 @p1 $0x1;
	p0 =	seq.s32 s7, s2  }
0x1e: {  	s7 =	smul.u32 @!p0 $0xF7A, s2;
	p2 =	seq.s32 @!p0 s5, $0x0  }
0x1f: {  	s9 =	smul.u32 $0xF7A, s1;
	s8 =	simm.s32 @!p0 $0x1BF5;
	p2 =	por !p2, p0  }
0x20: {  	[sflag:s8] =	ssyncset.s32 @!p0 $0xFFFFF086;
	s6 =	sadd.s32 @!p0 s3, s7;
	s7 =	simm.s32 @!p0 $0x108  }
0x21: {  	s3 =	sadd.s32 s3, s9;
	s6 =	sadd.s32 @!p0 $0x88, s6;
	s7 =	simm.s32 @p2 $0x1082  }
0x22: {  	[simem:s7], [sflag:s8] =	dma.local @!p0 [hbm:s6], $0xF7A  }
0x23: {  	s9 =	sor.u32 $0xD0000000, s2;
	s6 =	simm.s32 $0x108;
	_ =	swait.ge @!p0 [sflag:s8], $0x0  }
0x24: {  	s3 =	sadd.s32 $0x88, s3;
	s6 =	simm.s32 @!p1 $0x1082;
	[sflag:s4] =	ssyncset.s32 $0xFFFFF086  }
0x25: {  	[simem:s6], [sflag:s4] =	dma.local [hbm:s3], $0xF7A  }
0x26: {  	[smem:$0x3F91] =	sst s1;
	(tag) =	ssettag s2;
	_ =	strace s9  }
0x27: {  	s1 =	sld [smem:$0x3FA1]  }
0x28: {  	s2 =	sld [smem:$0x3FA2]  }
0x29: {  	s4 =	sld [smem:$0x3FA4]  }
0x2a: {  	p0 =	seq.s32 s5, $0x0;
	s5 =	sld [smem:$0x3FA5]  }
0x2b: {  	s6 =	sld [smem:$0x3FA6]  }
0x2c: {  	s7 =	sld [smem:$0x3FA7]  }
0x2d: {  	s3 =	simm.s32 $0x108;
	s8 =	sld [smem:$0x3FA8]  }
0x2e: {  	s3 =	simm.s32 @!p0 $0x1082;
	s9 =	sld [smem:$0x3FA9]  }
0x2f: {  	lr =	sadd.s32 s0, s3;
	s0 =	sld [smem:$0x3FA0]  }
0x30: {  	s3 =	sld [smem:$0x3FA3]  }
0x31: {  	[smem:$0x3FAC] =	sst s10  }
0x32: {  	s10 =	sld [smem:$0x3FAA];
	_ =	sdelay $0x3  }
0x33: {  	p0 =	seq.s32 s10, $0x1;
	s10 =	sld [smem:$0x3FAC];
	_ =	sdelay $0x3  }
0x34: {  	[smem:$0x3FAC] =	sst s10  }
0x35: {  	s10 =	sld [smem:$0x3FAB];
	_ =	sdelay $0x3  }
0x36: {  	p1 =	seq.s32 s10, $0x1;
	s10 =	sld [smem:$0x3FAC];
	_ =	sdelay $0x3  }
0x37: {  	[smem:$0x3FAC] =	sst s10  }
0x38: {  	s10 =	sld [smem:$0x3FAD]  }
0x39: {  	_ = 	snop;
	(pc) =	sbr.ind lr, $3  }
0x3a: {  	_ = 	snop  }
0x3b: {  	_ = 	snop  }
0x3c: {  	p2 =	seq.s32 s10, $0x1;
	s10 =	sld [smem:$0x3FAC]  }
0x3d: {  	_ =	shalt  }
0x3e: {  	_ =	shalt  }
0x3f: {  	_ =	shalt  }
0x40: {  	_ =	shalt  }
0x41: {  	_ =	shalt  }
0x42: {  	_ =	shalt  }
0x43: {  	_ =	shalt  }
0x44: {  	_ =	shalt  }
0x45: {  	_ =	shalt  }
0x46: {  	_ =	shalt  }
0x47: {  	_ =	shalt  }
0x48: {  	_ =	shalt  }
0x49: {  	_ =	shalt  }
0x4a: {  	_ =	shalt  }
0x4b: {  	_ =	shalt  }
0x4c: {  	_ =	shalt  }
0x4d: {  	_ =	shalt  }
0x4e: {  	_ =	shalt  }
0x4f: {  	_ =	shalt  }
0x50: {  	_ =	shalt  }
0x51: {  	_ =	shalt  }
0x52: {  	_ =	shalt  }
0x53: {  	_ =	shalt  }
0x54: {  	_ =	shalt  }
0x55: {  	_ =	shalt  }
0x56: {  	_ =	shalt  }
0x57: {  	_ =	shalt  }
0x58: {  	_ =	shalt  }
0x59: {  	_ =	shalt  }
0x5a: {  	_ =	shalt  }
0x5b: {  	_ =	shalt  }
0x5c: {  	_ =	shalt  }
0x5d: {  	_ =	shalt  }
0x5e: {  	_ =	shalt  }
0x5f: {  	_ =	shalt  }
0x60: {  	_ =	shalt  }
0x61: {  	_ =	shalt  }
0x62: {  	_ =	shalt  }
0x63: {  	_ =	shalt  }
0x64: {  	_ =	shalt  }
0x65: {  	_ =	shalt  }
0x66: {  	_ =	shalt  }
0x67: {  	_ =	shalt  }
0x68: {  	_ =	shalt  }
0x69: {  	_ =	shalt  }
0x6a: {  	_ =	shalt  }
0x6b: {  	_ =	shalt  }
0x6c: {  	_ =	shalt  }
0x6d: {  	_ =	shalt  }
0x6e: {  	_ =	shalt  }
0x6f: {  	_ =	shalt  }
0x70: {  	_ =	shalt  }
0x71: {  	_ =	shalt  }
0x72: {  	_ =	shalt  }
0x73: {  	_ =	shalt  }
0x74: {  	_ =	shalt  }
0x75: {  	_ =	shalt  }
0x76: {  	_ =	shalt  }
0x77: {  	_ =	shalt  }
0x78: {  	_ =	shalt  }
0x79: {  	_ =	shalt  }
0x7a: {  	_ =	shalt  }
0x7b: {  	_ =	shalt  }
0x7c: {  	_ =	shalt  }
0x7d: {  	_ =	shalt  }
0x7e: {  	_ =	shalt  }
0x7f: {  	_ =	shalt  }
0x80: {  	_ =	shalt  }
0x81: {  	_ =	shalt  }
0x82: {  	_ =	shalt  }
0x83: {  	_ =	shalt  }
0x84: {  	_ =	shalt  }
0x85: {  	_ =	shalt  }
0x86: {  	_ =	shalt  }
0x87: {  	_ =	shalt  }
.Lfunc_end0:
.L_simem_size_0:
called_computation.3_lowered:
.L_overlay_start_0:
0x88: {  	s2 =	sld [smem:$0x3FD9]  }
0x89: {  	s3 =	sld [smem:$0x3FFE];
	_ =	sdelay $0x1  }
0x8a: {  	s1 =	srdreg.scid  }
0x8b: {  	s0 =	sand.u32 $0x1, s1  }
0x8c: {  	s16 =	sshll.u32 s0, $0xA;
	s2 =	sadd.s32 s3, s2  }
0x8d: {  	s2 =	sadd.s32 s2, s16  }
0x8e: {  	[smem:$0x3FB8] =	sst s2  }
0x8f: {  	_ = 	snop  }
0x90: {  	(tm) =	ssettm $0x1  }
0x91: {  	s17 =	sld [smem:$0x3FFB];
	_ =	sdelay $0x3  }
0x92: {  	_ =	strace s17  }
0x93: {  	s2 =	sld [smem:$0x3FFC];
	_ =	sdelay $0x3  }
0x94: {  	_ =	strace s2  }
0x95: {  	s2 =	sld [smem:$0x3FFD];
	_ =	sdelay $0x3  }
0x96: {  	_ =	strace s2  }
0x97: {  	_ =	strace $0x8FFFFFFF  }
0x98: {  	s18 =	sld [smem:$0x3FDB];
	_ =	sdelay $0x1  }
0x99: {  	s19 =	simm.s32 $_scs_section_size  }
0x9a: {  	s4 =	simm.s32 $_size__tile_overlayer_lowered;
	s5 =	simm.s32 $_tile_overlayer_lowered  }
0x9b: {  	s22 =	simm.s32 $0x1BFF;
	s21 =	sshll.u32 s5, $0x1;
	s2 =	sadd.s32 s19, s18  }
0x9c: {  	s6 =	simm.s32 $0x0;
	s20 =	sshll.u32 s4, $0x1;
	s4 =	sadd.s32 s21, s2  }
0x9d: {  	[timem:s6], [sflag:s22] =	dma.local [hbm:s4], s20  }
0x9e: {  	_ =	swait.ge [sflag:s22], s20  }
0x9f: {  	s3 =	ssub.s32 $0x0, s20;
	[sflag:s22] =	ssyncset.done $0x0  }
0xa0: {  	[sflag:s22] =	ssyncadd.s32 s3;
	_ =	sdelay $0x1  }
0xa1: {  	s23 =	simm.s32 $0x1B8B  }
0xa2: {  	_ =	swait.ge [sflag:s23], $0x1  }
0xa3: {  	[sflag:s23] =	ssyncset.done $0x0  }
0xa4: {  	s25 =	simm.s32 $0x1B8E;
	s24 =	sld [smem:$0x3FFE];
	[sflag:s23] =	ssyncadd.s32 $0xFFFFFFFF  }
0xa5: {  	s26 =	simm.s32 $execute0_lowered;
	[smem:$0x3FD2] =	sst s25  }
0xa6: {  	s4 =	sshll.u32 s26, $0x1;
	_ =	strace $0x8000004F;
	[dreg:$0x1] =	wrdreg $0xFFFFFFFF  }
0xa7: {  	s28 =	simm.s32 $_size_execute0_lowered;
	s2 =	sadd.s32 s2, s4;
	[dreg:$0x0] =	wrdreg $0x0  }
0xa8: {  	s4 =	sshll.u32 s28, $0x1;
	[dreg:$0x2] =	wrdreg s2  }
0xa9: {  	[dreg:$0x3] =	wrdreg s4  }
0xaa: {  	[dreg:$0x4] =	wrdreg $0xC0  }
0xab: {  	_ =	task [dreg:s6], $0x5FFFF  }
0xac: {  	[dreg:$0x1] =	wrdreg $0xFFFFFFFF  }
0xad: {  	[dreg:$0x0] =	wrdreg $0x60  }
0xae: {  	[dreg:$0x2] =	wrdreg s24  }
0xaf: {  	[dreg:$0x3] =	wrdreg $0x0  }
0xb0: {  	[dreg:$0x4] =	wrdreg $0x9  }
0xb1: {  	_ =	task.clear_ibuf [dreg:s6], $0x5FFFF;
	_ =	strace $0x9000004F  }
0xb2: {  	s29 =	simm.s32 $0x9;
	_ =	strace $0x80000051  }
0xb3: {  	_ =	swait.ge [sflag:s29], $0x1  }
0xb4: {  	[sflag:s29] =	ssyncadd.s32 $0xFFFFFFFF  }
0xb5: {  	_ =	strace $0x90000051  }
0xb6: {  	_ =	sfence  }
0xb7: {  	s30 =	sld [smem:$0x0];
	_ =	sdelay $0x2  }
0xb8: {  	s31 =	sshll.u32 s1, $0xD;
	s1 =	sshrl.u32 s1, $0x2  }
0xb9: {  	s3 =	sand.u32 $0x4000, s31;
	s1 =	sadd.s32 s1, s30  }
0xba: {  	s0 =	sor.u32 s3, s0;
	s1 =	sshll.u32 s1, $0x11  }
0xbb: {  	s0 =	sor.u32 s1, s0  }
0xbc: {  	s0 =	sadd.s32 $0x8F2B, s0  }
0xbd: {  	[sflag:s0] =	ssyncadd.remote.s32 $0x1  }
0xbe: {  	_ =	sfence.sel $0xFFFF  }
0xbf: {  	[dreg:$0x0] =	wrdreg $0xFFFFFFFF;
	(pc) =	sbr.abs _section_cstart, $3  }
0xc0: {  	[dreg:$0x1] =	wrdreg $0xFFFFFFFF  }
0xc1: {  	_ =	task.clear_ibuf [dreg:s6], $0x2FFFF;
	_ =	strace $0x9FFFFFFF  }
0xc2: {  	(tm) =	ssettm $0x7FFFFFFF  }
0xc3: {  	_ =	shalt  }
tec
execute0_lowered:
.L_overlay_start_1:
0x0: {  	(tag) =	ssettag $0x1  }
0x1: {  	s1 =	rddreg [dreg:$0x0]  }
0x2: {  	s0 =	srdreg.scid;
	s2 =	rddreg [dreg:$0x1];
	s29 =	simm.s32 $0x0  }
0x3: {  	s7 =	stileid.u32;
	s8 =	simm.s32 $0x5280;
	[smem:$0x7FF] =	sst s29  }
0x4: {  	s10 =	simm.s32 $0x5500;
	_ =	strace $0x80000050;
	[dreg:$0x7] =	wrdreg s8  }
0x5: {  	s11 =	simm.s32 $0x7A80;
	s13 =	simm.s32 $0x5780;
	[dreg:$0x8] =	wrdreg s10  }
0x6: {  	s15 =	simm.s32 $0x7D00;
	s16 =	simm.s32 $0x5A00;
	[dreg:$0x9] =	wrdreg s11  }
0x7: {  	s17 =	simm.s32 $0x7F80;
	s18 =	simm.s32 $0x5C80;
	[dreg:$0xa] =	wrdreg s13  }
0x8: {  	s19 =	simm.s32 $0x8200;
	s31 =	simm.s32 $0x5000;
	[dreg:$0xb] =	wrdreg s15  }
0x9: {  	s20 =	simm.s32 $0x5F00;
	s30 =	simm.s32 $0x7800;
	[dreg:$0xc] =	wrdreg s16  }
0xa: {  	s21 =	simm.s32 $0x8480;
	s22 =	simm.s32 $0x6180;
	[dreg:$0xd] =	wrdreg s17  }
0xb: {  	s23 =	simm.s32 $0x8700;
	s24 =	simm.s32 $0x6400;
	[dreg:$0xe] =	wrdreg s18  }
0xc: {  	s28 =	simm.s32 $0x8C00;
	p0 =	por $0x0, $0x0;
	[dreg:$0xf] =	wrdreg s19  }
0xd: {  	s0 =	sand.u32 $0x1, s0;
	s4 =	smul.u32 $0x5000, s7;
	[dreg:$0x10] =	wrdreg s20  }
0xe: {  	s14 =	sshll.u32 s7, $0x6;
	s3 =	sshll.u32 s0, $0x4;
	[dreg:$0x11] =	wrdreg s21  }
0xf: {  	s6 =	smul.u32 $0x50000, s0;
	s0 =	ssub.s32 $0x2, s0;
	[dreg:$0x12] =	wrdreg s22  }
0x10: {  	s8 =	simm.s32 $0xF000;
	[dreg:$0x13] =	wrdreg s23;
	s13 =	simm.s32 $0x1  }
0x11: {  	[dreg:$0x14] =	wrdreg s24;
	s11 =	simm.s32 $0x3;
	s10 =	simm.s32 $0x4  }
0x12: {  	s24 =	simm.s32 $0x6B80;
	s23 =	simm.s32 $0x9100;
	s22 =	simm.s32 $0x6E00  }
0x13: {  	s21 =	simm.s32 $0x9380;
	s19 =	simm.s32 $0x7080;
	s20 =	simm.s32 $0x9600  }
0x14: {  	s18 =	simm.s32 $0x7300;
	s17 =	simm.s32 $0x9880;
	s16 =	simm.s32 $0x7580  }
0x15: {  	s15 =	simm.s32 $0x9B00;
	s3 =	sor.u32 s7, s3;
	s5 =	sshrl.u32 s4, $0x3  }
0x16: {  	s9 =	sshrl.u32 s0, $0x1;
	s12 =	sadd.s32 s4, s2;
	s7 =	simm.s32 $0x280  }
0x17: {  	s3 =	smul.u32 $0x500, s3;
	s5 =	sadd.s32 s5, s1;
	s6 =	sadd.s32 s4, s6  }
0x18: {  	s0 =	ssub.s32 s0, s9;
	s4 =	sor.u32 $0x1C05, s14;
	s9 =	simm.s32 $0xA000  }
0x19: {  	s5 =	sadd.s32 $0x22800, s5;
	s6 =	sshrl.u32 s6, $0x3;
	s0 =	smax.u32 s0, $0x1  }
0x1a: {  	s3 =	sadd.s32 s3, s1;
	[dreg:$0x3] =	wrdreg s5;
	s6 =	sadd.s32 s6, s1  }
0x1b: {  	p1 =	sne.s32 s0, $0x1;
	s25 =	sadd.s32 $0x18800, s3;
	s26 =	sadd.s32 $0x4800, s3  }
0x1c: {  	s3 =	sadd.s32 $0xE800, s1;
	s1 =	sadd.s32 $0xFFFFFFFF, s0;
	s0 =	rddreg [dreg:$0x3]  }
.Ltmp0:
0x1d: {  	s14 =	simm.s32 $0x9D80;
	[dreg:$0x4] =	wrdreg s25;
	(pc) =	sbr.rel @!p1 .LBB2_3-.Ltmp0, $4  }
0x1e: {  	s5 =	sshrl.u32 s12, $0x3;
	s6 =	sadd.s32 $0x2C800, s6;
	[dreg:$0x5] =	wrdreg s26  }
0x1f: {  	s12 =	simm.s32 $0x2;
	[dreg:$0x6] =	wrdreg s6;
	s25 =	simm.s32 $0x8980  }
0x20: {  	s6 =	simm.s32 $0x5;
	s26 =	simm.s32 $0x6680;
	[dreg:$0x15] =	wrdreg s25  }
0x21: {  	[dreg:$0x16] =	wrdreg s26;
	s26 =	simm.s32 $0x6900;
	s25 =	simm.s32 $0x8E80  }
0x22: {  	[spmem:s5], [sflag:s4] =	dma.local [hbm:s0], $0xA00  }
0x23: {  	_ =	swait.ge [sflag:s6], $0xA00  }
0x24: {  	[sflag:s6] =	ssyncset.done $0x0  }
0x25: {  	s0 =	rddreg [dreg:$0x4];
	[sflag:s6] =	ssyncadd.s32 $0xFFFFF600  }
0x26: {  	[tilespmem:s31], [sflag:$0x5] =	stream.linear.gather [hbm4b:s0+s29], $0x2800, $0x38;
	[tilespmem:$0x14000] =	vst v63  }
0x27: {  	_ =	swait.ge [sflag:s6], $0x2800  }
0x28: {  	[sflag:s6] =	ssyncset.done $0x0  }
0x29: {  	s0 =	rddreg [dreg:$0x5];
	[sflag:s6] =	ssyncadd.s32 $0xFFFFD800  }
0x2a: {  	[tilespmem:s30], [sflag:$0x5] =	stream.linear.gather [hbm4b:s0+s29], $0x2800, $0x38;
	[tilespmem:$0x14000] =	vst v63  }
0x2b: {  	_ =	swait.ge [sflag:s6], $0x2800  }
0x2c: {  	[sflag:s6] =	ssyncset.done $0x0  }
0x2d: {  	[sflag:s6] =	ssyncadd.s32 $0xFFFFD800  }
0x2e: {  	[bflag:$0x0] =	sbarrier.arrive $0xFFFF  }
0x2f: {  	[tilespmem:s9], [sflag:$0x1] =	stream.indirect.gather [hbm4b:s3+s7], $0x20, s31, s7, $0xb8;
	[tilespmem:$0x14000] =	vst v63  }
0x30: {  	s0 =	rddreg [dreg:$0x7]  }
0x31: {  	[tilespmem:s8], [sflag:$0x2] =	stream.indirect.gather [hbm4b:s3+s7], $0x20, s0, s7, $0xb8;
	[tilespmem:$0x14000] =	vst v63  }
0x32: {  	_ =	swait.ge [sflag:s13], $0x5000  }
0x33: {  	[sflag:s13] =	ssyncset.done $0x0  }
0x34: {  	[sflag:s13] =	ssyncadd.s32 $0xFFFFB000  }
0x35: {  	[spmem:s2] =	stream.indirect.scatter.add.f32 [tilespmem:s9], [sflag:$0x3], $0x20, s30, s7, $0xb8;
	[tilespmem:$0x14000] =	vst v63  }
0x36: {  	_ =	swait.ge [sflag:s11], $0x5000  }
0x37: {  	[sflag:s11] =	ssyncset.done $0x0  }
0x38: {  	s0 =	rddreg [dreg:$0x8];
	[sflag:s11] =	ssyncadd.s32 $0xFFFFB000  }
0x39: {  	[tilespmem:s9], [sflag:$0x1] =	stream.indirect.gather [hbm4b:s3+s7], $0x20, s0, s7, $0xb8;
	[tilespmem:$0x14000] =	vst v63  }
0x3a: {  	_ =	swait.ge [sflag:s12], $0x5000  }
0x3b: {  	[sflag:s12] =	ssyncset.done $0x0  }
0x3c: {  	s0 =	rddreg [dreg:$0x9];
	[sflag:s12] =	ssyncadd.s32 $0xFFFFB000  }
0x3d: {  	[spmem:s2] =	stream.indirect.scatter.add.f32 [tilespmem:s8], [sflag:$0x4], $0x20, s0, s7, $0xb8;
	[tilespmem:$0x14000] =	vst v63  }
0x3e: {  	_ =	swait.ge [sflag:s10], $0x5000  }
0x3f: {  	[sflag:s10] =	ssyncset.done $0x0  }
0x40: {  	s0 =	rddreg [dreg:$0xa];
	[sflag:s10] =	ssyncadd.s32 $0xFFFFB000  }
0x41: {  	[tilespmem:s8], [sflag:$0x2] =	stream.indirect.gather [hbm4b:s3+s7], $0x20, s0, s7, $0xb8;
	[tilespmem:$0x14000] =	vst v63  }
0x42: {  	_ =	swait.ge [sflag:s13], $0x5000  }
0x43: {  	[sflag:s13] =	ssyncset.done $0x0  }
0x44: {  	s0 =	rddreg [dreg:$0xb];
	[sflag:s13] =	ssyncadd.s32 $0xFFFFB000  }
0x45: {  	[spmem:s2] =	stream.indirect.scatter.add.f32 [tilespmem:s9], [sflag:$0x3], $0x20, s0, s7, $0xb8;
	[tilespmem:$0x14000] =	vst v63  }
0x46: {  	_ =	swait.ge [sflag:s11], $0x5000  }
0x47: {  	[sflag:s11] =	ssyncset.done $0x0  }
0x48: {  	s0 =	rddreg [dreg:$0xc];
	[sflag:s11] =	ssyncadd.s32 $0xFFFFB000  }
0x49: {  	[tilespmem:s9], [sflag:$0x1] =	stream.indirect.gather [hbm4b:s3+s7], $0x20, s0, s7, $0xb8;
	[tilespmem:$0x14000] =	vst v63  }
0x4a: {  	_ =	swait.ge [sflag:s12], $0x5000  }
0x4b: {  	[sflag:s12] =	ssyncset.done $0x0  }
0x4c: {  	s0 =	rddreg [dreg:$0xd];
	[sflag:s12] =	ssyncadd.s32 $0xFFFFB000  }
0x4d: {  	[spmem:s2] =	stream.indirect.scatter.add.f32 [tilespmem:s8], [sflag:$0x4], $0x20, s0, s7, $0xb8;
	[tilespmem:$0x14000] =	vst v63  }
0x4e: {  	_ =	swait.ge [sflag:s10], $0x5000  }
0x4f: {  	[sflag:s10] =	ssyncset.done $0x0  }
0x50: {  	s0 =	rddreg [dreg:$0xe];
	[sflag:s10] =	ssyncadd.s32 $0xFFFFB000  }
0x51: {  	[tilespmem:s8], [sflag:$0x2] =	stream.indirect.gather [hbm4b:s3+s7], $0x20, s0, s7, $0xb8;
	[tilespmem:$0x14000] =	vst v63  }
0x52: {  	_ =	swait.ge [sflag:s13], $0x5000  }
0x53: {  	[sflag:s13] =	ssyncset.done $0x0  }
0x54: {  	s0 =	rddreg [dreg:$0xf];
	[sflag:s13] =	ssyncadd.s32 $0xFFFFB000  }
0x55: {  	[spmem:s2] =	stream.indirect.scatter.add.f32 [tilespmem:s9], [sflag:$0x3], $0x20, s0, s7, $0xb8;
	[tilespmem:$0x14000] =	vst v63  }
0x56: {  	_ =	swait.ge [sflag:s11], $0x5000  }
0x57: {  	[sflag:s11] =	ssyncset.done $0x0  }
0x58: {  	s0 =	rddreg [dreg:$0x10];
	[sflag:s11] =	ssyncadd.s32 $0xFFFFB000  }
0x59: {  	[tilespmem:s9], [sflag:$0x1] =	stream.indirect.gather [hbm4b:s3+s7], $0x20, s0, s7, $0xb8;
	[tilespmem:$0x14000] =	vst v63  }
0x5a: {  	_ =	swait.ge [sflag:s12], $0x5000  }
0x5b: {  	[sflag:s12] =	ssyncset.done $0x0  }
0x5c: {  	s0 =	rddreg [dreg:$0x11];
	[sflag:s12] =	ssyncadd.s32 $0xFFFFB000  }
0x5d: {  	[spmem:s2] =	stream.indirect.scatter.add.f32 [tilespmem:s8], [sflag:$0x4], $0x20, s0, s7, $0xb8;
	[tilespmem:$0x14000] =	vst v63  }
0x5e: {  	_ =	swait.ge [sflag:s10], $0x5000  }
0x5f: {  	[sflag:s10] =	ssyncset.done $0x0  }
0x60: {  	s0 =	rddreg [dreg:$0x12];
	[sflag:s10] =	ssyncadd.s32 $0xFFFFB000  }
0x61: {  	[tilespmem:s8], [sflag:$0x2] =	stream.indirect.gather [hbm4b:s3+s7], $0x20, s0, s7, $0xb8;
	[tilespmem:$0x14000] =	vst v63  }
0x62: {  	_ =	swait.ge [sflag:s13], $0x5000  }
0x63: {  	[sflag:s13] =	ssyncset.done $0x0  }
0x64: {  	s0 =	rddreg [dreg:$0x13];
	[sflag:s13] =	ssyncadd.s32 $0xFFFFB000  }
0x65: {  	[spmem:s2] =	stream.indirect.scatter.add.f32 [tilespmem:s9], [sflag:$0x3], $0x20, s0, s7, $0xb8;
	[tilespmem:$0x14000] =	vst v63  }
0x66: {  	_ =	swait.ge [sflag:s11], $0x5000  }
0x67: {  	[sflag:s11] =	ssyncset.done $0x0  }
0x68: {  	s0 =	rddreg [dreg:$0x14];
	[sflag:s11] =	ssyncadd.s32 $0xFFFFB000  }
0x69: {  	[tilespmem:s9], [sflag:$0x1] =	stream.indirect.gather [hbm4b:s3+s7], $0x20, s0, s7, $0xb8;
	[tilespmem:$0x14000] =	vst v63  }
0x6a: {  	_ =	swait.ge [sflag:s12], $0x5000  }
0x6b: {  	[sflag:s12] =	ssyncset.done $0x0  }
0x6c: {  	s0 =	rddreg [dreg:$0x15];
	[sflag:s12] =	ssyncadd.s32 $0xFFFFB000  }
0x6d: {  	[spmem:s2] =	stream.indirect.scatter.add.f32 [tilespmem:s8], [sflag:$0x4], $0x20, s0, s7, $0xb8;
	[tilespmem:$0x14000] =	vst v63  }
0x6e: {  	_ =	swait.ge [sflag:s10], $0x5000  }
0x6f: {  	[sflag:s10] =	ssyncset.done $0x0  }
0x70: {  	s0 =	rddreg [dreg:$0x16];
	[sflag:s10] =	ssyncadd.s32 $0xFFFFB000  }
0x71: {  	[tilespmem:s8], [sflag:$0x2] =	stream.indirect.gather [hbm4b:s3+s7], $0x20, s0, s7, $0xb8;
	[tilespmem:$0x14000] =	vst v63  }
0x72: {  	_ =	swait.ge [sflag:s13], $0x5000  }
0x73: {  	[sflag:s13] =	ssyncset.done $0x0  }
0x74: {  	[sflag:s13] =	ssyncadd.s32 $0xFFFFB000  }
0x75: {  	[spmem:s2] =	stream.indirect.scatter.add.f32 [tilespmem:s9], [sflag:$0x3], $0x20, s28, s7, $0xb8;
	[tilespmem:$0x14000] =	vst v63  }
0x76: {  	_ =	swait.ge [sflag:s11], $0x5000  }
0x77: {  	[sflag:s11] =	ssyncset.done $0x0  }
0x78: {  	[sflag:s11] =	ssyncadd.s32 $0xFFFFB000  }
0x79: {  	[tilespmem:s9], [sflag:$0x1] =	stream.indirect.gather [hbm4b:s3+s7], $0x20, s26, s7, $0xb8;
	[tilespmem:$0x14000] =	vst v63  }
0x7a: {  	_ =	swait.ge [sflag:s12], $0x5000  }
0x7b: {  	[sflag:s12] =	ssyncset.done $0x0  }
0x7c: {  	[sflag:s12] =	ssyncadd.s32 $0xFFFFB000  }
0x7d: {  	[spmem:s2] =	stream.indirect.scatter.add.f32 [tilespmem:s8], [sflag:$0x4], $0x20, s25, s7, $0xb8;
	[tilespmem:$0x14000] =	vst v63  }
0x7e: {  	_ =	swait.ge [sflag:s10], $0x5000  }
0x7f: {  	[sflag:s10] =	ssyncset.done $0x0  }
0x80: {  	[sflag:s10] =	ssyncadd.s32 $0xFFFFB000  }
0x81: {  	[tilespmem:s8], [sflag:$0x2] =	stream.indirect.gather [hbm4b:s3+s7], $0x20, s24, s7, $0xb8;
	[tilespmem:$0x14000] =	vst v63  }
0x82: {  	_ =	swait.ge [sflag:s13], $0x5000  }
0x83: {  	[sflag:s13] =	ssyncset.done $0x0  }
0x84: {  	[sflag:s13] =	ssyncadd.s32 $0xFFFFB000  }
0x85: {  	[spmem:s2] =	stream.indirect.scatter.add.f32 [tilespmem:s9], [sflag:$0x3], $0x20, s23, s7, $0xb8;
	[tilespmem:$0x14000] =	vst v63  }
0x86: {  	_ =	swait.ge [sflag:s11], $0x5000  }
0x87: {  	[sflag:s11] =	ssyncset.done $0x0  }
0x88: {  	[sflag:s11] =	ssyncadd.s32 $0xFFFFB000  }
0x89: {  	[tilespmem:s9], [sflag:$0x1] =	stream.indirect.gather [hbm4b:s3+s7], $0x20, s22, s7, $0xb8;
	[tilespmem:$0x14000] =	vst v63  }
0x8a: {  	_ =	swait.ge [sflag:s12], $0x5000  }
0x8b: {  	[sflag:s12] =	ssyncset.done $0x0  }
0x8c: {  	[sflag:s12] =	ssyncadd.s32 $0xFFFFB000  }
0x8d: {  	[spmem:s2] =	stream.indirect.scatter.add.f32 [tilespmem:s8], [sflag:$0x4], $0x20, s21, s7, $0xb8;
	[tilespmem:$0x14000] =	vst v63  }
0x8e: {  	_ =	swait.ge [sflag:s10], $0x5000  }
0x8f: {  	[sflag:s10] =	ssyncset.done $0x0  }
0x90: {  	[sflag:s10] =	ssyncadd.s32 $0xFFFFB000  }
0x91: {  	[tilespmem:s8], [sflag:$0x2] =	stream.indirect.gather [hbm4b:s3+s7], $0x20, s19, s7, $0xb8;
	[tilespmem:$0x14000] =	vst v63  }
0x92: {  	_ =	swait.ge [sflag:s13], $0x5000  }
0x93: {  	[sflag:s13] =	ssyncset.done $0x0  }
0x94: {  	[sflag:s13] =	ssyncadd.s32 $0xFFFFB000  }
0x95: {  	[spmem:s2] =	stream.indirect.scatter.add.f32 [tilespmem:s9], [sflag:$0x3], $0x20, s20, s7, $0xb8;
	[tilespmem:$0x14000] =	vst v63  }
0x96: {  	_ =	swait.ge [sflag:s11], $0x5000  }
0x97: {  	[sflag:s11] =	ssyncset.done $0x0  }
0x98: {  	[sflag:s11] =	ssyncadd.s32 $0xFFFFB000  }
0x99: {  	[tilespmem:s9], [sflag:$0x1] =	stream.indirect.gather [hbm4b:s3+s7], $0x20, s18, s7, $0xb8;
	[tilespmem:$0x14000] =	vst v63  }
0x9a: {  	_ =	swait.ge [sflag:s12], $0x5000  }
0x9b: {  	[sflag:s12] =	ssyncset.done $0x0  }
0x9c: {  	[sflag:s12] =	ssyncadd.s32 $0xFFFFB000  }
0x9d: {  	[spmem:s2] =	stream.indirect.scatter.add.f32 [tilespmem:s8], [sflag:$0x4], $0x20, s17, s7, $0xb8;
	[tilespmem:$0x14000] =	vst v63  }
0x9e: {  	_ =	swait.ge [sflag:s10], $0x5000  }
0x9f: {  	[sflag:s10] =	ssyncset.done $0x0  }
0xa0: {  	[sflag:s10] =	ssyncadd.s32 $0xFFFFB000  }
0xa1: {  	[tilespmem:s8], [sflag:$0x2] =	stream.indirect.gather [hbm4b:s3+s7], $0x20, s16, s7, $0xb8;
	[tilespmem:$0x14000] =	vst v63  }
0xa2: {  	_ =	swait.ge [sflag:s13], $0x5000  }
0xa3: {  	[sflag:s13] =	ssyncset.done $0x0  }
0xa4: {  	[sflag:s13] =	ssyncadd.s32 $0xFFFFB000  }
0xa5: {  	[spmem:s2] =	stream.indirect.scatter.add.f32 [tilespmem:s9], [sflag:$0x3], $0x20, s15, s7, $0xb8;
	[tilespmem:$0x14000] =	vst v63  }
0xa6: {  	_ =	swait.ge [sflag:s11], $0x5000  }
0xa7: {  	[sflag:s11] =	ssyncset.done $0x0  }
0xa8: {  	[sflag:s11] =	ssyncadd.s32 $0xFFFFB000  }
0xa9: {  	_ =	swait.ge [sflag:s12], $0x5000  }
0xaa: {  	[sflag:s12] =	ssyncset.done $0x0  }
0xab: {  	[sflag:s12] =	ssyncadd.s32 $0xFFFFB000  }
0xac: {  	[spmem:s2] =	stream.indirect.scatter.add.f32 [tilespmem:s8], [sflag:$0x4], $0x20, s14, s7, $0xb8;
	[tilespmem:$0x14000] =	vst v63  }
0xad: {  	_ =	swait.ge [sflag:s10], $0x5000  }
0xae: {  	[sflag:s10] =	ssyncset.done $0x0  }
0xaf: {  	p1 =	sne.s32 s1, $0x1;
	[sflag:s10] =	ssyncadd.s32 $0xFFFFB000  }
.Ltmp1:
0xb0: {  	[bflag:$0x0] =	sbarrier.arrive $0xFFFF;
	(pc) =	sbr.rel @!p1 .LBB2_3-.Ltmp1, $4  }
0xb1: {  	s0 =	rddreg [dreg:$0x6]  }
0xb2: {  	[hbm:s0], [sflag:s4] =	dma.local [spmem:s5], $0xA00  }
0xb3: {  	s1 =	sadd.s32 $0xFFFFFFFF, s1;
	_ =	swait.ge [sflag:s6], $0xA00  }
0xb4: {  	p0 =	por $0x1, $0x1;
	s0 =	rddreg [dreg:$0x3];
	[sflag:s6] =	ssyncset.done $0x0  }
.LBB2_2:
0xb5: {  	[sflag:s6] =	ssyncadd.s32 $0xFFFFF600  }
0xb6: {  	[spmem:s5], [sflag:s4] =	dma.local [hbm:s0], $0xA00  }
0xb7: {  	_ =	swait.ge [sflag:s6], $0xA00  }
0xb8: {  	[sflag:s6] =	ssyncset.done $0x0  }
0xb9: {  	s0 =	rddreg [dreg:$0x4];
	[sflag:s6] =	ssyncadd.s32 $0xFFFFF600  }
0xba: {  	[tilespmem:s31], [sflag:$0x5] =	stream.linear.gather [hbm4b:s0+s29], $0x2800, $0x38;
	[tilespmem:$0x14000] =	vst v63  }
0xbb: {  	_ =	swait.ge [sflag:s6], $0x2800  }
0xbc: {  	[sflag:s6] =	ssyncset.done $0x0  }
0xbd: {  	s0 =	rddreg [dreg:$0x5];
	[sflag:s6] =	ssyncadd.s32 $0xFFFFD800  }
0xbe: {  	[tilespmem:s30], [sflag:$0x5] =	stream.linear.gather [hbm4b:s0+s29], $0x2800, $0x38;
	[tilespmem:$0x14000] =	vst v63  }
0xbf: {  	_ =	swait.ge [sflag:s6], $0x2800  }
0xc0: {  	[sflag:s6] =	ssyncset.done $0x0  }
0xc1: {  	[sflag:s6] =	ssyncadd.s32 $0xFFFFD800  }
0xc2: {  	[bflag:$0x0] =	sbarrier.arrive $0xFFFF  }
0xc3: {  	[tilespmem:s9], [sflag:$0x1] =	stream.indirect.gather [hbm4b:s3+s7], $0x20, s31, s7, $0xb8;
	[tilespmem:$0x14000] =	vst v63  }
0xc4: {  	s0 =	rddreg [dreg:$0x7]  }
0xc5: {  	[tilespmem:s8], [sflag:$0x2] =	stream.indirect.gather [hbm4b:s3+s7], $0x20, s0, s7, $0xb8;
	[tilespmem:$0x14000] =	vst v63  }
0xc6: {  	_ =	swait.ge [sflag:s13], $0x5000  }
0xc7: {  	[sflag:s13] =	ssyncset.done $0x0  }
0xc8: {  	[sflag:s13] =	ssyncadd.s32 $0xFFFFB000  }
0xc9: {  	[spmem:s2] =	stream.indirect.scatter.add.f32 [tilespmem:s9], [sflag:$0x3], $0x20, s30, s7, $0xb8;
	[tilespmem:$0x14000] =	vst v63  }
0xca: {  	_ =	swait.ge [sflag:s11], $0x5000  }
0xcb: {  	[sflag:s11] =	ssyncset.done $0x0  }
0xcc: {  	s0 =	rddreg [dreg:$0x8];
	[sflag:s11] =	ssyncadd.s32 $0xFFFFB000  }
0xcd: {  	[tilespmem:s9], [sflag:$0x1] =	stream.indirect.gather [hbm4b:s3+s7], $0x20, s0, s7, $0xb8;
	[tilespmem:$0x14000] =	vst v63  }
0xce: {  	_ =	swait.ge [sflag:s12], $0x5000  }
0xcf: {  	[sflag:s12] =	ssyncset.done $0x0  }
0xd0: {  	s0 =	rddreg [dreg:$0x9];
	[sflag:s12] =	ssyncadd.s32 $0xFFFFB000  }
0xd1: {  	[spmem:s2] =	stream.indirect.scatter.add.f32 [tilespmem:s8], [sflag:$0x4], $0x20, s0, s7, $0xb8;
	[tilespmem:$0x14000] =	vst v63  }
0xd2: {  	_ =	swait.ge [sflag:s10], $0x5000  }
0xd3: {  	[sflag:s10] =	ssyncset.done $0x0  }
0xd4: {  	s0 =	rddreg [dreg:$0xa];
	[sflag:s10] =	ssyncadd.s32 $0xFFFFB000  }
0xd5: {  	[tilespmem:s8], [sflag:$0x2] =	stream.indirect.gather [hbm4b:s3+s7], $0x20, s0, s7, $0xb8;
	[tilespmem:$0x14000] =	vst v63  }
0xd6: {  	_ =	swait.ge [sflag:s13], $0x5000  }
0xd7: {  	[sflag:s13] =	ssyncset.done $0x0  }
0xd8: {  	s0 =	rddreg [dreg:$0xb];
	[sflag:s13] =	ssyncadd.s32 $0xFFFFB000  }
0xd9: {  	[spmem:s2] =	stream.indirect.scatter.add.f32 [tilespmem:s9], [sflag:$0x3], $0x20, s0, s7, $0xb8;
	[tilespmem:$0x14000] =	vst v63  }
0xda: {  	_ =	swait.ge [sflag:s11], $0x5000  }
0xdb: {  	[sflag:s11] =	ssyncset.done $0x0  }
0xdc: {  	s0 =	rddreg [dreg:$0xc];
	[sflag:s11] =	ssyncadd.s32 $0xFFFFB000  }
0xdd: {  	[tilespmem:s9], [sflag:$0x1] =	stream.indirect.gather [hbm4b:s3+s7], $0x20, s0, s7, $0xb8;
	[tilespmem:$0x14000] =	vst v63  }
0xde: {  	_ =	swait.ge [sflag:s12], $0x5000  }
0xdf: {  	[sflag:s12] =	ssyncset.done $0x0  }
0xe0: {  	s0 =	rddreg [dreg:$0xd];
	[sflag:s12] =	ssyncadd.s32 $0xFFFFB000  }
0xe1: {  	[spmem:s2] =	stream.indirect.scatter.add.f32 [tilespmem:s8], [sflag:$0x4], $0x20, s0, s7, $0xb8;
	[tilespmem:$0x14000] =	vst v63  }
0xe2: {  	_ =	swait.ge [sflag:s10], $0x5000  }
0xe3: {  	[sflag:s10] =	ssyncset.done $0x0  }
0xe4: {  	s0 =	rddreg [dreg:$0xe];
	[sflag:s10] =	ssyncadd.s32 $0xFFFFB000  }
0xe5: {  	[tilespmem:s8], [sflag:$0x2] =	stream.indirect.gather [hbm4b:s3+s7], $0x20, s0, s7, $0xb8;
	[tilespmem:$0x14000] =	vst v63  }
0xe6: {  	_ =	swait.ge [sflag:s13], $0x5000  }
0xe7: {  	[sflag:s13] =	ssyncset.done $0x0  }
0xe8: {  	s0 =	rddreg [dreg:$0xf];
	[sflag:s13] =	ssyncadd.s32 $0xFFFFB000  }
0xe9: {  	[spmem:s2] =	stream.indirect.scatter.add.f32 [tilespmem:s9], [sflag:$0x3], $0x20, s0, s7, $0xb8;
	[tilespmem:$0x14000] =	vst v63  }
0xea: {  	_ =	swait.ge [sflag:s11], $0x5000  }
0xeb: {  	[sflag:s11] =	ssyncset.done $0x0  }
0xec: {  	s0 =	rddreg [dreg:$0x10];
	[sflag:s11] =	ssyncadd.s32 $0xFFFFB000  }
0xed: {  	[tilespmem:s9], [sflag:$0x1] =	stream.indirect.gather [hbm4b:s3+s7], $0x20, s0, s7, $0xb8;
	[tilespmem:$0x14000] =	vst v63  }
0xee: {  	_ =	swait.ge [sflag:s12], $0x5000  }
0xef: {  	[sflag:s12] =	ssyncset.done $0x0  }
0xf0: {  	s0 =	rddreg [dreg:$0x11];
	[sflag:s12] =	ssyncadd.s32 $0xFFFFB000  }
0xf1: {  	[spmem:s2] =	stream.indirect.scatter.add.f32 [tilespmem:s8], [sflag:$0x4], $0x20, s0, s7, $0xb8;
	[tilespmem:$0x14000] =	vst v63  }
0xf2: {  	_ =	swait.ge [sflag:s10], $0x5000  }
0xf3: {  	[sflag:s10] =	ssyncset.done $0x0  }
0xf4: {  	s0 =	rddreg [dreg:$0x12];
	[sflag:s10] =	ssyncadd.s32 $0xFFFFB000  }
0xf5: {  	[tilespmem:s8], [sflag:$0x2] =	stream.indirect.gather [hbm4b:s3+s7], $0x20, s0, s7, $0xb8;
	[tilespmem:$0x14000] =	vst v63  }
0xf6: {  	_ =	swait.ge [sflag:s13], $0x5000  }
0xf7: {  	[sflag:s13] =	ssyncset.done $0x0  }
0xf8: {  	s0 =	rddreg [dreg:$0x13];
	[sflag:s13] =	ssyncadd.s32 $0xFFFFB000  }
0xf9: {  	[spmem:s2] =	stream.indirect.scatter.add.f32 [tilespmem:s9], [sflag:$0x3], $0x20, s0, s7, $0xb8;
	[tilespmem:$0x14000] =	vst v63  }
0xfa: {  	_ =	swait.ge [sflag:s11], $0x5000  }
0xfb: {  	[sflag:s11] =	ssyncset.done $0x0  }
0xfc: {  	s0 =	rddreg [dreg:$0x14];
	[sflag:s11] =	ssyncadd.s32 $0xFFFFB000  }
0xfd: {  	[tilespmem:s9], [sflag:$0x1] =	stream.indirect.gather [hbm4b:s3+s7], $0x20, s0, s7, $0xb8;
	[tilespmem:$0x14000] =	vst v63  }
0xfe: {  	_ =	swait.ge [sflag:s12], $0x5000  }
0xff: {  	[sflag:s12] =	ssyncset.done $0x0  }
0x100: {  	s0 =	rddreg [dreg:$0x15];
	[sflag:s12] =	ssyncadd.s32 $0xFFFFB000  }
0x101: {  	[spmem:s2] =	stream.indirect.scatter.add.f32 [tilespmem:s8], [sflag:$0x4], $0x20, s0, s7, $0xb8;
	[tilespmem:$0x14000] =	vst v63  }
0x102: {  	_ =	swait.ge [sflag:s10], $0x5000  }
0x103: {  	[sflag:s10] =	ssyncset.done $0x0  }
0x104: {  	s0 =	rddreg [dreg:$0x16];
	[sflag:s10] =	ssyncadd.s32 $0xFFFFB000  }
0x105: {  	[tilespmem:s8], [sflag:$0x2] =	stream.indirect.gather [hbm4b:s3+s7], $0x20, s0, s7, $0xb8;
	[tilespmem:$0x14000] =	vst v63  }
0x106: {  	_ =	swait.ge [sflag:s13], $0x5000  }
0x107: {  	[sflag:s13] =	ssyncset.done $0x0  }
0x108: {  	[sflag:s13] =	ssyncadd.s32 $0xFFFFB000  }
0x109: {  	[spmem:s2] =	stream.indirect.scatter.add.f32 [tilespmem:s9], [sflag:$0x3], $0x20, s28, s7, $0xb8;
	[tilespmem:$0x14000] =	vst v63  }
0x10a: {  	_ =	swait.ge [sflag:s11], $0x5000  }
0x10b: {  	[sflag:s11] =	ssyncset.done $0x0  }
0x10c: {  	[sflag:s11] =	ssyncadd.s32 $0xFFFFB000  }
0x10d: {  	[tilespmem:s9], [sflag:$0x1] =	stream.indirect.gather [hbm4b:s3+s7], $0x20, s26, s7, $0xb8;
	[tilespmem:$0x14000] =	vst v63  }
0x10e: {  	_ =	swait.ge [sflag:s12], $0x5000  }
0x10f: {  	[sflag:s12] =	ssyncset.done $0x0  }
0x110: {  	[sflag:s12] =	ssyncadd.s32 $0xFFFFB000  }
0x111: {  	[spmem:s2] =	stream.indirect.scatter.add.f32 [tilespmem:s8], [sflag:$0x4], $0x20, s25, s7, $0xb8;
	[tilespmem:$0x14000] =	vst v63  }
0x112: {  	_ =	swait.ge [sflag:s10], $0x5000  }
0x113: {  	[sflag:s10] =	ssyncset.done $0x0  }
0x114: {  	[sflag:s10] =	ssyncadd.s32 $0xFFFFB000  }
0x115: {  	[tilespmem:s8], [sflag:$0x2] =	stream.indirect.gather [hbm4b:s3+s7], $0x20, s24, s7, $0xb8;
	[tilespmem:$0x14000] =	vst v63  }
0x116: {  	_ =	swait.ge [sflag:s13], $0x5000  }
0x117: {  	[sflag:s13] =	ssyncset.done $0x0  }
0x118: {  	[sflag:s13] =	ssyncadd.s32 $0xFFFFB000  }
0x119: {  	[spmem:s2] =	stream.indirect.scatter.add.f32 [tilespmem:s9], [sflag:$0x3], $0x20, s23, s7, $0xb8;
	[tilespmem:$0x14000] =	vst v63  }
0x11a: {  	_ =	swait.ge [sflag:s11], $0x5000  }
0x11b: {  	[sflag:s11] =	ssyncset.done $0x0  }
0x11c: {  	[sflag:s11] =	ssyncadd.s32 $0xFFFFB000  }
0x11d: {  	[tilespmem:s9], [sflag:$0x1] =	stream.indirect.gather [hbm4b:s3+s7], $0x20, s22, s7, $0xb8;
	[tilespmem:$0x14000] =	vst v63  }
0x11e: {  	_ =	swait.ge [sflag:s12], $0x5000  }
0x11f: {  	[sflag:s12] =	ssyncset.done $0x0  }
0x120: {  	[sflag:s12] =	ssyncadd.s32 $0xFFFFB000  }
0x121: {  	[spmem:s2] =	stream.indirect.scatter.add.f32 [tilespmem:s8], [sflag:$0x4], $0x20, s21, s7, $0xb8;
	[tilespmem:$0x14000] =	vst v63  }
0x122: {  	_ =	swait.ge [sflag:s10], $0x5000  }
0x123: {  	[sflag:s10] =	ssyncset.done $0x0  }
0x124: {  	[sflag:s10] =	ssyncadd.s32 $0xFFFFB000  }
0x125: {  	[tilespmem:s8], [sflag:$0x2] =	stream.indirect.gather [hbm4b:s3+s7], $0x20, s19, s7, $0xb8;
	[tilespmem:$0x14000] =	vst v63  }
0x126: {  	_ =	swait.ge [sflag:s13], $0x5000  }
0x127: {  	[sflag:s13] =	ssyncset.done $0x0  }
0x128: {  	[sflag:s13] =	ssyncadd.s32 $0xFFFFB000  }
0x129: {  	[spmem:s2] =	stream.indirect.scatter.add.f32 [tilespmem:s9], [sflag:$0x3], $0x20, s20, s7, $0xb8;
	[tilespmem:$0x14000] =	vst v63  }
0x12a: {  	_ =	swait.ge [sflag:s11], $0x5000  }
0x12b: {  	[sflag:s11] =	ssyncset.done $0x0  }
0x12c: {  	[sflag:s11] =	ssyncadd.s32 $0xFFFFB000  }
0x12d: {  	[tilespmem:s9], [sflag:$0x1] =	stream.indirect.gather [hbm4b:s3+s7], $0x20, s18, s7, $0xb8;
	[tilespmem:$0x14000] =	vst v63  }
0x12e: {  	_ =	swait.ge [sflag:s12], $0x5000  }
0x12f: {  	[sflag:s12] =	ssyncset.done $0x0  }
0x130: {  	[sflag:s12] =	ssyncadd.s32 $0xFFFFB000  }
0x131: {  	[spmem:s2] =	stream.indirect.scatter.add.f32 [tilespmem:s8], [sflag:$0x4], $0x20, s17, s7, $0xb8;
	[tilespmem:$0x14000] =	vst v63  }
0x132: {  	_ =	swait.ge [sflag:s10], $0x5000  }
0x133: {  	[sflag:s10] =	ssyncset.done $0x0  }
0x134: {  	[sflag:s10] =	ssyncadd.s32 $0xFFFFB000  }
0x135: {  	[tilespmem:s8], [sflag:$0x2] =	stream.indirect.gather [hbm4b:s3+s7], $0x20, s16, s7, $0xb8;
	[tilespmem:$0x14000] =	vst v63  }
0x136: {  	_ =	swait.ge [sflag:s13], $0x5000  }
0x137: {  	[sflag:s13] =	ssyncset.done $0x0  }
0x138: {  	[sflag:s13] =	ssyncadd.s32 $0xFFFFB000  }
0x139: {  	[spmem:s2] =	stream.indirect.scatter.add.f32 [tilespmem:s9], [sflag:$0x3], $0x20, s15, s7, $0xb8;
	[tilespmem:$0x14000] =	vst v63  }
0x13a: {  	_ =	swait.ge [sflag:s11], $0x5000  }
0x13b: {  	[sflag:s11] =	ssyncset.done $0x0  }
0x13c: {  	[sflag:s11] =	ssyncadd.s32 $0xFFFFB000  }
0x13d: {  	_ =	swait.ge [sflag:s12], $0x5000  }
0x13e: {  	[sflag:s12] =	ssyncset.done $0x0  }
0x13f: {  	[sflag:s12] =	ssyncadd.s32 $0xFFFFB000  }
0x140: {  	[spmem:s2] =	stream.indirect.scatter.add.f32 [tilespmem:s8], [sflag:$0x4], $0x20, s14, s7, $0xb8;
	[tilespmem:$0x14000] =	vst v63  }
0x141: {  	_ =	swait.ge [sflag:s10], $0x5000  }
0x142: {  	[sflag:s10] =	ssyncset.done $0x0  }
0x143: {  	p1 =	sne.s32 s1, $0x1;
	[sflag:s10] =	ssyncadd.s32 $0xFFFFB000  }
.Ltmp2:
0x144: {  	[bflag:$0x0] =	sbarrier.arrive $0xFFFF;
	(pc) =	sbr.rel @p1 .LBB2_2-.Ltmp2, $4  }
0x145: {  	s0 =	rddreg [dreg:$0x6]  }
0x146: {  	[hbm:s0], [sflag:s4] =	dma.local [spmem:s5], $0xA00  }
0x147: {  	_ =	swait.ge [sflag:s6], $0xA00  }
0x148: {  	s1 =	sadd.s32 $0xFFFFFFFF, s1;
	s0 =	rddreg [dreg:$0x3];
	[sflag:s6] =	ssyncset.done $0x0  }
.LBB2_3:
0x149: {  	[sflag:s6] =	ssyncadd.s32 @p0 $0xFFFFF600  }
0x14a: {  	[spmem:s5], [sflag:s4] =	dma.local [hbm:s0], $0xA00  }
0x14b: {  	_ =	swait.ge [sflag:s6], $0xA00  }
0x14c: {  	[sflag:s6] =	ssyncset.done $0x0  }
0x14d: {  	s1 =	rddreg [dreg:$0x4];
	[sflag:s6] =	ssyncadd.s32 $0xFFFFF600  }
0x14e: {  	[tilespmem:s31], [sflag:$0x5] =	stream.linear.gather [hbm4b:s1+s29], $0x2800, $0x38;
	[tilespmem:$0x14000] =	vst v63  }
0x14f: {  	_ =	swait.ge [sflag:s6], $0x2800  }
0x150: {  	[sflag:s6] =	ssyncset.done $0x0  }
0x151: {  	s1 =	rddreg [dreg:$0x5];
	[sflag:s6] =	ssyncadd.s32 $0xFFFFD800  }
0x152: {  	[tilespmem:s30], [sflag:$0x5] =	stream.linear.gather [hbm4b:s1+s29], $0x2800, $0x38;
	[tilespmem:$0x14000] =	vst v63  }
0x153: {  	_ =	swait.ge [sflag:s6], $0x2800  }
0x154: {  	[sflag:s6] =	ssyncset.done $0x0  }
0x155: {  	[sflag:s6] =	ssyncadd.s32 $0xFFFFD800  }
0x156: {  	[bflag:$0x0] =	sbarrier.arrive $0xFFFF  }
0x157: {  	[tilespmem:s9], [sflag:$0x1] =	stream.indirect.gather [hbm4b:s3+s7], $0x20, s31, s7, $0xb8;
	[tilespmem:$0x14000] =	vst v63  }
0x158: {  	s29 =	rddreg [dreg:$0x7]  }
0x159: {  	[tilespmem:s8], [sflag:$0x2] =	stream.indirect.gather [hbm4b:s3+s7], $0x20, s29, s7, $0xb8;
	[tilespmem:$0x14000] =	vst v63  }
0x15a: {  	_ =	swait.ge [sflag:s13], $0x5000  }
0x15b: {  	[sflag:s13] =	ssyncset.done $0x0  }
0x15c: {  	[sflag:s13] =	ssyncadd.s32 $0xFFFFB000  }
0x15d: {  	[spmem:s2] =	stream.indirect.scatter.add.f32 [tilespmem:s9], [sflag:$0x3], $0x20, s30, s7, $0xb8;
	[tilespmem:$0x14000] =	vst v63  }
0x15e: {  	_ =	swait.ge [sflag:s11], $0x5000  }
0x15f: {  	[sflag:s11] =	ssyncset.done $0x0  }
0x160: {  	s31 =	rddreg [dreg:$0x8];
	[sflag:s11] =	ssyncadd.s32 $0xFFFFB000  }
0x161: {  	[tilespmem:s9], [sflag:$0x1] =	stream.indirect.gather [hbm4b:s3+s7], $0x20, s31, s7, $0xb8;
	[tilespmem:$0x14000] =	vst v63  }
0x162: {  	_ =	swait.ge [sflag:s12], $0x5000  }
0x163: {  	[sflag:s12] =	ssyncset.done $0x0  }
0x164: {  	s1 =	rddreg [dreg:$0x9];
	[sflag:s12] =	ssyncadd.s32 $0xFFFFB000  }
0x165: {  	[spmem:s2] =	stream.indirect.scatter.add.f32 [tilespmem:s8], [sflag:$0x4], $0x20, s1, s7, $0xb8;
	[tilespmem:$0x14000] =	vst v63  }
0x166: {  	_ =	swait.ge [sflag:s10], $0x5000  }
0x167: {  	[sflag:s10] =	ssyncset.done $0x0  }
0x168: {  	s29 =	rddreg [dreg:$0xa];
	[sflag:s10] =	ssyncadd.s32 $0xFFFFB000  }
0x169: {  	[tilespmem:s8], [sflag:$0x2] =	stream.indirect.gather [hbm4b:s3+s7], $0x20, s29, s7, $0xb8;
	[tilespmem:$0x14000] =	vst v63  }
0x16a: {  	_ =	swait.ge [sflag:s13], $0x5000  }
0x16b: {  	[sflag:s13] =	ssyncset.done $0x0  }
0x16c: {  	s30 =	rddreg [dreg:$0xb];
	[sflag:s13] =	ssyncadd.s32 $0xFFFFB000  }
0x16d: {  	[spmem:s2] =	stream.indirect.scatter.add.f32 [tilespmem:s9], [sflag:$0x3], $0x20, s30, s7, $0xb8;
	[tilespmem:$0x14000] =	vst v63  }
0x16e: {  	_ =	swait.ge [sflag:s11], $0x5000  }
0x16f: {  	[sflag:s11] =	ssyncset.done $0x0  }
0x170: {  	s31 =	rddreg [dreg:$0xc];
	[sflag:s11] =	ssyncadd.s32 $0xFFFFB000  }
0x171: {  	[tilespmem:s9], [sflag:$0x1] =	stream.indirect.gather [hbm4b:s3+s7], $0x20, s31, s7, $0xb8;
	[tilespmem:$0x14000] =	vst v63  }
0x172: {  	_ =	swait.ge [sflag:s12], $0x5000  }
0x173: {  	[sflag:s12] =	ssyncset.done $0x0  }
0x174: {  	s1 =	rddreg [dreg:$0xd];
	[sflag:s12] =	ssyncadd.s32 $0xFFFFB000  }
0x175: {  	[spmem:s2] =	stream.indirect.scatter.add.f32 [tilespmem:s8], [sflag:$0x4], $0x20, s1, s7, $0xb8;
	[tilespmem:$0x14000] =	vst v63  }
0x176: {  	_ =	swait.ge [sflag:s10], $0x5000  }
0x177: {  	[sflag:s10] =	ssyncset.done $0x0  }
0x178: {  	s29 =	rddreg [dreg:$0xe];
	[sflag:s10] =	ssyncadd.s32 $0xFFFFB000  }
0x179: {  	[tilespmem:s8], [sflag:$0x2] =	stream.indirect.gather [hbm4b:s3+s7], $0x20, s29, s7, $0xb8;
	[tilespmem:$0x14000] =	vst v63  }
0x17a: {  	_ =	swait.ge [sflag:s13], $0x5000  }
0x17b: {  	[sflag:s13] =	ssyncset.done $0x0  }
0x17c: {  	s30 =	rddreg [dreg:$0xf];
	[sflag:s13] =	ssyncadd.s32 $0xFFFFB000  }
0x17d: {  	[spmem:s2] =	stream.indirect.scatter.add.f32 [tilespmem:s9], [sflag:$0x3], $0x20, s30, s7, $0xb8;
	[tilespmem:$0x14000] =	vst v63  }
0x17e: {  	_ =	swait.ge [sflag:s11], $0x5000  }
0x17f: {  	[sflag:s11] =	ssyncset.done $0x0  }
0x180: {  	s31 =	rddreg [dreg:$0x10];
	[sflag:s11] =	ssyncadd.s32 $0xFFFFB000  }
0x181: {  	[tilespmem:s9], [sflag:$0x1] =	stream.indirect.gather [hbm4b:s3+s7], $0x20, s31, s7, $0xb8;
	[tilespmem:$0x14000] =	vst v63  }
0x182: {  	_ =	swait.ge [sflag:s12], $0x5000  }
0x183: {  	[sflag:s12] =	ssyncset.done $0x0  }
0x184: {  	s1 =	rddreg [dreg:$0x11];
	[sflag:s12] =	ssyncadd.s32 $0xFFFFB000  }
0x185: {  	[spmem:s2] =	stream.indirect.scatter.add.f32 [tilespmem:s8], [sflag:$0x4], $0x20, s1, s7, $0xb8;
	[tilespmem:$0x14000] =	vst v63  }
0x186: {  	_ =	swait.ge [sflag:s10], $0x5000  }
0x187: {  	[sflag:s10] =	ssyncset.done $0x0  }
0x188: {  	s29 =	rddreg [dreg:$0x12];
	[sflag:s10] =	ssyncadd.s32 $0xFFFFB000  }
0x189: {  	[tilespmem:s8], [sflag:$0x2] =	stream.indirect.gather [hbm4b:s3+s7], $0x20, s29, s7, $0xb8;
	[tilespmem:$0x14000] =	vst v63  }
0x18a: {  	_ =	swait.ge [sflag:s13], $0x5000  }
0x18b: {  	[sflag:s13] =	ssyncset.done $0x0  }
0x18c: {  	s30 =	rddreg [dreg:$0x13];
	[sflag:s13] =	ssyncadd.s32 $0xFFFFB000  }
0x18d: {  	[spmem:s2] =	stream.indirect.scatter.add.f32 [tilespmem:s9], [sflag:$0x3], $0x20, s30, s7, $0xb8;
	[tilespmem:$0x14000] =	vst v63  }
0x18e: {  	_ =	swait.ge [sflag:s11], $0x5000  }
0x18f: {  	[sflag:s11] =	ssyncset.done $0x0  }
0x190: {  	s31 =	rddreg [dreg:$0x14];
	[sflag:s11] =	ssyncadd.s32 $0xFFFFB000  }
0x191: {  	[tilespmem:s9], [sflag:$0x1] =	stream.indirect.gather [hbm4b:s3+s7], $0x20, s31, s7, $0xb8;
	[tilespmem:$0x14000] =	vst v63  }
0x192: {  	_ =	swait.ge [sflag:s12], $0x5000  }
0x193: {  	[sflag:s12] =	ssyncset.done $0x0  }
0x194: {  	s1 =	rddreg [dreg:$0x15];
	[sflag:s12] =	ssyncadd.s32 $0xFFFFB000  }
0x195: {  	[spmem:s2] =	stream.indirect.scatter.add.f32 [tilespmem:s8], [sflag:$0x4], $0x20, s1, s7, $0xb8;
	[tilespmem:$0x14000] =	vst v63  }
0x196: {  	_ =	swait.ge [sflag:s10], $0x5000  }
0x197: {  	[sflag:s10] =	ssyncset.done $0x0  }
0x198: {  	s29 =	rddreg [dreg:$0x16];
	[sflag:s10] =	ssyncadd.s32 $0xFFFFB000  }
0x199: {  	[tilespmem:s8], [sflag:$0x2] =	stream.indirect.gather [hbm4b:s3+s7], $0x20, s29, s7, $0xb8;
	[tilespmem:$0x14000] =	vst v63  }
0x19a: {  	_ =	swait.ge [sflag:s13], $0x5000  }
0x19b: {  	[sflag:s13] =	ssyncset.done $0x0  }
0x19c: {  	[sflag:s13] =	ssyncadd.s32 $0xFFFFB000  }
0x19d: {  	[spmem:s2] =	stream.indirect.scatter.add.f32 [tilespmem:s9], [sflag:$0x3], $0x20, s28, s7, $0xb8;
	[tilespmem:$0x14000] =	vst v63  }
0x19e: {  	_ =	swait.ge [sflag:s11], $0x5000  }
0x19f: {  	[sflag:s11] =	ssyncset.done $0x0  }
0x1a0: {  	[sflag:s11] =	ssyncadd.s32 $0xFFFFB000  }
0x1a1: {  	[tilespmem:s9], [sflag:$0x1] =	stream.indirect.gather [hbm4b:s3+s7], $0x20, s26, s7, $0xb8;
	[tilespmem:$0x14000] =	vst v63  }
0x1a2: {  	_ =	swait.ge [sflag:s12], $0x5000  }
0x1a3: {  	[sflag:s12] =	ssyncset.done $0x0  }
0x1a4: {  	[sflag:s12] =	ssyncadd.s32 $0xFFFFB000  }
0x1a5: {  	[spmem:s2] =	stream.indirect.scatter.add.f32 [tilespmem:s8], [sflag:$0x4], $0x20, s25, s7, $0xb8;
	[tilespmem:$0x14000] =	vst v63  }
0x1a6: {  	_ =	swait.ge [sflag:s10], $0x5000  }
0x1a7: {  	[sflag:s10] =	ssyncset.done $0x0  }
0x1a8: {  	[sflag:s10] =	ssyncadd.s32 $0xFFFFB000  }
0x1a9: {  	[tilespmem:s8], [sflag:$0x2] =	stream.indirect.gather [hbm4b:s3+s7], $0x20, s24, s7, $0xb8;
	[tilespmem:$0x14000] =	vst v63  }
0x1aa: {  	_ =	swait.ge [sflag:s13], $0x5000  }
0x1ab: {  	[sflag:s13] =	ssyncset.done $0x0  }
0x1ac: {  	[sflag:s13] =	ssyncadd.s32 $0xFFFFB000  }
0x1ad: {  	[spmem:s2] =	stream.indirect.scatter.add.f32 [tilespmem:s9], [sflag:$0x3], $0x20, s23, s7, $0xb8;
	[tilespmem:$0x14000] =	vst v63  }
0x1ae: {  	_ =	swait.ge [sflag:s11], $0x5000  }
0x1af: {  	[sflag:s11] =	ssyncset.done $0x0  }
0x1b0: {  	[sflag:s11] =	ssyncadd.s32 $0xFFFFB000  }
0x1b1: {  	[tilespmem:s9], [sflag:$0x1] =	stream.indirect.gather [hbm4b:s3+s7], $0x20, s22, s7, $0xb8;
	[tilespmem:$0x14000] =	vst v63  }
0x1b2: {  	_ =	swait.ge [sflag:s12], $0x5000  }
0x1b3: {  	[sflag:s12] =	ssyncset.done $0x0  }
0x1b4: {  	[sflag:s12] =	ssyncadd.s32 $0xFFFFB000  }
0x1b5: {  	[spmem:s2] =	stream.indirect.scatter.add.f32 [tilespmem:s8], [sflag:$0x4], $0x20, s21, s7, $0xb8;
	[tilespmem:$0x14000] =	vst v63  }
0x1b6: {  	_ =	swait.ge [sflag:s10], $0x5000  }
0x1b7: {  	[sflag:s10] =	ssyncset.done $0x0  }
0x1b8: {  	[sflag:s10] =	ssyncadd.s32 $0xFFFFB000  }
0x1b9: {  	[tilespmem:s8], [sflag:$0x2] =	stream.indirect.gather [hbm4b:s3+s7], $0x20, s19, s7, $0xb8;
	[tilespmem:$0x14000] =	vst v63  }
0x1ba: {  	_ =	swait.ge [sflag:s13], $0x5000  }
0x1bb: {  	[sflag:s13] =	ssyncset.done $0x0  }
0x1bc: {  	[sflag:s13] =	ssyncadd.s32 $0xFFFFB000  }
0x1bd: {  	[spmem:s2] =	stream.indirect.scatter.add.f32 [tilespmem:s9], [sflag:$0x3], $0x20, s20, s7, $0xb8;
	[tilespmem:$0x14000] =	vst v63  }
0x1be: {  	_ =	swait.ge [sflag:s11], $0x5000  }
0x1bf: {  	[sflag:s11] =	ssyncset.done $0x0  }
0x1c0: {  	[sflag:s11] =	ssyncadd.s32 $0xFFFFB000  }
0x1c1: {  	[tilespmem:s9], [sflag:$0x1] =	stream.indirect.gather [hbm4b:s3+s7], $0x20, s18, s7, $0xb8;
	[tilespmem:$0x14000] =	vst v63  }
0x1c2: {  	_ =	swait.ge [sflag:s12], $0x5000  }
0x1c3: {  	[sflag:s12] =	ssyncset.done $0x0  }
0x1c4: {  	[sflag:s12] =	ssyncadd.s32 $0xFFFFB000  }
0x1c5: {  	[spmem:s2] =	stream.indirect.scatter.add.f32 [tilespmem:s8], [sflag:$0x4], $0x20, s17, s7, $0xb8;
	[tilespmem:$0x14000] =	vst v63  }
0x1c6: {  	_ =	swait.ge [sflag:s10], $0x5000  }
0x1c7: {  	[sflag:s10] =	ssyncset.done $0x0  }
0x1c8: {  	[sflag:s10] =	ssyncadd.s32 $0xFFFFB000  }
0x1c9: {  	[tilespmem:s8], [sflag:$0x2] =	stream.indirect.gather [hbm4b:s3+s7], $0x20, s16, s7, $0xb8;
	[tilespmem:$0x14000] =	vst v63  }
0x1ca: {  	_ =	swait.ge [sflag:s13], $0x5000  }
0x1cb: {  	[sflag:s13] =	ssyncset.done $0x0  }
0x1cc: {  	[sflag:s13] =	ssyncadd.s32 $0xFFFFB000  }
0x1cd: {  	[spmem:s2] =	stream.indirect.scatter.add.f32 [tilespmem:s9], [sflag:$0x3], $0x20, s15, s7, $0xb8;
	[tilespmem:$0x14000] =	vst v63  }
0x1ce: {  	_ =	swait.ge [sflag:s11], $0x5000  }
0x1cf: {  	[sflag:s11] =	ssyncset.done $0x0  }
0x1d0: {  	[sflag:s11] =	ssyncadd.s32 $0xFFFFB000  }
0x1d1: {  	_ =	swait.ge [sflag:s12], $0x5000  }
0x1d2: {  	[sflag:s12] =	ssyncset.done $0x0  }
0x1d3: {  	[sflag:s12] =	ssyncadd.s32 $0xFFFFB000  }
0x1d4: {  	[spmem:s2] =	stream.indirect.scatter.add.f32 [tilespmem:s8], [sflag:$0x4], $0x20, s14, s7, $0xb8;
	[tilespmem:$0x14000] =	vst v63  }
0x1d5: {  	_ =	swait.ge [sflag:s10], $0x5000  }
0x1d6: {  	[sflag:s10] =	ssyncset.done $0x0  }
0x1d7: {  	[sflag:s10] =	ssyncadd.s32 $0xFFFFB000  }
0x1d8: {  	[bflag:$0x0] =	sbarrier.arrive $0xFFFF  }
0x1d9: {  	s30 =	rddreg [dreg:$0x6]  }
0x1da: {  	[hbm:s30], [sflag:s4] =	dma.local [spmem:s5], $0xA00  }
0x1db: {  	_ =	swait.ge [sflag:s6], $0xA00  }
0x1dc: {  	[sflag:s6] =	ssyncset.done $0x0  }
0x1dd: {  	[sflag:s6] =	ssyncadd.s32 $0xFFFFF600  }
0x1de: {  	_ =	sfence.sel $0x180000  }
0x1df: {  	[bflag:$0x0] =	sbarrier.arrive $0xFFFF  }
0x1e0: {  	_ =	strace $0x90000050  }
0x1e1: {  	s31 =	stileid.u32;
	[bflag:$0x2] =	sbarrier.arrive $0xFFFF  }
0x1e2: {  	p0 =	sne.s32 s31, $0x0;
	s0 =	rddreg [dreg:$0x2]  }
0x1e3: {  	s0 =	sadd.s32 @!p0 $0x100000, s0  }
0x1e4: {  	[sflag:s0] =	ssyncadd.tile.s32 @!p0 $0x1;
	_ =	shalt  }
.Lfunc_end2:
_tile_overlayer_lowered:
.L_overlay_start_2:
0x1e5: {  	(tag) =	ssettag $0x2  }
0x1e6: {  	s0 =	rddreg [dreg:$0x0];
	s2 =	stileid.u32  }
0x1e7: {  	s1 =	rddreg [dreg:$0x1];
	p0 =	sne.s32 s2, $0x0  }
0x1e8: {  	s3 =	rddreg [dreg:$0x2];
	[bflag:$0x3] =	sbarrier.arrive $0xFFFF;
	s2 =	simm.s32 @!p0 $0x1C05  }
0x1e9: {  	[timem:s3], [sflag:s2] =	dma.local @!p0 [hbm:s0], s1  }
0x1ea: {  	s0 =	simm.s32 @!p0 $0x5  }
0x1eb: {  	_ =	swait.ge @!p0 [sflag:s0], s1  }
0x1ec: {  	s1 =	ssub.s32 @!p0 $0x0, s1;
	[sflag:s0] =	ssyncset.done @!p0 $0x0  }
0x1ed: {  	[sflag:s0] =	ssyncadd.s32 @!p0 s1  }
0x1ee: {  	[bflag:$0x3] =	sbarrier.arrive $0xFFFF  }
0x1ef: {  	_ =	shalt  }

// kernel: kernel.30.cloned.1.call-start
scs
__scs_entry_jumppad:
0x0: {  	(pc) =	sbr.rel $0x88, $3  }
0x1: {  	(tag) =	ssettag $0x0;
	lr =	simm.s32 $0x1  }
0x2: {  	[smem:$0x3F91] =	sst lr;
	_ =	strace $0xD0000000  }
0x3: {  	_ = 	snop  }
0x4: {  	_ = 	snop  }
0x5: {  	_ = 	snop  }
0x6: {  	_ = 	snop  }
0x7: {  	_ = 	snop  }
__scs_overlays_trampoline_lowered:
0x8: {  	[smem:$0x3FA0] =	sst s0  }
0x9: {  	[smem:$0x3FA1] =	sst s1  }
0xa: {  	[smem:$0x3FA2] =	sst s2  }
0xb: {  	[smem:$0x3FA3] =	sst s3  }
0xc: {  	[smem:$0x3FA4] =	sst s4  }
0xd: {  	[smem:$0x3FA5] =	sst s5  }
0xe: {  	[smem:$0x3FA6] =	sst s6  }
0xf: {  	[smem:$0x3FA7] =	sst s7  }
0x10: {  	[smem:$0x3FA8] =	sst s8  }
0x11: {  	[smem:$0x3FA9] =	sst s9;
	s0 =	simm.s32 @!p0 $0x0  }
0x12: {  	s1 =	sld [smem:$0x3F8F];
	s0 =	simm.s32 @p0 $0x1  }
0x13: {  	[smem:$0x3FAA] =	sst s0;
	s0 =	simm.s32 @!p1 $0x0  }
0x14: {  	s2 =	sld [smem:$0x3F8E];
	s0 =	simm.s32 @p1 $0x1  }
0x15: {  	[smem:$0x3FAB] =	sst s0;
	s0 =	simm.s32 @!p2 $0x0  }
0x16: {  	s3 =	sld [smem:$0x3FDB];
	s0 =	simm.s32 @p2 $0x1  }
0x17: {  	s4 =	simm.s32 $0x1BF5;
	[smem:$0x3FAD] =	sst s0  }
0x18: {  	s0 =	sld [smem:$0x3F90];
	_ =	swait.ge [sflag:s4], $0x0  }
0x19: {  	s7 =	sld [smem:$0x3F91]  }
0x1a: {  	s8 =	sadd.s32 $0xFFFFE003, lr  }
0x1b: {  	s9 =	sadd.s32 $0xFFFFFEF7, lr;
	s5 =	simm.s32 $0xFFFFFFFF;
	p2 =	slt.u32 s8, $0xFFFFF086  }
0x1c: {  	p1 =	slt.u32 s9, $0xF7A;
	s5 =	simm.s32 @!p2 $0x0  }
0x1d: {  	s5 =	simm.s32 @p1 $0x1;
	p0 =	seq.s32 s7, s2  }
0x1e: {  	s7 =	smul.u32 @!p0 $0xF7A, s2;
	p2 =	seq.s32 @!p0 s5, $0x0  }
0x1f: {  	s9 =	smul.u32 $0xF7A, s1;
	s8 =	simm.s32 @!p0 $0x1BF5;
	p2 =	por !p2, p0  }
0x20: {  	[sflag:s8] =	ssyncset.s32 @!p0 $0xFFFFF086;
	s6 =	sadd.s32 @!p0 s3, s7;
	s7 =	simm.s32 @!p0 $0x108  }
0x21: {  	s3 =	sadd.s32 s3, s9;
	s6 =	sadd.s32 @!p0 $0x88, s6;
	s7 =	simm.s32 @p2 $0x1082  }
0x22: {  	[simem:s7], [sflag:s8] =	dma.local @!p0 [hbm:s6], $0xF7A  }
0x23: {  	s9 =	sor.u32 $0xD0000000, s2;
	s6 =	simm.s32 $0x108;
	_ =	swait.ge @!p0 [sflag:s8], $0x0  }
0x24: {  	s3 =	sadd.s32 $0x88, s3;
	s6 =	simm.s32 @!p1 $0x1082;
	[sflag:s4] =	ssyncset.s32 $0xFFFFF086  }
0x25: {  	[simem:s6], [sflag:s4] =	dma.local [hbm:s3], $0xF7A  }
0x26: {  	[smem:$0x3F91] =	sst s1;
	(tag) =	ssettag s2;
	_ =	strace s9  }
0x27: {  	s1 =	sld [smem:$0x3FA1]  }
0x28: {  	s2 =	sld [smem:$0x3FA2]  }
0x29: {  	s4 =	sld [smem:$0x3FA4]  }
0x2a: {  	p0 =	seq.s32 s5, $0x0;
	s5 =	sld [smem:$0x3FA5]  }
0x2b: {  	s6 =	sld [smem:$0x3FA6]  }
0x2c: {  	s7 =	sld [smem:$0x3FA7]  }
0x2d: {  	s3 =	simm.s32 $0x108;
	s8 =	sld [smem:$0x3FA8]  }
0x2e: {  	s3 =	simm.s32 @!p0 $0x1082;
	s9 =	sld [smem:$0x3FA9]  }
0x2f: {  	lr =	sadd.s32 s0, s3;
	s0 =	sld [smem:$0x3FA0]  }
0x30: {  	s3 =	sld [smem:$0x3FA3]  }
0x31: {  	[smem:$0x3FAC] =	sst s10  }
0x32: {  	s10 =	sld [smem:$0x3FAA];
	_ =	sdelay $0x3  }
0x33: {  	p0 =	seq.s32 s10, $0x1;
	s10 =	sld [smem:$0x3FAC];
	_ =	sdelay $0x3  }
0x34: {  	[smem:$0x3FAC] =	sst s10  }
0x35: {  	s10 =	sld [smem:$0x3FAB];
	_ =	sdelay $0x3  }
0x36: {  	p1 =	seq.s32 s10, $0x1;
	s10 =	sld [smem:$0x3FAC];
	_ =	sdelay $0x3  }
0x37: {  	[smem:$0x3FAC] =	sst s10  }
0x38: {  	s10 =	sld [smem:$0x3FAD]  }
0x39: {  	_ = 	snop;
	(pc) =	sbr.ind lr, $3  }
0x3a: {  	_ = 	snop  }
0x3b: {  	_ = 	snop  }
0x3c: {  	p2 =	seq.s32 s10, $0x1;
	s10 =	sld [smem:$0x3FAC]  }
0x3d: {  	_ =	shalt  }
0x3e: {  	_ =	shalt  }
0x3f: {  	_ =	shalt  }
0x40: {  	_ =	shalt  }
0x41: {  	_ =	shalt  }
0x42: {  	_ =	shalt  }
0x43: {  	_ =	shalt  }
0x44: {  	_ =	shalt  }
0x45: {  	_ =	shalt  }
0x46: {  	_ =	shalt  }
0x47: {  	_ =	shalt  }
0x48: {  	_ =	shalt  }
0x49: {  	_ =	shalt  }
0x4a: {  	_ =	shalt  }
0x4b: {  	_ =	shalt  }
0x4c: {  	_ =	shalt  }
0x4d: {  	_ =	shalt  }
0x4e: {  	_ =	shalt  }
0x4f: {  	_ =	shalt  }
0x50: {  	_ =	shalt  }
0x51: {  	_ =	shalt  }
0x52: {  	_ =	shalt  }
0x53: {  	_ =	shalt  }
0x54: {  	_ =	shalt  }
0x55: {  	_ =	shalt  }
0x56: {  	_ =	shalt  }
0x57: {  	_ =	shalt  }
0x58: {  	_ =	shalt  }
0x59: {  	_ =	shalt  }
0x5a: {  	_ =	shalt  }
0x5b: {  	_ =	shalt  }
0x5c: {  	_ =	shalt  }
0x5d: {  	_ =	shalt  }
0x5e: {  	_ =	shalt  }
0x5f: {  	_ =	shalt  }
0x60: {  	_ =	shalt  }
0x61: {  	_ =	shalt  }
0x62: {  	_ =	shalt  }
0x63: {  	_ =	shalt  }
0x64: {  	_ =	shalt  }
0x65: {  	_ =	shalt  }
0x66: {  	_ =	shalt  }
0x67: {  	_ =	shalt  }
0x68: {  	_ =	shalt  }
0x69: {  	_ =	shalt  }
0x6a: {  	_ =	shalt  }
0x6b: {  	_ =	shalt  }
0x6c: {  	_ =	shalt  }
0x6d: {  	_ =	shalt  }
0x6e: {  	_ =	shalt  }
0x6f: {  	_ =	shalt  }
0x70: {  	_ =	shalt  }
0x71: {  	_ =	shalt  }
0x72: {  	_ =	shalt  }
0x73: {  	_ =	shalt  }
0x74: {  	_ =	shalt  }
0x75: {  	_ =	shalt  }
0x76: {  	_ =	shalt  }
0x77: {  	_ =	shalt  }
0x78: {  	_ =	shalt  }
0x79: {  	_ =	shalt  }
0x7a: {  	_ =	shalt  }
0x7b: {  	_ =	shalt  }
0x7c: {  	_ =	shalt  }
0x7d: {  	_ =	shalt  }
0x7e: {  	_ =	shalt  }
0x7f: {  	_ =	shalt  }
0x80: {  	_ =	shalt  }
0x81: {  	_ =	shalt  }
0x82: {  	_ =	shalt  }
0x83: {  	_ =	shalt  }
0x84: {  	_ =	shalt  }
0x85: {  	_ =	shalt  }
0x86: {  	_ =	shalt  }
0x87: {  	_ =	shalt  }
.Lfunc_end0:
.L_simem_size_0:
called_computation.4_lowered:
.L_overlay_start_0:
0x88: {  	s2 =	sld [smem:$0x3FD9]  }
0x89: {  	s3 =	sld [smem:$0x3FFE];
	_ =	sdelay $0x1  }
0x8a: {  	s1 =	srdreg.scid  }
0x8b: {  	s0 =	sand.u32 $0x1, s1  }
0x8c: {  	s16 =	sshll.u32 s0, $0xA;
	s2 =	sadd.s32 s3, s2  }
0x8d: {  	s2 =	sadd.s32 s2, s16  }
0x8e: {  	[smem:$0x3FB8] =	sst s2  }
0x8f: {  	_ = 	snop  }
0x90: {  	(tm) =	ssettm $0x1  }
0x91: {  	s17 =	sld [smem:$0x3FFB];
	_ =	sdelay $0x3  }
0x92: {  	_ =	strace s17  }
0x93: {  	s2 =	sld [smem:$0x3FFC];
	_ =	sdelay $0x3  }
0x94: {  	_ =	strace s2  }
0x95: {  	s2 =	sld [smem:$0x3FFD];
	_ =	sdelay $0x3  }
0x96: {  	_ =	strace s2  }
0x97: {  	_ =	strace $0x8FFFFFFF  }
0x98: {  	s18 =	sld [smem:$0x3FDB];
	_ =	sdelay $0x1  }
0x99: {  	s19 =	simm.s32 $_scs_section_size  }
0x9a: {  	s4 =	simm.s32 $_size__tile_overlayer_lowered;
	s5 =	simm.s32 $_tile_overlayer_lowered  }
0x9b: {  	s22 =	simm.s32 $0x1BFF;
	s21 =	sshll.u32 s5, $0x1;
	s2 =	sadd.s32 s19, s18  }
0x9c: {  	s6 =	simm.s32 $0x0;
	s20 =	sshll.u32 s4, $0x1;
	s4 =	sadd.s32 s21, s2  }
0x9d: {  	[timem:s6], [sflag:s22] =	dma.local [hbm:s4], s20  }
0x9e: {  	_ =	swait.ge [sflag:s22], s20  }
0x9f: {  	s3 =	ssub.s32 $0x0, s20;
	[sflag:s22] =	ssyncset.done $0x0  }
0xa0: {  	[sflag:s22] =	ssyncadd.s32 s3;
	_ =	sdelay $0x1  }
0xa1: {  	s23 =	simm.s32 $0x1B8B  }
0xa2: {  	_ =	swait.ge [sflag:s23], $0x1  }
0xa3: {  	[sflag:s23] =	ssyncset.done $0x0  }
0xa4: {  	s25 =	simm.s32 $0x1B8E;
	s24 =	sld [smem:$0x3FFE];
	[sflag:s23] =	ssyncadd.s32 $0xFFFFFFFF  }
0xa5: {  	s26 =	simm.s32 $execute0_lowered;
	[smem:$0x3FD2] =	sst s25  }
0xa6: {  	s4 =	sshll.u32 s26, $0x1;
	_ =	strace $0x80000052;
	[dreg:$0x1] =	wrdreg $0xFFFFFFFF  }
0xa7: {  	s28 =	simm.s32 $_size_execute0_lowered;
	s2 =	sadd.s32 s2, s4;
	[dreg:$0x0] =	wrdreg $0x0  }
0xa8: {  	s4 =	sshll.u32 s28, $0x1;
	[dreg:$0x2] =	wrdreg s2  }
0xa9: {  	[dreg:$0x3] =	wrdreg s4  }
0xaa: {  	[dreg:$0x4] =	wrdreg $0xC0  }
0xab: {  	_ =	task [dreg:s6], $0x5FFFF  }
0xac: {  	[dreg:$0x1] =	wrdreg $0xFFFFFFFF  }
0xad: {  	[dreg:$0x0] =	wrdreg $0x60  }
0xae: {  	[dreg:$0x2] =	wrdreg s24  }
0xaf: {  	[dreg:$0x3] =	wrdreg $0x0  }
0xb0: {  	[dreg:$0x4] =	wrdreg $0x9  }
0xb1: {  	_ =	task.clear_ibuf [dreg:s6], $0x5FFFF;
	_ =	strace $0x90000052  }
0xb2: {  	s29 =	simm.s32 $0x9;
	_ =	strace $0x80000054  }
0xb3: {  	_ =	swait.ge [sflag:s29], $0x1  }
0xb4: {  	[sflag:s29] =	ssyncadd.s32 $0xFFFFFFFF  }
0xb5: {  	_ =	strace $0x90000054  }
0xb6: {  	_ =	sfence  }
0xb7: {  	s30 =	sld [smem:$0x0];
	_ =	sdelay $0x2  }
0xb8: {  	s31 =	sshll.u32 s1, $0xD;
	s1 =	sshrl.u32 s1, $0x2  }
0xb9: {  	s3 =	sand.u32 $0x4000, s31;
	s1 =	sadd.s32 s1, s30  }
0xba: {  	s0 =	sor.u32 s3, s0;
	s1 =	sshll.u32 s1, $0x11  }
0xbb: {  	s0 =	sor.u32 s1, s0  }
0xbc: {  	s0 =	sadd.s32 $0x8F2B, s0  }
0xbd: {  	[sflag:s0] =	ssyncadd.remote.s32 $0x1  }
0xbe: {  	_ =	sfence.sel $0xFFFF  }
0xbf: {  	[dreg:$0x0] =	wrdreg $0xFFFFFFFF;
	(pc) =	sbr.abs _section_cstart, $3  }
0xc0: {  	[dreg:$0x1] =	wrdreg $0xFFFFFFFF  }
0xc1: {  	_ =	task.clear_ibuf [dreg:s6], $0x2FFFF;
	_ =	strace $0x9FFFFFFF  }
0xc2: {  	(tm) =	ssettm $0x7FFFFFFF  }
0xc3: {  	_ =	shalt  }
tec
execute0_lowered:
.L_overlay_start_1:
0x0: {  	(tag) =	ssettag $0x1  }
0x1: {  	s1 =	rddreg [dreg:$0x0]  }
0x2: {  	s0 =	srdreg.scid;
	s2 =	rddreg [dreg:$0x1];
	s29 =	simm.s32 $0x0  }
0x3: {  	s7 =	stileid.u32;
	s8 =	simm.s32 $0x5280;
	[smem:$0x7FF] =	sst s29  }
0x4: {  	s10 =	simm.s32 $0x5500;
	_ =	strace $0x80000053;
	[dreg:$0x7] =	wrdreg s8  }
0x5: {  	s11 =	simm.s32 $0x7A80;
	s13 =	simm.s32 $0x5780;
	[dreg:$0x8] =	wrdreg s10  }
0x6: {  	s15 =	simm.s32 $0x7D00;
	s16 =	simm.s32 $0x5A00;
	[dreg:$0x9] =	wrdreg s11  }
0x7: {  	s17 =	simm.s32 $0x7F80;
	s18 =	simm.s32 $0x5C80;
	[dreg:$0xa] =	wrdreg s13  }
0x8: {  	s19 =	simm.s32 $0x8200;
	s31 =	simm.s32 $0x5000;
	[dreg:$0xb] =	wrdreg s15  }
0x9: {  	s20 =	simm.s32 $0x5F00;
	s30 =	simm.s32 $0x7800;
	[dreg:$0xc] =	wrdreg s16  }
0xa: {  	s21 =	simm.s32 $0x8480;
	s22 =	simm.s32 $0x6180;
	[dreg:$0xd] =	wrdreg s17  }
0xb: {  	s23 =	simm.s32 $0x8700;
	s24 =	simm.s32 $0x6400;
	[dreg:$0xe] =	wrdreg s18  }
0xc: {  	s28 =	simm.s32 $0x8C00;
	p0 =	por $0x0, $0x0;
	[dreg:$0xf] =	wrdreg s19  }
0xd: {  	s0 =	sand.u32 $0x1, s0;
	s4 =	smul.u32 $0x5000, s7;
	[dreg:$0x10] =	wrdreg s20  }
0xe: {  	s14 =	sshll.u32 s7, $0x6;
	s3 =	sshll.u32 s0, $0x4;
	[dreg:$0x11] =	wrdreg s21  }
0xf: {  	s6 =	smul.u32 $0x50000, s0;
	s0 =	ssub.s32 $0x2, s0;
	[dreg:$0x12] =	wrdreg s22  }
0x10: {  	s8 =	simm.s32 $0xF000;
	[dreg:$0x13] =	wrdreg s23;
	s13 =	simm.s32 $0x1  }
0x11: {  	[dreg:$0x14] =	wrdreg s24;
	s11 =	simm.s32 $0x3;
	s10 =	simm.s32 $0x4  }
0x12: {  	s24 =	simm.s32 $0x6B80;
	s23 =	simm.s32 $0x9100;
	s22 =	simm.s32 $0x6E00  }
0x13: {  	s21 =	simm.s32 $0x9380;
	s19 =	simm.s32 $0x7080;
	s20 =	simm.s32 $0x9600  }
0x14: {  	s18 =	simm.s32 $0x7300;
	s17 =	simm.s32 $0x9880;
	s16 =	simm.s32 $0x7580  }
0x15: {  	s15 =	simm.s32 $0x9B00;
	s3 =	sor.u32 s7, s3;
	s5 =	sshrl.u32 s4, $0x3  }
0x16: {  	s9 =	sshrl.u32 s0, $0x1;
	s12 =	sadd.s32 s4, s2;
	s7 =	simm.s32 $0x280  }
0x17: {  	s3 =	smul.u32 $0x500, s3;
	s5 =	sadd.s32 s5, s1;
	s6 =	sadd.s32 s4, s6  }
0x18: {  	s0 =	ssub.s32 s0, s9;
	s4 =	sor.u32 $0x1C05, s14;
	s9 =	simm.s32 $0xA000  }
0x19: {  	s5 =	sadd.s32 $0x22800, s5;
	s6 =	sshrl.u32 s6, $0x3;
	s0 =	smax.u32 s0, $0x1  }
0x1a: {  	s3 =	sadd.s32 s3, s1;
	[dreg:$0x3] =	wrdreg s5;
	s6 =	sadd.s32 s6, s1  }
0x1b: {  	p1 =	sne.s32 s0, $0x1;
	s25 =	sadd.s32 $0x18800, s3;
	s26 =	sadd.s32 $0x4800, s3  }
0x1c: {  	s3 =	sadd.s32 $0xE800, s1;
	s1 =	sadd.s32 $0xFFFFFFFF, s0;
	s0 =	rddreg [dreg:$0x3]  }
.Ltmp0:
0x1d: {  	s14 =	simm.s32 $0x9D80;
	[dreg:$0x4] =	wrdreg s25;
	(pc) =	sbr.rel @!p1 .LBB2_3-.Ltmp0, $4  }
0x1e: {  	s5 =	sshrl.u32 s12, $0x3;
	s6 =	sadd.s32 $0x2C800, s6;
	[dreg:$0x5] =	wrdreg s26  }
0x1f: {  	s12 =	simm.s32 $0x2;
	[dreg:$0x6] =	wrdreg s6;
	s25 =	simm.s32 $0x8980  }
0x20: {  	s6 =	simm.s32 $0x5;
	s26 =	simm.s32 $0x6680;
	[dreg:$0x15] =	wrdreg s25  }
0x21: {  	[dreg:$0x16] =	wrdreg s26;
	s26 =	simm.s32 $0x6900;
	s25 =	simm.s32 $0x8E80  }
0x22: {  	[spmem:s5], [sflag:s4] =	dma.local [hbm:s0], $0xA00  }
0x23: {  	_ =	swait.ge [sflag:s6], $0xA00  }
0x24: {  	[sflag:s6] =	ssyncset.done $0x0  }
0x25: {  	s0 =	rddreg [dreg:$0x4];
	[sflag:s6] =	ssyncadd.s32 $0xFFFFF600  }
0x26: {  	[tilespmem:s31], [sflag:$0x5] =	stream.linear.gather [hbm4b:s0+s29], $0x2800, $0x38;
	[tilespmem:$0x14000] =	vst v63  }
0x27: {  	_ =	swait.ge [sflag:s6], $0x2800  }
0x28: {  	[sflag:s6] =	ssyncset.done $0x0  }
0x29: {  	s0 =	rddreg [dreg:$0x5];
	[sflag:s6] =	ssyncadd.s32 $0xFFFFD800  }
0x2a: {  	[tilespmem:s30], [sflag:$0x5] =	stream.linear.gather [hbm4b:s0+s29], $0x2800, $0x38;
	[tilespmem:$0x14000] =	vst v63  }
0x2b: {  	_ =	swait.ge [sflag:s6], $0x2800  }
0x2c: {  	[sflag:s6] =	ssyncset.done $0x0  }
0x2d: {  	[sflag:s6] =	ssyncadd.s32 $0xFFFFD800  }
0x2e: {  	[bflag:$0x0] =	sbarrier.arrive $0xFFFF  }
0x2f: {  	[tilespmem:s9], [sflag:$0x1] =	stream.indirect.gather [hbm4b:s3+s7], $0x20, s31, s7, $0xb8;
	[tilespmem:$0x14000] =	vst v63  }
0x30: {  	s0 =	rddreg [dreg:$0x7]  }
0x31: {  	[tilespmem:s8], [sflag:$0x2] =	stream.indirect.gather [hbm4b:s3+s7], $0x20, s0, s7, $0xb8;
	[tilespmem:$0x14000] =	vst v63  }
0x32: {  	_ =	swait.ge [sflag:s13], $0x5000  }
0x33: {  	[sflag:s13] =	ssyncset.done $0x0  }
0x34: {  	[sflag:s13] =	ssyncadd.s32 $0xFFFFB000  }
0x35: {  	[spmem:s2] =	stream.indirect.scatter.add.f32 [tilespmem:s9], [sflag:$0x3], $0x20, s30, s7, $0xb8;
	[tilespmem:$0x14000] =	vst v63  }
0x36: {  	_ =	swait.ge [sflag:s11], $0x5000  }
0x37: {  	[sflag:s11] =	ssyncset.done $0x0  }
0x38: {  	s0 =	rddreg [dreg:$0x8];
	[sflag:s11] =	ssyncadd.s32 $0xFFFFB000  }
0x39: {  	[tilespmem:s9], [sflag:$0x1] =	stream.indirect.gather [hbm4b:s3+s7], $0x20, s0, s7, $0xb8;
	[tilespmem:$0x14000] =	vst v63  }
0x3a: {  	_ =	swait.ge [sflag:s12], $0x5000  }
0x3b: {  	[sflag:s12] =	ssyncset.done $0x0  }
0x3c: {  	s0 =	rddreg [dreg:$0x9];
	[sflag:s12] =	ssyncadd.s32 $0xFFFFB000  }
0x3d: {  	[spmem:s2] =	stream.indirect.scatter.add.f32 [tilespmem:s8], [sflag:$0x4], $0x20, s0, s7, $0xb8;
	[tilespmem:$0x14000] =	vst v63  }
0x3e: {  	_ =	swait.ge [sflag:s10], $0x5000  }
0x3f: {  	[sflag:s10] =	ssyncset.done $0x0  }
0x40: {  	s0 =	rddreg [dreg:$0xa];
	[sflag:s10] =	ssyncadd.s32 $0xFFFFB000  }
0x41: {  	[tilespmem:s8], [sflag:$0x2] =	stream.indirect.gather [hbm4b:s3+s7], $0x20, s0, s7, $0xb8;
	[tilespmem:$0x14000] =	vst v63  }
0x42: {  	_ =	swait.ge [sflag:s13], $0x5000  }
0x43: {  	[sflag:s13] =	ssyncset.done $0x0  }
0x44: {  	s0 =	rddreg [dreg:$0xb];
	[sflag:s13] =	ssyncadd.s32 $0xFFFFB000  }
0x45: {  	[spmem:s2] =	stream.indirect.scatter.add.f32 [tilespmem:s9], [sflag:$0x3], $0x20, s0, s7, $0xb8;
	[tilespmem:$0x14000] =	vst v63  }
0x46: {  	_ =	swait.ge [sflag:s11], $0x5000  }
0x47: {  	[sflag:s11] =	ssyncset.done $0x0  }
0x48: {  	s0 =	rddreg [dreg:$0xc];
	[sflag:s11] =	ssyncadd.s32 $0xFFFFB000  }
0x49: {  	[tilespmem:s9], [sflag:$0x1] =	stream.indirect.gather [hbm4b:s3+s7], $0x20, s0, s7, $0xb8;
	[tilespmem:$0x14000] =	vst v63  }
0x4a: {  	_ =	swait.ge [sflag:s12], $0x5000  }
0x4b: {  	[sflag:s12] =	ssyncset.done $0x0  }
0x4c: {  	s0 =	rddreg [dreg:$0xd];
	[sflag:s12] =	ssyncadd.s32 $0xFFFFB000  }
0x4d: {  	[spmem:s2] =	stream.indirect.scatter.add.f32 [tilespmem:s8], [sflag:$0x4], $0x20, s0, s7, $0xb8;
	[tilespmem:$0x14000] =	vst v63  }
0x4e: {  	_ =	swait.ge [sflag:s10], $0x5000  }
0x4f: {  	[sflag:s10] =	ssyncset.done $0x0  }
0x50: {  	s0 =	rddreg [dreg:$0xe];
	[sflag:s10] =	ssyncadd.s32 $0xFFFFB000  }
0x51: {  	[tilespmem:s8], [sflag:$0x2] =	stream.indirect.gather [hbm4b:s3+s7], $0x20, s0, s7, $0xb8;
	[tilespmem:$0x14000] =	vst v63  }
0x52: {  	_ =	swait.ge [sflag:s13], $0x5000  }
0x53: {  	[sflag:s13] =	ssyncset.done $0x0  }
0x54: {  	s0 =	rddreg [dreg:$0xf];
	[sflag:s13] =	ssyncadd.s32 $0xFFFFB000  }
0x55: {  	[spmem:s2] =	stream.indirect.scatter.add.f32 [tilespmem:s9], [sflag:$0x3], $0x20, s0, s7, $0xb8;
	[tilespmem:$0x14000] =	vst v63  }
0x56: {  	_ =	swait.ge [sflag:s11], $0x5000  }
0x57: {  	[sflag:s11] =	ssyncset.done $0x0  }
0x58: {  	s0 =	rddreg [dreg:$0x10];
	[sflag:s11] =	ssyncadd.s32 $0xFFFFB000  }
0x59: {  	[tilespmem:s9], [sflag:$0x1] =	stream.indirect.gather [hbm4b:s3+s7], $0x20, s0, s7, $0xb8;
	[tilespmem:$0x14000] =	vst v63  }
0x5a: {  	_ =	swait.ge [sflag:s12], $0x5000  }
0x5b: {  	[sflag:s12] =	ssyncset.done $0x0  }
0x5c: {  	s0 =	rddreg [dreg:$0x11];
	[sflag:s12] =	ssyncadd.s32 $0xFFFFB000  }
0x5d: {  	[spmem:s2] =	stream.indirect.scatter.add.f32 [tilespmem:s8], [sflag:$0x4], $0x20, s0, s7, $0xb8;
	[tilespmem:$0x14000] =	vst v63  }
0x5e: {  	_ =	swait.ge [sflag:s10], $0x5000  }
0x5f: {  	[sflag:s10] =	ssyncset.done $0x0  }
0x60: {  	s0 =	rddreg [dreg:$0x12];
	[sflag:s10] =	ssyncadd.s32 $0xFFFFB000  }
0x61: {  	[tilespmem:s8], [sflag:$0x2] =	stream.indirect.gather [hbm4b:s3+s7], $0x20, s0, s7, $0xb8;
	[tilespmem:$0x14000] =	vst v63  }
0x62: {  	_ =	swait.ge [sflag:s13], $0x5000  }
0x63: {  	[sflag:s13] =	ssyncset.done $0x0  }
0x64: {  	s0 =	rddreg [dreg:$0x13];
	[sflag:s13] =	ssyncadd.s32 $0xFFFFB000  }
0x65: {  	[spmem:s2] =	stream.indirect.scatter.add.f32 [tilespmem:s9], [sflag:$0x3], $0x20, s0, s7, $0xb8;
	[tilespmem:$0x14000] =	vst v63  }
0x66: {  	_ =	swait.ge [sflag:s11], $0x5000  }
0x67: {  	[sflag:s11] =	ssyncset.done $0x0  }
0x68: {  	s0 =	rddreg [dreg:$0x14];
	[sflag:s11] =	ssyncadd.s32 $0xFFFFB000  }
0x69: {  	[tilespmem:s9], [sflag:$0x1] =	stream.indirect.gather [hbm4b:s3+s7], $0x20, s0, s7, $0xb8;
	[tilespmem:$0x14000] =	vst v63  }
0x6a: {  	_ =	swait.ge [sflag:s12], $0x5000  }
0x6b: {  	[sflag:s12] =	ssyncset.done $0x0  }
0x6c: {  	s0 =	rddreg [dreg:$0x15];
	[sflag:s12] =	ssyncadd.s32 $0xFFFFB000  }
0x6d: {  	[spmem:s2] =	stream.indirect.scatter.add.f32 [tilespmem:s8], [sflag:$0x4], $0x20, s0, s7, $0xb8;
	[tilespmem:$0x14000] =	vst v63  }
0x6e: {  	_ =	swait.ge [sflag:s10], $0x5000  }
0x6f: {  	[sflag:s10] =	ssyncset.done $0x0  }
0x70: {  	s0 =	rddreg [dreg:$0x16];
	[sflag:s10] =	ssyncadd.s32 $0xFFFFB000  }
0x71: {  	[tilespmem:s8], [sflag:$0x2] =	stream.indirect.gather [hbm4b:s3+s7], $0x20, s0, s7, $0xb8;
	[tilespmem:$0x14000] =	vst v63  }
0x72: {  	_ =	swait.ge [sflag:s13], $0x5000  }
0x73: {  	[sflag:s13] =	ssyncset.done $0x0  }
0x74: {  	[sflag:s13] =	ssyncadd.s32 $0xFFFFB000  }
0x75: {  	[spmem:s2] =	stream.indirect.scatter.add.f32 [tilespmem:s9], [sflag:$0x3], $0x20, s28, s7, $0xb8;
	[tilespmem:$0x14000] =	vst v63  }
0x76: {  	_ =	swait.ge [sflag:s11], $0x5000  }
0x77: {  	[sflag:s11] =	ssyncset.done $0x0  }
0x78: {  	[sflag:s11] =	ssyncadd.s32 $0xFFFFB000  }
0x79: {  	[tilespmem:s9], [sflag:$0x1] =	stream.indirect.gather [hbm4b:s3+s7], $0x20, s26, s7, $0xb8;
	[tilespmem:$0x14000] =	vst v63  }
0x7a: {  	_ =	swait.ge [sflag:s12], $0x5000  }
0x7b: {  	[sflag:s12] =	ssyncset.done $0x0  }
0x7c: {  	[sflag:s12] =	ssyncadd.s32 $0xFFFFB000  }
0x7d: {  	[spmem:s2] =	stream.indirect.scatter.add.f32 [tilespmem:s8], [sflag:$0x4], $0x20, s25, s7, $0xb8;
	[tilespmem:$0x14000] =	vst v63  }
0x7e: {  	_ =	swait.ge [sflag:s10], $0x5000  }
0x7f: {  	[sflag:s10] =	ssyncset.done $0x0  }
0x80: {  	[sflag:s10] =	ssyncadd.s32 $0xFFFFB000  }
0x81: {  	[tilespmem:s8], [sflag:$0x2] =	stream.indirect.gather [hbm4b:s3+s7], $0x20, s24, s7, $0xb8;
	[tilespmem:$0x14000] =	vst v63  }
0x82: {  	_ =	swait.ge [sflag:s13], $0x5000  }
0x83: {  	[sflag:s13] =	ssyncset.done $0x0  }
0x84: {  	[sflag:s13] =	ssyncadd.s32 $0xFFFFB000  }
0x85: {  	[spmem:s2] =	stream.indirect.scatter.add.f32 [tilespmem:s9], [sflag:$0x3], $0x20, s23, s7, $0xb8;
	[tilespmem:$0x14000] =	vst v63  }
0x86: {  	_ =	swait.ge [sflag:s11], $0x5000  }
0x87: {  	[sflag:s11] =	ssyncset.done $0x0  }
0x88: {  	[sflag:s11] =	ssyncadd.s32 $0xFFFFB000  }
0x89: {  	[tilespmem:s9], [sflag:$0x1] =	stream.indirect.gather [hbm4b:s3+s7], $0x20, s22, s7, $0xb8;
	[tilespmem:$0x14000] =	vst v63  }
0x8a: {  	_ =	swait.ge [sflag:s12], $0x5000  }
0x8b: {  	[sflag:s12] =	ssyncset.done $0x0  }
0x8c: {  	[sflag:s12] =	ssyncadd.s32 $0xFFFFB000  }
0x8d: {  	[spmem:s2] =	stream.indirect.scatter.add.f32 [tilespmem:s8], [sflag:$0x4], $0x20, s21, s7, $0xb8;
	[tilespmem:$0x14000] =	vst v63  }
0x8e: {  	_ =	swait.ge [sflag:s10], $0x5000  }
0x8f: {  	[sflag:s10] =	ssyncset.done $0x0  }
0x90: {  	[sflag:s10] =	ssyncadd.s32 $0xFFFFB000  }
0x91: {  	[tilespmem:s8], [sflag:$0x2] =	stream.indirect.gather [hbm4b:s3+s7], $0x20, s19, s7, $0xb8;
	[tilespmem:$0x14000] =	vst v63  }
0x92: {  	_ =	swait.ge [sflag:s13], $0x5000  }
0x93: {  	[sflag:s13] =	ssyncset.done $0x0  }
0x94: {  	[sflag:s13] =	ssyncadd.s32 $0xFFFFB000  }
0x95: {  	[spmem:s2] =	stream.indirect.scatter.add.f32 [tilespmem:s9], [sflag:$0x3], $0x20, s20, s7, $0xb8;
	[tilespmem:$0x14000] =	vst v63  }
0x96: {  	_ =	swait.ge [sflag:s11], $0x5000  }
0x97: {  	[sflag:s11] =	ssyncset.done $0x0  }
0x98: {  	[sflag:s11] =	ssyncadd.s32 $0xFFFFB000  }
0x99: {  	[tilespmem:s9], [sflag:$0x1] =	stream.indirect.gather [hbm4b:s3+s7], $0x20, s18, s7, $0xb8;
	[tilespmem:$0x14000] =	vst v63  }
0x9a: {  	_ =	swait.ge [sflag:s12], $0x5000  }
0x9b: {  	[sflag:s12] =	ssyncset.done $0x0  }
0x9c: {  	[sflag:s12] =	ssyncadd.s32 $0xFFFFB000  }
0x9d: {  	[spmem:s2] =	stream.indirect.scatter.add.f32 [tilespmem:s8], [sflag:$0x4], $0x20, s17, s7, $0xb8;
	[tilespmem:$0x14000] =	vst v63  }
0x9e: {  	_ =	swait.ge [sflag:s10], $0x5000  }
0x9f: {  	[sflag:s10] =	ssyncset.done $0x0  }
0xa0: {  	[sflag:s10] =	ssyncadd.s32 $0xFFFFB000  }
0xa1: {  	[tilespmem:s8], [sflag:$0x2] =	stream.indirect.gather [hbm4b:s3+s7], $0x20, s16, s7, $0xb8;
	[tilespmem:$0x14000] =	vst v63  }
0xa2: {  	_ =	swait.ge [sflag:s13], $0x5000  }
0xa3: {  	[sflag:s13] =	ssyncset.done $0x0  }
0xa4: {  	[sflag:s13] =	ssyncadd.s32 $0xFFFFB000  }
0xa5: {  	[spmem:s2] =	stream.indirect.scatter.add.f32 [tilespmem:s9], [sflag:$0x3], $0x20, s15, s7, $0xb8;
	[tilespmem:$0x14000] =	vst v63  }
0xa6: {  	_ =	swait.ge [sflag:s11], $0x5000  }
0xa7: {  	[sflag:s11] =	ssyncset.done $0x0  }
0xa8: {  	[sflag:s11] =	ssyncadd.s32 $0xFFFFB000  }
0xa9: {  	_ =	swait.ge [sflag:s12], $0x5000  }
0xaa: {  	[sflag:s12] =	ssyncset.done $0x0  }
0xab: {  	[sflag:s12] =	ssyncadd.s32 $0xFFFFB000  }
0xac: {  	[spmem:s2] =	stream.indirect.scatter.add.f32 [tilespmem:s8], [sflag:$0x4], $0x20, s14, s7, $0xb8;
	[tilespmem:$0x14000] =	vst v63  }
0xad: {  	_ =	swait.ge [sflag:s10], $0x5000  }
0xae: {  	[sflag:s10] =	ssyncset.done $0x0  }
0xaf: {  	p1 =	sne.s32 s1, $0x1;
	[sflag:s10] =	ssyncadd.s32 $0xFFFFB000  }
.Ltmp1:
0xb0: {  	[bflag:$0x0] =	sbarrier.arrive $0xFFFF;
	(pc) =	sbr.rel @!p1 .LBB2_3-.Ltmp1, $4  }
0xb1: {  	s0 =	rddreg [dreg:$0x6]  }
0xb2: {  	[hbm:s0], [sflag:s4] =	dma.local [spmem:s5], $0xA00  }
0xb3: {  	s1 =	sadd.s32 $0xFFFFFFFF, s1;
	_ =	swait.ge [sflag:s6], $0xA00  }
0xb4: {  	p0 =	por $0x1, $0x1;
	s0 =	rddreg [dreg:$0x3];
	[sflag:s6] =	ssyncset.done $0x0  }
.LBB2_2:
0xb5: {  	[sflag:s6] =	ssyncadd.s32 $0xFFFFF600  }
0xb6: {  	[spmem:s5], [sflag:s4] =	dma.local [hbm:s0], $0xA00  }
0xb7: {  	_ =	swait.ge [sflag:s6], $0xA00  }
0xb8: {  	[sflag:s6] =	ssyncset.done $0x0  }
0xb9: {  	s0 =	rddreg [dreg:$0x4];
	[sflag:s6] =	ssyncadd.s32 $0xFFFFF600  }
0xba: {  	[tilespmem:s31], [sflag:$0x5] =	stream.linear.gather [hbm4b:s0+s29], $0x2800, $0x38;
	[tilespmem:$0x14000] =	vst v63  }
0xbb: {  	_ =	swait.ge [sflag:s6], $0x2800  }
0xbc: {  	[sflag:s6] =	ssyncset.done $0x0  }
0xbd: {  	s0 =	rddreg [dreg:$0x5];
	[sflag:s6] =	ssyncadd.s32 $0xFFFFD800  }
0xbe: {  	[tilespmem:s30], [sflag:$0x5] =	stream.linear.gather [hbm4b:s0+s29], $0x2800, $0x38;
	[tilespmem:$0x14000] =	vst v63  }
0xbf: {  	_ =	swait.ge [sflag:s6], $0x2800  }
0xc0: {  	[sflag:s6] =	ssyncset.done $0x0  }
0xc1: {  	[sflag:s6] =	ssyncadd.s32 $0xFFFFD800  }
0xc2: {  	[bflag:$0x0] =	sbarrier.arrive $0xFFFF  }
0xc3: {  	[tilespmem:s9], [sflag:$0x1] =	stream.indirect.gather [hbm4b:s3+s7], $0x20, s31, s7, $0xb8;
	[tilespmem:$0x14000] =	vst v63  }
0xc4: {  	s0 =	rddreg [dreg:$0x7]  }
0xc5: {  	[tilespmem:s8], [sflag:$0x2] =	stream.indirect.gather [hbm4b:s3+s7], $0x20, s0, s7, $0xb8;
	[tilespmem:$0x14000] =	vst v63  }
0xc6: {  	_ =	swait.ge [sflag:s13], $0x5000  }
0xc7: {  	[sflag:s13] =	ssyncset.done $0x0  }
0xc8: {  	[sflag:s13] =	ssyncadd.s32 $0xFFFFB000  }
0xc9: {  	[spmem:s2] =	stream.indirect.scatter.add.f32 [tilespmem:s9], [sflag:$0x3], $0x20, s30, s7, $0xb8;
	[tilespmem:$0x14000] =	vst v63  }
0xca: {  	_ =	swait.ge [sflag:s11], $0x5000  }
0xcb: {  	[sflag:s11] =	ssyncset.done $0x0  }
0xcc: {  	s0 =	rddreg [dreg:$0x8];
	[sflag:s11] =	ssyncadd.s32 $0xFFFFB000  }
0xcd: {  	[tilespmem:s9], [sflag:$0x1] =	stream.indirect.gather [hbm4b:s3+s7], $0x20, s0, s7, $0xb8;
	[tilespmem:$0x14000] =	vst v63  }
0xce: {  	_ =	swait.ge [sflag:s12], $0x5000  }
0xcf: {  	[sflag:s12] =	ssyncset.done $0x0  }
0xd0: {  	s0 =	rddreg [dreg:$0x9];
	[sflag:s12] =	ssyncadd.s32 $0xFFFFB000  }
0xd1: {  	[spmem:s2] =	stream.indirect.scatter.add.f32 [tilespmem:s8], [sflag:$0x4], $0x20, s0, s7, $0xb8;
	[tilespmem:$0x14000] =	vst v63  }
0xd2: {  	_ =	swait.ge [sflag:s10], $0x5000  }
0xd3: {  	[sflag:s10] =	ssyncset.done $0x0  }
0xd4: {  	s0 =	rddreg [dreg:$0xa];
	[sflag:s10] =	ssyncadd.s32 $0xFFFFB000  }
0xd5: {  	[tilespmem:s8], [sflag:$0x2] =	stream.indirect.gather [hbm4b:s3+s7], $0x20, s0, s7, $0xb8;
	[tilespmem:$0x14000] =	vst v63  }
0xd6: {  	_ =	swait.ge [sflag:s13], $0x5000  }
0xd7: {  	[sflag:s13] =	ssyncset.done $0x0  }
0xd8: {  	s0 =	rddreg [dreg:$0xb];
	[sflag:s13] =	ssyncadd.s32 $0xFFFFB000  }
0xd9: {  	[spmem:s2] =	stream.indirect.scatter.add.f32 [tilespmem:s9], [sflag:$0x3], $0x20, s0, s7, $0xb8;
	[tilespmem:$0x14000] =	vst v63  }
0xda: {  	_ =	swait.ge [sflag:s11], $0x5000  }
0xdb: {  	[sflag:s11] =	ssyncset.done $0x0  }
0xdc: {  	s0 =	rddreg [dreg:$0xc];
	[sflag:s11] =	ssyncadd.s32 $0xFFFFB000  }
0xdd: {  	[tilespmem:s9], [sflag:$0x1] =	stream.indirect.gather [hbm4b:s3+s7], $0x20, s0, s7, $0xb8;
	[tilespmem:$0x14000] =	vst v63  }
0xde: {  	_ =	swait.ge [sflag:s12], $0x5000  }
0xdf: {  	[sflag:s12] =	ssyncset.done $0x0  }
0xe0: {  	s0 =	rddreg [dreg:$0xd];
	[sflag:s12] =	ssyncadd.s32 $0xFFFFB000  }
0xe1: {  	[spmem:s2] =	stream.indirect.scatter.add.f32 [tilespmem:s8], [sflag:$0x4], $0x20, s0, s7, $0xb8;
	[tilespmem:$0x14000] =	vst v63  }
0xe2: {  	_ =	swait.ge [sflag:s10], $0x5000  }
0xe3: {  	[sflag:s10] =	ssyncset.done $0x0  }
0xe4: {  	s0 =	rddreg [dreg:$0xe];
	[sflag:s10] =	ssyncadd.s32 $0xFFFFB000  }
0xe5: {  	[tilespmem:s8], [sflag:$0x2] =	stream.indirect.gather [hbm4b:s3+s7], $0x20, s0, s7, $0xb8;
	[tilespmem:$0x14000] =	vst v63  }
0xe6: {  	_ =	swait.ge [sflag:s13], $0x5000  }
0xe7: {  	[sflag:s13] =	ssyncset.done $0x0  }
0xe8: {  	s0 =	rddreg [dreg:$0xf];
	[sflag:s13] =	ssyncadd.s32 $0xFFFFB000  }
0xe9: {  	[spmem:s2] =	stream.indirect.scatter.add.f32 [tilespmem:s9], [sflag:$0x3], $0x20, s0, s7, $0xb8;
	[tilespmem:$0x14000] =	vst v63  }
0xea: {  	_ =	swait.ge [sflag:s11], $0x5000  }
0xeb: {  	[sflag:s11] =	ssyncset.done $0x0  }
0xec: {  	s0 =	rddreg [dreg:$0x10];
	[sflag:s11] =	ssyncadd.s32 $0xFFFFB000  }
0xed: {  	[tilespmem:s9], [sflag:$0x1] =	stream.indirect.gather [hbm4b:s3+s7], $0x20, s0, s7, $0xb8;
	[tilespmem:$0x14000] =	vst v63  }
0xee: {  	_ =	swait.ge [sflag:s12], $0x5000  }
0xef: {  	[sflag:s12] =	ssyncset.done $0x0  }
0xf0: {  	s0 =	rddreg [dreg:$0x11];
	[sflag:s12] =	ssyncadd.s32 $0xFFFFB000  }
0xf1: {  	[spmem:s2] =	stream.indirect.scatter.add.f32 [tilespmem:s8], [sflag:$0x4], $0x20, s0, s7, $0xb8;
	[tilespmem:$0x14000] =	vst v63  }
0xf2: {  	_ =	swait.ge [sflag:s10], $0x5000  }
0xf3: {  	[sflag:s10] =	ssyncset.done $0x0  }
0xf4: {  	s0 =	rddreg [dreg:$0x12];
	[sflag:s10] =	ssyncadd.s32 $0xFFFFB000  }
0xf5: {  	[tilespmem:s8], [sflag:$0x2] =	stream.indirect.gather [hbm4b:s3+s7], $0x20, s0, s7, $0xb8;
	[tilespmem:$0x14000] =	vst v63  }
0xf6: {  	_ =	swait.ge [sflag:s13], $0x5000  }
0xf7: {  	[sflag:s13] =	ssyncset.done $0x0  }
0xf8: {  	s0 =	rddreg [dreg:$0x13];
	[sflag:s13] =	ssyncadd.s32 $0xFFFFB000  }
0xf9: {  	[spmem:s2] =	stream.indirect.scatter.add.f32 [tilespmem:s9], [sflag:$0x3], $0x20, s0, s7, $0xb8;
	[tilespmem:$0x14000] =	vst v63  }
0xfa: {  	_ =	swait.ge [sflag:s11], $0x5000  }
0xfb: {  	[sflag:s11] =	ssyncset.done $0x0  }
0xfc: {  	s0 =	rddreg [dreg:$0x14];
	[sflag:s11] =	ssyncadd.s32 $0xFFFFB000  }
0xfd: {  	[tilespmem:s9], [sflag:$0x1] =	stream.indirect.gather [hbm4b:s3+s7], $0x20, s0, s7, $0xb8;
	[tilespmem:$0x14000] =	vst v63  }
0xfe: {  	_ =	swait.ge [sflag:s12], $0x5000  }
0xff: {  	[sflag:s12] =	ssyncset.done $0x0  }
0x100: {  	s0 =	rddreg [dreg:$0x15];
	[sflag:s12] =	ssyncadd.s32 $0xFFFFB000  }
0x101: {  	[spmem:s2] =	stream.indirect.scatter.add.f32 [tilespmem:s8], [sflag:$0x4], $0x20, s0, s7, $0xb8;
	[tilespmem:$0x14000] =	vst v63  }
0x102: {  	_ =	swait.ge [sflag:s10], $0x5000  }
0x103: {  	[sflag:s10] =	ssyncset.done $0x0  }
0x104: {  	s0 =	rddreg [dreg:$0x16];
	[sflag:s10] =	ssyncadd.s32 $0xFFFFB000  }
0x105: {  	[tilespmem:s8], [sflag:$0x2] =	stream.indirect.gather [hbm4b:s3+s7], $0x20, s0, s7, $0xb8;
	[tilespmem:$0x14000] =	vst v63  }
0x106: {  	_ =	swait.ge [sflag:s13], $0x5000  }
0x107: {  	[sflag:s13] =	ssyncset.done $0x0  }
0x108: {  	[sflag:s13] =	ssyncadd.s32 $0xFFFFB000  }
0x109: {  	[spmem:s2] =	stream.indirect.scatter.add.f32 [tilespmem:s9], [sflag:$0x3], $0x20, s28, s7, $0xb8;
	[tilespmem:$0x14000] =	vst v63  }
0x10a: {  	_ =	swait.ge [sflag:s11], $0x5000  }
0x10b: {  	[sflag:s11] =	ssyncset.done $0x0  }
0x10c: {  	[sflag:s11] =	ssyncadd.s32 $0xFFFFB000  }
0x10d: {  	[tilespmem:s9], [sflag:$0x1] =	stream.indirect.gather [hbm4b:s3+s7], $0x20, s26, s7, $0xb8;
	[tilespmem:$0x14000] =	vst v63  }
0x10e: {  	_ =	swait.ge [sflag:s12], $0x5000  }
0x10f: {  	[sflag:s12] =	ssyncset.done $0x0  }
0x110: {  	[sflag:s12] =	ssyncadd.s32 $0xFFFFB000  }
0x111: {  	[spmem:s2] =	stream.indirect.scatter.add.f32 [tilespmem:s8], [sflag:$0x4], $0x20, s25, s7, $0xb8;
	[tilespmem:$0x14000] =	vst v63  }
0x112: {  	_ =	swait.ge [sflag:s10], $0x5000  }
0x113: {  	[sflag:s10] =	ssyncset.done $0x0  }
0x114: {  	[sflag:s10] =	ssyncadd.s32 $0xFFFFB000  }
0x115: {  	[tilespmem:s8], [sflag:$0x2] =	stream.indirect.gather [hbm4b:s3+s7], $0x20, s24, s7, $0xb8;
	[tilespmem:$0x14000] =	vst v63  }
0x116: {  	_ =	swait.ge [sflag:s13], $0x5000  }
0x117: {  	[sflag:s13] =	ssyncset.done $0x0  }
0x118: {  	[sflag:s13] =	ssyncadd.s32 $0xFFFFB000  }
0x119: {  	[spmem:s2] =	stream.indirect.scatter.add.f32 [tilespmem:s9], [sflag:$0x3], $0x20, s23, s7, $0xb8;
	[tilespmem:$0x14000] =	vst v63  }
0x11a: {  	_ =	swait.ge [sflag:s11], $0x5000  }
0x11b: {  	[sflag:s11] =	ssyncset.done $0x0  }
0x11c: {  	[sflag:s11] =	ssyncadd.s32 $0xFFFFB000  }
0x11d: {  	[tilespmem:s9], [sflag:$0x1] =	stream.indirect.gather [hbm4b:s3+s7], $0x20, s22, s7, $0xb8;
	[tilespmem:$0x14000] =	vst v63  }
0x11e: {  	_ =	swait.ge [sflag:s12], $0x5000  }
0x11f: {  	[sflag:s12] =	ssyncset.done $0x0  }
0x120: {  	[sflag:s12] =	ssyncadd.s32 $0xFFFFB000  }
0x121: {  	[spmem:s2] =	stream.indirect.scatter.add.f32 [tilespmem:s8], [sflag:$0x4], $0x20, s21, s7, $0xb8;
	[tilespmem:$0x14000] =	vst v63  }
0x122: {  	_ =	swait.ge [sflag:s10], $0x5000  }
0x123: {  	[sflag:s10] =	ssyncset.done $0x0  }
0x124: {  	[sflag:s10] =	ssyncadd.s32 $0xFFFFB000  }
0x125: {  	[tilespmem:s8], [sflag:$0x2] =	stream.indirect.gather [hbm4b:s3+s7], $0x20, s19, s7, $0xb8;
	[tilespmem:$0x14000] =	vst v63  }
0x126: {  	_ =	swait.ge [sflag:s13], $0x5000  }
0x127: {  	[sflag:s13] =	ssyncset.done $0x0  }
0x128: {  	[sflag:s13] =	ssyncadd.s32 $0xFFFFB000  }
0x129: {  	[spmem:s2] =	stream.indirect.scatter.add.f32 [tilespmem:s9], [sflag:$0x3], $0x20, s20, s7, $0xb8;
	[tilespmem:$0x14000] =	vst v63  }
0x12a: {  	_ =	swait.ge [sflag:s11], $0x5000  }
0x12b: {  	[sflag:s11] =	ssyncset.done $0x0  }
0x12c: {  	[sflag:s11] =	ssyncadd.s32 $0xFFFFB000  }
0x12d: {  	[tilespmem:s9], [sflag:$0x1] =	stream.indirect.gather [hbm4b:s3+s7], $0x20, s18, s7, $0xb8;
	[tilespmem:$0x14000] =	vst v63  }
0x12e: {  	_ =	swait.ge [sflag:s12], $0x5000  }
0x12f: {  	[sflag:s12] =	ssyncset.done $0x0  }
0x130: {  	[sflag:s12] =	ssyncadd.s32 $0xFFFFB000  }
0x131: {  	[spmem:s2] =	stream.indirect.scatter.add.f32 [tilespmem:s8], [sflag:$0x4], $0x20, s17, s7, $0xb8;
	[tilespmem:$0x14000] =	vst v63  }
0x132: {  	_ =	swait.ge [sflag:s10], $0x5000  }
0x133: {  	[sflag:s10] =	ssyncset.done $0x0  }
0x134: {  	[sflag:s10] =	ssyncadd.s32 $0xFFFFB000  }
0x135: {  	[tilespmem:s8], [sflag:$0x2] =	stream.indirect.gather [hbm4b:s3+s7], $0x20, s16, s7, $0xb8;
	[tilespmem:$0x14000] =	vst v63  }
0x136: {  	_ =	swait.ge [sflag:s13], $0x5000  }
0x137: {  	[sflag:s13] =	ssyncset.done $0x0  }
0x138: {  	[sflag:s13] =	ssyncadd.s32 $0xFFFFB000  }
0x139: {  	[spmem:s2] =	stream.indirect.scatter.add.f32 [tilespmem:s9], [sflag:$0x3], $0x20, s15, s7, $0xb8;
	[tilespmem:$0x14000] =	vst v63  }
0x13a: {  	_ =	swait.ge [sflag:s11], $0x5000  }
0x13b: {  	[sflag:s11] =	ssyncset.done $0x0  }
0x13c: {  	[sflag:s11] =	ssyncadd.s32 $0xFFFFB000  }
0x13d: {  	_ =	swait.ge [sflag:s12], $0x5000  }
0x13e: {  	[sflag:s12] =	ssyncset.done $0x0  }
0x13f: {  	[sflag:s12] =	ssyncadd.s32 $0xFFFFB000  }
0x140: {  	[spmem:s2] =	stream.indirect.scatter.add.f32 [tilespmem:s8], [sflag:$0x4], $0x20, s14, s7, $0xb8;
	[tilespmem:$0x14000] =	vst v63  }
0x141: {  	_ =	swait.ge [sflag:s10], $0x5000  }
0x142: {  	[sflag:s10] =	ssyncset.done $0x0  }
0x143: {  	p1 =	sne.s32 s1, $0x1;
	[sflag:s10] =	ssyncadd.s32 $0xFFFFB000  }
.Ltmp2:
0x144: {  	[bflag:$0x0] =	sbarrier.arrive $0xFFFF;
	(pc) =	sbr.rel @p1 .LBB2_2-.Ltmp2, $4  }
0x145: {  	s0 =	rddreg [dreg:$0x6]  }
0x146: {  	[hbm:s0], [sflag:s4] =	dma.local [spmem:s5], $0xA00  }
0x147: {  	_ =	swait.ge [sflag:s6], $0xA00  }
0x148: {  	s1 =	sadd.s32 $0xFFFFFFFF, s1;
	s0 =	rddreg [dreg:$0x3];
	[sflag:s6] =	ssyncset.done $0x0  }
.LBB2_3:
0x149: {  	[sflag:s6] =	ssyncadd.s32 @p0 $0xFFFFF600  }
0x14a: {  	[spmem:s5], [sflag:s4] =	dma.local [hbm:s0], $0xA00  }
0x14b: {  	_ =	swait.ge [sflag:s6], $0xA00  }
0x14c: {  	[sflag:s6] =	ssyncset.done $0x0  }
0x14d: {  	s1 =	rddreg [dreg:$0x4];
	[sflag:s6] =	ssyncadd.s32 $0xFFFFF600  }
0x14e: {  	[tilespmem:s31], [sflag:$0x5] =	stream.linear.gather [hbm4b:s1+s29], $0x2800, $0x38;
	[tilespmem:$0x14000] =	vst v63  }
0x14f: {  	_ =	swait.ge [sflag:s6], $0x2800  }
0x150: {  	[sflag:s6] =	ssyncset.done $0x0  }
0x151: {  	s1 =	rddreg [dreg:$0x5];
	[sflag:s6] =	ssyncadd.s32 $0xFFFFD800  }
0x152: {  	[tilespmem:s30], [sflag:$0x5] =	stream.linear.gather [hbm4b:s1+s29], $0x2800, $0x38;
	[tilespmem:$0x14000] =	vst v63  }
0x153: {  	_ =	swait.ge [sflag:s6], $0x2800  }
0x154: {  	[sflag:s6] =	ssyncset.done $0x0  }
0x155: {  	[sflag:s6] =	ssyncadd.s32 $0xFFFFD800  }
0x156: {  	[bflag:$0x0] =	sbarrier.arrive $0xFFFF  }
0x157: {  	[tilespmem:s9], [sflag:$0x1] =	stream.indirect.gather [hbm4b:s3+s7], $0x20, s31, s7, $0xb8;
	[tilespmem:$0x14000] =	vst v63  }
0x158: {  	s29 =	rddreg [dreg:$0x7]  }
0x159: {  	[tilespmem:s8], [sflag:$0x2] =	stream.indirect.gather [hbm4b:s3+s7], $0x20, s29, s7, $0xb8;
	[tilespmem:$0x14000] =	vst v63  }
0x15a: {  	_ =	swait.ge [sflag:s13], $0x5000  }
0x15b: {  	[sflag:s13] =	ssyncset.done $0x0  }
0x15c: {  	[sflag:s13] =	ssyncadd.s32 $0xFFFFB000  }
0x15d: {  	[spmem:s2] =	stream.indirect.scatter.add.f32 [tilespmem:s9], [sflag:$0x3], $0x20, s30, s7, $0xb8;
	[tilespmem:$0x14000] =	vst v63  }
0x15e: {  	_ =	swait.ge [sflag:s11], $0x5000  }
0x15f: {  	[sflag:s11] =	ssyncset.done $0x0  }
0x160: {  	s31 =	rddreg [dreg:$0x8];
	[sflag:s11] =	ssyncadd.s32 $0xFFFFB000  }
0x161: {  	[tilespmem:s9], [sflag:$0x1] =	stream.indirect.gather [hbm4b:s3+s7], $0x20, s31, s7, $0xb8;
	[tilespmem:$0x14000] =	vst v63  }
0x162: {  	_ =	swait.ge [sflag:s12], $0x5000  }
0x163: {  	[sflag:s12] =	ssyncset.done $0x0  }
0x164: {  	s1 =	rddreg [dreg:$0x9];
	[sflag:s12] =	ssyncadd.s32 $0xFFFFB000  }
0x165: {  	[spmem:s2] =	stream.indirect.scatter.add.f32 [tilespmem:s8], [sflag:$0x4], $0x20, s1, s7, $0xb8;
	[tilespmem:$0x14000] =	vst v63  }
0x166: {  	_ =	swait.ge [sflag:s10], $0x5000  }
0x167: {  	[sflag:s10] =	ssyncset.done $0x0  }
0x168: {  	s29 =	rddreg [dreg:$0xa];
	[sflag:s10] =	ssyncadd.s32 $0xFFFFB000  }
0x169: {  	[tilespmem:s8], [sflag:$0x2] =	stream.indirect.gather [hbm4b:s3+s7], $0x20, s29, s7, $0xb8;
	[tilespmem:$0x14000] =	vst v63  }
0x16a: {  	_ =	swait.ge [sflag:s13], $0x5000  }
0x16b: {  	[sflag:s13] =	ssyncset.done $0x0  }
0x16c: {  	s30 =	rddreg [dreg:$0xb];
	[sflag:s13] =	ssyncadd.s32 $0xFFFFB000  }
0x16d: {  	[spmem:s2] =	stream.indirect.scatter.add.f32 [tilespmem:s9], [sflag:$0x3], $0x20, s30, s7, $0xb8;
	[tilespmem:$0x14000] =	vst v63  }
0x16e: {  	_ =	swait.ge [sflag:s11], $0x5000  }
0x16f: {  	[sflag:s11] =	ssyncset.done $0x0  }
0x170: {  	s31 =	rddreg [dreg:$0xc];
	[sflag:s11] =	ssyncadd.s32 $0xFFFFB000  }
0x171: {  	[tilespmem:s9], [sflag:$0x1] =	stream.indirect.gather [hbm4b:s3+s7], $0x20, s31, s7, $0xb8;
	[tilespmem:$0x14000] =	vst v63  }
0x172: {  	_ =	swait.ge [sflag:s12], $0x5000  }
0x173: {  	[sflag:s12] =	ssyncset.done $0x0  }
0x174: {  	s1 =	rddreg [dreg:$0xd];
	[sflag:s12] =	ssyncadd.s32 $0xFFFFB000  }
0x175: {  	[spmem:s2] =	stream.indirect.scatter.add.f32 [tilespmem:s8], [sflag:$0x4], $0x20, s1, s7, $0xb8;
	[tilespmem:$0x14000] =	vst v63  }
0x176: {  	_ =	swait.ge [sflag:s10], $0x5000  }
0x177: {  	[sflag:s10] =	ssyncset.done $0x0  }
0x178: {  	s29 =	rddreg [dreg:$0xe];
	[sflag:s10] =	ssyncadd.s32 $0xFFFFB000  }
0x179: {  	[tilespmem:s8], [sflag:$0x2] =	stream.indirect.gather [hbm4b:s3+s7], $0x20, s29, s7, $0xb8;
	[tilespmem:$0x14000] =	vst v63  }
0x17a: {  	_ =	swait.ge [sflag:s13], $0x5000  }
0x17b: {  	[sflag:s13] =	ssyncset.done $0x0  }
0x17c: {  	s30 =	rddreg [dreg:$0xf];
	[sflag:s13] =	ssyncadd.s32 $0xFFFFB000  }
0x17d: {  	[spmem:s2] =	stream.indirect.scatter.add.f32 [tilespmem:s9], [sflag:$0x3], $0x20, s30, s7, $0xb8;
	[tilespmem:$0x14000] =	vst v63  }
0x17e: {  	_ =	swait.ge [sflag:s11], $0x5000  }
0x17f: {  	[sflag:s11] =	ssyncset.done $0x0  }
0x180: {  	s31 =	rddreg [dreg:$0x10];
	[sflag:s11] =	ssyncadd.s32 $0xFFFFB000  }
0x181: {  	[tilespmem:s9], [sflag:$0x1] =	stream.indirect.gather [hbm4b:s3+s7], $0x20, s31, s7, $0xb8;
	[tilespmem:$0x14000] =	vst v63  }
0x182: {  	_ =	swait.ge [sflag:s12], $0x5000  }
0x183: {  	[sflag:s12] =	ssyncset.done $0x0  }
0x184: {  	s1 =	rddreg [dreg:$0x11];
	[sflag:s12] =	ssyncadd.s32 $0xFFFFB000  }
0x185: {  	[spmem:s2] =	stream.indirect.scatter.add.f32 [tilespmem:s8], [sflag:$0x4], $0x20, s1, s7, $0xb8;
	[tilespmem:$0x14000] =	vst v63  }
0x186: {  	_ =	swait.ge [sflag:s10], $0x5000  }
0x187: {  	[sflag:s10] =	ssyncset.done $0x0  }
0x188: {  	s29 =	rddreg [dreg:$0x12];
	[sflag:s10] =	ssyncadd.s32 $0xFFFFB000  }
0x189: {  	[tilespmem:s8], [sflag:$0x2] =	stream.indirect.gather [hbm4b:s3+s7], $0x20, s29, s7, $0xb8;
	[tilespmem:$0x14000] =	vst v63  }
0x18a: {  	_ =	swait.ge [sflag:s13], $0x5000  }
0x18b: {  	[sflag:s13] =	ssyncset.done $0x0  }
0x18c: {  	s30 =	rddreg [dreg:$0x13];
	[sflag:s13] =	ssyncadd.s32 $0xFFFFB000  }
0x18d: {  	[spmem:s2] =	stream.indirect.scatter.add.f32 [tilespmem:s9], [sflag:$0x3], $0x20, s30, s7, $0xb8;
	[tilespmem:$0x14000] =	vst v63  }
0x18e: {  	_ =	swait.ge [sflag:s11], $0x5000  }
0x18f: {  	[sflag:s11] =	ssyncset.done $0x0  }
0x190: {  	s31 =	rddreg [dreg:$0x14];
	[sflag:s11] =	ssyncadd.s32 $0xFFFFB000  }
0x191: {  	[tilespmem:s9], [sflag:$0x1] =	stream.indirect.gather [hbm4b:s3+s7], $0x20, s31, s7, $0xb8;
	[tilespmem:$0x14000] =	vst v63  }
0x192: {  	_ =	swait.ge [sflag:s12], $0x5000  }
0x193: {  	[sflag:s12] =	ssyncset.done $0x0  }
0x194: {  	s1 =	rddreg [dreg:$0x15];
	[sflag:s12] =	ssyncadd.s32 $0xFFFFB000  }
0x195: {  	[spmem:s2] =	stream.indirect.scatter.add.f32 [tilespmem:s8], [sflag:$0x4], $0x20, s1, s7, $0xb8;
	[tilespmem:$0x14000] =	vst v63  }
0x196: {  	_ =	swait.ge [sflag:s10], $0x5000  }
0x197: {  	[sflag:s10] =	ssyncset.done $0x0  }
0x198: {  	s29 =	rddreg [dreg:$0x16];
	[sflag:s10] =	ssyncadd.s32 $0xFFFFB000  }
0x199: {  	[tilespmem:s8], [sflag:$0x2] =	stream.indirect.gather [hbm4b:s3+s7], $0x20, s29, s7, $0xb8;
	[tilespmem:$0x14000] =	vst v63  }
0x19a: {  	_ =	swait.ge [sflag:s13], $0x5000  }
0x19b: {  	[sflag:s13] =	ssyncset.done $0x0  }
0x19c: {  	[sflag:s13] =	ssyncadd.s32 $0xFFFFB000  }
0x19d: {  	[spmem:s2] =	stream.indirect.scatter.add.f32 [tilespmem:s9], [sflag:$0x3], $0x20, s28, s7, $0xb8;
	[tilespmem:$0x14000] =	vst v63  }
0x19e: {  	_ =	swait.ge [sflag:s11], $0x5000  }
0x19f: {  	[sflag:s11] =	ssyncset.done $0x0  }
0x1a0: {  	[sflag:s11] =	ssyncadd.s32 $0xFFFFB000  }
0x1a1: {  	[tilespmem:s9], [sflag:$0x1] =	stream.indirect.gather [hbm4b:s3+s7], $0x20, s26, s7, $0xb8;
	[tilespmem:$0x14000] =	vst v63  }
0x1a2: {  	_ =	swait.ge [sflag:s12], $0x5000  }
0x1a3: {  	[sflag:s12] =	ssyncset.done $0x0  }
0x1a4: {  	[sflag:s12] =	ssyncadd.s32 $0xFFFFB000  }
0x1a5: {  	[spmem:s2] =	stream.indirect.scatter.add.f32 [tilespmem:s8], [sflag:$0x4], $0x20, s25, s7, $0xb8;
	[tilespmem:$0x14000] =	vst v63  }
0x1a6: {  	_ =	swait.ge [sflag:s10], $0x5000  }
0x1a7: {  	[sflag:s10] =	ssyncset.done $0x0  }
0x1a8: {  	[sflag:s10] =	ssyncadd.s32 $0xFFFFB000  }
0x1a9: {  	[tilespmem:s8], [sflag:$0x2] =	stream.indirect.gather [hbm4b:s3+s7], $0x20, s24, s7, $0xb8;
	[tilespmem:$0x14000] =	vst v63  }
0x1aa: {  	_ =	swait.ge [sflag:s13], $0x5000  }
0x1ab: {  	[sflag:s13] =	ssyncset.done $0x0  }
0x1ac: {  	[sflag:s13] =	ssyncadd.s32 $0xFFFFB000  }
0x1ad: {  	[spmem:s2] =	stream.indirect.scatter.add.f32 [tilespmem:s9], [sflag:$0x3], $0x20, s23, s7, $0xb8;
	[tilespmem:$0x14000] =	vst v63  }
0x1ae: {  	_ =	swait.ge [sflag:s11], $0x5000  }
0x1af: {  	[sflag:s11] =	ssyncset.done $0x0  }
0x1b0: {  	[sflag:s11] =	ssyncadd.s32 $0xFFFFB000  }
0x1b1: {  	[tilespmem:s9], [sflag:$0x1] =	stream.indirect.gather [hbm4b:s3+s7], $0x20, s22, s7, $0xb8;
	[tilespmem:$0x14000] =	vst v63  }
0x1b2: {  	_ =	swait.ge [sflag:s12], $0x5000  }
0x1b3: {  	[sflag:s12] =	ssyncset.done $0x0  }
0x1b4: {  	[sflag:s12] =	ssyncadd.s32 $0xFFFFB000  }
0x1b5: {  	[spmem:s2] =	stream.indirect.scatter.add.f32 [tilespmem:s8], [sflag:$0x4], $0x20, s21, s7, $0xb8;
	[tilespmem:$0x14000] =	vst v63  }
0x1b6: {  	_ =	swait.ge [sflag:s10], $0x5000  }
0x1b7: {  	[sflag:s10] =	ssyncset.done $0x0  }
0x1b8: {  	[sflag:s10] =	ssyncadd.s32 $0xFFFFB000  }
0x1b9: {  	[tilespmem:s8], [sflag:$0x2] =	stream.indirect.gather [hbm4b:s3+s7], $0x20, s19, s7, $0xb8;
	[tilespmem:$0x14000] =	vst v63  }
0x1ba: {  	_ =	swait.ge [sflag:s13], $0x5000  }
0x1bb: {  	[sflag:s13] =	ssyncset.done $0x0  }
0x1bc: {  	[sflag:s13] =	ssyncadd.s32 $0xFFFFB000  }
0x1bd: {  	[spmem:s2] =	stream.indirect.scatter.add.f32 [tilespmem:s9], [sflag:$0x3], $0x20, s20, s7, $0xb8;
	[tilespmem:$0x14000] =	vst v63  }
0x1be: {  	_ =	swait.ge [sflag:s11], $0x5000  }
0x1bf: {  	[sflag:s11] =	ssyncset.done $0x0  }
0x1c0: {  	[sflag:s11] =	ssyncadd.s32 $0xFFFFB000  }
0x1c1: {  	[tilespmem:s9], [sflag:$0x1] =	stream.indirect.gather [hbm4b:s3+s7], $0x20, s18, s7, $0xb8;
	[tilespmem:$0x14000] =	vst v63  }
0x1c2: {  	_ =	swait.ge [sflag:s12], $0x5000  }
0x1c3: {  	[sflag:s12] =	ssyncset.done $0x0  }
0x1c4: {  	[sflag:s12] =	ssyncadd.s32 $0xFFFFB000  }
0x1c5: {  	[spmem:s2] =	stream.indirect.scatter.add.f32 [tilespmem:s8], [sflag:$0x4], $0x20, s17, s7, $0xb8;
	[tilespmem:$0x14000] =	vst v63  }
0x1c6: {  	_ =	swait.ge [sflag:s10], $0x5000  }
0x1c7: {  	[sflag:s10] =	ssyncset.done $0x0  }
0x1c8: {  	[sflag:s10] =	ssyncadd.s32 $0xFFFFB000  }
0x1c9: {  	[tilespmem:s8], [sflag:$0x2] =	stream.indirect.gather [hbm4b:s3+s7], $0x20, s16, s7, $0xb8;
	[tilespmem:$0x14000] =	vst v63  }
0x1ca: {  	_ =	swait.ge [sflag:s13], $0x5000  }
0x1cb: {  	[sflag:s13] =	ssyncset.done $0x0  }
0x1cc: {  	[sflag:s13] =	ssyncadd.s32 $0xFFFFB000  }
0x1cd: {  	[spmem:s2] =	stream.indirect.scatter.add.f32 [tilespmem:s9], [sflag:$0x3], $0x20, s15, s7, $0xb8;
	[tilespmem:$0x14000] =	vst v63  }
0x1ce: {  	_ =	swait.ge [sflag:s11], $0x5000  }
0x1cf: {  	[sflag:s11] =	ssyncset.done $0x0  }
0x1d0: {  	[sflag:s11] =	ssyncadd.s32 $0xFFFFB000  }
0x1d1: {  	_ =	swait.ge [sflag:s12], $0x5000  }
0x1d2: {  	[sflag:s12] =	ssyncset.done $0x0  }
0x1d3: {  	[sflag:s12] =	ssyncadd.s32 $0xFFFFB000  }
0x1d4: {  	[spmem:s2] =	stream.indirect.scatter.add.f32 [tilespmem:s8], [sflag:$0x4], $0x20, s14, s7, $0xb8;
	[tilespmem:$0x14000] =	vst v63  }
0x1d5: {  	_ =	swait.ge [sflag:s10], $0x5000  }
0x1d6: {  	[sflag:s10] =	ssyncset.done $0x0  }
0x1d7: {  	[sflag:s10] =	ssyncadd.s32 $0xFFFFB000  }
0x1d8: {  	[bflag:$0x0] =	sbarrier.arrive $0xFFFF  }
0x1d9: {  	s30 =	rddreg [dreg:$0x6]  }
0x1da: {  	[hbm:s30], [sflag:s4] =	dma.local [spmem:s5], $0xA00  }
0x1db: {  	_ =	swait.ge [sflag:s6], $0xA00  }
0x1dc: {  	[sflag:s6] =	ssyncset.done $0x0  }
0x1dd: {  	[sflag:s6] =	ssyncadd.s32 $0xFFFFF600  }
0x1de: {  	_ =	sfence.sel $0x180000  }
0x1df: {  	[bflag:$0x0] =	sbarrier.arrive $0xFFFF  }
0x1e0: {  	_ =	strace $0x90000053  }
0x1e1: {  	s31 =	stileid.u32;
	[bflag:$0x2] =	sbarrier.arrive $0xFFFF  }
0x1e2: {  	p0 =	sne.s32 s31, $0x0;
	s0 =	rddreg [dreg:$0x2]  }
0x1e3: {  	s0 =	sadd.s32 @!p0 $0x100000, s0  }
0x1e4: {  	[sflag:s0] =	ssyncadd.tile.s32 @!p0 $0x1;
	_ =	shalt  }
.Lfunc_end2:
_tile_overlayer_lowered:
.L_overlay_start_2:
0x1e5: {  	(tag) =	ssettag $0x2  }
0x1e6: {  	s0 =	rddreg [dreg:$0x0];
	s2 =	stileid.u32  }
0x1e7: {  	s1 =	rddreg [dreg:$0x1];
	p0 =	sne.s32 s2, $0x0  }
0x1e8: {  	s3 =	rddreg [dreg:$0x2];
	[bflag:$0x3] =	sbarrier.arrive $0xFFFF;
	s2 =	simm.s32 @!p0 $0x1C05  }
0x1e9: {  	[timem:s3], [sflag:s2] =	dma.local @!p0 [hbm:s0], s1  }
0x1ea: {  	s0 =	simm.s32 @!p0 $0x5  }
0x1eb: {  	_ =	swait.ge @!p0 [sflag:s0], s1  }
0x1ec: {  	s1 =	ssub.s32 @!p0 $0x0, s1;
	[sflag:s0] =	ssyncset.done @!p0 $0x0  }
0x1ed: {  	[sflag:s0] =	ssyncadd.s32 @!p0 s1  }
0x1ee: {  	[bflag:$0x3] =	sbarrier.arrive $0xFFFF  }
0x1ef: {  	_ =	shalt  }

// kernel: kernel.33.cloned.1.call-start
scs
__scs_entry_jumppad:
0x0: {  	(pc) =	sbr.rel $0x88, $3  }
0x1: {  	(tag) =	ssettag $0x0;
	lr =	simm.s32 $0x1  }
0x2: {  	[smem:$0x3F91] =	sst lr;
	_ =	strace $0xD0000000  }
0x3: {  	_ = 	snop  }
0x4: {  	_ = 	snop  }
0x5: {  	_ = 	snop  }
0x6: {  	_ = 	snop  }
0x7: {  	_ = 	snop  }
__scs_overlays_trampoline_lowered:
0x8: {  	[smem:$0x3FA0] =	sst s0  }
0x9: {  	[smem:$0x3FA1] =	sst s1  }
0xa: {  	[smem:$0x3FA2] =	sst s2  }
0xb: {  	[smem:$0x3FA3] =	sst s3  }
0xc: {  	[smem:$0x3FA4] =	sst s4  }
0xd: {  	[smem:$0x3FA5] =	sst s5  }
0xe: {  	[smem:$0x3FA6] =	sst s6  }
0xf: {  	[smem:$0x3FA7] =	sst s7  }
0x10: {  	[smem:$0x3FA8] =	sst s8  }
0x11: {  	[smem:$0x3FA9] =	sst s9;
	s0 =	simm.s32 @!p0 $0x0  }
0x12: {  	s1 =	sld [smem:$0x3F8F];
	s0 =	simm.s32 @p0 $0x1  }
0x13: {  	[smem:$0x3FAA] =	sst s0;
	s0 =	simm.s32 @!p1 $0x0  }
0x14: {  	s2 =	sld [smem:$0x3F8E];
	s0 =	simm.s32 @p1 $0x1  }
0x15: {  	[smem:$0x3FAB] =	sst s0;
	s0 =	simm.s32 @!p2 $0x0  }
0x16: {  	s3 =	sld [smem:$0x3FDB];
	s0 =	simm.s32 @p2 $0x1  }
0x17: {  	s4 =	simm.s32 $0x1BF5;
	[smem:$0x3FAD] =	sst s0  }
0x18: {  	s0 =	sld [smem:$0x3F90];
	_ =	swait.ge [sflag:s4], $0x0  }
0x19: {  	s7 =	sld [smem:$0x3F91]  }
0x1a: {  	s8 =	sadd.s32 $0xFFFFE003, lr  }
0x1b: {  	s9 =	sadd.s32 $0xFFFFFEF7, lr;
	s5 =	simm.s32 $0xFFFFFFFF;
	p2 =	slt.u32 s8, $0xFFFFF086  }
0x1c: {  	p1 =	slt.u32 s9, $0xF7A;
	s5 =	simm.s32 @!p2 $0x0  }
0x1d: {  	s5 =	simm.s32 @p1 $0x1;
	p0 =	seq.s32 s7, s2  }
0x1e: {  	s7 =	smul.u32 @!p0 $0xF7A, s2;
	p2 =	seq.s32 @!p0 s5, $0x0  }
0x1f: {  	s9 =	smul.u32 $0xF7A, s1;
	s8 =	simm.s32 @!p0 $0x1BF5;
	p2 =	por !p2, p0  }
0x20: {  	[sflag:s8] =	ssyncset.s32 @!p0 $0xFFFFF086;
	s6 =	sadd.s32 @!p0 s3, s7;
	s7 =	simm.s32 @!p0 $0x108  }
0x21: {  	s3 =	sadd.s32 s3, s9;
	s6 =	sadd.s32 @!p0 $0x88, s6;
	s7 =	simm.s32 @p2 $0x1082  }
0x22: {  	[simem:s7], [sflag:s8] =	dma.local @!p0 [hbm:s6], $0xF7A  }
0x23: {  	s9 =	sor.u32 $0xD0000000, s2;
	s6 =	simm.s32 $0x108;
	_ =	swait.ge @!p0 [sflag:s8], $0x0  }
0x24: {  	s3 =	sadd.s32 $0x88, s3;
	s6 =	simm.s32 @!p1 $0x1082;
	[sflag:s4] =	ssyncset.s32 $0xFFFFF086  }
0x25: {  	[simem:s6], [sflag:s4] =	dma.local [hbm:s3], $0xF7A  }
0x26: {  	[smem:$0x3F91] =	sst s1;
	(tag) =	ssettag s2;
	_ =	strace s9  }
0x27: {  	s1 =	sld [smem:$0x3FA1]  }
0x28: {  	s2 =	sld [smem:$0x3FA2]  }
0x29: {  	s4 =	sld [smem:$0x3FA4]  }
0x2a: {  	p0 =	seq.s32 s5, $0x0;
	s5 =	sld [smem:$0x3FA5]  }
0x2b: {  	s6 =	sld [smem:$0x3FA6]  }
0x2c: {  	s7 =	sld [smem:$0x3FA7]  }
0x2d: {  	s3 =	simm.s32 $0x108;
	s8 =	sld [smem:$0x3FA8]  }
0x2e: {  	s3 =	simm.s32 @!p0 $0x1082;
	s9 =	sld [smem:$0x3FA9]  }
0x2f: {  	lr =	sadd.s32 s0, s3;
	s0 =	sld [smem:$0x3FA0]  }
0x30: {  	s3 =	sld [smem:$0x3FA3]  }
0x31: {  	[smem:$0x3FAC] =	sst s10  }
0x32: {  	s10 =	sld [smem:$0x3FAA];
	_ =	sdelay $0x3  }
0x33: {  	p0 =	seq.s32 s10, $0x1;
	s10 =	sld [smem:$0x3FAC];
	_ =	sdelay $0x3  }
0x34: {  	[smem:$0x3FAC] =	sst s10  }
0x35: {  	s10 =	sld [smem:$0x3FAB];
	_ =	sdelay $0x3  }
0x36: {  	p1 =	seq.s32 s10, $0x1;
	s10 =	sld [smem:$0x3FAC];
	_ =	sdelay $0x3  }
0x37: {  	[smem:$0x3FAC] =	sst s10  }
0x38: {  	s10 =	sld [smem:$0x3FAD]  }
0x39: {  	_ = 	snop;
	(pc) =	sbr.ind lr, $3  }
0x3a: {  	_ = 	snop  }
0x3b: {  	_ = 	snop  }
0x3c: {  	p2 =	seq.s32 s10, $0x1;
	s10 =	sld [smem:$0x3FAC]  }
0x3d: {  	_ =	shalt  }
0x3e: {  	_ =	shalt  }
0x3f: {  	_ =	shalt  }
0x40: {  	_ =	shalt  }
0x41: {  	_ =	shalt  }
0x42: {  	_ =	shalt  }
0x43: {  	_ =	shalt  }
0x44: {  	_ =	shalt  }
0x45: {  	_ =	shalt  }
0x46: {  	_ =	shalt  }
0x47: {  	_ =	shalt  }
0x48: {  	_ =	shalt  }
0x49: {  	_ =	shalt  }
0x4a: {  	_ =	shalt  }
0x4b: {  	_ =	shalt  }
0x4c: {  	_ =	shalt  }
0x4d: {  	_ =	shalt  }
0x4e: {  	_ =	shalt  }
0x4f: {  	_ =	shalt  }
0x50: {  	_ =	shalt  }
0x51: {  	_ =	shalt  }
0x52: {  	_ =	shalt  }
0x53: {  	_ =	shalt  }
0x54: {  	_ =	shalt  }
0x55: {  	_ =	shalt  }
0x56: {  	_ =	shalt  }
0x57: {  	_ =	shalt  }
0x58: {  	_ =	shalt  }
0x59: {  	_ =	shalt  }
0x5a: {  	_ =	shalt  }
0x5b: {  	_ =	shalt  }
0x5c: {  	_ =	shalt  }
0x5d: {  	_ =	shalt  }
0x5e: {  	_ =	shalt  }
0x5f: {  	_ =	shalt  }
0x60: {  	_ =	shalt  }
0x61: {  	_ =	shalt  }
0x62: {  	_ =	shalt  }
0x63: {  	_ =	shalt  }
0x64: {  	_ =	shalt  }
0x65: {  	_ =	shalt  }
0x66: {  	_ =	shalt  }
0x67: {  	_ =	shalt  }
0x68: {  	_ =	shalt  }
0x69: {  	_ =	shalt  }
0x6a: {  	_ =	shalt  }
0x6b: {  	_ =	shalt  }
0x6c: {  	_ =	shalt  }
0x6d: {  	_ =	shalt  }
0x6e: {  	_ =	shalt  }
0x6f: {  	_ =	shalt  }
0x70: {  	_ =	shalt  }
0x71: {  	_ =	shalt  }
0x72: {  	_ =	shalt  }
0x73: {  	_ =	shalt  }
0x74: {  	_ =	shalt  }
0x75: {  	_ =	shalt  }
0x76: {  	_ =	shalt  }
0x77: {  	_ =	shalt  }
0x78: {  	_ =	shalt  }
0x79: {  	_ =	shalt  }
0x7a: {  	_ =	shalt  }
0x7b: {  	_ =	shalt  }
0x7c: {  	_ =	shalt  }
0x7d: {  	_ =	shalt  }
0x7e: {  	_ =	shalt  }
0x7f: {  	_ =	shalt  }
0x80: {  	_ =	shalt  }
0x81: {  	_ =	shalt  }
0x82: {  	_ =	shalt  }
0x83: {  	_ =	shalt  }
0x84: {  	_ =	shalt  }
0x85: {  	_ =	shalt  }
0x86: {  	_ =	shalt  }
0x87: {  	_ =	shalt  }
.Lfunc_end0:
.L_simem_size_0:
called_computation.5_lowered:
.L_overlay_start_0:
0x88: {  	s2 =	sld [smem:$0x3FD9]  }
0x89: {  	s3 =	sld [smem:$0x3FFE];
	_ =	sdelay $0x1  }
0x8a: {  	s1 =	srdreg.scid  }
0x8b: {  	s0 =	sand.u32 $0x1, s1  }
0x8c: {  	s16 =	sshll.u32 s0, $0xA;
	s2 =	sadd.s32 s3, s2  }
0x8d: {  	s2 =	sadd.s32 s2, s16  }
0x8e: {  	[smem:$0x3FB8] =	sst s2  }
0x8f: {  	_ = 	snop  }
0x90: {  	(tm) =	ssettm $0x1  }
0x91: {  	s17 =	sld [smem:$0x3FFB];
	_ =	sdelay $0x3  }
0x92: {  	_ =	strace s17  }
0x93: {  	s2 =	sld [smem:$0x3FFC];
	_ =	sdelay $0x3  }
0x94: {  	_ =	strace s2  }
0x95: {  	s2 =	sld [smem:$0x3FFD];
	_ =	sdelay $0x3  }
0x96: {  	_ =	strace s2  }
0x97: {  	_ =	strace $0x8FFFFFFF  }
0x98: {  	s18 =	sld [smem:$0x3FDB];
	_ =	sdelay $0x1  }
0x99: {  	s19 =	simm.s32 $_scs_section_size  }
0x9a: {  	s4 =	simm.s32 $_size__tile_overlayer_lowered;
	s5 =	simm.s32 $_tile_overlayer_lowered  }
0x9b: {  	s22 =	simm.s32 $0x1BFF;
	s21 =	sshll.u32 s5, $0x1;
	s2 =	sadd.s32 s19, s18  }
0x9c: {  	s6 =	simm.s32 $0x0;
	s20 =	sshll.u32 s4, $0x1;
	s4 =	sadd.s32 s21, s2  }
0x9d: {  	[timem:s6], [sflag:s22] =	dma.local [hbm:s4], s20  }
0x9e: {  	_ =	swait.ge [sflag:s22], s20  }
0x9f: {  	s3 =	ssub.s32 $0x0, s20;
	[sflag:s22] =	ssyncset.done $0x0  }
0xa0: {  	[sflag:s22] =	ssyncadd.s32 s3;
	_ =	sdelay $0x1  }
0xa1: {  	s23 =	simm.s32 $0x1B8B  }
0xa2: {  	_ =	swait.ge [sflag:s23], $0x1  }
0xa3: {  	[sflag:s23] =	ssyncset.done $0x0  }
0xa4: {  	s25 =	simm.s32 $0x1B8E;
	s24 =	sld [smem:$0x3FFE];
	[sflag:s23] =	ssyncadd.s32 $0xFFFFFFFF  }
0xa5: {  	s26 =	simm.s32 $execute0_lowered;
	[smem:$0x3FD2] =	sst s25  }
0xa6: {  	s4 =	sshll.u32 s26, $0x1;
	_ =	strace $0x80000055;
	[dreg:$0x1] =	wrdreg $0xFFFFFFFF  }
0xa7: {  	s28 =	simm.s32 $_size_execute0_lowered;
	s2 =	sadd.s32 s2, s4;
	[dreg:$0x0] =	wrdreg $0x0  }
0xa8: {  	s4 =	sshll.u32 s28, $0x1;
	[dreg:$0x2] =	wrdreg s2  }
0xa9: {  	[dreg:$0x3] =	wrdreg s4  }
0xaa: {  	[dreg:$0x4] =	wrdreg $0xC0  }
0xab: {  	_ =	task [dreg:s6], $0x5FFFF  }
0xac: {  	[dreg:$0x1] =	wrdreg $0xFFFFFFFF  }
0xad: {  	[dreg:$0x0] =	wrdreg $0x60  }
0xae: {  	[dreg:$0x2] =	wrdreg s24  }
0xaf: {  	[dreg:$0x3] =	wrdreg $0x0  }
0xb0: {  	[dreg:$0x4] =	wrdreg $0x9  }
0xb1: {  	_ =	task.clear_ibuf [dreg:s6], $0x5FFFF;
	_ =	strace $0x90000055  }
0xb2: {  	s29 =	simm.s32 $0x9;
	_ =	strace $0x80000057  }
0xb3: {  	_ =	swait.ge [sflag:s29], $0x1  }
0xb4: {  	[sflag:s29] =	ssyncadd.s32 $0xFFFFFFFF  }
0xb5: {  	_ =	strace $0x90000057  }
0xb6: {  	_ =	sfence  }
0xb7: {  	s30 =	sld [smem:$0x0];
	_ =	sdelay $0x2  }
0xb8: {  	s31 =	sshll.u32 s1, $0xD;
	s1 =	sshrl.u32 s1, $0x2  }
0xb9: {  	s3 =	sand.u32 $0x4000, s31;
	s1 =	sadd.s32 s1, s30  }
0xba: {  	s0 =	sor.u32 s3, s0;
	s1 =	sshll.u32 s1, $0x11  }
0xbb: {  	s0 =	sor.u32 s1, s0  }
0xbc: {  	s0 =	sadd.s32 $0x8F2B, s0  }
0xbd: {  	[sflag:s0] =	ssyncadd.remote.s32 $0x1  }
0xbe: {  	_ =	sfence.sel $0xFFFF  }
0xbf: {  	[dreg:$0x0] =	wrdreg $0xFFFFFFFF;
	(pc) =	sbr.abs _section_cstart, $3  }
0xc0: {  	[dreg:$0x1] =	wrdreg $0xFFFFFFFF  }
0xc1: {  	_ =	task.clear_ibuf [dreg:s6], $0x2FFFF;
	_ =	strace $0x9FFFFFFF  }
0xc2: {  	(tm) =	ssettm $0x7FFFFFFF  }
0xc3: {  	_ =	shalt  }
tec
execute0_lowered:
.L_overlay_start_1:
0x0: {  	(tag) =	ssettag $0x1  }
0x1: {  	s0 =	srdreg.scid  }
0x2: {  	s9 =	rddreg [dreg:$0x0];
	s21 =	stileid.u32  }
0x3: {  	s2 =	rddreg [dreg:$0x1];
	s1 =	sand.u32 $0x1, s0;
	s5 =	smul.u32 $0x2800, s21  }
0x4: {  	s23 =	sshll.u32 s21, $0x6;
	s3 =	sshll.u32 s1, $0x4;
	s7 =	smul.u32 $0x28000, s1  }
0x5: {  	s4 =	sor.u32 s21, s3;
	s3 =	simm.s32 $0x0;
	s6 =	sshrl.u32 s5, $0x3  }
0x6: {  	s4 =	smul.u32 $0x500, s4;
	[smem:$0x7FF] =	sst s3;
	s6 =	sadd.s32 s6, s9  }
0x7: {  	s7 =	sadd.s32 s5, s7;
	s5 =	sadd.s32 s5, s2;
	s6 =	sadd.s32 $0x13800, s6  }
0x8: {  	_ =	strace $0x80000056;
	s4 =	sadd.s32 s4, s9;
	[dreg:$0x3] =	wrdreg s6  }
0x9: {  	s7 =	sshrl.u32 s7, $0x3;
	s22 =	sadd.s32 $0x18800, s4;
	s10 =	rddreg [dreg:$0x3]  }
0xa: {  	s7 =	sadd.s32 s7, s9;
	s8 =	sadd.s32 $0x4800, s4;
	[dreg:$0x4] =	wrdreg s22  }
0xb: {  	s6 =	sshrl.u32 s5, $0x3;
	s24 =	sadd.s32 $0x4A800, s7;
	[dreg:$0x5] =	wrdreg s8  }
0xc: {  	s5 =	simm.s32 $0x5;
	s4 =	sor.u32 $0x1C05, s23;
	[dreg:$0x6] =	wrdreg s24  }
0xd: {  	[spmem:s6], [sflag:s4] =	dma.local [hbm:s10], $0x500  }
0xe: {  	_ =	swait.ge [sflag:s5], $0x500  }
0xf: {  	[sflag:s5] =	ssyncset.done $0x0  }
0x10: {  	s7 =	simm.s32 $0x2800;
	s25 =	rddreg [dreg:$0x4];
	[sflag:s5] =	ssyncadd.s32 $0xFFFFFB00  }
0x11: {  	[tilespmem:s7], [sflag:$0x5] =	stream.linear.gather [hbm4b:s25+s3], $0x2800, $0x38;
	[tilespmem:$0x11800] =	vst v63  }
0x12: {  	_ =	swait.ge [sflag:s5], $0x2800  }
0x13: {  	[sflag:s5] =	ssyncset.done $0x0  }
0x14: {  	s8 =	simm.s32 $0x5000;
	s26 =	rddreg [dreg:$0x5];
	[sflag:s5] =	ssyncadd.s32 $0xFFFFD800  }
0x15: {  	[tilespmem:s8], [sflag:$0x5] =	stream.linear.gather [hbm4b:s26+s3], $0x2800, $0x38;
	[tilespmem:$0x11800] =	vst v63  }
0x16: {  	_ =	swait.ge [sflag:s5], $0x2800  }
0x17: {  	[sflag:s5] =	ssyncset.done $0x0  }
0x18: {  	s11 =	simm.s32 $0x7800;
	[sflag:s5] =	ssyncadd.s32 $0xFFFFD800  }
0x19: {  	s9 =	sadd.s32 $0xE800, s9;
	s10 =	simm.s32 $0x500;
	[bflag:$0x0] =	sbarrier.arrive $0xFFFF  }
0x1a: {  	[tilespmem:s11], [sflag:$0x1] =	stream.indirect.gather [hbm4b:s9+s10], $0x10, s7, s10, $0xb8;
	[tilespmem:$0x11800] =	vst v63  }
0x1b: {  	s12 =	simm.s32 $0x2D00;
	s13 =	simm.s32 $0xC800;
	s14 =	simm.s32 $0x1  }
0x1c: {  	[tilespmem:s13], [sflag:$0x2] =	stream.indirect.gather [hbm4b:s9+s10], $0x10, s12, s10, $0xb8;
	[tilespmem:$0x11800] =	vst v63  }
0x1d: {  	_ =	swait.ge [sflag:s14], $0x5000  }
0x1e: {  	[sflag:s14] =	ssyncset.done $0x0  }
0x1f: {  	s15 =	simm.s32 $0x3;
	[sflag:s14] =	ssyncadd.s32 $0xFFFFB000  }
0x20: {  	[spmem:s2] =	stream.indirect.scatter.add.f32 [tilespmem:s11], [sflag:$0x3], $0x10, s8, s10, $0xb8;
	[tilespmem:$0x11800] =	vst v63  }
0x21: {  	_ =	swait.ge [sflag:s15], $0x5000  }
0x22: {  	[sflag:s15] =	ssyncset.done $0x0  }
0x23: {  	s16 =	simm.s32 $0x3200;
	s17 =	simm.s32 $0x2;
	[sflag:s15] =	ssyncadd.s32 $0xFFFFB000  }
0x24: {  	[tilespmem:s11], [sflag:$0x1] =	stream.indirect.gather [hbm4b:s9+s10], $0x10, s16, s10, $0xb8;
	[tilespmem:$0x11800] =	vst v63  }
0x25: {  	_ =	swait.ge [sflag:s17], $0x5000  }
0x26: {  	[sflag:s17] =	ssyncset.done $0x0  }
0x27: {  	s18 =	simm.s32 $0x5500;
	s19 =	simm.s32 $0x4;
	[sflag:s17] =	ssyncadd.s32 $0xFFFFB000  }
0x28: {  	[spmem:s2] =	stream.indirect.scatter.add.f32 [tilespmem:s13], [sflag:$0x4], $0x10, s18, s10, $0xb8;
	[tilespmem:$0x11800] =	vst v63  }
0x29: {  	_ =	swait.ge [sflag:s19], $0x5000  }
0x2a: {  	[sflag:s19] =	ssyncset.done $0x0  }
0x2b: {  	s20 =	simm.s32 $0x3700;
	[sflag:s19] =	ssyncadd.s32 $0xFFFFB000  }
0x2c: {  	[tilespmem:s13], [sflag:$0x2] =	stream.indirect.gather [hbm4b:s9+s10], $0x10, s20, s10, $0xb8;
	[tilespmem:$0x11800] =	vst v63  }
0x2d: {  	_ =	swait.ge [sflag:s14], $0x5000  }
0x2e: {  	[sflag:s14] =	ssyncset.done $0x0  }
0x2f: {  	s21 =	simm.s32 $0x5A00;
	[sflag:s14] =	ssyncadd.s32 $0xFFFFB000  }
0x30: {  	[spmem:s2] =	stream.indirect.scatter.add.f32 [tilespmem:s11], [sflag:$0x3], $0x10, s21, s10, $0xb8;
	[tilespmem:$0x11800] =	vst v63  }
0x31: {  	_ =	swait.ge [sflag:s15], $0x5000  }
0x32: {  	[sflag:s15] =	ssyncset.done $0x0  }
0x33: {  	s22 =	simm.s32 $0x3C00;
	[sflag:s15] =	ssyncadd.s32 $0xFFFFB000  }
0x34: {  	[tilespmem:s11], [sflag:$0x1] =	stream.indirect.gather [hbm4b:s9+s10], $0x10, s22, s10, $0xb8;
	[tilespmem:$0x11800] =	vst v63  }
0x35: {  	_ =	swait.ge [sflag:s17], $0x5000  }
0x36: {  	[sflag:s17] =	ssyncset.done $0x0  }
0x37: {  	s23 =	simm.s32 $0x5F00;
	[sflag:s17] =	ssyncadd.s32 $0xFFFFB000  }
0x38: {  	[spmem:s2] =	stream.indirect.scatter.add.f32 [tilespmem:s13], [sflag:$0x4], $0x10, s23, s10, $0xb8;
	[tilespmem:$0x11800] =	vst v63  }
0x39: {  	_ =	swait.ge [sflag:s19], $0x5000  }
0x3a: {  	[sflag:s19] =	ssyncset.done $0x0  }
0x3b: {  	s24 =	simm.s32 $0x4100;
	[sflag:s19] =	ssyncadd.s32 $0xFFFFB000  }
0x3c: {  	[tilespmem:s13], [sflag:$0x2] =	stream.indirect.gather [hbm4b:s9+s10], $0x10, s24, s10, $0xb8;
	[tilespmem:$0x11800] =	vst v63  }
0x3d: {  	_ =	swait.ge [sflag:s14], $0x5000  }
0x3e: {  	[sflag:s14] =	ssyncset.done $0x0  }
0x3f: {  	s25 =	simm.s32 $0x6400;
	[sflag:s14] =	ssyncadd.s32 $0xFFFFB000  }
0x40: {  	[spmem:s2] =	stream.indirect.scatter.add.f32 [tilespmem:s11], [sflag:$0x3], $0x10, s25, s10, $0xb8;
	[tilespmem:$0x11800] =	vst v63  }
0x41: {  	_ =	swait.ge [sflag:s15], $0x5000  }
0x42: {  	[sflag:s15] =	ssyncset.done $0x0  }
0x43: {  	s26 =	simm.s32 $0x4600;
	[sflag:s15] =	ssyncadd.s32 $0xFFFFB000  }
0x44: {  	[tilespmem:s11], [sflag:$0x1] =	stream.indirect.gather [hbm4b:s9+s10], $0x10, s26, s10, $0xb8;
	[tilespmem:$0x11800] =	vst v63  }
0x45: {  	_ =	swait.ge [sflag:s17], $0x5000  }
0x46: {  	[sflag:s17] =	ssyncset.done $0x0  }
0x47: {  	s28 =	simm.s32 $0x6900;
	[sflag:s17] =	ssyncadd.s32 $0xFFFFB000  }
0x48: {  	[spmem:s2] =	stream.indirect.scatter.add.f32 [tilespmem:s13], [sflag:$0x4], $0x10, s28, s10, $0xb8;
	[tilespmem:$0x11800] =	vst v63  }
0x49: {  	_ =	swait.ge [sflag:s19], $0x5000  }
0x4a: {  	[sflag:s19] =	ssyncset.done $0x0  }
0x4b: {  	s29 =	simm.s32 $0x4B00;
	[sflag:s19] =	ssyncadd.s32 $0xFFFFB000  }
0x4c: {  	[tilespmem:s13], [sflag:$0x2] =	stream.indirect.gather [hbm4b:s9+s10], $0x10, s29, s10, $0xb8;
	[tilespmem:$0x11800] =	vst v63  }
0x4d: {  	_ =	swait.ge [sflag:s14], $0x5000  }
0x4e: {  	[sflag:s14] =	ssyncset.done $0x0  }
0x4f: {  	s30 =	simm.s32 $0x6E00;
	[sflag:s14] =	ssyncadd.s32 $0xFFFFB000  }
0x50: {  	[spmem:s2] =	stream.indirect.scatter.add.f32 [tilespmem:s11], [sflag:$0x3], $0x10, s30, s10, $0xb8;
	[tilespmem:$0x11800] =	vst v63  }
0x51: {  	_ =	swait.ge [sflag:s15], $0x5000  }
0x52: {  	[sflag:s15] =	ssyncset.done $0x0  }
0x53: {  	[sflag:s15] =	ssyncadd.s32 $0xFFFFB000  }
0x54: {  	_ =	swait.ge [sflag:s17], $0x5000  }
0x55: {  	[sflag:s17] =	ssyncset.done $0x0  }
0x56: {  	s31 =	simm.s32 $0x7300;
	[sflag:s17] =	ssyncadd.s32 $0xFFFFB000  }
0x57: {  	[spmem:s2] =	stream.indirect.scatter.add.f32 [tilespmem:s13], [sflag:$0x4], $0x10, s31, s10, $0xb8;
	[tilespmem:$0x11800] =	vst v63  }
0x58: {  	_ =	swait.ge [sflag:s19], $0x5000  }
0x59: {  	[sflag:s19] =	ssyncset.done $0x0  }
0x5a: {  	[sflag:s19] =	ssyncadd.s32 $0xFFFFB000  }
0x5b: {  	[bflag:$0x0] =	sbarrier.arrive $0xFFFF  }
0x5c: {  	s1 =	ssub.s32 $0x2, s1;
	s0 =	rddreg [dreg:$0x6]  }
0x5d: {  	[dreg:$0x7] =	wrdreg s0;
	s0 =	sshrl.u32 s1, $0x1  }
0x5e: {  	s0 =	ssub.s32 s1, s0  }
0x5f: {  	s0 =	smax.u32 s0, $0x1  }
0x60: {  	p0 =	sne.s32 s0, $0x1  }
.Ltmp0:
0x61: {  	_ = 	snop;
	(pc) =	sbr.rel @!p0 .LBB2_2-.Ltmp0, $4  }
0x62: {  	_ = 	snop  }
0x63: {  	s1 =	rddreg [dreg:$0x7]  }
0x64: {  	[hbm:s1], [sflag:s4] =	dma.local [spmem:s6], $0x500  }
0x65: {  	s1 =	sadd.s32 $0xFFFFFFFF, s0;
	_ =	swait.ge [sflag:s5], $0x500  }
.LBB2_1:
0x66: {  	[sflag:s5] =	ssyncset.done $0x0  }
0x67: {  	s0 =	rddreg [dreg:$0x3];
	[sflag:s5] =	ssyncadd.s32 $0xFFFFFB00  }
0x68: {  	[spmem:s6], [sflag:s4] =	dma.local [hbm:s0], $0x500  }
0x69: {  	_ =	swait.ge [sflag:s5], $0x500  }
0x6a: {  	[sflag:s5] =	ssyncset.done $0x0  }
0x6b: {  	s0 =	rddreg [dreg:$0x4];
	[sflag:s5] =	ssyncadd.s32 $0xFFFFFB00  }
0x6c: {  	[tilespmem:s7], [sflag:$0x5] =	stream.linear.gather [hbm4b:s0+s3], $0x2800, $0x38;
	[tilespmem:$0x11800] =	vst v63  }
0x6d: {  	_ =	swait.ge [sflag:s5], $0x2800  }
0x6e: {  	[sflag:s5] =	ssyncset.done $0x0  }
0x6f: {  	s0 =	rddreg [dreg:$0x5];
	[sflag:s5] =	ssyncadd.s32 $0xFFFFD800  }
0x70: {  	[tilespmem:s8], [sflag:$0x5] =	stream.linear.gather [hbm4b:s0+s3], $0x2800, $0x38;
	[tilespmem:$0x11800] =	vst v63  }
0x71: {  	_ =	swait.ge [sflag:s5], $0x2800  }
0x72: {  	[sflag:s5] =	ssyncset.done $0x0  }
0x73: {  	[sflag:s5] =	ssyncadd.s32 $0xFFFFD800  }
0x74: {  	[bflag:$0x0] =	sbarrier.arrive $0xFFFF  }
0x75: {  	[tilespmem:s11], [sflag:$0x1] =	stream.indirect.gather [hbm4b:s9+s10], $0x10, s7, s10, $0xb8;
	[tilespmem:$0x11800] =	vst v63  }
0x76: {  	_ = 	snop  }
0x77: {  	[tilespmem:s13], [sflag:$0x2] =	stream.indirect.gather [hbm4b:s9+s10], $0x10, s12, s10, $0xb8;
	[tilespmem:$0x11800] =	vst v63  }
0x78: {  	_ =	swait.ge [sflag:s14], $0x5000  }
0x79: {  	[sflag:s14] =	ssyncset.done $0x0  }
0x7a: {  	[sflag:s14] =	ssyncadd.s32 $0xFFFFB000  }
0x7b: {  	[spmem:s2] =	stream.indirect.scatter.add.f32 [tilespmem:s11], [sflag:$0x3], $0x10, s8, s10, $0xb8;
	[tilespmem:$0x11800] =	vst v63  }
0x7c: {  	_ =	swait.ge [sflag:s15], $0x5000  }
0x7d: {  	[sflag:s15] =	ssyncset.done $0x0  }
0x7e: {  	[sflag:s15] =	ssyncadd.s32 $0xFFFFB000  }
0x7f: {  	[tilespmem:s11], [sflag:$0x1] =	stream.indirect.gather [hbm4b:s9+s10], $0x10, s16, s10, $0xb8;
	[tilespmem:$0x11800] =	vst v63  }
0x80: {  	_ =	swait.ge [sflag:s17], $0x5000  }
0x81: {  	[sflag:s17] =	ssyncset.done $0x0  }
0x82: {  	[sflag:s17] =	ssyncadd.s32 $0xFFFFB000  }
0x83: {  	[spmem:s2] =	stream.indirect.scatter.add.f32 [tilespmem:s13], [sflag:$0x4], $0x10, s18, s10, $0xb8;
	[tilespmem:$0x11800] =	vst v63  }
0x84: {  	_ =	swait.ge [sflag:s19], $0x5000  }
0x85: {  	[sflag:s19] =	ssyncset.done $0x0  }
0x86: {  	[sflag:s19] =	ssyncadd.s32 $0xFFFFB000  }
0x87: {  	[tilespmem:s13], [sflag:$0x2] =	stream.indirect.gather [hbm4b:s9+s10], $0x10, s20, s10, $0xb8;
	[tilespmem:$0x11800] =	vst v63  }
0x88: {  	_ =	swait.ge [sflag:s14], $0x5000  }
0x89: {  	[sflag:s14] =	ssyncset.done $0x0  }
0x8a: {  	[sflag:s14] =	ssyncadd.s32 $0xFFFFB000  }
0x8b: {  	[spmem:s2] =	stream.indirect.scatter.add.f32 [tilespmem:s11], [sflag:$0x3], $0x10, s21, s10, $0xb8;
	[tilespmem:$0x11800] =	vst v63  }
0x8c: {  	_ =	swait.ge [sflag:s15], $0x5000  }
0x8d: {  	[sflag:s15] =	ssyncset.done $0x0  }
0x8e: {  	[sflag:s15] =	ssyncadd.s32 $0xFFFFB000  }
0x8f: {  	[tilespmem:s11], [sflag:$0x1] =	stream.indirect.gather [hbm4b:s9+s10], $0x10, s22, s10, $0xb8;
	[tilespmem:$0x11800] =	vst v63  }
0x90: {  	_ =	swait.ge [sflag:s17], $0x5000  }
0x91: {  	[sflag:s17] =	ssyncset.done $0x0  }
0x92: {  	[sflag:s17] =	ssyncadd.s32 $0xFFFFB000  }
0x93: {  	[spmem:s2] =	stream.indirect.scatter.add.f32 [tilespmem:s13], [sflag:$0x4], $0x10, s23, s10, $0xb8;
	[tilespmem:$0x11800] =	vst v63  }
0x94: {  	_ =	swait.ge [sflag:s19], $0x5000  }
0x95: {  	[sflag:s19] =	ssyncset.done $0x0  }
0x96: {  	[sflag:s19] =	ssyncadd.s32 $0xFFFFB000  }
0x97: {  	[tilespmem:s13], [sflag:$0x2] =	stream.indirect.gather [hbm4b:s9+s10], $0x10, s24, s10, $0xb8;
	[tilespmem:$0x11800] =	vst v63  }
0x98: {  	_ =	swait.ge [sflag:s14], $0x5000  }
0x99: {  	[sflag:s14] =	ssyncset.done $0x0  }
0x9a: {  	[sflag:s14] =	ssyncadd.s32 $0xFFFFB000  }
0x9b: {  	[spmem:s2] =	stream.indirect.scatter.add.f32 [tilespmem:s11], [sflag:$0x3], $0x10, s25, s10, $0xb8;
	[tilespmem:$0x11800] =	vst v63  }
0x9c: {  	_ =	swait.ge [sflag:s15], $0x5000  }
0x9d: {  	[sflag:s15] =	ssyncset.done $0x0  }
0x9e: {  	[sflag:s15] =	ssyncadd.s32 $0xFFFFB000  }
0x9f: {  	[tilespmem:s11], [sflag:$0x1] =	stream.indirect.gather [hbm4b:s9+s10], $0x10, s26, s10, $0xb8;
	[tilespmem:$0x11800] =	vst v63  }
0xa0: {  	_ =	swait.ge [sflag:s17], $0x5000  }
0xa1: {  	[sflag:s17] =	ssyncset.done $0x0  }
0xa2: {  	[sflag:s17] =	ssyncadd.s32 $0xFFFFB000  }
0xa3: {  	[spmem:s2] =	stream.indirect.scatter.add.f32 [tilespmem:s13], [sflag:$0x4], $0x10, s28, s10, $0xb8;
	[tilespmem:$0x11800] =	vst v63  }
0xa4: {  	_ =	swait.ge [sflag:s19], $0x5000  }
0xa5: {  	[sflag:s19] =	ssyncset.done $0x0  }
0xa6: {  	[sflag:s19] =	ssyncadd.s32 $0xFFFFB000  }
0xa7: {  	[tilespmem:s13], [sflag:$0x2] =	stream.indirect.gather [hbm4b:s9+s10], $0x10, s29, s10, $0xb8;
	[tilespmem:$0x11800] =	vst v63  }
0xa8: {  	_ =	swait.ge [sflag:s14], $0x5000  }
0xa9: {  	[sflag:s14] =	ssyncset.done $0x0  }
0xaa: {  	[sflag:s14] =	ssyncadd.s32 $0xFFFFB000  }
0xab: {  	[spmem:s2] =	stream.indirect.scatter.add.f32 [tilespmem:s11], [sflag:$0x3], $0x10, s30, s10, $0xb8;
	[tilespmem:$0x11800] =	vst v63  }
0xac: {  	_ =	swait.ge [sflag:s15], $0x5000  }
0xad: {  	[sflag:s15] =	ssyncset.done $0x0  }
0xae: {  	[sflag:s15] =	ssyncadd.s32 $0xFFFFB000  }
0xaf: {  	_ =	swait.ge [sflag:s17], $0x5000  }
0xb0: {  	[sflag:s17] =	ssyncset.done $0x0  }
0xb1: {  	[sflag:s17] =	ssyncadd.s32 $0xFFFFB000  }
0xb2: {  	[spmem:s2] =	stream.indirect.scatter.add.f32 [tilespmem:s13], [sflag:$0x4], $0x10, s31, s10, $0xb8;
	[tilespmem:$0x11800] =	vst v63  }
0xb3: {  	_ =	swait.ge [sflag:s19], $0x5000  }
0xb4: {  	p0 =	sne.s32 s1, $0x1;
	[sflag:s19] =	ssyncset.done $0x0  }
.Ltmp1:
0xb5: {  	[sflag:s19] =	ssyncadd.s32 $0xFFFFB000;
	(pc) =	sbr.rel @p0 .LBB2_1-.Ltmp1, $4  }
0xb6: {  	[bflag:$0x0] =	sbarrier.arrive $0xFFFF  }
0xb7: {  	s0 =	rddreg [dreg:$0x6]  }
0xb8: {  	[hbm:s0], [sflag:s4] =	dma.local [spmem:s6], $0x500  }
0xb9: {  	s1 =	sadd.s32 $0xFFFFFFFF, s1;
	_ =	swait.ge [sflag:s5], $0x500  }
.LBB2_2:
0xba: {  	[sflag:s5] =	ssyncset.done $0x0  }
0xbb: {  	[sflag:s5] =	ssyncadd.s32 $0xFFFFFB00  }
0xbc: {  	_ =	sfence.sel $0x180000  }
0xbd: {  	[bflag:$0x0] =	sbarrier.arrive $0xFFFF  }
0xbe: {  	_ =	strace $0x90000056  }
0xbf: {  	s0 =	stileid.u32;
	[bflag:$0x2] =	sbarrier.arrive $0xFFFF  }
0xc0: {  	p0 =	sne.s32 s0, $0x0;
	s0 =	rddreg [dreg:$0x2]  }
0xc1: {  	s0 =	sadd.s32 @!p0 $0x100000, s0  }
0xc2: {  	[sflag:s0] =	ssyncadd.tile.s32 @!p0 $0x1;
	_ =	shalt  }
.Lfunc_end2:
_tile_overlayer_lowered:
.L_overlay_start_2:
0xc3: {  	(tag) =	ssettag $0x2  }
0xc4: {  	s0 =	rddreg [dreg:$0x0];
	s2 =	stileid.u32  }
0xc5: {  	s1 =	rddreg [dreg:$0x1];
	p0 =	sne.s32 s2, $0x0  }
0xc6: {  	s3 =	rddreg [dreg:$0x2];
	[bflag:$0x3] =	sbarrier.arrive $0xFFFF;
	s2 =	simm.s32 @!p0 $0x1C05  }
0xc7: {  	[timem:s3], [sflag:s2] =	dma.local @!p0 [hbm:s0], s1  }
0xc8: {  	s0 =	simm.s32 @!p0 $0x5  }
0xc9: {  	_ =	swait.ge @!p0 [sflag:s0], s1  }
0xca: {  	s1 =	ssub.s32 @!p0 $0x0, s1;
	[sflag:s0] =	ssyncset.done @!p0 $0x0  }
0xcb: {  	[sflag:s0] =	ssyncadd.s32 @!p0 s1  }
0xcc: {  	[bflag:$0x3] =	sbarrier.arrive $0xFFFF  }
0xcd: {  	_ =	shalt  }

// kernel: kernel.36.cloned.1.call-start
scs
__scs_entry_jumppad:
0x0: {  	(pc) =	sbr.rel $0x88, $3  }
0x1: {  	(tag) =	ssettag $0x0;
	lr =	simm.s32 $0x1  }
0x2: {  	[smem:$0x3F91] =	sst lr;
	_ =	strace $0xD0000000  }
0x3: {  	_ = 	snop  }
0x4: {  	_ = 	snop  }
0x5: {  	_ = 	snop  }
0x6: {  	_ = 	snop  }
0x7: {  	_ = 	snop  }
__scs_overlays_trampoline_lowered:
0x8: {  	[smem:$0x3FA0] =	sst s0  }
0x9: {  	[smem:$0x3FA1] =	sst s1  }
0xa: {  	[smem:$0x3FA2] =	sst s2  }
0xb: {  	[smem:$0x3FA3] =	sst s3  }
0xc: {  	[smem:$0x3FA4] =	sst s4  }
0xd: {  	[smem:$0x3FA5] =	sst s5  }
0xe: {  	[smem:$0x3FA6] =	sst s6  }
0xf: {  	[smem:$0x3FA7] =	sst s7  }
0x10: {  	[smem:$0x3FA8] =	sst s8  }
0x11: {  	[smem:$0x3FA9] =	sst s9;
	s0 =	simm.s32 @!p0 $0x0  }
0x12: {  	s1 =	sld [smem:$0x3F8F];
	s0 =	simm.s32 @p0 $0x1  }
0x13: {  	[smem:$0x3FAA] =	sst s0;
	s0 =	simm.s32 @!p1 $0x0  }
0x14: {  	s2 =	sld [smem:$0x3F8E];
	s0 =	simm.s32 @p1 $0x1  }
0x15: {  	[smem:$0x3FAB] =	sst s0;
	s0 =	simm.s32 @!p2 $0x0  }
0x16: {  	s3 =	sld [smem:$0x3FDB];
	s0 =	simm.s32 @p2 $0x1  }
0x17: {  	s4 =	simm.s32 $0x1BF5;
	[smem:$0x3FAD] =	sst s0  }
0x18: {  	s0 =	sld [smem:$0x3F90];
	_ =	swait.ge [sflag:s4], $0x0  }
0x19: {  	s7 =	sld [smem:$0x3F91]  }
0x1a: {  	s8 =	sadd.s32 $0xFFFFE003, lr  }
0x1b: {  	s9 =	sadd.s32 $0xFFFFFEF7, lr;
	s5 =	simm.s32 $0xFFFFFFFF;
	p2 =	slt.u32 s8, $0xFFFFF086  }
0x1c: {  	p1 =	slt.u32 s9, $0xF7A;
	s5 =	simm.s32 @!p2 $0x0  }
0x1d: {  	s5 =	simm.s32 @p1 $0x1;
	p0 =	seq.s32 s7, s2  }
0x1e: {  	s7 =	smul.u32 @!p0 $0xF7A, s2;
	p2 =	seq.s32 @!p0 s5, $0x0  }
0x1f: {  	s9 =	smul.u32 $0xF7A, s1;
	s8 =	simm.s32 @!p0 $0x1BF5;
	p2 =	por !p2, p0  }
0x20: {  	[sflag:s8] =	ssyncset.s32 @!p0 $0xFFFFF086;
	s6 =	sadd.s32 @!p0 s3, s7;
	s7 =	simm.s32 @!p0 $0x108  }
0x21: {  	s3 =	sadd.s32 s3, s9;
	s6 =	sadd.s32 @!p0 $0x88, s6;
	s7 =	simm.s32 @p2 $0x1082  }
0x22: {  	[simem:s7], [sflag:s8] =	dma.local @!p0 [hbm:s6], $0xF7A  }
0x23: {  	s9 =	sor.u32 $0xD0000000, s2;
	s6 =	simm.s32 $0x108;
	_ =	swait.ge @!p0 [sflag:s8], $0x0  }
0x24: {  	s3 =	sadd.s32 $0x88, s3;
	s6 =	simm.s32 @!p1 $0x1082;
	[sflag:s4] =	ssyncset.s32 $0xFFFFF086  }
0x25: {  	[simem:s6], [sflag:s4] =	dma.local [hbm:s3], $0xF7A  }
0x26: {  	[smem:$0x3F91] =	sst s1;
	(tag) =	ssettag s2;
	_ =	strace s9  }
0x27: {  	s1 =	sld [smem:$0x3FA1]  }
0x28: {  	s2 =	sld [smem:$0x3FA2]  }
0x29: {  	s4 =	sld [smem:$0x3FA4]  }
0x2a: {  	p0 =	seq.s32 s5, $0x0;
	s5 =	sld [smem:$0x3FA5]  }
0x2b: {  	s6 =	sld [smem:$0x3FA6]  }
0x2c: {  	s7 =	sld [smem:$0x3FA7]  }
0x2d: {  	s3 =	simm.s32 $0x108;
	s8 =	sld [smem:$0x3FA8]  }
0x2e: {  	s3 =	simm.s32 @!p0 $0x1082;
	s9 =	sld [smem:$0x3FA9]  }
0x2f: {  	lr =	sadd.s32 s0, s3;
	s0 =	sld [smem:$0x3FA0]  }
0x30: {  	s3 =	sld [smem:$0x3FA3]  }
0x31: {  	[smem:$0x3FAC] =	sst s10  }
0x32: {  	s10 =	sld [smem:$0x3FAA];
	_ =	sdelay $0x3  }
0x33: {  	p0 =	seq.s32 s10, $0x1;
	s10 =	sld [smem:$0x3FAC];
	_ =	sdelay $0x3  }
0x34: {  	[smem:$0x3FAC] =	sst s10  }
0x35: {  	s10 =	sld [smem:$0x3FAB];
	_ =	sdelay $0x3  }
0x36: {  	p1 =	seq.s32 s10, $0x1;
	s10 =	sld [smem:$0x3FAC];
	_ =	sdelay $0x3  }
0x37: {  	[smem:$0x3FAC] =	sst s10  }
0x38: {  	s10 =	sld [smem:$0x3FAD]  }
0x39: {  	_ = 	snop;
	(pc) =	sbr.ind lr, $3  }
0x3a: {  	_ = 	snop  }
0x3b: {  	_ = 	snop  }
0x3c: {  	p2 =	seq.s32 s10, $0x1;
	s10 =	sld [smem:$0x3FAC]  }
0x3d: {  	_ =	shalt  }
0x3e: {  	_ =	shalt  }
0x3f: {  	_ =	shalt  }
0x40: {  	_ =	shalt  }
0x41: {  	_ =	shalt  }
0x42: {  	_ =	shalt  }
0x43: {  	_ =	shalt  }
0x44: {  	_ =	shalt  }
0x45: {  	_ =	shalt  }
0x46: {  	_ =	shalt  }
0x47: {  	_ =	shalt  }
0x48: {  	_ =	shalt  }
0x49: {  	_ =	shalt  }
0x4a: {  	_ =	shalt  }
0x4b: {  	_ =	shalt  }
0x4c: {  	_ =	shalt  }
0x4d: {  	_ =	shalt  }
0x4e: {  	_ =	shalt  }
0x4f: {  	_ =	shalt  }
0x50: {  	_ =	shalt  }
0x51: {  	_ =	shalt  }
0x52: {  	_ =	shalt  }
0x53: {  	_ =	shalt  }
0x54: {  	_ =	shalt  }
0x55: {  	_ =	shalt  }
0x56: {  	_ =	shalt  }
0x57: {  	_ =	shalt  }
0x58: {  	_ =	shalt  }
0x59: {  	_ =	shalt  }
0x5a: {  	_ =	shalt  }
0x5b: {  	_ =	shalt  }
0x5c: {  	_ =	shalt  }
0x5d: {  	_ =	shalt  }
0x5e: {  	_ =	shalt  }
0x5f: {  	_ =	shalt  }
0x60: {  	_ =	shalt  }
0x61: {  	_ =	shalt  }
0x62: {  	_ =	shalt  }
0x63: {  	_ =	shalt  }
0x64: {  	_ =	shalt  }
0x65: {  	_ =	shalt  }
0x66: {  	_ =	shalt  }
0x67: {  	_ =	shalt  }
0x68: {  	_ =	shalt  }
0x69: {  	_ =	shalt  }
0x6a: {  	_ =	shalt  }
0x6b: {  	_ =	shalt  }
0x6c: {  	_ =	shalt  }
0x6d: {  	_ =	shalt  }
0x6e: {  	_ =	shalt  }
0x6f: {  	_ =	shalt  }
0x70: {  	_ =	shalt  }
0x71: {  	_ =	shalt  }
0x72: {  	_ =	shalt  }
0x73: {  	_ =	shalt  }
0x74: {  	_ =	shalt  }
0x75: {  	_ =	shalt  }
0x76: {  	_ =	shalt  }
0x77: {  	_ =	shalt  }
0x78: {  	_ =	shalt  }
0x79: {  	_ =	shalt  }
0x7a: {  	_ =	shalt  }
0x7b: {  	_ =	shalt  }
0x7c: {  	_ =	shalt  }
0x7d: {  	_ =	shalt  }
0x7e: {  	_ =	shalt  }
0x7f: {  	_ =	shalt  }
0x80: {  	_ =	shalt  }
0x81: {  	_ =	shalt  }
0x82: {  	_ =	shalt  }
0x83: {  	_ =	shalt  }
0x84: {  	_ =	shalt  }
0x85: {  	_ =	shalt  }
0x86: {  	_ =	shalt  }
0x87: {  	_ =	shalt  }
.Lfunc_end0:
.L_simem_size_0:
called_computation.6_lowered:
.L_overlay_start_0:
0x88: {  	s2 =	sld [smem:$0x3FD9]  }
0x89: {  	s3 =	sld [smem:$0x3FFE];
	_ =	sdelay $0x1  }
0x8a: {  	s1 =	srdreg.scid  }
0x8b: {  	s0 =	sand.u32 $0x1, s1  }
0x8c: {  	s16 =	sshll.u32 s0, $0xA;
	s2 =	sadd.s32 s3, s2  }
0x8d: {  	s2 =	sadd.s32 s2, s16  }
0x8e: {  	[smem:$0x3FB8] =	sst s2  }
0x8f: {  	_ = 	snop  }
0x90: {  	(tm) =	ssettm $0x1  }
0x91: {  	s17 =	sld [smem:$0x3FFB];
	_ =	sdelay $0x3  }
0x92: {  	_ =	strace s17  }
0x93: {  	s2 =	sld [smem:$0x3FFC];
	_ =	sdelay $0x3  }
0x94: {  	_ =	strace s2  }
0x95: {  	s2 =	sld [smem:$0x3FFD];
	_ =	sdelay $0x3  }
0x96: {  	_ =	strace s2  }
0x97: {  	_ =	strace $0x8FFFFFFF  }
0x98: {  	s18 =	sld [smem:$0x3FDB];
	_ =	sdelay $0x1  }
0x99: {  	s19 =	simm.s32 $_scs_section_size  }
0x9a: {  	s4 =	simm.s32 $_size__tile_overlayer_lowered;
	s5 =	simm.s32 $_tile_overlayer_lowered  }
0x9b: {  	s22 =	simm.s32 $0x1BFF;
	s21 =	sshll.u32 s5, $0x1;
	s2 =	sadd.s32 s19, s18  }
0x9c: {  	s6 =	simm.s32 $0x0;
	s20 =	sshll.u32 s4, $0x1;
	s4 =	sadd.s32 s21, s2  }
0x9d: {  	[timem:s6], [sflag:s22] =	dma.local [hbm:s4], s20  }
0x9e: {  	_ =	swait.ge [sflag:s22], s20  }
0x9f: {  	s3 =	ssub.s32 $0x0, s20;
	[sflag:s22] =	ssyncset.done $0x0  }
0xa0: {  	[sflag:s22] =	ssyncadd.s32 s3;
	_ =	sdelay $0x1  }
0xa1: {  	s23 =	simm.s32 $0x1B8B  }
0xa2: {  	_ =	swait.ge [sflag:s23], $0x1  }
0xa3: {  	[sflag:s23] =	ssyncset.done $0x0  }
0xa4: {  	s25 =	simm.s32 $0x1B8E;
	s24 =	sld [smem:$0x3FFE];
	[sflag:s23] =	ssyncadd.s32 $0xFFFFFFFF  }
0xa5: {  	s26 =	simm.s32 $execute0_lowered;
	[smem:$0x3FD2] =	sst s25  }
0xa6: {  	s4 =	sshll.u32 s26, $0x1;
	_ =	strace $0x80000058;
	[dreg:$0x1] =	wrdreg $0xFFFFFFFF  }
0xa7: {  	s28 =	simm.s32 $_size_execute0_lowered;
	s2 =	sadd.s32 s2, s4;
	[dreg:$0x0] =	wrdreg $0x0  }
0xa8: {  	s4 =	sshll.u32 s28, $0x1;
	[dreg:$0x2] =	wrdreg s2  }
0xa9: {  	[dreg:$0x3] =	wrdreg s4  }
0xaa: {  	[dreg:$0x4] =	wrdreg $0xC0  }
0xab: {  	_ =	task [dreg:s6], $0x5FFFF  }
0xac: {  	[dreg:$0x1] =	wrdreg $0xFFFFFFFF  }
0xad: {  	[dreg:$0x0] =	wrdreg $0x60  }
0xae: {  	[dreg:$0x2] =	wrdreg s24  }
0xaf: {  	[dreg:$0x3] =	wrdreg $0x0  }
0xb0: {  	[dreg:$0x4] =	wrdreg $0x9  }
0xb1: {  	_ =	task.clear_ibuf [dreg:s6], $0x5FFFF;
	_ =	strace $0x90000058  }
0xb2: {  	s29 =	simm.s32 $0x9;
	_ =	strace $0x8000005A  }
0xb3: {  	_ =	swait.ge [sflag:s29], $0x1  }
0xb4: {  	[sflag:s29] =	ssyncadd.s32 $0xFFFFFFFF  }
0xb5: {  	_ =	strace $0x9000005A  }
0xb6: {  	_ =	sfence  }
0xb7: {  	s30 =	sld [smem:$0x0];
	_ =	sdelay $0x2  }
0xb8: {  	s31 =	sshll.u32 s1, $0xD;
	s1 =	sshrl.u32 s1, $0x2  }
0xb9: {  	s3 =	sand.u32 $0x4000, s31;
	s1 =	sadd.s32 s1, s30  }
0xba: {  	s0 =	sor.u32 s3, s0;
	s1 =	sshll.u32 s1, $0x11  }
0xbb: {  	s0 =	sor.u32 s1, s0  }
0xbc: {  	s0 =	sadd.s32 $0x8F2B, s0  }
0xbd: {  	[sflag:s0] =	ssyncadd.remote.s32 $0x1  }
0xbe: {  	_ =	sfence.sel $0xFFFF  }
0xbf: {  	[dreg:$0x0] =	wrdreg $0xFFFFFFFF;
	(pc) =	sbr.abs _section_cstart, $3  }
0xc0: {  	[dreg:$0x1] =	wrdreg $0xFFFFFFFF  }
0xc1: {  	_ =	task.clear_ibuf [dreg:s6], $0x2FFFF;
	_ =	strace $0x9FFFFFFF  }
0xc2: {  	(tm) =	ssettm $0x7FFFFFFF  }
0xc3: {  	_ =	shalt  }
tec
execute0_lowered:
.L_overlay_start_1:
0x0: {  	(tag) =	ssettag $0x1  }
0x1: {  	s0 =	srdreg.scid  }
0x2: {  	s9 =	rddreg [dreg:$0x0];
	s21 =	stileid.u32  }
0x3: {  	s2 =	rddreg [dreg:$0x1];
	s1 =	sand.u32 $0x1, s0;
	s5 =	smul.u32 $0x2800, s21  }
0x4: {  	s23 =	sshll.u32 s21, $0x6;
	s3 =	sshll.u32 s1, $0x4;
	s7 =	smul.u32 $0x28000, s1  }
0x5: {  	s4 =	sor.u32 s21, s3;
	s3 =	simm.s32 $0x0;
	s6 =	sshrl.u32 s5, $0x3  }
0x6: {  	s4 =	smul.u32 $0x500, s4;
	[smem:$0x7FF] =	sst s3;
	s6 =	sadd.s32 s6, s9  }
0x7: {  	s7 =	sadd.s32 s5, s7;
	s5 =	sadd.s32 s5, s2;
	s6 =	sadd.s32 $0x13800, s6  }
0x8: {  	_ =	strace $0x80000059;
	s4 =	sadd.s32 s4, s9;
	[dreg:$0x3] =	wrdreg s6  }
0x9: {  	s7 =	sshrl.u32 s7, $0x3;
	s22 =	sadd.s32 $0x18800, s4;
	s10 =	rddreg [dreg:$0x3]  }
0xa: {  	s7 =	sadd.s32 s7, s9;
	s8 =	sadd.s32 $0x4800, s4;
	[dreg:$0x4] =	wrdreg s22  }
0xb: {  	s6 =	sshrl.u32 s5, $0x3;
	s24 =	sadd.s32 $0x22800, s7;
	[dreg:$0x5] =	wrdreg s8  }
0xc: {  	s5 =	simm.s32 $0x5;
	s4 =	sor.u32 $0x1C05, s23;
	[dreg:$0x6] =	wrdreg s24  }
0xd: {  	[spmem:s6], [sflag:s4] =	dma.local [hbm:s10], $0x500  }
0xe: {  	_ =	swait.ge [sflag:s5], $0x500  }
0xf: {  	[sflag:s5] =	ssyncset.done $0x0  }
0x10: {  	s7 =	simm.s32 $0x2800;
	s25 =	rddreg [dreg:$0x4];
	[sflag:s5] =	ssyncadd.s32 $0xFFFFFB00  }
0x11: {  	[tilespmem:s7], [sflag:$0x5] =	stream.linear.gather [hbm4b:s25+s3], $0x2800, $0x38;
	[tilespmem:$0x11800] =	vst v63  }
0x12: {  	_ =	swait.ge [sflag:s5], $0x2800  }
0x13: {  	[sflag:s5] =	ssyncset.done $0x0  }
0x14: {  	s8 =	simm.s32 $0x5000;
	s26 =	rddreg [dreg:$0x5];
	[sflag:s5] =	ssyncadd.s32 $0xFFFFD800  }
0x15: {  	[tilespmem:s8], [sflag:$0x5] =	stream.linear.gather [hbm4b:s26+s3], $0x2800, $0x38;
	[tilespmem:$0x11800] =	vst v63  }
0x16: {  	_ =	swait.ge [sflag:s5], $0x2800  }
0x17: {  	[sflag:s5] =	ssyncset.done $0x0  }
0x18: {  	s11 =	simm.s32 $0x7800;
	[sflag:s5] =	ssyncadd.s32 $0xFFFFD800  }
0x19: {  	s9 =	sadd.s32 $0xE800, s9;
	s10 =	simm.s32 $0x500;
	[bflag:$0x0] =	sbarrier.arrive $0xFFFF  }
0x1a: {  	[tilespmem:s11], [sflag:$0x1] =	stream.indirect.gather [hbm4b:s9+s10], $0x10, s7, s10, $0xb8;
	[tilespmem:$0x11800] =	vst v63  }
0x1b: {  	s12 =	simm.s32 $0x2D00;
	s13 =	simm.s32 $0xC800;
	s14 =	simm.s32 $0x1  }
0x1c: {  	[tilespmem:s13], [sflag:$0x2] =	stream.indirect.gather [hbm4b:s9+s10], $0x10, s12, s10, $0xb8;
	[tilespmem:$0x11800] =	vst v63  }
0x1d: {  	_ =	swait.ge [sflag:s14], $0x5000  }
0x1e: {  	[sflag:s14] =	ssyncset.done $0x0  }
0x1f: {  	s15 =	simm.s32 $0x3;
	[sflag:s14] =	ssyncadd.s32 $0xFFFFB000  }
0x20: {  	[spmem:s2] =	stream.indirect.scatter.add.f32 [tilespmem:s11], [sflag:$0x3], $0x10, s8, s10, $0xb8;
	[tilespmem:$0x11800] =	vst v63  }
0x21: {  	_ =	swait.ge [sflag:s15], $0x5000  }
0x22: {  	[sflag:s15] =	ssyncset.done $0x0  }
0x23: {  	s16 =	simm.s32 $0x3200;
	s17 =	simm.s32 $0x2;
	[sflag:s15] =	ssyncadd.s32 $0xFFFFB000  }
0x24: {  	[tilespmem:s11], [sflag:$0x1] =	stream.indirect.gather [hbm4b:s9+s10], $0x10, s16, s10, $0xb8;
	[tilespmem:$0x11800] =	vst v63  }
0x25: {  	_ =	swait.ge [sflag:s17], $0x5000  }
0x26: {  	[sflag:s17] =	ssyncset.done $0x0  }
0x27: {  	s18 =	simm.s32 $0x5500;
	s19 =	simm.s32 $0x4;
	[sflag:s17] =	ssyncadd.s32 $0xFFFFB000  }
0x28: {  	[spmem:s2] =	stream.indirect.scatter.add.f32 [tilespmem:s13], [sflag:$0x4], $0x10, s18, s10, $0xb8;
	[tilespmem:$0x11800] =	vst v63  }
0x29: {  	_ =	swait.ge [sflag:s19], $0x5000  }
0x2a: {  	[sflag:s19] =	ssyncset.done $0x0  }
0x2b: {  	s20 =	simm.s32 $0x3700;
	[sflag:s19] =	ssyncadd.s32 $0xFFFFB000  }
0x2c: {  	[tilespmem:s13], [sflag:$0x2] =	stream.indirect.gather [hbm4b:s9+s10], $0x10, s20, s10, $0xb8;
	[tilespmem:$0x11800] =	vst v63  }
0x2d: {  	_ =	swait.ge [sflag:s14], $0x5000  }
0x2e: {  	[sflag:s14] =	ssyncset.done $0x0  }
0x2f: {  	s21 =	simm.s32 $0x5A00;
	[sflag:s14] =	ssyncadd.s32 $0xFFFFB000  }
0x30: {  	[spmem:s2] =	stream.indirect.scatter.add.f32 [tilespmem:s11], [sflag:$0x3], $0x10, s21, s10, $0xb8;
	[tilespmem:$0x11800] =	vst v63  }
0x31: {  	_ =	swait.ge [sflag:s15], $0x5000  }
0x32: {  	[sflag:s15] =	ssyncset.done $0x0  }
0x33: {  	s22 =	simm.s32 $0x3C00;
	[sflag:s15] =	ssyncadd.s32 $0xFFFFB000  }
0x34: {  	[tilespmem:s11], [sflag:$0x1] =	stream.indirect.gather [hbm4b:s9+s10], $0x10, s22, s10, $0xb8;
	[tilespmem:$0x11800] =	vst v63  }
0x35: {  	_ =	swait.ge [sflag:s17], $0x5000  }
0x36: {  	[sflag:s17] =	ssyncset.done $0x0  }
0x37: {  	s23 =	simm.s32 $0x5F00;
	[sflag:s17] =	ssyncadd.s32 $0xFFFFB000  }
0x38: {  	[spmem:s2] =	stream.indirect.scatter.add.f32 [tilespmem:s13], [sflag:$0x4], $0x10, s23, s10, $0xb8;
	[tilespmem:$0x11800] =	vst v63  }
0x39: {  	_ =	swait.ge [sflag:s19], $0x5000  }
0x3a: {  	[sflag:s19] =	ssyncset.done $0x0  }
0x3b: {  	s24 =	simm.s32 $0x4100;
	[sflag:s19] =	ssyncadd.s32 $0xFFFFB000  }
0x3c: {  	[tilespmem:s13], [sflag:$0x2] =	stream.indirect.gather [hbm4b:s9+s10], $0x10, s24, s10, $0xb8;
	[tilespmem:$0x11800] =	vst v63  }
0x3d: {  	_ =	swait.ge [sflag:s14], $0x5000  }
0x3e: {  	[sflag:s14] =	ssyncset.done $0x0  }
0x3f: {  	s25 =	simm.s32 $0x6400;
	[sflag:s14] =	ssyncadd.s32 $0xFFFFB000  }
0x40: {  	[spmem:s2] =	stream.indirect.scatter.add.f32 [tilespmem:s11], [sflag:$0x3], $0x10, s25, s10, $0xb8;
	[tilespmem:$0x11800] =	vst v63  }
0x41: {  	_ =	swait.ge [sflag:s15], $0x5000  }
0x42: {  	[sflag:s15] =	ssyncset.done $0x0  }
0x43: {  	s26 =	simm.s32 $0x4600;
	[sflag:s15] =	ssyncadd.s32 $0xFFFFB000  }
0x44: {  	[tilespmem:s11], [sflag:$0x1] =	stream.indirect.gather [hbm4b:s9+s10], $0x10, s26, s10, $0xb8;
	[tilespmem:$0x11800] =	vst v63  }
0x45: {  	_ =	swait.ge [sflag:s17], $0x5000  }
0x46: {  	[sflag:s17] =	ssyncset.done $0x0  }
0x47: {  	s28 =	simm.s32 $0x6900;
	[sflag:s17] =	ssyncadd.s32 $0xFFFFB000  }
0x48: {  	[spmem:s2] =	stream.indirect.scatter.add.f32 [tilespmem:s13], [sflag:$0x4], $0x10, s28, s10, $0xb8;
	[tilespmem:$0x11800] =	vst v63  }
0x49: {  	_ =	swait.ge [sflag:s19], $0x5000  }
0x4a: {  	[sflag:s19] =	ssyncset.done $0x0  }
0x4b: {  	s29 =	simm.s32 $0x4B00;
	[sflag:s19] =	ssyncadd.s32 $0xFFFFB000  }
0x4c: {  	[tilespmem:s13], [sflag:$0x2] =	stream.indirect.gather [hbm4b:s9+s10], $0x10, s29, s10, $0xb8;
	[tilespmem:$0x11800] =	vst v63  }
0x4d: {  	_ =	swait.ge [sflag:s14], $0x5000  }
0x4e: {  	[sflag:s14] =	ssyncset.done $0x0  }
0x4f: {  	s30 =	simm.s32 $0x6E00;
	[sflag:s14] =	ssyncadd.s32 $0xFFFFB000  }
0x50: {  	[spmem:s2] =	stream.indirect.scatter.add.f32 [tilespmem:s11], [sflag:$0x3], $0x10, s30, s10, $0xb8;
	[tilespmem:$0x11800] =	vst v63  }
0x51: {  	_ =	swait.ge [sflag:s15], $0x5000  }
0x52: {  	[sflag:s15] =	ssyncset.done $0x0  }
0x53: {  	[sflag:s15] =	ssyncadd.s32 $0xFFFFB000  }
0x54: {  	_ =	swait.ge [sflag:s17], $0x5000  }
0x55: {  	[sflag:s17] =	ssyncset.done $0x0  }
0x56: {  	s31 =	simm.s32 $0x7300;
	[sflag:s17] =	ssyncadd.s32 $0xFFFFB000  }
0x57: {  	[spmem:s2] =	stream.indirect.scatter.add.f32 [tilespmem:s13], [sflag:$0x4], $0x10, s31, s10, $0xb8;
	[tilespmem:$0x11800] =	vst v63  }
0x58: {  	_ =	swait.ge [sflag:s19], $0x5000  }
0x59: {  	[sflag:s19] =	ssyncset.done $0x0  }
0x5a: {  	[sflag:s19] =	ssyncadd.s32 $0xFFFFB000  }
0x5b: {  	[bflag:$0x0] =	sbarrier.arrive $0xFFFF  }
0x5c: {  	s1 =	ssub.s32 $0x2, s1;
	s0 =	rddreg [dreg:$0x6]  }
0x5d: {  	[dreg:$0x7] =	wrdreg s0;
	s0 =	sshrl.u32 s1, $0x1  }
0x5e: {  	s0 =	ssub.s32 s1, s0  }
0x5f: {  	s0 =	smax.u32 s0, $0x1  }
0x60: {  	p0 =	sne.s32 s0, $0x1  }
.Ltmp0:
0x61: {  	_ = 	snop;
	(pc) =	sbr.rel @!p0 .LBB2_2-.Ltmp0, $4  }
0x62: {  	_ = 	snop  }
0x63: {  	s1 =	rddreg [dreg:$0x7]  }
0x64: {  	[hbm:s1], [sflag:s4] =	dma.local [spmem:s6], $0x500  }
0x65: {  	s1 =	sadd.s32 $0xFFFFFFFF, s0;
	_ =	swait.ge [sflag:s5], $0x500  }
.LBB2_1:
0x66: {  	[sflag:s5] =	ssyncset.done $0x0  }
0x67: {  	s0 =	rddreg [dreg:$0x3];
	[sflag:s5] =	ssyncadd.s32 $0xFFFFFB00  }
0x68: {  	[spmem:s6], [sflag:s4] =	dma.local [hbm:s0], $0x500  }
0x69: {  	_ =	swait.ge [sflag:s5], $0x500  }
0x6a: {  	[sflag:s5] =	ssyncset.done $0x0  }
0x6b: {  	s0 =	rddreg [dreg:$0x4];
	[sflag:s5] =	ssyncadd.s32 $0xFFFFFB00  }
0x6c: {  	[tilespmem:s7], [sflag:$0x5] =	stream.linear.gather [hbm4b:s0+s3], $0x2800, $0x38;
	[tilespmem:$0x11800] =	vst v63  }
0x6d: {  	_ =	swait.ge [sflag:s5], $0x2800  }
0x6e: {  	[sflag:s5] =	ssyncset.done $0x0  }
0x6f: {  	s0 =	rddreg [dreg:$0x5];
	[sflag:s5] =	ssyncadd.s32 $0xFFFFD800  }
0x70: {  	[tilespmem:s8], [sflag:$0x5] =	stream.linear.gather [hbm4b:s0+s3], $0x2800, $0x38;
	[tilespmem:$0x11800] =	vst v63  }
0x71: {  	_ =	swait.ge [sflag:s5], $0x2800  }
0x72: {  	[sflag:s5] =	ssyncset.done $0x0  }
0x73: {  	[sflag:s5] =	ssyncadd.s32 $0xFFFFD800  }
0x74: {  	[bflag:$0x0] =	sbarrier.arrive $0xFFFF  }
0x75: {  	[tilespmem:s11], [sflag:$0x1] =	stream.indirect.gather [hbm4b:s9+s10], $0x10, s7, s10, $0xb8;
	[tilespmem:$0x11800] =	vst v63  }
0x76: {  	_ = 	snop  }
0x77: {  	[tilespmem:s13], [sflag:$0x2] =	stream.indirect.gather [hbm4b:s9+s10], $0x10, s12, s10, $0xb8;
	[tilespmem:$0x11800] =	vst v63  }
0x78: {  	_ =	swait.ge [sflag:s14], $0x5000  }
0x79: {  	[sflag:s14] =	ssyncset.done $0x0  }
0x7a: {  	[sflag:s14] =	ssyncadd.s32 $0xFFFFB000  }
0x7b: {  	[spmem:s2] =	stream.indirect.scatter.add.f32 [tilespmem:s11], [sflag:$0x3], $0x10, s8, s10, $0xb8;
	[tilespmem:$0x11800] =	vst v63  }
0x7c: {  	_ =	swait.ge [sflag:s15], $0x5000  }
0x7d: {  	[sflag:s15] =	ssyncset.done $0x0  }
0x7e: {  	[sflag:s15] =	ssyncadd.s32 $0xFFFFB000  }
0x7f: {  	[tilespmem:s11], [sflag:$0x1] =	stream.indirect.gather [hbm4b:s9+s10], $0x10, s16, s10, $0xb8;
	[tilespmem:$0x11800] =	vst v63  }
0x80: {  	_ =	swait.ge [sflag:s17], $0x5000  }
0x81: {  	[sflag:s17] =	ssyncset.done $0x0  }
0x82: {  	[sflag:s17] =	ssyncadd.s32 $0xFFFFB000  }
0x83: {  	[spmem:s2] =	stream.indirect.scatter.add.f32 [tilespmem:s13], [sflag:$0x4], $0x10, s18, s10, $0xb8;
	[tilespmem:$0x11800] =	vst v63  }
0x84: {  	_ =	swait.ge [sflag:s19], $0x5000  }
0x85: {  	[sflag:s19] =	ssyncset.done $0x0  }
0x86: {  	[sflag:s19] =	ssyncadd.s32 $0xFFFFB000  }
0x87: {  	[tilespmem:s13], [sflag:$0x2] =	stream.indirect.gather [hbm4b:s9+s10], $0x10, s20, s10, $0xb8;
	[tilespmem:$0x11800] =	vst v63  }
0x88: {  	_ =	swait.ge [sflag:s14], $0x5000  }
0x89: {  	[sflag:s14] =	ssyncset.done $0x0  }
0x8a: {  	[sflag:s14] =	ssyncadd.s32 $0xFFFFB000  }
0x8b: {  	[spmem:s2] =	stream.indirect.scatter.add.f32 [tilespmem:s11], [sflag:$0x3], $0x10, s21, s10, $0xb8;
	[tilespmem:$0x11800] =	vst v63  }
0x8c: {  	_ =	swait.ge [sflag:s15], $0x5000  }
0x8d: {  	[sflag:s15] =	ssyncset.done $0x0  }
0x8e: {  	[sflag:s15] =	ssyncadd.s32 $0xFFFFB000  }
0x8f: {  	[tilespmem:s11], [sflag:$0x1] =	stream.indirect.gather [hbm4b:s9+s10], $0x10, s22, s10, $0xb8;
	[tilespmem:$0x11800] =	vst v63  }
0x90: {  	_ =	swait.ge [sflag:s17], $0x5000  }
0x91: {  	[sflag:s17] =	ssyncset.done $0x0  }
0x92: {  	[sflag:s17] =	ssyncadd.s32 $0xFFFFB000  }
0x93: {  	[spmem:s2] =	stream.indirect.scatter.add.f32 [tilespmem:s13], [sflag:$0x4], $0x10, s23, s10, $0xb8;
	[tilespmem:$0x11800] =	vst v63  }
0x94: {  	_ =	swait.ge [sflag:s19], $0x5000  }
0x95: {  	[sflag:s19] =	ssyncset.done $0x0  }
0x96: {  	[sflag:s19] =	ssyncadd.s32 $0xFFFFB000  }
0x97: {  	[tilespmem:s13], [sflag:$0x2] =	stream.indirect.gather [hbm4b:s9+s10], $0x10, s24, s10, $0xb8;
	[tilespmem:$0x11800] =	vst v63  }
0x98: {  	_ =	swait.ge [sflag:s14], $0x5000  }
0x99: {  	[sflag:s14] =	ssyncset.done $0x0  }
0x9a: {  	[sflag:s14] =	ssyncadd.s32 $0xFFFFB000  }
0x9b: {  	[spmem:s2] =	stream.indirect.scatter.add.f32 [tilespmem:s11], [sflag:$0x3], $0x10, s25, s10, $0xb8;
	[tilespmem:$0x11800] =	vst v63  }
0x9c: {  	_ =	swait.ge [sflag:s15], $0x5000  }
0x9d: {  	[sflag:s15] =	ssyncset.done $0x0  }
0x9e: {  	[sflag:s15] =	ssyncadd.s32 $0xFFFFB000  }
0x9f: {  	[tilespmem:s11], [sflag:$0x1] =	stream.indirect.gather [hbm4b:s9+s10], $0x10, s26, s10, $0xb8;
	[tilespmem:$0x11800] =	vst v63  }
0xa0: {  	_ =	swait.ge [sflag:s17], $0x5000  }
0xa1: {  	[sflag:s17] =	ssyncset.done $0x0  }
0xa2: {  	[sflag:s17] =	ssyncadd.s32 $0xFFFFB000  }
0xa3: {  	[spmem:s2] =	stream.indirect.scatter.add.f32 [tilespmem:s13], [sflag:$0x4], $0x10, s28, s10, $0xb8;
	[tilespmem:$0x11800] =	vst v63  }
0xa4: {  	_ =	swait.ge [sflag:s19], $0x5000  }
0xa5: {  	[sflag:s19] =	ssyncset.done $0x0  }
0xa6: {  	[sflag:s19] =	ssyncadd.s32 $0xFFFFB000  }
0xa7: {  	[tilespmem:s13], [sflag:$0x2] =	stream.indirect.gather [hbm4b:s9+s10], $0x10, s29, s10, $0xb8;
	[tilespmem:$0x11800] =	vst v63  }
0xa8: {  	_ =	swait.ge [sflag:s14], $0x5000  }
0xa9: {  	[sflag:s14] =	ssyncset.done $0x0  }
0xaa: {  	[sflag:s14] =	ssyncadd.s32 $0xFFFFB000  }
0xab: {  	[spmem:s2] =	stream.indirect.scatter.add.f32 [tilespmem:s11], [sflag:$0x3], $0x10, s30, s10, $0xb8;
	[tilespmem:$0x11800] =	vst v63  }
0xac: {  	_ =	swait.ge [sflag:s15], $0x5000  }
0xad: {  	[sflag:s15] =	ssyncset.done $0x0  }
0xae: {  	[sflag:s15] =	ssyncadd.s32 $0xFFFFB000  }
0xaf: {  	_ =	swait.ge [sflag:s17], $0x5000  }
0xb0: {  	[sflag:s17] =	ssyncset.done $0x0  }
0xb1: {  	[sflag:s17] =	ssyncadd.s32 $0xFFFFB000  }
0xb2: {  	[spmem:s2] =	stream.indirect.scatter.add.f32 [tilespmem:s13], [sflag:$0x4], $0x10, s31, s10, $0xb8;
	[tilespmem:$0x11800] =	vst v63  }
0xb3: {  	_ =	swait.ge [sflag:s19], $0x5000  }
0xb4: {  	p0 =	sne.s32 s1, $0x1;
	[sflag:s19] =	ssyncset.done $0x0  }
.Ltmp1:
0xb5: {  	[sflag:s19] =	ssyncadd.s32 $0xFFFFB000;
	(pc) =	sbr.rel @p0 .LBB2_1-.Ltmp1, $4  }
0xb6: {  	[bflag:$0x0] =	sbarrier.arrive $0xFFFF  }
0xb7: {  	s0 =	rddreg [dreg:$0x6]  }
0xb8: {  	[hbm:s0], [sflag:s4] =	dma.local [spmem:s6], $0x500  }
0xb9: {  	s1 =	sadd.s32 $0xFFFFFFFF, s1;
	_ =	swait.ge [sflag:s5], $0x500  }
.LBB2_2:
0xba: {  	[sflag:s5] =	ssyncset.done $0x0  }
0xbb: {  	[sflag:s5] =	ssyncadd.s32 $0xFFFFFB00  }
0xbc: {  	_ =	sfence.sel $0x180000  }
0xbd: {  	[bflag:$0x0] =	sbarrier.arrive $0xFFFF  }
0xbe: {  	_ =	strace $0x90000059  }
0xbf: {  	s0 =	stileid.u32;
	[bflag:$0x2] =	sbarrier.arrive $0xFFFF  }
0xc0: {  	p0 =	sne.s32 s0, $0x0;
	s0 =	rddreg [dreg:$0x2]  }
0xc1: {  	s0 =	sadd.s32 @!p0 $0x100000, s0  }
0xc2: {  	[sflag:s0] =	ssyncadd.tile.s32 @!p0 $0x1;
	_ =	shalt  }
.Lfunc_end2:
_tile_overlayer_lowered:
.L_overlay_start_2:
0xc3: {  	(tag) =	ssettag $0x2  }
0xc4: {  	s0 =	rddreg [dreg:$0x0];
	s2 =	stileid.u32  }
0xc5: {  	s1 =	rddreg [dreg:$0x1];
	p0 =	sne.s32 s2, $0x0  }
0xc6: {  	s3 =	rddreg [dreg:$0x2];
	[bflag:$0x3] =	sbarrier.arrive $0xFFFF;
	s2 =	simm.s32 @!p0 $0x1C05  }
0xc7: {  	[timem:s3], [sflag:s2] =	dma.local @!p0 [hbm:s0], s1  }
0xc8: {  	s0 =	simm.s32 @!p0 $0x5  }
0xc9: {  	_ =	swait.ge @!p0 [sflag:s0], s1  }
0xca: {  	s1 =	ssub.s32 @!p0 $0x0, s1;
	[sflag:s0] =	ssyncset.done @!p0 $0x0  }
0xcb: {  	[sflag:s0] =	ssyncadd.s32 @!p0 s1  }
0xcc: {  	[bflag:$0x3] =	sbarrier.arrive $0xFFFF  }
0xcd: {  	_ =	shalt  }

// kernel: kernel.39.cloned.1.call-start
scs
__scs_entry_jumppad:
0x0: {  	(pc) =	sbr.rel $0x88, $3  }
0x1: {  	(tag) =	ssettag $0x0;
	lr =	simm.s32 $0x1  }
0x2: {  	[smem:$0x3F91] =	sst lr;
	_ =	strace $0xD0000000  }
0x3: {  	_ = 	snop  }
0x4: {  	_ = 	snop  }
0x5: {  	_ = 	snop  }
0x6: {  	_ = 	snop  }
0x7: {  	_ = 	snop  }
__scs_overlays_trampoline_lowered:
0x8: {  	[smem:$0x3FA0] =	sst s0  }
0x9: {  	[smem:$0x3FA1] =	sst s1  }
0xa: {  	[smem:$0x3FA2] =	sst s2  }
0xb: {  	[smem:$0x3FA3] =	sst s3  }
0xc: {  	[smem:$0x3FA4] =	sst s4  }
0xd: {  	[smem:$0x3FA5] =	sst s5  }
0xe: {  	[smem:$0x3FA6] =	sst s6  }
0xf: {  	[smem:$0x3FA7] =	sst s7  }
0x10: {  	[smem:$0x3FA8] =	sst s8  }
0x11: {  	[smem:$0x3FA9] =	sst s9;
	s0 =	simm.s32 @!p0 $0x0  }
0x12: {  	s1 =	sld [smem:$0x3F8F];
	s0 =	simm.s32 @p0 $0x1  }
0x13: {  	[smem:$0x3FAA] =	sst s0;
	s0 =	simm.s32 @!p1 $0x0  }
0x14: {  	s2 =	sld [smem:$0x3F8E];
	s0 =	simm.s32 @p1 $0x1  }
0x15: {  	[smem:$0x3FAB] =	sst s0;
	s0 =	simm.s32 @!p2 $0x0  }
0x16: {  	s3 =	sld [smem:$0x3FDB];
	s0 =	simm.s32 @p2 $0x1  }
0x17: {  	s4 =	simm.s32 $0x1BF5;
	[smem:$0x3FAD] =	sst s0  }
0x18: {  	s0 =	sld [smem:$0x3F90];
	_ =	swait.ge [sflag:s4], $0x0  }
0x19: {  	s7 =	sld [smem:$0x3F91]  }
0x1a: {  	s8 =	sadd.s32 $0xFFFFE003, lr  }
0x1b: {  	s9 =	sadd.s32 $0xFFFFFEF7, lr;
	s5 =	simm.s32 $0xFFFFFFFF;
	p2 =	slt.u32 s8, $0xFFFFF086  }
0x1c: {  	p1 =	slt.u32 s9, $0xF7A;
	s5 =	simm.s32 @!p2 $0x0  }
0x1d: {  	s5 =	simm.s32 @p1 $0x1;
	p0 =	seq.s32 s7, s2  }
0x1e: {  	s7 =	smul.u32 @!p0 $0xF7A, s2;
	p2 =	seq.s32 @!p0 s5, $0x0  }
0x1f: {  	s9 =	smul.u32 $0xF7A, s1;
	s8 =	simm.s32 @!p0 $0x1BF5;
	p2 =	por !p2, p0  }
0x20: {  	[sflag:s8] =	ssyncset.s32 @!p0 $0xFFFFF086;
	s6 =	sadd.s32 @!p0 s3, s7;
	s7 =	simm.s32 @!p0 $0x108  }
0x21: {  	s3 =	sadd.s32 s3, s9;
	s6 =	sadd.s32 @!p0 $0x88, s6;
	s7 =	simm.s32 @p2 $0x1082  }
0x22: {  	[simem:s7], [sflag:s8] =	dma.local @!p0 [hbm:s6], $0xF7A  }
0x23: {  	s9 =	sor.u32 $0xD0000000, s2;
	s6 =	simm.s32 $0x108;
	_ =	swait.ge @!p0 [sflag:s8], $0x0  }
0x24: {  	s3 =	sadd.s32 $0x88, s3;
	s6 =	simm.s32 @!p1 $0x1082;
	[sflag:s4] =	ssyncset.s32 $0xFFFFF086  }
0x25: {  	[simem:s6], [sflag:s4] =	dma.local [hbm:s3], $0xF7A  }
0x26: {  	[smem:$0x3F91] =	sst s1;
	(tag) =	ssettag s2;
	_ =	strace s9  }
0x27: {  	s1 =	sld [smem:$0x3FA1]  }
0x28: {  	s2 =	sld [smem:$0x3FA2]  }
0x29: {  	s4 =	sld [smem:$0x3FA4]  }
0x2a: {  	p0 =	seq.s32 s5, $0x0;
	s5 =	sld [smem:$0x3FA5]  }
0x2b: {  	s6 =	sld [smem:$0x3FA6]  }
0x2c: {  	s7 =	sld [smem:$0x3FA7]  }
0x2d: {  	s3 =	simm.s32 $0x108;
	s8 =	sld [smem:$0x3FA8]  }
0x2e: {  	s3 =	simm.s32 @!p0 $0x1082;
	s9 =	sld [smem:$0x3FA9]  }
0x2f: {  	lr =	sadd.s32 s0, s3;
	s0 =	sld [smem:$0x3FA0]  }
0x30: {  	s3 =	sld [smem:$0x3FA3]  }
0x31: {  	[smem:$0x3FAC] =	sst s10  }
0x32: {  	s10 =	sld [smem:$0x3FAA];
	_ =	sdelay $0x3  }
0x33: {  	p0 =	seq.s32 s10, $0x1;
	s10 =	sld [smem:$0x3FAC];
	_ =	sdelay $0x3  }
0x34: {  	[smem:$0x3FAC] =	sst s10  }
0x35: {  	s10 =	sld [smem:$0x3FAB];
	_ =	sdelay $0x3  }
0x36: {  	p1 =	seq.s32 s10, $0x1;
	s10 =	sld [smem:$0x3FAC];
	_ =	sdelay $0x3  }
0x37: {  	[smem:$0x3FAC] =	sst s10  }
0x38: {  	s10 =	sld [smem:$0x3FAD]  }
0x39: {  	_ = 	snop;
	(pc) =	sbr.ind lr, $3  }
0x3a: {  	_ = 	snop  }
0x3b: {  	_ = 	snop  }
0x3c: {  	p2 =	seq.s32 s10, $0x1;
	s10 =	sld [smem:$0x3FAC]  }
0x3d: {  	_ =	shalt  }
0x3e: {  	_ =	shalt  }
0x3f: {  	_ =	shalt  }
0x40: {  	_ =	shalt  }
0x41: {  	_ =	shalt  }
0x42: {  	_ =	shalt  }
0x43: {  	_ =	shalt  }
0x44: {  	_ =	shalt  }
0x45: {  	_ =	shalt  }
0x46: {  	_ =	shalt  }
0x47: {  	_ =	shalt  }
0x48: {  	_ =	shalt  }
0x49: {  	_ =	shalt  }
0x4a: {  	_ =	shalt  }
0x4b: {  	_ =	shalt  }
0x4c: {  	_ =	shalt  }
0x4d: {  	_ =	shalt  }
0x4e: {  	_ =	shalt  }
0x4f: {  	_ =	shalt  }
0x50: {  	_ =	shalt  }
0x51: {  	_ =	shalt  }
0x52: {  	_ =	shalt  }
0x53: {  	_ =	shalt  }
0x54: {  	_ =	shalt  }
0x55: {  	_ =	shalt  }
0x56: {  	_ =	shalt  }
0x57: {  	_ =	shalt  }
0x58: {  	_ =	shalt  }
0x59: {  	_ =	shalt  }
0x5a: {  	_ =	shalt  }
0x5b: {  	_ =	shalt  }
0x5c: {  	_ =	shalt  }
0x5d: {  	_ =	shalt  }
0x5e: {  	_ =	shalt  }
0x5f: {  	_ =	shalt  }
0x60: {  	_ =	shalt  }
0x61: {  	_ =	shalt  }
0x62: {  	_ =	shalt  }
0x63: {  	_ =	shalt  }
0x64: {  	_ =	shalt  }
0x65: {  	_ =	shalt  }
0x66: {  	_ =	shalt  }
0x67: {  	_ =	shalt  }
0x68: {  	_ =	shalt  }
0x69: {  	_ =	shalt  }
0x6a: {  	_ =	shalt  }
0x6b: {  	_ =	shalt  }
0x6c: {  	_ =	shalt  }
0x6d: {  	_ =	shalt  }
0x6e: {  	_ =	shalt  }
0x6f: {  	_ =	shalt  }
0x70: {  	_ =	shalt  }
0x71: {  	_ =	shalt  }
0x72: {  	_ =	shalt  }
0x73: {  	_ =	shalt  }
0x74: {  	_ =	shalt  }
0x75: {  	_ =	shalt  }
0x76: {  	_ =	shalt  }
0x77: {  	_ =	shalt  }
0x78: {  	_ =	shalt  }
0x79: {  	_ =	shalt  }
0x7a: {  	_ =	shalt  }
0x7b: {  	_ =	shalt  }
0x7c: {  	_ =	shalt  }
0x7d: {  	_ =	shalt  }
0x7e: {  	_ =	shalt  }
0x7f: {  	_ =	shalt  }
0x80: {  	_ =	shalt  }
0x81: {  	_ =	shalt  }
0x82: {  	_ =	shalt  }
0x83: {  	_ =	shalt  }
0x84: {  	_ =	shalt  }
0x85: {  	_ =	shalt  }
0x86: {  	_ =	shalt  }
0x87: {  	_ =	shalt  }
.Lfunc_end0:
.L_simem_size_0:
called_computation.7_lowered:
.L_overlay_start_0:
0x88: {  	s2 =	sld [smem:$0x3FD9]  }
0x89: {  	s3 =	sld [smem:$0x3FFE];
	_ =	sdelay $0x1  }
0x8a: {  	s1 =	srdreg.scid  }
0x8b: {  	s0 =	sand.u32 $0x1, s1  }
0x8c: {  	s16 =	sshll.u32 s0, $0xA;
	s2 =	sadd.s32 s3, s2  }
0x8d: {  	s2 =	sadd.s32 s2, s16  }
0x8e: {  	[smem:$0x3FB8] =	sst s2  }
0x8f: {  	_ = 	snop  }
0x90: {  	(tm) =	ssettm $0x1  }
0x91: {  	s17 =	sld [smem:$0x3FFB];
	_ =	sdelay $0x3  }
0x92: {  	_ =	strace s17  }
0x93: {  	s2 =	sld [smem:$0x3FFC];
	_ =	sdelay $0x3  }
0x94: {  	_ =	strace s2  }
0x95: {  	s2 =	sld [smem:$0x3FFD];
	_ =	sdelay $0x3  }
0x96: {  	_ =	strace s2  }
0x97: {  	_ =	strace $0x8FFFFFFF  }
0x98: {  	s18 =	sld [smem:$0x3FDB];
	_ =	sdelay $0x1  }
0x99: {  	s19 =	simm.s32 $_scs_section_size  }
0x9a: {  	s4 =	simm.s32 $_size__tile_overlayer_lowered;
	s5 =	simm.s32 $_tile_overlayer_lowered  }
0x9b: {  	s22 =	simm.s32 $0x1BFF;
	s21 =	sshll.u32 s5, $0x1;
	s2 =	sadd.s32 s19, s18  }
0x9c: {  	s6 =	simm.s32 $0x0;
	s20 =	sshll.u32 s4, $0x1;
	s4 =	sadd.s32 s21, s2  }
0x9d: {  	[timem:s6], [sflag:s22] =	dma.local [hbm:s4], s20  }
0x9e: {  	_ =	swait.ge [sflag:s22], s20  }
0x9f: {  	s3 =	ssub.s32 $0x0, s20;
	[sflag:s22] =	ssyncset.done $0x0  }
0xa0: {  	[sflag:s22] =	ssyncadd.s32 s3;
	_ =	sdelay $0x1  }
0xa1: {  	s23 =	simm.s32 $0x1B8B  }
0xa2: {  	_ =	swait.ge [sflag:s23], $0x1  }
0xa3: {  	[sflag:s23] =	ssyncset.done $0x0  }
0xa4: {  	s25 =	simm.s32 $0x1B8E;
	s24 =	sld [smem:$0x3FFE];
	[sflag:s23] =	ssyncadd.s32 $0xFFFFFFFF  }
0xa5: {  	s26 =	simm.s32 $execute0_lowered;
	[smem:$0x3FD2] =	sst s25  }
0xa6: {  	s4 =	sshll.u32 s26, $0x1;
	_ =	strace $0x8000005B;
	[dreg:$0x1] =	wrdreg $0xFFFFFFFF  }
0xa7: {  	s28 =	simm.s32 $_size_execute0_lowered;
	s2 =	sadd.s32 s2, s4;
	[dreg:$0x0] =	wrdreg $0x0  }
0xa8: {  	s4 =	sshll.u32 s28, $0x1;
	[dreg:$0x2] =	wrdreg s2  }
0xa9: {  	[dreg:$0x3] =	wrdreg s4  }
0xaa: {  	[dreg:$0x4] =	wrdreg $0xC0  }
0xab: {  	_ =	task [dreg:s6], $0x5FFFF  }
0xac: {  	[dreg:$0x1] =	wrdreg $0xFFFFFFFF  }
0xad: {  	[dreg:$0x0] =	wrdreg $0x60  }
0xae: {  	[dreg:$0x2] =	wrdreg s24  }
0xaf: {  	[dreg:$0x3] =	wrdreg $0x0  }
0xb0: {  	[dreg:$0x4] =	wrdreg $0x9  }
0xb1: {  	_ =	task.clear_ibuf [dreg:s6], $0x5FFFF;
	_ =	strace $0x9000005B  }
0xb2: {  	s29 =	simm.s32 $0x9;
	_ =	strace $0x8000005D  }
0xb3: {  	_ =	swait.ge [sflag:s29], $0x1  }
0xb4: {  	[sflag:s29] =	ssyncadd.s32 $0xFFFFFFFF  }
0xb5: {  	_ =	strace $0x9000005D  }
0xb6: {  	_ =	sfence  }
0xb7: {  	s30 =	sld [smem:$0x0];
	_ =	sdelay $0x2  }
0xb8: {  	s31 =	sshll.u32 s1, $0xD;
	s1 =	sshrl.u32 s1, $0x2  }
0xb9: {  	s3 =	sand.u32 $0x4000, s31;
	s1 =	sadd.s32 s1, s30  }
0xba: {  	s0 =	sor.u32 s3, s0;
	s1 =	sshll.u32 s1, $0x11  }
0xbb: {  	s0 =	sor.u32 s1, s0  }
0xbc: {  	s0 =	sadd.s32 $0x8F2B, s0  }
0xbd: {  	[sflag:s0] =	ssyncadd.remote.s32 $0x1  }
0xbe: {  	_ =	sfence.sel $0xFFFF  }
0xbf: {  	[dreg:$0x0] =	wrdreg $0xFFFFFFFF;
	(pc) =	sbr.abs _section_cstart, $3  }
0xc0: {  	[dreg:$0x1] =	wrdreg $0xFFFFFFFF  }
0xc1: {  	_ =	task.clear_ibuf [dreg:s6], $0x2FFFF;
	_ =	strace $0x9FFFFFFF  }
0xc2: {  	(tm) =	ssettm $0x7FFFFFFF  }
0xc3: {  	_ =	shalt  }
tec
execute0_lowered:
.L_overlay_start_1:
0x0: {  	(tag) =	ssettag $0x1  }
0x1: {  	s0 =	srdreg.scid  }
0x2: {  	s9 =	rddreg [dreg:$0x0];
	s21 =	stileid.u32  }
0x3: {  	s2 =	rddreg [dreg:$0x1];
	s1 =	sand.u32 $0x1, s0;
	s5 =	smul.u32 $0x2800, s21  }
0x4: {  	s23 =	sshll.u32 s21, $0x6;
	s3 =	sshll.u32 s1, $0x4;
	s7 =	smul.u32 $0x28000, s1  }
0x5: {  	s4 =	sor.u32 s21, s3;
	s3 =	simm.s32 $0x0;
	s6 =	sshrl.u32 s5, $0x3  }
0x6: {  	s4 =	smul.u32 $0x500, s4;
	[smem:$0x7FF] =	sst s3;
	s6 =	sadd.s32 s6, s9  }
0x7: {  	s7 =	sadd.s32 s5, s7;
	s5 =	sadd.s32 s5, s2;
	s6 =	sadd.s32 $0x13800, s6  }
0x8: {  	_ =	strace $0x8000005C;
	s4 =	sadd.s32 s4, s9;
	[dreg:$0x3] =	wrdreg s6  }
0x9: {  	s7 =	sshrl.u32 s7, $0x3;
	s22 =	sadd.s32 $0x18800, s4;
	s10 =	rddreg [dreg:$0x3]  }
0xa: {  	s7 =	sadd.s32 s7, s9;
	s8 =	sadd.s32 $0x4800, s4;
	[dreg:$0x4] =	wrdreg s22  }
0xb: {  	s6 =	sshrl.u32 s5, $0x3;
	s24 =	sadd.s32 $0x22800, s7;
	[dreg:$0x5] =	wrdreg s8  }
0xc: {  	s5 =	simm.s32 $0x5;
	s4 =	sor.u32 $0x1C05, s23;
	[dreg:$0x6] =	wrdreg s24  }
0xd: {  	[spmem:s6], [sflag:s4] =	dma.local [hbm:s10], $0x500  }
0xe: {  	_ =	swait.ge [sflag:s5], $0x500  }
0xf: {  	[sflag:s5] =	ssyncset.done $0x0  }
0x10: {  	s7 =	simm.s32 $0x2800;
	s25 =	rddreg [dreg:$0x4];
	[sflag:s5] =	ssyncadd.s32 $0xFFFFFB00  }
0x11: {  	[tilespmem:s7], [sflag:$0x5] =	stream.linear.gather [hbm4b:s25+s3], $0x2800, $0x38;
	[tilespmem:$0x11800] =	vst v63  }
0x12: {  	_ =	swait.ge [sflag:s5], $0x2800  }
0x13: {  	[sflag:s5] =	ssyncset.done $0x0  }
0x14: {  	s8 =	simm.s32 $0x5000;
	s26 =	rddreg [dreg:$0x5];
	[sflag:s5] =	ssyncadd.s32 $0xFFFFD800  }
0x15: {  	[tilespmem:s8], [sflag:$0x5] =	stream.linear.gather [hbm4b:s26+s3], $0x2800, $0x38;
	[tilespmem:$0x11800] =	vst v63  }
0x16: {  	_ =	swait.ge [sflag:s5], $0x2800  }
0x17: {  	[sflag:s5] =	ssyncset.done $0x0  }
0x18: {  	s11 =	simm.s32 $0x7800;
	[sflag:s5] =	ssyncadd.s32 $0xFFFFD800  }
0x19: {  	s9 =	sadd.s32 $0xE800, s9;
	s10 =	simm.s32 $0x500;
	[bflag:$0x0] =	sbarrier.arrive $0xFFFF  }
0x1a: {  	[tilespmem:s11], [sflag:$0x1] =	stream.indirect.gather [hbm4b:s9+s10], $0x10, s7, s10, $0xb8;
	[tilespmem:$0x11800] =	vst v63  }
0x1b: {  	s12 =	simm.s32 $0x2D00;
	s13 =	simm.s32 $0xC800;
	s14 =	simm.s32 $0x1  }
0x1c: {  	[tilespmem:s13], [sflag:$0x2] =	stream.indirect.gather [hbm4b:s9+s10], $0x10, s12, s10, $0xb8;
	[tilespmem:$0x11800] =	vst v63  }
0x1d: {  	_ =	swait.ge [sflag:s14], $0x5000  }
0x1e: {  	[sflag:s14] =	ssyncset.done $0x0  }
0x1f: {  	s15 =	simm.s32 $0x3;
	[sflag:s14] =	ssyncadd.s32 $0xFFFFB000  }
0x20: {  	[spmem:s2] =	stream.indirect.scatter.add.f32 [tilespmem:s11], [sflag:$0x3], $0x10, s8, s10, $0xb8;
	[tilespmem:$0x11800] =	vst v63  }
0x21: {  	_ =	swait.ge [sflag:s15], $0x5000  }
0x22: {  	[sflag:s15] =	ssyncset.done $0x0  }
0x23: {  	s16 =	simm.s32 $0x3200;
	s17 =	simm.s32 $0x2;
	[sflag:s15] =	ssyncadd.s32 $0xFFFFB000  }
0x24: {  	[tilespmem:s11], [sflag:$0x1] =	stream.indirect.gather [hbm4b:s9+s10], $0x10, s16, s10, $0xb8;
	[tilespmem:$0x11800] =	vst v63  }
0x25: {  	_ =	swait.ge [sflag:s17], $0x5000  }
0x26: {  	[sflag:s17] =	ssyncset.done $0x0  }
0x27: {  	s18 =	simm.s32 $0x5500;
	s19 =	simm.s32 $0x4;
	[sflag:s17] =	ssyncadd.s32 $0xFFFFB000  }
0x28: {  	[spmem:s2] =	stream.indirect.scatter.add.f32 [tilespmem:s13], [sflag:$0x4], $0x10, s18, s10, $0xb8;
	[tilespmem:$0x11800] =	vst v63  }
0x29: {  	_ =	swait.ge [sflag:s19], $0x5000  }
0x2a: {  	[sflag:s19] =	ssyncset.done $0x0  }
0x2b: {  	s20 =	simm.s32 $0x3700;
	[sflag:s19] =	ssyncadd.s32 $0xFFFFB000  }
0x2c: {  	[tilespmem:s13], [sflag:$0x2] =	stream.indirect.gather [hbm4b:s9+s10], $0x10, s20, s10, $0xb8;
	[tilespmem:$0x11800] =	vst v63  }
0x2d: {  	_ =	swait.ge [sflag:s14], $0x5000  }
0x2e: {  	[sflag:s14] =	ssyncset.done $0x0  }
0x2f: {  	s21 =	simm.s32 $0x5A00;
	[sflag:s14] =	ssyncadd.s32 $0xFFFFB000  }
0x30: {  	[spmem:s2] =	stream.indirect.scatter.add.f32 [tilespmem:s11], [sflag:$0x3], $0x10, s21, s10, $0xb8;
	[tilespmem:$0x11800] =	vst v63  }
0x31: {  	_ =	swait.ge [sflag:s15], $0x5000  }
0x32: {  	[sflag:s15] =	ssyncset.done $0x0  }
0x33: {  	s22 =	simm.s32 $0x3C00;
	[sflag:s15] =	ssyncadd.s32 $0xFFFFB000  }
0x34: {  	[tilespmem:s11], [sflag:$0x1] =	stream.indirect.gather [hbm4b:s9+s10], $0x10, s22, s10, $0xb8;
	[tilespmem:$0x11800] =	vst v63  }
0x35: {  	_ =	swait.ge [sflag:s17], $0x5000  }
0x36: {  	[sflag:s17] =	ssyncset.done $0x0  }
0x37: {  	s23 =	simm.s32 $0x5F00;
	[sflag:s17] =	ssyncadd.s32 $0xFFFFB000  }
0x38: {  	[spmem:s2] =	stream.indirect.scatter.add.f32 [tilespmem:s13], [sflag:$0x4], $0x10, s23, s10, $0xb8;
	[tilespmem:$0x11800] =	vst v63  }
0x39: {  	_ =	swait.ge [sflag:s19], $0x5000  }
0x3a: {  	[sflag:s19] =	ssyncset.done $0x0  }
0x3b: {  	s24 =	simm.s32 $0x4100;
	[sflag:s19] =	ssyncadd.s32 $0xFFFFB000  }
0x3c: {  	[tilespmem:s13], [sflag:$0x2] =	stream.indirect.gather [hbm4b:s9+s10], $0x10, s24, s10, $0xb8;
	[tilespmem:$0x11800] =	vst v63  }
0x3d: {  	_ =	swait.ge [sflag:s14], $0x5000  }
0x3e: {  	[sflag:s14] =	ssyncset.done $0x0  }
0x3f: {  	s25 =	simm.s32 $0x6400;
	[sflag:s14] =	ssyncadd.s32 $0xFFFFB000  }
0x40: {  	[spmem:s2] =	stream.indirect.scatter.add.f32 [tilespmem:s11], [sflag:$0x3], $0x10, s25, s10, $0xb8;
	[tilespmem:$0x11800] =	vst v63  }
0x41: {  	_ =	swait.ge [sflag:s15], $0x5000  }
0x42: {  	[sflag:s15] =	ssyncset.done $0x0  }
0x43: {  	s26 =	simm.s32 $0x4600;
	[sflag:s15] =	ssyncadd.s32 $0xFFFFB000  }
0x44: {  	[tilespmem:s11], [sflag:$0x1] =	stream.indirect.gather [hbm4b:s9+s10], $0x10, s26, s10, $0xb8;
	[tilespmem:$0x11800] =	vst v63  }
0x45: {  	_ =	swait.ge [sflag:s17], $0x5000  }
0x46: {  	[sflag:s17] =	ssyncset.done $0x0  }
0x47: {  	s28 =	simm.s32 $0x6900;
	[sflag:s17] =	ssyncadd.s32 $0xFFFFB000  }
0x48: {  	[spmem:s2] =	stream.indirect.scatter.add.f32 [tilespmem:s13], [sflag:$0x4], $0x10, s28, s10, $0xb8;
	[tilespmem:$0x11800] =	vst v63  }
0x49: {  	_ =	swait.ge [sflag:s19], $0x5000  }
0x4a: {  	[sflag:s19] =	ssyncset.done $0x0  }
0x4b: {  	s29 =	simm.s32 $0x4B00;
	[sflag:s19] =	ssyncadd.s32 $0xFFFFB000  }
0x4c: {  	[tilespmem:s13], [sflag:$0x2] =	stream.indirect.gather [hbm4b:s9+s10], $0x10, s29, s10, $0xb8;
	[tilespmem:$0x11800] =	vst v63  }
0x4d: {  	_ =	swait.ge [sflag:s14], $0x5000  }
0x4e: {  	[sflag:s14] =	ssyncset.done $0x0  }
0x4f: {  	s30 =	simm.s32 $0x6E00;
	[sflag:s14] =	ssyncadd.s32 $0xFFFFB000  }
0x50: {  	[spmem:s2] =	stream.indirect.scatter.add.f32 [tilespmem:s11], [sflag:$0x3], $0x10, s30, s10, $0xb8;
	[tilespmem:$0x11800] =	vst v63  }
0x51: {  	_ =	swait.ge [sflag:s15], $0x5000  }
0x52: {  	[sflag:s15] =	ssyncset.done $0x0  }
0x53: {  	[sflag:s15] =	ssyncadd.s32 $0xFFFFB000  }
0x54: {  	_ =	swait.ge [sflag:s17], $0x5000  }
0x55: {  	[sflag:s17] =	ssyncset.done $0x0  }
0x56: {  	s31 =	simm.s32 $0x7300;
	[sflag:s17] =	ssyncadd.s32 $0xFFFFB000  }
0x57: {  	[spmem:s2] =	stream.indirect.scatter.add.f32 [tilespmem:s13], [sflag:$0x4], $0x10, s31, s10, $0xb8;
	[tilespmem:$0x11800] =	vst v63  }
0x58: {  	_ =	swait.ge [sflag:s19], $0x5000  }
0x59: {  	[sflag:s19] =	ssyncset.done $0x0  }
0x5a: {  	[sflag:s19] =	ssyncadd.s32 $0xFFFFB000  }
0x5b: {  	[bflag:$0x0] =	sbarrier.arrive $0xFFFF  }
0x5c: {  	s1 =	ssub.s32 $0x2, s1;
	s0 =	rddreg [dreg:$0x6]  }
0x5d: {  	[dreg:$0x7] =	wrdreg s0;
	s0 =	sshrl.u32 s1, $0x1  }
0x5e: {  	s0 =	ssub.s32 s1, s0  }
0x5f: {  	s0 =	smax.u32 s0, $0x1  }
0x60: {  	p0 =	sne.s32 s0, $0x1  }
.Ltmp0:
0x61: {  	_ = 	snop;
	(pc) =	sbr.rel @!p0 .LBB2_2-.Ltmp0, $4  }
0x62: {  	_ = 	snop  }
0x63: {  	s1 =	rddreg [dreg:$0x7]  }
0x64: {  	[hbm:s1], [sflag:s4] =	dma.local [spmem:s6], $0x500  }
0x65: {  	s1 =	sadd.s32 $0xFFFFFFFF, s0;
	_ =	swait.ge [sflag:s5], $0x500  }
.LBB2_1:
0x66: {  	[sflag:s5] =	ssyncset.done $0x0  }
0x67: {  	s0 =	rddreg [dreg:$0x3];
	[sflag:s5] =	ssyncadd.s32 $0xFFFFFB00  }
0x68: {  	[spmem:s6], [sflag:s4] =	dma.local [hbm:s0], $0x500  }
0x69: {  	_ =	swait.ge [sflag:s5], $0x500  }
0x6a: {  	[sflag:s5] =	ssyncset.done $0x0  }
0x6b: {  	s0 =	rddreg [dreg:$0x4];
	[sflag:s5] =	ssyncadd.s32 $0xFFFFFB00  }
0x6c: {  	[tilespmem:s7], [sflag:$0x5] =	stream.linear.gather [hbm4b:s0+s3], $0x2800, $0x38;
	[tilespmem:$0x11800] =	vst v63  }
0x6d: {  	_ =	swait.ge [sflag:s5], $0x2800  }
0x6e: {  	[sflag:s5] =	ssyncset.done $0x0  }
0x6f: {  	s0 =	rddreg [dreg:$0x5];
	[sflag:s5] =	ssyncadd.s32 $0xFFFFD800  }
0x70: {  	[tilespmem:s8], [sflag:$0x5] =	stream.linear.gather [hbm4b:s0+s3], $0x2800, $0x38;
	[tilespmem:$0x11800] =	vst v63  }
0x71: {  	_ =	swait.ge [sflag:s5], $0x2800  }
0x72: {  	[sflag:s5] =	ssyncset.done $0x0  }
0x73: {  	[sflag:s5] =	ssyncadd.s32 $0xFFFFD800  }
0x74: {  	[bflag:$0x0] =	sbarrier.arrive $0xFFFF  }
0x75: {  	[tilespmem:s11], [sflag:$0x1] =	stream.indirect.gather [hbm4b:s9+s10], $0x10, s7, s10, $0xb8;
	[tilespmem:$0x11800] =	vst v63  }
0x76: {  	_ = 	snop  }
0x77: {  	[tilespmem:s13], [sflag:$0x2] =	stream.indirect.gather [hbm4b:s9+s10], $0x10, s12, s10, $0xb8;
	[tilespmem:$0x11800] =	vst v63  }
0x78: {  	_ =	swait.ge [sflag:s14], $0x5000  }
0x79: {  	[sflag:s14] =	ssyncset.done $0x0  }
0x7a: {  	[sflag:s14] =	ssyncadd.s32 $0xFFFFB000  }
0x7b: {  	[spmem:s2] =	stream.indirect.scatter.add.f32 [tilespmem:s11], [sflag:$0x3], $0x10, s8, s10, $0xb8;
	[tilespmem:$0x11800] =	vst v63  }
0x7c: {  	_ =	swait.ge [sflag:s15], $0x5000  }
0x7d: {  	[sflag:s15] =	ssyncset.done $0x0  }
0x7e: {  	[sflag:s15] =	ssyncadd.s32 $0xFFFFB000  }
0x7f: {  	[tilespmem:s11], [sflag:$0x1] =	stream.indirect.gather [hbm4b:s9+s10], $0x10, s16, s10, $0xb8;
	[tilespmem:$0x11800] =	vst v63  }
0x80: {  	_ =	swait.ge [sflag:s17], $0x5000  }
0x81: {  	[sflag:s17] =	ssyncset.done $0x0  }
0x82: {  	[sflag:s17] =	ssyncadd.s32 $0xFFFFB000  }
0x83: {  	[spmem:s2] =	stream.indirect.scatter.add.f32 [tilespmem:s13], [sflag:$0x4], $0x10, s18, s10, $0xb8;
	[tilespmem:$0x11800] =	vst v63  }
0x84: {  	_ =	swait.ge [sflag:s19], $0x5000  }
0x85: {  	[sflag:s19] =	ssyncset.done $0x0  }
0x86: {  	[sflag:s19] =	ssyncadd.s32 $0xFFFFB000  }
0x87: {  	[tilespmem:s13], [sflag:$0x2] =	stream.indirect.gather [hbm4b:s9+s10], $0x10, s20, s10, $0xb8;
	[tilespmem:$0x11800] =	vst v63  }
0x88: {  	_ =	swait.ge [sflag:s14], $0x5000  }
0x89: {  	[sflag:s14] =	ssyncset.done $0x0  }
0x8a: {  	[sflag:s14] =	ssyncadd.s32 $0xFFFFB000  }
0x8b: {  	[spmem:s2] =	stream.indirect.scatter.add.f32 [tilespmem:s11], [sflag:$0x3], $0x10, s21, s10, $0xb8;
	[tilespmem:$0x11800] =	vst v63  }
0x8c: {  	_ =	swait.ge [sflag:s15], $0x5000  }
0x8d: {  	[sflag:s15] =	ssyncset.done $0x0  }
0x8e: {  	[sflag:s15] =	ssyncadd.s32 $0xFFFFB000  }
0x8f: {  	[tilespmem:s11], [sflag:$0x1] =	stream.indirect.gather [hbm4b:s9+s10], $0x10, s22, s10, $0xb8;
	[tilespmem:$0x11800] =	vst v63  }
0x90: {  	_ =	swait.ge [sflag:s17], $0x5000  }
0x91: {  	[sflag:s17] =	ssyncset.done $0x0  }
0x92: {  	[sflag:s17] =	ssyncadd.s32 $0xFFFFB000  }
0x93: {  	[spmem:s2] =	stream.indirect.scatter.add.f32 [tilespmem:s13], [sflag:$0x4], $0x10, s23, s10, $0xb8;
	[tilespmem:$0x11800] =	vst v63  }
0x94: {  	_ =	swait.ge [sflag:s19], $0x5000  }
0x95: {  	[sflag:s19] =	ssyncset.done $0x0  }
0x96: {  	[sflag:s19] =	ssyncadd.s32 $0xFFFFB000  }
0x97: {  	[tilespmem:s13], [sflag:$0x2] =	stream.indirect.gather [hbm4b:s9+s10], $0x10, s24, s10, $0xb8;
	[tilespmem:$0x11800] =	vst v63  }
0x98: {  	_ =	swait.ge [sflag:s14], $0x5000  }
0x99: {  	[sflag:s14] =	ssyncset.done $0x0  }
0x9a: {  	[sflag:s14] =	ssyncadd.s32 $0xFFFFB000  }
0x9b: {  	[spmem:s2] =	stream.indirect.scatter.add.f32 [tilespmem:s11], [sflag:$0x3], $0x10, s25, s10, $0xb8;
	[tilespmem:$0x11800] =	vst v63  }
0x9c: {  	_ =	swait.ge [sflag:s15], $0x5000  }
0x9d: {  	[sflag:s15] =	ssyncset.done $0x0  }
0x9e: {  	[sflag:s15] =	ssyncadd.s32 $0xFFFFB000  }
0x9f: {  	[tilespmem:s11], [sflag:$0x1] =	stream.indirect.gather [hbm4b:s9+s10], $0x10, s26, s10, $0xb8;
	[tilespmem:$0x11800] =	vst v63  }
0xa0: {  	_ =	swait.ge [sflag:s17], $0x5000  }
0xa1: {  	[sflag:s17] =	ssyncset.done $0x0  }
0xa2: {  	[sflag:s17] =	ssyncadd.s32 $0xFFFFB000  }
0xa3: {  	[spmem:s2] =	stream.indirect.scatter.add.f32 [tilespmem:s13], [sflag:$0x4], $0x10, s28, s10, $0xb8;
	[tilespmem:$0x11800] =	vst v63  }
0xa4: {  	_ =	swait.ge [sflag:s19], $0x5000  }
0xa5: {  	[sflag:s19] =	ssyncset.done $0x0  }
0xa6: {  	[sflag:s19] =	ssyncadd.s32 $0xFFFFB000  }
0xa7: {  	[tilespmem:s13], [sflag:$0x2] =	stream.indirect.gather [hbm4b:s9+s10], $0x10, s29, s10, $0xb8;
	[tilespmem:$0x11800] =	vst v63  }
0xa8: {  	_ =	swait.ge [sflag:s14], $0x5000  }
0xa9: {  	[sflag:s14] =	ssyncset.done $0x0  }
0xaa: {  	[sflag:s14] =	ssyncadd.s32 $0xFFFFB000  }
0xab: {  	[spmem:s2] =	stream.indirect.scatter.add.f32 [tilespmem:s11], [sflag:$0x3], $0x10, s30, s10, $0xb8;
	[tilespmem:$0x11800] =	vst v63  }
0xac: {  	_ =	swait.ge [sflag:s15], $0x5000  }
0xad: {  	[sflag:s15] =	ssyncset.done $0x0  }
0xae: {  	[sflag:s15] =	ssyncadd.s32 $0xFFFFB000  }
0xaf: {  	_ =	swait.ge [sflag:s17], $0x5000  }
0xb0: {  	[sflag:s17] =	ssyncset.done $0x0  }
0xb1: {  	[sflag:s17] =	ssyncadd.s32 $0xFFFFB000  }
0xb2: {  	[spmem:s2] =	stream.indirect.scatter.add.f32 [tilespmem:s13], [sflag:$0x4], $0x10, s31, s10, $0xb8;
	[tilespmem:$0x11800] =	vst v63  }
0xb3: {  	_ =	swait.ge [sflag:s19], $0x5000  }
0xb4: {  	p0 =	sne.s32 s1, $0x1;
	[sflag:s19] =	ssyncset.done $0x0  }
.Ltmp1:
0xb5: {  	[sflag:s19] =	ssyncadd.s32 $0xFFFFB000;
	(pc) =	sbr.rel @p0 .LBB2_1-.Ltmp1, $4  }
0xb6: {  	[bflag:$0x0] =	sbarrier.arrive $0xFFFF  }
0xb7: {  	s0 =	rddreg [dreg:$0x6]  }
0xb8: {  	[hbm:s0], [sflag:s4] =	dma.local [spmem:s6], $0x500  }
0xb9: {  	s1 =	sadd.s32 $0xFFFFFFFF, s1;
	_ =	swait.ge [sflag:s5], $0x500  }
.LBB2_2:
0xba: {  	[sflag:s5] =	ssyncset.done $0x0  }
0xbb: {  	[sflag:s5] =	ssyncadd.s32 $0xFFFFFB00  }
0xbc: {  	_ =	sfence.sel $0x180000  }
0xbd: {  	[bflag:$0x0] =	sbarrier.arrive $0xFFFF  }
0xbe: {  	_ =	strace $0x9000005C  }
0xbf: {  	s0 =	stileid.u32;
	[bflag:$0x2] =	sbarrier.arrive $0xFFFF  }
0xc0: {  	p0 =	sne.s32 s0, $0x0;
	s0 =	rddreg [dreg:$0x2]  }
0xc1: {  	s0 =	sadd.s32 @!p0 $0x100000, s0  }
0xc2: {  	[sflag:s0] =	ssyncadd.tile.s32 @!p0 $0x1;
	_ =	shalt  }
.Lfunc_end2:
_tile_overlayer_lowered:
.L_overlay_start_2:
0xc3: {  	(tag) =	ssettag $0x2  }
0xc4: {  	s0 =	rddreg [dreg:$0x0];
	s2 =	stileid.u32  }
0xc5: {  	s1 =	rddreg [dreg:$0x1];
	p0 =	sne.s32 s2, $0x0  }
0xc6: {  	s3 =	rddreg [dreg:$0x2];
	[bflag:$0x3] =	sbarrier.arrive $0xFFFF;
	s2 =	simm.s32 @!p0 $0x1C05  }
0xc7: {  	[timem:s3], [sflag:s2] =	dma.local @!p0 [hbm:s0], s1  }
0xc8: {  	s0 =	simm.s32 @!p0 $0x5  }
0xc9: {  	_ =	swait.ge @!p0 [sflag:s0], s1  }
0xca: {  	s1 =	ssub.s32 @!p0 $0x0, s1;
	[sflag:s0] =	ssyncset.done @!p0 $0x0  }
0xcb: {  	[sflag:s0] =	ssyncadd.s32 @!p0 s1  }
0xcc: {  	[bflag:$0x3] =	sbarrier.arrive $0xFFFF  }
0xcd: {  	_ =	shalt  }

</sc_bundles>
